<compile_context>
chip_gen: v7x
topology: tpu7x:2x2x1
jax: 0.10.2.dev20260603
libtpu: 0.0.44.dev20260713+nightly
codegen_flags: <defaults>
</compile_context>

<pallas_src>
import functools

import jax
import jax.numpy as jnp
from jax import lax
from jax.experimental import pallas as pl
from jax.experimental.pallas import tpu as pltpu
from jax.experimental.pallas import tpu_sc as plsc

N = 10000
D = 128
E = 320000
L = 3
BN_EPS = 1e-5

NC = 2
NS = 16
NW = NC * NS
K = 128
NB = 2
EPW = E // NW
CF = EPW // K
REM = EPW - CF * K
N_PAD = 10240
ZB = 32
ZN = N_PAD // NS // ZB



_mesh = plsc.VectorSubcoreMesh(core_axis_name="c", subcore_axis_name="s")


@functools.partial(
    pl.kernel,
    out_type=jax.ShapeDtypeStruct((NC, N_PAD, D), jnp.float32),
    mesh=_mesh,
    scratch_types=[
        pltpu.VMEM((NB, K), jnp.int32),
        pltpu.VMEM((NB, K), jnp.int32),
        pltpu.VMEM((NB, K, D), jnp.float32),
        pltpu.VMEM((ZB, D), jnp.float32),
        pltpu.VMEM((REM,), jnp.int32),
        pltpu.VMEM((REM,), jnp.int32),
        pltpu.VMEM((REM, D), jnp.float32),
        pltpu.VMEM_SHARED((N_PAD, D), jnp.float32),
        pltpu.SemaphoreType.DMA,
        pltpu.SemaphoreType.DMA,
        pltpu.SemaphoreType.DMA,
        pltpu.SemaphoreType.DMA,
        pltpu.SemaphoreType.DMA,
        pltpu.SemaphoreType.DMA,
        pltpu.SemaphoreType.DMA,
        pltpu.SemaphoreType.DMA,
        pltpu.SemaphoreType.DMA,
    ],
)
def _edge_pass(r_hbm, src_hbm, dst_hbm, out_hbm, srcb, dstb, rows2, zbuf, srcs,
               dsts, rowss, agg_sh, gsem0, gsem1, gsem2, gsem3, isem0, isem1,
               isem2, isem3, zsem):
    cid = lax.axis_index("c")
    sid = lax.axis_index("s")
    wid = cid * NS + sid
    gsems = (gsem0, gsem1, gsem2, gsem3)
    isems = (isem0, isem1, isem2, isem3)
    base0 = wid * EPW

    def _idx_copies(g, b):
        base = base0 + g * K
        return (
            pltpu.make_async_copy(src_hbm.at[pl.ds(base, K)], srcb.at[b],
                                  isems[b]),
            pltpu.make_async_copy(dst_hbm.at[pl.ds(base, K)], dstb.at[b],
                                  isems[b]),
        )

    def _fire_idx(g, b):
        for c in _idx_copies(g, b):
            c.start()

    def _drain_idx(g, b):
        for c in _idx_copies(g, b):
            c.wait()

    def _gather(g, b):
        return pltpu.make_async_copy(r_hbm.at[srcb.at[b]], rows2.at[b], gsems[b])

    def _scat(b):
        pltpu.sync_copy(rows2.at[b], agg_sh.at[dstb.at[b]], add=True)

    for b in range(NB):
        _fire_idx(b, b)
    for b in range(NB - 1):
        _drain_idx(b, b)
        _gather(b, b).start()

    def _zrow(i, carry):
        for j in range(D // 16):
            zbuf[i, pl.ds(j * 16, 16)] = jnp.zeros((16,), jnp.float32)
        return carry

    lax.fori_loop(0, ZB, _zrow, 0)
    zcopies = [
        pltpu.make_async_copy(
            zbuf, agg_sh.at[pl.ds(sid * (N_PAD // NS) + z * ZB, ZB)], zsem)
        for z in range(ZN)
    ]
    for c in zcopies:
        c.start()
    for c in zcopies:
        c.wait()
    plsc.subcore_barrier()

    def _group(t, carry):
        g0 = t * NB
        for b in range(NB):
            g = g0 + b
            b3 = (b + NB - 1) % NB
            _drain_idx(g + NB - 1, b3)
            _gather(g + NB - 1, b3).start()
            _gather(g, b).wait()
            _scat(b)
            _fire_idx(g + NB, b)
        return carry

    lax.fori_loop(0, CF // NB - 1, _group, 0)

    rem_base = base0 + CF * K
    rem_copies = (
        pltpu.make_async_copy(src_hbm.at[pl.ds(rem_base, REM)], srcs, isem0),
        pltpu.make_async_copy(dst_hbm.at[pl.ds(rem_base, REM)], dsts, isem0),
    )
    rem_gather = pltpu.make_async_copy(r_hbm.at[srcs], rowss, gsem0)
    g0 = CF - NB
    _drain_idx(g0 + NB - 1, NB - 1)
    _gather(g0 + NB - 1, NB - 1).start()
    _gather(g0, 0).wait()
    _scat(0)
    for c in rem_copies:
        c.start()
    _gather(g0 + 1, 1).wait()
    _scat(1)
    for c in rem_copies:
        c.wait()
    rem_gather.start()
    for b in range(2, NB):
        _gather(g0 + b, b).wait()
        _scat(b)
    rem_gather.wait()
    pltpu.sync_copy(rowss, agg_sh.at[dsts], add=True)
    plsc.subcore_barrier()

    off = sid * (N_PAD // NS)
    pltpu.sync_copy(agg_sh.at[pl.ds(off, N_PAD // NS)],
                    out_hbm.at[cid, pl.ds(off, N_PAD // NS)])




def _prep_body(x_ref, r_ref):
    r_ref[...] = jnp.maximum(x_ref[...], 0.0)


_prep = pl.pallas_call(
    _prep_body,
    out_shape=jax.ShapeDtypeStruct((N, D), jnp.float32),
)


def _bn(v, g, b):
    mean = jnp.sum(v, axis=0, keepdims=True) * (1.0 / N)
    sq = jnp.sum(v * v, axis=0, keepdims=True) * (1.0 / N)
    inv = lax.rsqrt(jnp.maximum(sq - mean * mean, 0.0) + BN_EPS) * g
    return v * inv + (b - mean * inv)


def _mlp_body(l, relu_out, h_ref, p_ref, w1_ref, b1_ref, g1_ref, bt1_ref,
              w2_ref, b2_ref, go_ref, bo_ref, eps_ref, h_out, r_out):
    agg = p_ref[0, :N, :] + p_ref[1, :N, :]
    pre = (1.0 + eps_ref[0, l]) * h_ref[...] + agg
    hid = jnp.dot(pre, w1_ref[l], preferred_element_type=jnp.float32) + b1_ref[l]
    hid = jnp.maximum(_bn(hid, g1_ref[l], bt1_ref[l]), 0.0)
    out = jnp.dot(hid, w2_ref[l], preferred_element_type=jnp.float32) + b2_ref[l]
    out = _bn(out, go_ref[l], bo_ref[l])
    if relu_out:
        out = jnp.maximum(out, 0.0)
    h_out[...] = out
    r_out[...] = jnp.maximum(out, 0.0)


def _make_mlp(l, relu_out):
    return pl.pallas_call(
        functools.partial(_mlp_body, l, relu_out),
        in_specs=[pl.BlockSpec()] * 10 + [pl.BlockSpec(memory_space=pltpu.SMEM)],
        out_shape=(
            jax.ShapeDtypeStruct((N, D), jnp.float32),
            jax.ShapeDtypeStruct((N, D), jnp.float32),
        ),
    )


_mlps = [_make_mlp(l, l < L - 1) for l in range(L)]


def kernel(x, edge_index, W1, b1, g1, bt1, W2, b2, eps, g_out, b_out):
    eps2d = eps.reshape(1, L)
    h = x
    r = _prep(x)
    for l in range(L):
        parts = _edge_pass(r, edge_index[0], edge_index[1])
        h, r = _mlps[l](h, parts, W1, b1, g1, bt1, W2, b2, g_out, b_out, eps2d)
    return h

# --- scband reference (transcript-rebuilt; emitter-appended) ---
"""Pipeline reference for scband-gnnsyn-encoder-9251359555634 (READ-ONLY COPY).

The authoritative reference and input builder live on the scoring server;
editing this copy changes nothing except your own understanding.
"""

import jax, jax.numpy as jnp
import numpy as np

N = 10000
E = 320000
IN_DIM = 128
EMB = 128
L = 3
BN_EPS = 1e-5


def batch_norm(h, g, b):
    mean = jnp.mean(h, axis=0)
    var = jnp.var(h, axis=0)
    return (h - mean) / jnp.sqrt(var + BN_EPS) * g + b


def setup_inputs(seed: int = 0) -> dict:
    key = jax.random.key(seed)
    ks = jax.random.split(key, 12)
    x = jax.random.normal(ks[0], (N, IN_DIM), dtype=jnp.float32)
    edge_index = jax.random.randint(ks[1], (2, E), 0, N, dtype=jnp.int32)
    # stacked per-layer params (first layer in_dim == emb_dim so shapes match)
    W1 = jax.random.normal(ks[2], (L, EMB, 2 * EMB), dtype=jnp.float32) * 0.05
    b1 = jnp.zeros((L, 2 * EMB), dtype=jnp.float32)
    g1 = jnp.ones((L, 2 * EMB), dtype=jnp.float32)
    bt1 = jnp.zeros((L, 2 * EMB), dtype=jnp.float32)
    W2 = jax.random.normal(ks[3], (L, 2 * EMB, EMB), dtype=jnp.float32) * 0.05
    b2 = jnp.zeros((L, EMB), dtype=jnp.float32)
    eps = jnp.zeros((L,), dtype=jnp.float32)
    g_out = jnp.ones((L, EMB), dtype=jnp.float32)
    b_out = jnp.zeros((L, EMB), dtype=jnp.float32)
    return {"x": x, "edge_index": edge_index, "W1": W1, "b1": b1, "g1": g1,
            "bt1": bt1, "W2": W2, "b2": b2, "eps": eps, "g_out": g_out, "b_out": b_out}


def reference(x, edge_index, W1, b1, g1, bt1, W2, b2, eps, g_out, b_out):
    src = edge_index[0]
    dst = edge_index[1]
    h = x
    for l in range(L):
        # GINConv: propagate with aggr='add', message = relu(x_j)
        msg = jax.nn.relu(h[src])
        agg = jnp.zeros((N, h.shape[1]), dtype=h.dtype).at[dst].add(msg)
        pre = (1.0 + eps[l]) * h + agg
        # mlp: Linear -> BatchNorm1d -> ReLU -> Linear
        hid = pre @ W1[l] + b1[l]
        hid = batch_norm(hid, g1[l], bt1[l])
        hid = jax.nn.relu(hid)
        out = hid @ W2[l] + b2[l]
        # outer BatchNorm1d
        out = batch_norm(out, g_out[l], b_out[l])
        # relu after all but the last layer; dropout treated as eval (identity)
        if l < L - 1:
            out = jax.nn.relu(out)
        h = out
    return h

if __name__ == "__main__":
    import jax
    _d = setup_inputs()
    print(jax.jit(kernel)(*tuple(_d.values())))

</pallas_src>

<mosaic_0001>
#map = affine_map<(d0, d1) -> (0, 0)>
#map1 = affine_map<(d0, d1) -> (0)>
#map2 = affine_map<(d0, d1) -> (0, 0, 0)>
module attributes {stable_mosaic.version = 14 : i64} {
  func.func @_edge_pass(%arg0: i32, %arg1: i32, %arg2: memref<10000x128xf32, #tpu.memory_space<hbm>>, %arg3: memref<320000xi32, #tpu.memory_space<hbm>>, %arg4: memref<320000xi32, #tpu.memory_space<hbm>>, %arg5: memref<2x10240x128xf32, #tpu.memory_space<hbm>>, %arg6: memref<2x128xi32, #tpu.memory_space<vmem>>, %arg7: memref<2x128xi32, #tpu.memory_space<vmem>>, %arg8: memref<2x128x128xf32, #tpu.memory_space<vmem>>, %arg9: memref<32x128xf32, #tpu.memory_space<vmem>>, %arg10: memref<16xi32, #tpu.memory_space<vmem>>, %arg11: memref<16xi32, #tpu.memory_space<vmem>>, %arg12: memref<16x128xf32, #tpu.memory_space<vmem>>, %arg13: memref<10240x128xf32, #tpu.memory_space<vmem_shared>>, %arg14: memref<!tpu.dma_semaphore, #tpu.memory_space<semaphore_mem>>, %arg15: memref<!tpu.dma_semaphore, #tpu.memory_space<semaphore_mem>>, %arg16: memref<!tpu.dma_semaphore, #tpu.memory_space<semaphore_mem>>, %arg17: memref<!tpu.dma_semaphore, #tpu.memory_space<semaphore_mem>>, %arg18: memref<!tpu.dma_semaphore, #tpu.memory_space<semaphore_mem>>, %arg19: memref<!tpu.dma_semaphore, #tpu.memory_space<semaphore_mem>>, %arg20: memref<!tpu.dma_semaphore, #tpu.memory_space<semaphore_mem>>, %arg21: memref<!tpu.dma_semaphore, #tpu.memory_space<semaphore_mem>>, %arg22: memref<!tpu.dma_semaphore, #tpu.memory_space<semaphore_mem>>) attributes {dimension_semantics = [#tpu.dimension_semantics<core_parallel>, #tpu.dimension_semantics<subcore_parallel>], iteration_bounds = array<i64: 2, 16>, scalar_prefetch = 0 : i64, scratch_operands = 17 : i64, tpu.core_type = #tpu.core_type<sc_vector_subcore>, window_params = [{transform_indices = #map}, {transform_indices = #map1}, {transform_indices = #map1}, {transform_indices = #map2}]} {
    %mul3A = arith.constant 16 : i32
    %mul3A_0 = arith.muli %arg0, %mul3A : i32
    %add3A = arith.addi %mul3A_0, %arg1 : i32
    %mul3A_1 = arith.constant 10000 : i32
    %mul3A_2 = arith.muli %add3A, %mul3A_1 : i32
    %add3A_3 = arith.constant 0 : i32
    %add3A_4 = arith.addi %mul3A_2, %add3A_3 : i32
    %dma_start3A = arith.constant 0 : i32
    %dma_start3A_5 = arith.constant 0 : i32
    %dma_start3A_6 = tpu.memref_slice %arg6[%dma_start3A, %dma_start3A_5] : memref<2x128xi32, #tpu.memory_space<vmem>> -> memref<1x128xi32, #tpu.memory_space<vmem>>
    %dma_start3A_7 = tpu.memref_squeeze %dma_start3A_6 : memref<1x128xi32, #tpu.memory_space<vmem>> -> memref<128xi32, #tpu.memory_space<vmem>>
    %dma_start3A_8 = tpu.memref_slice %arg3[%add3A_4] : memref<320000xi32, #tpu.memory_space<hbm>> -> memref<128xi32, #tpu.memory_space<hbm>>
    %dma_start3A_9 = arith.constant 0 : i32
    %dma_start3A_10 = tpu.memref_slice %arg6[%dma_start3A, %dma_start3A_9] : memref<2x128xi32, #tpu.memory_space<vmem>> -> memref<1x128xi32, #tpu.memory_space<vmem>>
    %dma_start3A_11 = tpu.memref_squeeze %dma_start3A_10 : memref<1x128xi32, #tpu.memory_space<vmem>> -> memref<128xi32, #tpu.memory_space<vmem>>
    %dma_start3A_12 = tpu.memref_slice %arg3[%add3A_4] : memref<320000xi32, #tpu.memory_space<hbm>> -> memref<128xi32, #tpu.memory_space<hbm>>
    tpu.enqueue_dma source(%dma_start3A_12 : memref<128xi32, #tpu.memory_space<hbm>>) target(%dma_start3A_11 : memref<128xi32, #tpu.memory_space<vmem>>) target_semaphore(%arg18 : memref<!tpu.dma_semaphore, #tpu.memory_space<semaphore_mem>>)
    %dma_start3A_13 = arith.constant 0 : i32
    %dma_start3A_14 = arith.constant 0 : i32
    %dma_start3A_15 = tpu.memref_slice %arg7[%dma_start3A_13, %dma_start3A_14] : memref<2x128xi32, #tpu.memory_space<vmem>> -> memref<1x128xi32, #tpu.memory_space<vmem>>
    %dma_start3A_16 = tpu.memref_squeeze %dma_start3A_15 : memref<1x128xi32, #tpu.memory_space<vmem>> -> memref<128xi32, #tpu.memory_space<vmem>>
    %dma_start3A_17 = tpu.memref_slice %arg4[%add3A_4] : memref<320000xi32, #tpu.memory_space<hbm>> -> memref<128xi32, #tpu.memory_space<hbm>>
    %dma_start3A_18 = arith.constant 0 : i32
    %dma_start3A_19 = tpu.memref_slice %arg7[%dma_start3A_13, %dma_start3A_18] : memref<2x128xi32, #tpu.memory_space<vmem>> -> memref<1x128xi32, #tpu.memory_space<vmem>>
    %dma_start3A_20 = tpu.memref_squeeze %dma_start3A_19 : memref<1x128xi32, #tpu.memory_space<vmem>> -> memref<128xi32, #tpu.memory_space<vmem>>
    %dma_start3A_21 = tpu.memref_slice %arg4[%add3A_4] : memref<320000xi32, #tpu.memory_space<hbm>> -> memref<128xi32, #tpu.memory_space<hbm>>
    tpu.enqueue_dma source(%dma_start3A_21 : memref<128xi32, #tpu.memory_space<hbm>>) target(%dma_start3A_20 : memref<128xi32, #tpu.memory_space<vmem>>) target_semaphore(%arg18 : memref<!tpu.dma_semaphore, #tpu.memory_space<semaphore_mem>>)
    %add3A_22 = arith.constant 128 : i32
    %add3A_23 = arith.addi %mul3A_2, %add3A_22 : i32
    %dma_start3A_24 = arith.constant 1 : i32
    %dma_start3A_25 = arith.constant 0 : i32
    %dma_start3A_26 = tpu.memref_slice %arg6[%dma_start3A_24, %dma_start3A_25] : memref<2x128xi32, #tpu.memory_space<vmem>> -> memref<1x128xi32, #tpu.memory_space<vmem>>
    %dma_start3A_27 = tpu.memref_squeeze %dma_start3A_26 : memref<1x128xi32, #tpu.memory_space<vmem>> -> memref<128xi32, #tpu.memory_space<vmem>>
    %dma_start3A_28 = tpu.memref_slice %arg3[%add3A_23] : memref<320000xi32, #tpu.memory_space<hbm>> -> memref<128xi32, #tpu.memory_space<hbm>>
    %dma_start3A_29 = arith.constant 0 : i32
    %dma_start3A_30 = tpu.memref_slice %arg6[%dma_start3A_24, %dma_start3A_29] : memref<2x128xi32, #tpu.memory_space<vmem>> -> memref<1x128xi32, #tpu.memory_space<vmem>>
    %dma_start3A_31 = tpu.memref_squeeze %dma_start3A_30 : memref<1x128xi32, #tpu.memory_space<vmem>> -> memref<128xi32, #tpu.memory_space<vmem>>
    %dma_start3A_32 = tpu.memref_slice %arg3[%add3A_23] : memref<320000xi32, #tpu.memory_space<hbm>> -> memref<128xi32, #tpu.memory_space<hbm>>
    tpu.enqueue_dma source(%dma_start3A_32 : memref<128xi32, #tpu.memory_space<hbm>>) target(%dma_start3A_31 : memref<128xi32, #tpu.memory_space<vmem>>) target_semaphore(%arg19 : memref<!tpu.dma_semaphore, #tpu.memory_space<semaphore_mem>>)
    %dma_start3A_33 = arith.constant 1 : i32
    %dma_start3A_34 = arith.constant 0 : i32
    %dma_start3A_35 = tpu.memref_slice %arg7[%dma_start3A_33, %dma_start3A_34] : memref<2x128xi32, #tpu.memory_space<vmem>> -> memref<1x128xi32, #tpu.memory_space<vmem>>
    %dma_start3A_36 = tpu.memref_squeeze %dma_start3A_35 : memref<1x128xi32, #tpu.memory_space<vmem>> -> memref<128xi32, #tpu.memory_space<vmem>>
    %dma_start3A_37 = tpu.memref_slice %arg4[%add3A_23] : memref<320000xi32, #tpu.memory_space<hbm>> -> memref<128xi32, #tpu.memory_space<hbm>>
    %dma_start3A_38 = arith.constant 0 : i32
    %dma_start3A_39 = tpu.memref_slice %arg7[%dma_start3A_33, %dma_start3A_38] : memref<2x128xi32, #tpu.memory_space<vmem>> -> memref<1x128xi32, #tpu.memory_space<vmem>>
    %dma_start3A_40 = tpu.memref_squeeze %dma_start3A_39 : memref<1x128xi32, #tpu.memory_space<vmem>> -> memref<128xi32, #tpu.memory_space<vmem>>
    %dma_start3A_41 = tpu.memref_slice %arg4[%add3A_23] : memref<320000xi32, #tpu.memory_space<hbm>> -> memref<128xi32, #tpu.memory_space<hbm>>
    tpu.enqueue_dma source(%dma_start3A_41 : memref<128xi32, #tpu.memory_space<hbm>>) target(%dma_start3A_40 : memref<128xi32, #tpu.memory_space<vmem>>) target_semaphore(%arg19 : memref<!tpu.dma_semaphore, #tpu.memory_space<semaphore_mem>>)
    %add3A_42 = arith.constant 0 : i32
    %add3A_43 = arith.addi %mul3A_2, %add3A_42 : i32
    %dma_wait3A = arith.constant 0 : i32
    %dma_wait3A_44 = arith.constant 0 : i32
    %dma_wait3A_45 = tpu.memref_slice %arg6[%dma_wait3A, %dma_wait3A_44] : memref<2x128xi32, #tpu.memory_space<vmem>> -> memref<1x128xi32, #tpu.memory_space<vmem>>
    %dma_wait3A_46 = tpu.memref_squeeze %dma_wait3A_45 : memref<1x128xi32, #tpu.memory_space<vmem>> -> memref<128xi32, #tpu.memory_space<vmem>>
    %dma_wait3A_47 = tpu.memref_slice %arg3[%add3A_43] : memref<320000xi32, #tpu.memory_space<hbm>> -> memref<128xi32, #tpu.memory_space<hbm>>
    %dma_wait3A_48 = arith.constant 0 : i32
    %dma_wait3A_49 = tpu.memref_slice %arg6[%dma_wait3A, %dma_wait3A_48] : memref<2x128xi32, #tpu.memory_space<vmem>> -> memref<1x128xi32, #tpu.memory_space<vmem>>
    %dma_wait3A_50 = tpu.memref_squeeze %dma_wait3A_49 : memref<1x128xi32, #tpu.memory_space<vmem>> -> memref<128xi32, #tpu.memory_space<vmem>>
    %dma_wait3A_51 = tpu.memref_slice %arg3[%add3A_43] : memref<320000xi32, #tpu.memory_space<hbm>> -> memref<128xi32, #tpu.memory_space<hbm>>
    tpu.wait_dma2 semaphore(%arg18 : memref<!tpu.dma_semaphore, #tpu.memory_space<semaphore_mem>>) src(%dma_wait3A_51 : memref<128xi32, #tpu.memory_space<hbm>>) dst(%dma_wait3A_50 : memref<128xi32, #tpu.memory_space<vmem>>)
    %dma_wait3A_52 = arith.constant 0 : i32
    %dma_wait3A_53 = arith.constant 0 : i32
    %dma_wait3A_54 = tpu.memref_slice %arg7[%dma_wait3A_52, %dma_wait3A_53] : memref<2x128xi32, #tpu.memory_space<vmem>> -> memref<1x128xi32, #tpu.memory_space<vmem>>
    %dma_wait3A_55 = tpu.memref_squeeze %dma_wait3A_54 : memref<1x128xi32, #tpu.memory_space<vmem>> -> memref<128xi32, #tpu.memory_space<vmem>>
    %dma_wait3A_56 = tpu.memref_slice %arg4[%add3A_43] : memref<320000xi32, #tpu.memory_space<hbm>> -> memref<128xi32, #tpu.memory_space<hbm>>
    %dma_wait3A_57 = arith.constant 0 : i32
    %dma_wait3A_58 = tpu.memref_slice %arg7[%dma_wait3A_52, %dma_wait3A_57] : memref<2x128xi32, #tpu.memory_space<vmem>> -> memref<1x128xi32, #tpu.memory_space<vmem>>
    %dma_wait3A_59 = tpu.memref_squeeze %dma_wait3A_58 : memref<1x128xi32, #tpu.memory_space<vmem>> -> memref<128xi32, #tpu.memory_space<vmem>>
    %dma_wait3A_60 = tpu.memref_slice %arg4[%add3A_43] : memref<320000xi32, #tpu.memory_space<hbm>> -> memref<128xi32, #tpu.memory_space<hbm>>
    tpu.wait_dma2 semaphore(%arg18 : memref<!tpu.dma_semaphore, #tpu.memory_space<semaphore_mem>>) src(%dma_wait3A_60 : memref<128xi32, #tpu.memory_space<hbm>>) dst(%dma_wait3A_59 : memref<128xi32, #tpu.memory_space<vmem>>)
    %dma_start3A_61 = arith.constant 0 : i32
    %dma_start3A_62 = arith.constant 0 : i32
    %dma_start3A_63 = arith.constant 0 : i32
    %dma_start3A_64 = arith.constant 0 : i32
    %dma_start3A_65 = tpu.memref_slice %arg8[%dma_start3A_62, %dma_start3A_63, %dma_start3A_64] : memref<2x128x128xf32, #tpu.memory_space<vmem>> -> memref<1x128x128xf32, #tpu.memory_space<vmem>>
    %dma_start3A_66 = tpu.memref_squeeze %dma_start3A_65 : memref<1x128x128xf32, #tpu.memory_space<vmem>> -> memref<128x128xf32, #tpu.memory_space<vmem>>
    %dma_start3A_67 = arith.constant 0 : i32
    %dma_start3A_68 = tpu.memref_slice %arg6[%dma_start3A_61, %dma_start3A_67] : memref<2x128xi32, #tpu.memory_space<vmem>> -> memref<1x128xi32, #tpu.memory_space<vmem>>
    %dma_start3A_69 = tpu.memref_squeeze %dma_start3A_68 : memref<1x128xi32, #tpu.memory_space<vmem>> -> memref<128xi32, #tpu.memory_space<vmem>>
    %dma_start3A_70 = arith.constant 0 : i32
    %dma_start3A_71 = arith.constant 0 : i32
    %dma_start3A_72 = tpu.memref_slice %arg2[%dma_start3A_70, %dma_start3A_71] : memref<10000x128xf32, #tpu.memory_space<hbm>> -> memref<10000x128xf32, #tpu.memory_space<hbm>>
    tpu.enqueue_indirect_dma source(%dma_start3A_72 : memref<10000x128xf32, #tpu.memory_space<hbm>>) target(%dma_start3A_66 : memref<128x128xf32, #tpu.memory_space<vmem>>) offsets(%dma_start3A_69 : memref<128xi32, #tpu.memory_space<vmem>>) semaphore(%arg14 : memref<!tpu.dma_semaphore, #tpu.memory_space<semaphore_mem>>)
    %scan3A = arith.constant 0 : i32
    %scan3A_73 = arith.constant 0 : i32
    %scan3A_74 = arith.constant 32 : i32
    %scan3A_75 = arith.addi %scan3A_73, %scan3A_74 : i32
    %scan3A_76 = arith.constant 1 : i32
    scf.for %scan3A_402 = %scan3A_73 to %scan3A_75 step %scan3A_76  : i32 {
      %broadcast_in_dim3A = arith.constant 0.000000e+00 : f32
      %broadcast_in_dim3A_403 = vector.broadcast %broadcast_in_dim3A : f32 to vector<16xf32>
      %swap3A = arith.index_cast %scan3A_402 : i32 to index
      %swap3A_404 = arith.constant 0 : index
      %swap3A_405 = tpu.vector_load %arg9[%swap3A, %swap3A_404] {strides = array<i32>} : memref<32x128xf32, #tpu.memory_space<vmem>>, vector<1x16xf32>,
      %swap3A_406 = vector.shape_cast %swap3A_405 : vector<1x16xf32> to vector<16xf32>
      %swap3A_407 = vector.shape_cast %broadcast_in_dim3A_403 : vector<16xf32> to vector<1x16xf32>
      tpu.vector_store %arg9[%swap3A, %swap3A_404], %swap3A_407 {strides = array<i32>} : memref<32x128xf32, #tpu.memory_space<vmem>>, vector<1x16xf32>,
      %broadcast_in_dim3A_408 = arith.constant 0.000000e+00 : f32
      %broadcast_in_dim3A_409 = vector.broadcast %broadcast_in_dim3A_408 : f32 to vector<16xf32>
      %swap3A_410 = arith.index_cast %scan3A_402 : i32 to index
      %swap3A_411 = arith.constant 16 : index
      %swap3A_412 = tpu.vector_load %arg9[%swap3A_410, %swap3A_411] {strides = array<i32>} : memref<32x128xf32, #tpu.memory_space<vmem>>, vector<1x16xf32>,
      %swap3A_413 = vector.shape_cast %swap3A_412 : vector<1x16xf32> to vector<16xf32>
      %swap3A_414 = vector.shape_cast %broadcast_in_dim3A_409 : vector<16xf32> to vector<1x16xf32>
      tpu.vector_store %arg9[%swap3A_410, %swap3A_411], %swap3A_414 {strides = array<i32>} : memref<32x128xf32, #tpu.memory_space<vmem>>, vector<1x16xf32>,
      %broadcast_in_dim3A_415 = arith.constant 0.000000e+00 : f32
      %broadcast_in_dim3A_416 = vector.broadcast %broadcast_in_dim3A_415 : f32 to vector<16xf32>
      %swap3A_417 = arith.index_cast %scan3A_402 : i32 to index
      %swap3A_418 = arith.constant 32 : index
      %swap3A_419 = tpu.vector_load %arg9[%swap3A_417, %swap3A_418] {strides = array<i32>} : memref<32x128xf32, #tpu.memory_space<vmem>>, vector<1x16xf32>,
      %swap3A_420 = vector.shape_cast %swap3A_419 : vector<1x16xf32> to vector<16xf32>
      %swap3A_421 = vector.shape_cast %broadcast_in_dim3A_416 : vector<16xf32> to vector<1x16xf32>
      tpu.vector_store %arg9[%swap3A_417, %swap3A_418], %swap3A_421 {strides = array<i32>} : memref<32x128xf32, #tpu.memory_space<vmem>>, vector<1x16xf32>,
      %broadcast_in_dim3A_422 = arith.constant 0.000000e+00 : f32
      %broadcast_in_dim3A_423 = vector.broadcast %broadcast_in_dim3A_422 : f32 to vector<16xf32>
      %swap3A_424 = arith.index_cast %scan3A_402 : i32 to index
      %swap3A_425 = arith.constant 48 : index
      %swap3A_426 = tpu.vector_load %arg9[%swap3A_424, %swap3A_425] {strides = array<i32>} : memref<32x128xf32, #tpu.memory_space<vmem>>, vector<1x16xf32>,
      %swap3A_427 = vector.shape_cast %swap3A_426 : vector<1x16xf32> to vector<16xf32>
      %swap3A_428 = vector.shape_cast %broadcast_in_dim3A_423 : vector<16xf32> to vector<1x16xf32>
      tpu.vector_store %arg9[%swap3A_424, %swap3A_425], %swap3A_428 {strides = array<i32>} : memref<32x128xf32, #tpu.memory_space<vmem>>, vector<1x16xf32>,
      %broadcast_in_dim3A_429 = arith.constant 0.000000e+00 : f32
      %broadcast_in_dim3A_430 = vector.broadcast %broadcast_in_dim3A_429 : f32 to vector<16xf32>
      %swap3A_431 = arith.index_cast %scan3A_402 : i32 to index
      %swap3A_432 = arith.constant 64 : index
      %swap3A_433 = tpu.vector_load %arg9[%swap3A_431, %swap3A_432] {strides = array<i32>} : memref<32x128xf32, #tpu.memory_space<vmem>>, vector<1x16xf32>,
      %swap3A_434 = vector.shape_cast %swap3A_433 : vector<1x16xf32> to vector<16xf32>
      %swap3A_435 = vector.shape_cast %broadcast_in_dim3A_430 : vector<16xf32> to vector<1x16xf32>
      tpu.vector_store %arg9[%swap3A_431, %swap3A_432], %swap3A_435 {strides = array<i32>} : memref<32x128xf32, #tpu.memory_space<vmem>>, vector<1x16xf32>,
      %broadcast_in_dim3A_436 = arith.constant 0.000000e+00 : f32
      %broadcast_in_dim3A_437 = vector.broadcast %broadcast_in_dim3A_436 : f32 to vector<16xf32>
      %swap3A_438 = arith.index_cast %scan3A_402 : i32 to index
      %swap3A_439 = arith.constant 80 : index
      %swap3A_440 = tpu.vector_load %arg9[%swap3A_438, %swap3A_439] {strides = array<i32>} : memref<32x128xf32, #tpu.memory_space<vmem>>, vector<1x16xf32>,
      %swap3A_441 = vector.shape_cast %swap3A_440 : vector<1x16xf32> to vector<16xf32>
      %swap3A_442 = vector.shape_cast %broadcast_in_dim3A_437 : vector<16xf32> to vector<1x16xf32>
      tpu.vector_store %arg9[%swap3A_438, %swap3A_439], %swap3A_442 {strides = array<i32>} : memref<32x128xf32, #tpu.memory_space<vmem>>, vector<1x16xf32>,
      %broadcast_in_dim3A_443 = arith.constant 0.000000e+00 : f32
      %broadcast_in_dim3A_444 = vector.broadcast %broadcast_in_dim3A_443 : f32 to vector<16xf32>
      %swap3A_445 = arith.index_cast %scan3A_402 : i32 to index
      %swap3A_446 = arith.constant 96 : index
      %swap3A_447 = tpu.vector_load %arg9[%swap3A_445, %swap3A_446] {strides = array<i32>} : memref<32x128xf32, #tpu.memory_space<vmem>>, vector<1x16xf32>,
      %swap3A_448 = vector.shape_cast %swap3A_447 : vector<1x16xf32> to vector<16xf32>
      %swap3A_449 = vector.shape_cast %broadcast_in_dim3A_444 : vector<16xf32> to vector<1x16xf32>
      tpu.vector_store %arg9[%swap3A_445, %swap3A_446], %swap3A_449 {strides = array<i32>} : memref<32x128xf32, #tpu.memory_space<vmem>>, vector<1x16xf32>,
      %broadcast_in_dim3A_450 = arith.constant 0.000000e+00 : f32
      %broadcast_in_dim3A_451 = vector.broadcast %broadcast_in_dim3A_450 : f32 to vector<16xf32>
      %swap3A_452 = arith.index_cast %scan3A_402 : i32 to index
      %swap3A_453 = arith.constant 112 : index
      %swap3A_454 = tpu.vector_load %arg9[%swap3A_452, %swap3A_453] {strides = array<i32>} : memref<32x128xf32, #tpu.memory_space<vmem>>, vector<1x16xf32>,
      %swap3A_455 = vector.shape_cast %swap3A_454 : vector<1x16xf32> to vector<16xf32>
      %swap3A_456 = vector.shape_cast %broadcast_in_dim3A_451 : vector<16xf32> to vector<1x16xf32>
      tpu.vector_store %arg9[%swap3A_452, %swap3A_453], %swap3A_456 {strides = array<i32>} : memref<32x128xf32, #tpu.memory_space<vmem>>, vector<1x16xf32>,
    }
    %scan3A_77 = arith.constant 32 : i32
    %mul3A_78 = arith.constant 640 : i32
    %mul3A_79 = arith.muli %arg1, %mul3A_78 : i32
    %add3A_80 = arith.constant 0 : i32
    %add3A_81 = arith.addi %mul3A_79, %add3A_80 : i32
    %mul3A_82 = arith.constant 640 : i32
    %mul3A_83 = arith.muli %arg1, %mul3A_82 : i32
    %add3A_84 = arith.constant 32 : i32
    %add3A_85 = arith.addi %mul3A_83, %add3A_84 : i32
    %mul3A_86 = arith.constant 640 : i32
    %mul3A_87 = arith.muli %arg1, %mul3A_86 : i32
    %add3A_88 = arith.constant 64 : i32
    %add3A_89 = arith.addi %mul3A_87, %add3A_88 : i32
    %mul3A_90 = arith.constant 640 : i32
    %mul3A_91 = arith.muli %arg1, %mul3A_90 : i32
    %add3A_92 = arith.constant 96 : i32
    %add3A_93 = arith.addi %mul3A_91, %add3A_92 : i32
    %mul3A_94 = arith.constant 640 : i32
    %mul3A_95 = arith.muli %arg1, %mul3A_94 : i32
    %add3A_96 = arith.constant 128 : i32
    %add3A_97 = arith.addi %mul3A_95, %add3A_96 : i32
    %mul3A_98 = arith.constant 640 : i32
    %mul3A_99 = arith.muli %arg1, %mul3A_98 : i32
    %add3A_100 = arith.constant 160 : i32
    %add3A_101 = arith.addi %mul3A_99, %add3A_100 : i32
    %mul3A_102 = arith.constant 640 : i32
    %mul3A_103 = arith.muli %arg1, %mul3A_102 : i32
    %add3A_104 = arith.constant 192 : i32
    %add3A_105 = arith.addi %mul3A_103, %add3A_104 : i32
    %mul3A_106 = arith.constant 640 : i32
    %mul3A_107 = arith.muli %arg1, %mul3A_106 : i32
    %add3A_108 = arith.constant 224 : i32
    %add3A_109 = arith.addi %mul3A_107, %add3A_108 : i32
    %mul3A_110 = arith.constant 640 : i32
    %mul3A_111 = arith.muli %arg1, %mul3A_110 : i32
    %add3A_112 = arith.constant 256 : i32
    %add3A_113 = arith.addi %mul3A_111, %add3A_112 : i32
    %mul3A_114 = arith.constant 640 : i32
    %mul3A_115 = arith.muli %arg1, %mul3A_114 : i32
    %add3A_116 = arith.constant 288 : i32
    %add3A_117 = arith.addi %mul3A_115, %add3A_116 : i32
    %mul3A_118 = arith.constant 640 : i32
    %mul3A_119 = arith.muli %arg1, %mul3A_118 : i32
    %add3A_120 = arith.constant 320 : i32
    %add3A_121 = arith.addi %mul3A_119, %add3A_120 : i32
    %mul3A_122 = arith.constant 640 : i32
    %mul3A_123 = arith.muli %arg1, %mul3A_122 : i32
    %add3A_124 = arith.constant 352 : i32
    %add3A_125 = arith.addi %mul3A_123, %add3A_124 : i32
    %mul3A_126 = arith.constant 640 : i32
    %mul3A_127 = arith.muli %arg1, %mul3A_126 : i32
    %add3A_128 = arith.constant 384 : i32
    %add3A_129 = arith.addi %mul3A_127, %add3A_128 : i32
    %mul3A_130 = arith.constant 640 : i32
    %mul3A_131 = arith.muli %arg1, %mul3A_130 : i32
    %add3A_132 = arith.constant 416 : i32
    %add3A_133 = arith.addi %mul3A_131, %add3A_132 : i32
    %mul3A_134 = arith.constant 640 : i32
    %mul3A_135 = arith.muli %arg1, %mul3A_134 : i32
    %add3A_136 = arith.constant 448 : i32
    %add3A_137 = arith.addi %mul3A_135, %add3A_136 : i32
    %mul3A_138 = arith.constant 640 : i32
    %mul3A_139 = arith.muli %arg1, %mul3A_138 : i32
    %add3A_140 = arith.constant 480 : i32
    %add3A_141 = arith.addi %mul3A_139, %add3A_140 : i32
    %mul3A_142 = arith.constant 640 : i32
    %mul3A_143 = arith.muli %arg1, %mul3A_142 : i32
    %add3A_144 = arith.constant 512 : i32
    %add3A_145 = arith.addi %mul3A_143, %add3A_144 : i32
    %mul3A_146 = arith.constant 640 : i32
    %mul3A_147 = arith.muli %arg1, %mul3A_146 : i32
    %add3A_148 = arith.constant 544 : i32
    %add3A_149 = arith.addi %mul3A_147, %add3A_148 : i32
    %mul3A_150 = arith.constant 640 : i32
    %mul3A_151 = arith.muli %arg1, %mul3A_150 : i32
    %add3A_152 = arith.constant 576 : i32
    %add3A_153 = arith.addi %mul3A_151, %add3A_152 : i32
    %mul3A_154 = arith.constant 640 : i32
    %mul3A_155 = arith.muli %arg1, %mul3A_154 : i32
    %add3A_156 = arith.constant 608 : i32
    %add3A_157 = arith.addi %mul3A_155, %add3A_156 : i32
    %dma_start3A_158 = arith.constant 0 : i32
    %dma_start3A_159 = tpu.memref_slice %arg13[%add3A_81, %dma_start3A_158] : memref<10240x128xf32, #tpu.memory_space<vmem_shared>> -> memref<32x128xf32, #tpu.memory_space<vmem_shared>>
    %dma_start3A_160 = arith.constant 0 : i32
    %dma_start3A_161 = tpu.memref_slice %arg13[%add3A_81, %dma_start3A_160] : memref<10240x128xf32, #tpu.memory_space<vmem_shared>> -> memref<32x128xf32, #tpu.memory_space<vmem_shared>>
    tpu.enqueue_dma source(%arg9 : memref<32x128xf32, #tpu.memory_space<vmem>>) target(%dma_start3A_161 : memref<32x128xf32, #tpu.memory_space<vmem_shared>>) target_semaphore(%arg22 : memref<!tpu.dma_semaphore, #tpu.memory_space<semaphore_mem>>)
    %dma_start3A_162 = arith.constant 0 : i32
    %dma_start3A_163 = tpu.memref_slice %arg13[%add3A_85, %dma_start3A_162] : memref<10240x128xf32, #tpu.memory_space<vmem_shared>> -> memref<32x128xf32, #tpu.memory_space<vmem_shared>>
    %dma_start3A_164 = arith.constant 0 : i32
    %dma_start3A_165 = tpu.memref_slice %arg13[%add3A_85, %dma_start3A_164] : memref<10240x128xf32, #tpu.memory_space<vmem_shared>> -> memref<32x128xf32, #tpu.memory_space<vmem_shared>>
    tpu.enqueue_dma source(%arg9 : memref<32x128xf32, #tpu.memory_space<vmem>>) target(%dma_start3A_165 : memref<32x128xf32, #tpu.memory_space<vmem_shared>>) target_semaphore(%arg22 : memref<!tpu.dma_semaphore, #tpu.memory_space<semaphore_mem>>)
    %dma_start3A_166 = arith.constant 0 : i32
    %dma_start3A_167 = tpu.memref_slice %arg13[%add3A_89, %dma_start3A_166] : memref<10240x128xf32, #tpu.memory_space<vmem_shared>> -> memref<32x128xf32, #tpu.memory_space<vmem_shared>>
    %dma_start3A_168 = arith.constant 0 : i32
    %dma_start3A_169 = tpu.memref_slice %arg13[%add3A_89, %dma_start3A_168] : memref<10240x128xf32, #tpu.memory_space<vmem_shared>> -> memref<32x128xf32, #tpu.memory_space<vmem_shared>>
    tpu.enqueue_dma source(%arg9 : memref<32x128xf32, #tpu.memory_space<vmem>>) target(%dma_start3A_169 : memref<32x128xf32, #tpu.memory_space<vmem_shared>>) target_semaphore(%arg22 : memref<!tpu.dma_semaphore, #tpu.memory_space<semaphore_mem>>)
    %dma_start3A_170 = arith.constant 0 : i32
    %dma_start3A_171 = tpu.memref_slice %arg13[%add3A_93, %dma_start3A_170] : memref<10240x128xf32, #tpu.memory_space<vmem_shared>> -> memref<32x128xf32, #tpu.memory_space<vmem_shared>>
    %dma_start3A_172 = arith.constant 0 : i32
    %dma_start3A_173 = tpu.memref_slice %arg13[%add3A_93, %dma_start3A_172] : memref<10240x128xf32, #tpu.memory_space<vmem_shared>> -> memref<32x128xf32, #tpu.memory_space<vmem_shared>>
    tpu.enqueue_dma source(%arg9 : memref<32x128xf32, #tpu.memory_space<vmem>>) target(%dma_start3A_173 : memref<32x128xf32, #tpu.memory_space<vmem_shared>>) target_semaphore(%arg22 : memref<!tpu.dma_semaphore, #tpu.memory_space<semaphore_mem>>)
    %dma_start3A_174 = arith.constant 0 : i32
    %dma_start3A_175 = tpu.memref_slice %arg13[%add3A_97, %dma_start3A_174] : memref<10240x128xf32, #tpu.memory_space<vmem_shared>> -> memref<32x128xf32, #tpu.memory_space<vmem_shared>>
    %dma_start3A_176 = arith.constant 0 : i32
    %dma_start3A_177 = tpu.memref_slice %arg13[%add3A_97, %dma_start3A_176] : memref<10240x128xf32, #tpu.memory_space<vmem_shared>> -> memref<32x128xf32, #tpu.memory_space<vmem_shared>>
    tpu.enqueue_dma source(%arg9 : memref<32x128xf32, #tpu.memory_space<vmem>>) target(%dma_start3A_177 : memref<32x128xf32, #tpu.memory_space<vmem_shared>>) target_semaphore(%arg22 : memref<!tpu.dma_semaphore, #tpu.memory_space<semaphore_mem>>)
    %dma_start3A_178 = arith.constant 0 : i32
    %dma_start3A_179 = tpu.memref_slice %arg13[%add3A_101, %dma_start3A_178] : memref<10240x128xf32, #tpu.memory_space<vmem_shared>> -> memref<32x128xf32, #tpu.memory_space<vmem_shared>>
    %dma_start3A_180 = arith.constant 0 : i32
    %dma_start3A_181 = tpu.memref_slice %arg13[%add3A_101, %dma_start3A_180] : memref<10240x128xf32, #tpu.memory_space<vmem_shared>> -> memref<32x128xf32, #tpu.memory_space<vmem_shared>>
    tpu.enqueue_dma source(%arg9 : memref<32x128xf32, #tpu.memory_space<vmem>>) target(%dma_start3A_181 : memref<32x128xf32, #tpu.memory_space<vmem_shared>>) target_semaphore(%arg22 : memref<!tpu.dma_semaphore, #tpu.memory_space<semaphore_mem>>)
    %dma_start3A_182 = arith.constant 0 : i32
    %dma_start3A_183 = tpu.memref_slice %arg13[%add3A_105, %dma_start3A_182] : memref<10240x128xf32, #tpu.memory_space<vmem_shared>> -> memref<32x128xf32, #tpu.memory_space<vmem_shared>>
    %dma_start3A_184 = arith.constant 0 : i32
    %dma_start3A_185 = tpu.memref_slice %arg13[%add3A_105, %dma_start3A_184] : memref<10240x128xf32, #tpu.memory_space<vmem_shared>> -> memref<32x128xf32, #tpu.memory_space<vmem_shared>>
    tpu.enqueue_dma source(%arg9 : memref<32x128xf32, #tpu.memory_space<vmem>>) target(%dma_start3A_185 : memref<32x128xf32, #tpu.memory_space<vmem_shared>>) target_semaphore(%arg22 : memref<!tpu.dma_semaphore, #tpu.memory_space<semaphore_mem>>)
    %dma_start3A_186 = arith.constant 0 : i32
    %dma_start3A_187 = tpu.memref_slice %arg13[%add3A_109, %dma_start3A_186] : memref<10240x128xf32, #tpu.memory_space<vmem_shared>> -> memref<32x128xf32, #tpu.memory_space<vmem_shared>>
    %dma_start3A_188 = arith.constant 0 : i32
    %dma_start3A_189 = tpu.memref_slice %arg13[%add3A_109, %dma_start3A_188] : memref<10240x128xf32, #tpu.memory_space<vmem_shared>> -> memref<32x128xf32, #tpu.memory_space<vmem_shared>>
    tpu.enqueue_dma source(%arg9 : memref<32x128xf32, #tpu.memory_space<vmem>>) target(%dma_start3A_189 : memref<32x128xf32, #tpu.memory_space<vmem_shared>>) target_semaphore(%arg22 : memref<!tpu.dma_semaphore, #tpu.memory_space<semaphore_mem>>)
    %dma_start3A_190 = arith.constant 0 : i32
    %dma_start3A_191 = tpu.memref_slice %arg13[%add3A_113, %dma_start3A_190] : memref<10240x128xf32, #tpu.memory_space<vmem_shared>> -> memref<32x128xf32, #tpu.memory_space<vmem_shared>>
    %dma_start3A_192 = arith.constant 0 : i32
    %dma_start3A_193 = tpu.memref_slice %arg13[%add3A_113, %dma_start3A_192] : memref<10240x128xf32, #tpu.memory_space<vmem_shared>> -> memref<32x128xf32, #tpu.memory_space<vmem_shared>>
    tpu.enqueue_dma source(%arg9 : memref<32x128xf32, #tpu.memory_space<vmem>>) target(%dma_start3A_193 : memref<32x128xf32, #tpu.memory_space<vmem_shared>>) target_semaphore(%arg22 : memref<!tpu.dma_semaphore, #tpu.memory_space<semaphore_mem>>)
    %dma_start3A_194 = arith.constant 0 : i32
    %dma_start3A_195 = tpu.memref_slice %arg13[%add3A_117, %dma_start3A_194] : memref<10240x128xf32, #tpu.memory_space<vmem_shared>> -> memref<32x128xf32, #tpu.memory_space<vmem_shared>>
    %dma_start3A_196 = arith.constant 0 : i32
    %dma_start3A_197 = tpu.memref_slice %arg13[%add3A_117, %dma_start3A_196] : memref<10240x128xf32, #tpu.memory_space<vmem_shared>> -> memref<32x128xf32, #tpu.memory_space<vmem_shared>>
    tpu.enqueue_dma source(%arg9 : memref<32x128xf32, #tpu.memory_space<vmem>>) target(%dma_start3A_197 : memref<32x128xf32, #tpu.memory_space<vmem_shared>>) target_semaphore(%arg22 : memref<!tpu.dma_semaphore, #tpu.memory_space<semaphore_mem>>)
    %dma_start3A_198 = arith.constant 0 : i32
    %dma_start3A_199 = tpu.memref_slice %arg13[%add3A_121, %dma_start3A_198] : memref<10240x128xf32, #tpu.memory_space<vmem_shared>> -> memref<32x128xf32, #tpu.memory_space<vmem_shared>>
    %dma_start3A_200 = arith.constant 0 : i32
    %dma_start3A_201 = tpu.memref_slice %arg13[%add3A_121, %dma_start3A_200] : memref<10240x128xf32, #tpu.memory_space<vmem_shared>> -> memref<32x128xf32, #tpu.memory_space<vmem_shared>>
    tpu.enqueue_dma source(%arg9 : memref<32x128xf32, #tpu.memory_space<vmem>>) target(%dma_start3A_201 : memref<32x128xf32, #tpu.memory_space<vmem_shared>>) target_semaphore(%arg22 : memref<!tpu.dma_semaphore, #tpu.memory_space<semaphore_mem>>)
    %dma_start3A_202 = arith.constant 0 : i32
    %dma_start3A_203 = tpu.memref_slice %arg13[%add3A_125, %dma_start3A_202] : memref<10240x128xf32, #tpu.memory_space<vmem_shared>> -> memref<32x128xf32, #tpu.memory_space<vmem_shared>>
    %dma_start3A_204 = arith.constant 0 : i32
    %dma_start3A_205 = tpu.memref_slice %arg13[%add3A_125, %dma_start3A_204] : memref<10240x128xf32, #tpu.memory_space<vmem_shared>> -> memref<32x128xf32, #tpu.memory_space<vmem_shared>>
    tpu.enqueue_dma source(%arg9 : memref<32x128xf32, #tpu.memory_space<vmem>>) target(%dma_start3A_205 : memref<32x128xf32, #tpu.memory_space<vmem_shared>>) target_semaphore(%arg22 : memref<!tpu.dma_semaphore, #tpu.memory_space<semaphore_mem>>)
    %dma_start3A_206 = arith.constant 0 : i32
    %dma_start3A_207 = tpu.memref_slice %arg13[%add3A_129, %dma_start3A_206] : memref<10240x128xf32, #tpu.memory_space<vmem_shared>> -> memref<32x128xf32, #tpu.memory_space<vmem_shared>>
    %dma_start3A_208 = arith.constant 0 : i32
    %dma_start3A_209 = tpu.memref_slice %arg13[%add3A_129, %dma_start3A_208] : memref<10240x128xf32, #tpu.memory_space<vmem_shared>> -> memref<32x128xf32, #tpu.memory_space<vmem_shared>>
    tpu.enqueue_dma source(%arg9 : memref<32x128xf32, #tpu.memory_space<vmem>>) target(%dma_start3A_209 : memref<32x128xf32, #tpu.memory_space<vmem_shared>>) target_semaphore(%arg22 : memref<!tpu.dma_semaphore, #tpu.memory_space<semaphore_mem>>)
    %dma_start3A_210 = arith.constant 0 : i32
    %dma_start3A_211 = tpu.memref_slice %arg13[%add3A_133, %dma_start3A_210] : memref<10240x128xf32, #tpu.memory_space<vmem_shared>> -> memref<32x128xf32, #tpu.memory_space<vmem_shared>>
    %dma_start3A_212 = arith.constant 0 : i32
    %dma_start3A_213 = tpu.memref_slice %arg13[%add3A_133, %dma_start3A_212] : memref<10240x128xf32, #tpu.memory_space<vmem_shared>> -> memref<32x128xf32, #tpu.memory_space<vmem_shared>>
    tpu.enqueue_dma source(%arg9 : memref<32x128xf32, #tpu.memory_space<vmem>>) target(%dma_start3A_213 : memref<32x128xf32, #tpu.memory_space<vmem_shared>>) target_semaphore(%arg22 : memref<!tpu.dma_semaphore, #tpu.memory_space<semaphore_mem>>)
    %dma_start3A_214 = arith.constant 0 : i32
    %dma_start3A_215 = tpu.memref_slice %arg13[%add3A_137, %dma_start3A_214] : memref<10240x128xf32, #tpu.memory_space<vmem_shared>> -> memref<32x128xf32, #tpu.memory_space<vmem_shared>>
    %dma_start3A_216 = arith.constant 0 : i32
    %dma_start3A_217 = tpu.memref_slice %arg13[%add3A_137, %dma_start3A_216] : memref<10240x128xf32, #tpu.memory_space<vmem_shared>> -> memref<32x128xf32, #tpu.memory_space<vmem_shared>>
    tpu.enqueue_dma source(%arg9 : memref<32x128xf32, #tpu.memory_space<vmem>>) target(%dma_start3A_217 : memref<32x128xf32, #tpu.memory_space<vmem_shared>>) target_semaphore(%arg22 : memref<!tpu.dma_semaphore, #tpu.memory_space<semaphore_mem>>)
    %dma_start3A_218 = arith.constant 0 : i32
    %dma_start3A_219 = tpu.memref_slice %arg13[%add3A_141, %dma_start3A_218] : memref<10240x128xf32, #tpu.memory_space<vmem_shared>> -> memref<32x128xf32, #tpu.memory_space<vmem_shared>>
    %dma_start3A_220 = arith.constant 0 : i32
    %dma_start3A_221 = tpu.memref_slice %arg13[%add3A_141, %dma_start3A_220] : memref<10240x128xf32, #tpu.memory_space<vmem_shared>> -> memref<32x128xf32, #tpu.memory_space<vmem_shared>>
    tpu.enqueue_dma source(%arg9 : memref<32x128xf32, #tpu.memory_space<vmem>>) target(%dma_start3A_221 : memref<32x128xf32, #tpu.memory_space<vmem_shared>>) target_semaphore(%arg22 : memref<!tpu.dma_semaphore, #tpu.memory_space<semaphore_mem>>)
    %dma_start3A_222 = arith.constant 0 : i32
    %dma_start3A_223 = tpu.memref_slice %arg13[%add3A_145, %dma_start3A_222] : memref<10240x128xf32, #tpu.memory_space<vmem_shared>> -> memref<32x128xf32, #tpu.memory_space<vmem_shared>>
    %dma_start3A_224 = arith.constant 0 : i32
    %dma_start3A_225 = tpu.memref_slice %arg13[%add3A_145, %dma_start3A_224] : memref<10240x128xf32, #tpu.memory_space<vmem_shared>> -> memref<32x128xf32, #tpu.memory_space<vmem_shared>>
    tpu.enqueue_dma source(%arg9 : memref<32x128xf32, #tpu.memory_space<vmem>>) target(%dma_start3A_225 : memref<32x128xf32, #tpu.memory_space<vmem_shared>>) target_semaphore(%arg22 : memref<!tpu.dma_semaphore, #tpu.memory_space<semaphore_mem>>)
    %dma_start3A_226 = arith.constant 0 : i32
    %dma_start3A_227 = tpu.memref_slice %arg13[%add3A_149, %dma_start3A_226] : memref<10240x128xf32, #tpu.memory_space<vmem_shared>> -> memref<32x128xf32, #tpu.memory_space<vmem_shared>>
    %dma_start3A_228 = arith.constant 0 : i32
    %dma_start3A_229 = tpu.memref_slice %arg13[%add3A_149, %dma_start3A_228] : memref<10240x128xf32, #tpu.memory_space<vmem_shared>> -> memref<32x128xf32, #tpu.memory_space<vmem_shared>>
    tpu.enqueue_dma source(%arg9 : memref<32x128xf32, #tpu.memory_space<vmem>>) target(%dma_start3A_229 : memref<32x128xf32, #tpu.memory_space<vmem_shared>>) target_semaphore(%arg22 : memref<!tpu.dma_semaphore, #tpu.memory_space<semaphore_mem>>)
    %dma_start3A_230 = arith.constant 0 : i32
    %dma_start3A_231 = tpu.memref_slice %arg13[%add3A_153, %dma_start3A_230] : memref<10240x128xf32, #tpu.memory_space<vmem_shared>> -> memref<32x128xf32, #tpu.memory_space<vmem_shared>>
    %dma_start3A_232 = arith.constant 0 : i32
    %dma_start3A_233 = tpu.memref_slice %arg13[%add3A_153, %dma_start3A_232] : memref<10240x128xf32, #tpu.memory_space<vmem_shared>> -> memref<32x128xf32, #tpu.memory_space<vmem_shared>>
    tpu.enqueue_dma source(%arg9 : memref<32x128xf32, #tpu.memory_space<vmem>>) target(%dma_start3A_233 : memref<32x128xf32, #tpu.memory_space<vmem_shared>>) target_semaphore(%arg22 : memref<!tpu.dma_semaphore, #tpu.memory_space<semaphore_mem>>)
    %dma_start3A_234 = arith.constant 0 : i32
    %dma_start3A_235 = tpu.memref_slice %arg13[%add3A_157, %dma_start3A_234] : memref<10240x128xf32, #tpu.memory_space<vmem_shared>> -> memref<32x128xf32, #tpu.memory_space<vmem_shared>>
    %dma_start3A_236 = arith.constant 0 : i32
    %dma_start3A_237 = tpu.memref_slice %arg13[%add3A_157, %dma_start3A_236] : memref<10240x128xf32, #tpu.memory_space<vmem_shared>> -> memref<32x128xf32, #tpu.memory_space<vmem_shared>>
    tpu.enqueue_dma source(%arg9 : memref<32x128xf32, #tpu.memory_space<vmem>>) target(%dma_start3A_237 : memref<32x128xf32, #tpu.memory_space<vmem_shared>>) target_semaphore(%arg22 : memref<!tpu.dma_semaphore, #tpu.memory_space<semaphore_mem>>)
    %dma_wait3A_238 = arith.constant 0 : i32
    %dma_wait3A_239 = tpu.memref_slice %arg13[%add3A_81, %dma_wait3A_238] : memref<10240x128xf32, #tpu.memory_space<vmem_shared>> -> memref<32x128xf32, #tpu.memory_space<vmem_shared>>
    %dma_wait3A_240 = arith.constant 0 : i32
    %dma_wait3A_241 = tpu.memref_slice %arg13[%add3A_81, %dma_wait3A_240] : memref<10240x128xf32, #tpu.memory_space<vmem_shared>> -> memref<32x128xf32, #tpu.memory_space<vmem_shared>>
    tpu.wait_dma2 semaphore(%arg22 : memref<!tpu.dma_semaphore, #tpu.memory_space<semaphore_mem>>) src(%arg9 : memref<32x128xf32, #tpu.memory_space<vmem>>) dst(%dma_wait3A_241 : memref<32x128xf32, #tpu.memory_space<vmem_shared>>)
    %dma_wait3A_242 = arith.constant 0 : i32
    %dma_wait3A_243 = tpu.memref_slice %arg13[%add3A_85, %dma_wait3A_242] : memref<10240x128xf32, #tpu.memory_space<vmem_shared>> -> memref<32x128xf32, #tpu.memory_space<vmem_shared>>
    %dma_wait3A_244 = arith.constant 0 : i32
    %dma_wait3A_245 = tpu.memref_slice %arg13[%add3A_85, %dma_wait3A_244] : memref<10240x128xf32, #tpu.memory_space<vmem_shared>> -> memref<32x128xf32, #tpu.memory_space<vmem_shared>>
    tpu.wait_dma2 semaphore(%arg22 : memref<!tpu.dma_semaphore, #tpu.memory_space<semaphore_mem>>) src(%arg9 : memref<32x128xf32, #tpu.memory_space<vmem>>) dst(%dma_wait3A_245 : memref<32x128xf32, #tpu.memory_space<vmem_shared>>)
    %dma_wait3A_246 = arith.constant 0 : i32
    %dma_wait3A_247 = tpu.memref_slice %arg13[%add3A_89, %dma_wait3A_246] : memref<10240x128xf32, #tpu.memory_space<vmem_shared>> -> memref<32x128xf32, #tpu.memory_space<vmem_shared>>
    %dma_wait3A_248 = arith.constant 0 : i32
    %dma_wait3A_249 = tpu.memref_slice %arg13[%add3A_89, %dma_wait3A_248] : memref<10240x128xf32, #tpu.memory_space<vmem_shared>> -> memref<32x128xf32, #tpu.memory_space<vmem_shared>>
    tpu.wait_dma2 semaphore(%arg22 : memref<!tpu.dma_semaphore, #tpu.memory_space<semaphore_mem>>) src(%arg9 : memref<32x128xf32, #tpu.memory_space<vmem>>) dst(%dma_wait3A_249 : memref<32x128xf32, #tpu.memory_space<vmem_shared>>)
    %dma_wait3A_250 = arith.constant 0 : i32
    %dma_wait3A_251 = tpu.memref_slice %arg13[%add3A_93, %dma_wait3A_250] : memref<10240x128xf32, #tpu.memory_space<vmem_shared>> -> memref<32x128xf32, #tpu.memory_space<vmem_shared>>
    %dma_wait3A_252 = arith.constant 0 : i32
    %dma_wait3A_253 = tpu.memref_slice %arg13[%add3A_93, %dma_wait3A_252] : memref<10240x128xf32, #tpu.memory_space<vmem_shared>> -> memref<32x128xf32, #tpu.memory_space<vmem_shared>>
    tpu.wait_dma2 semaphore(%arg22 : memref<!tpu.dma_semaphore, #tpu.memory_space<semaphore_mem>>) src(%arg9 : memref<32x128xf32, #tpu.memory_space<vmem>>) dst(%dma_wait3A_253 : memref<32x128xf32, #tpu.memory_space<vmem_shared>>)
    %dma_wait3A_254 = arith.constant 0 : i32
    %dma_wait3A_255 = tpu.memref_slice %arg13[%add3A_97, %dma_wait3A_254] : memref<10240x128xf32, #tpu.memory_space<vmem_shared>> -> memref<32x128xf32, #tpu.memory_space<vmem_shared>>
    %dma_wait3A_256 = arith.constant 0 : i32
    %dma_wait3A_257 = tpu.memref_slice %arg13[%add3A_97, %dma_wait3A_256] : memref<10240x128xf32, #tpu.memory_space<vmem_shared>> -> memref<32x128xf32, #tpu.memory_space<vmem_shared>>
    tpu.wait_dma2 semaphore(%arg22 : memref<!tpu.dma_semaphore, #tpu.memory_space<semaphore_mem>>) src(%arg9 : memref<32x128xf32, #tpu.memory_space<vmem>>) dst(%dma_wait3A_257 : memref<32x128xf32, #tpu.memory_space<vmem_shared>>)
    %dma_wait3A_258 = arith.constant 0 : i32
    %dma_wait3A_259 = tpu.memref_slice %arg13[%add3A_101, %dma_wait3A_258] : memref<10240x128xf32, #tpu.memory_space<vmem_shared>> -> memref<32x128xf32, #tpu.memory_space<vmem_shared>>
    %dma_wait3A_260 = arith.constant 0 : i32
    %dma_wait3A_261 = tpu.memref_slice %arg13[%add3A_101, %dma_wait3A_260] : memref<10240x128xf32, #tpu.memory_space<vmem_shared>> -> memref<32x128xf32, #tpu.memory_space<vmem_shared>>
    tpu.wait_dma2 semaphore(%arg22 : memref<!tpu.dma_semaphore, #tpu.memory_space<semaphore_mem>>) src(%arg9 : memref<32x128xf32, #tpu.memory_space<vmem>>) dst(%dma_wait3A_261 : memref<32x128xf32, #tpu.memory_space<vmem_shared>>)
    %dma_wait3A_262 = arith.constant 0 : i32
    %dma_wait3A_263 = tpu.memref_slice %arg13[%add3A_105, %dma_wait3A_262] : memref<10240x128xf32, #tpu.memory_space<vmem_shared>> -> memref<32x128xf32, #tpu.memory_space<vmem_shared>>
    %dma_wait3A_264 = arith.constant 0 : i32
    %dma_wait3A_265 = tpu.memref_slice %arg13[%add3A_105, %dma_wait3A_264] : memref<10240x128xf32, #tpu.memory_space<vmem_shared>> -> memref<32x128xf32, #tpu.memory_space<vmem_shared>>
    tpu.wait_dma2 semaphore(%arg22 : memref<!tpu.dma_semaphore, #tpu.memory_space<semaphore_mem>>) src(%arg9 : memref<32x128xf32, #tpu.memory_space<vmem>>) dst(%dma_wait3A_265 : memref<32x128xf32, #tpu.memory_space<vmem_shared>>)
    %dma_wait3A_266 = arith.constant 0 : i32
    %dma_wait3A_267 = tpu.memref_slice %arg13[%add3A_109, %dma_wait3A_266] : memref<10240x128xf32, #tpu.memory_space<vmem_shared>> -> memref<32x128xf32, #tpu.memory_space<vmem_shared>>
    %dma_wait3A_268 = arith.constant 0 : i32
    %dma_wait3A_269 = tpu.memref_slice %arg13[%add3A_109, %dma_wait3A_268] : memref<10240x128xf32, #tpu.memory_space<vmem_shared>> -> memref<32x128xf32, #tpu.memory_space<vmem_shared>>
    tpu.wait_dma2 semaphore(%arg22 : memref<!tpu.dma_semaphore, #tpu.memory_space<semaphore_mem>>) src(%arg9 : memref<32x128xf32, #tpu.memory_space<vmem>>) dst(%dma_wait3A_269 : memref<32x128xf32, #tpu.memory_space<vmem_shared>>)
    %dma_wait3A_270 = arith.constant 0 : i32
    %dma_wait3A_271 = tpu.memref_slice %arg13[%add3A_113, %dma_wait3A_270] : memref<10240x128xf32, #tpu.memory_space<vmem_shared>> -> memref<32x128xf32, #tpu.memory_space<vmem_shared>>
    %dma_wait3A_272 = arith.constant 0 : i32
    %dma_wait3A_273 = tpu.memref_slice %arg13[%add3A_113, %dma_wait3A_272] : memref<10240x128xf32, #tpu.memory_space<vmem_shared>> -> memref<32x128xf32, #tpu.memory_space<vmem_shared>>
    tpu.wait_dma2 semaphore(%arg22 : memref<!tpu.dma_semaphore, #tpu.memory_space<semaphore_mem>>) src(%arg9 : memref<32x128xf32, #tpu.memory_space<vmem>>) dst(%dma_wait3A_273 : memref<32x128xf32, #tpu.memory_space<vmem_shared>>)
    %dma_wait3A_274 = arith.constant 0 : i32
    %dma_wait3A_275 = tpu.memref_slice %arg13[%add3A_117, %dma_wait3A_274] : memref<10240x128xf32, #tpu.memory_space<vmem_shared>> -> memref<32x128xf32, #tpu.memory_space<vmem_shared>>
    %dma_wait3A_276 = arith.constant 0 : i32
    %dma_wait3A_277 = tpu.memref_slice %arg13[%add3A_117, %dma_wait3A_276] : memref<10240x128xf32, #tpu.memory_space<vmem_shared>> -> memref<32x128xf32, #tpu.memory_space<vmem_shared>>
    tpu.wait_dma2 semaphore(%arg22 : memref<!tpu.dma_semaphore, #tpu.memory_space<semaphore_mem>>) src(%arg9 : memref<32x128xf32, #tpu.memory_space<vmem>>) dst(%dma_wait3A_277 : memref<32x128xf32, #tpu.memory_space<vmem_shared>>)
    %dma_wait3A_278 = arith.constant 0 : i32
    %dma_wait3A_279 = tpu.memref_slice %arg13[%add3A_121, %dma_wait3A_278] : memref<10240x128xf32, #tpu.memory_space<vmem_shared>> -> memref<32x128xf32, #tpu.memory_space<vmem_shared>>
    %dma_wait3A_280 = arith.constant 0 : i32
    %dma_wait3A_281 = tpu.memref_slice %arg13[%add3A_121, %dma_wait3A_280] : memref<10240x128xf32, #tpu.memory_space<vmem_shared>> -> memref<32x128xf32, #tpu.memory_space<vmem_shared>>
    tpu.wait_dma2 semaphore(%arg22 : memref<!tpu.dma_semaphore, #tpu.memory_space<semaphore_mem>>) src(%arg9 : memref<32x128xf32, #tpu.memory_space<vmem>>) dst(%dma_wait3A_281 : memref<32x128xf32, #tpu.memory_space<vmem_shared>>)
    %dma_wait3A_282 = arith.constant 0 : i32
    %dma_wait3A_283 = tpu.memref_slice %arg13[%add3A_125, %dma_wait3A_282] : memref<10240x128xf32, #tpu.memory_space<vmem_shared>> -> memref<32x128xf32, #tpu.memory_space<vmem_shared>>
    %dma_wait3A_284 = arith.constant 0 : i32
    %dma_wait3A_285 = tpu.memref_slice %arg13[%add3A_125, %dma_wait3A_284] : memref<10240x128xf32, #tpu.memory_space<vmem_shared>> -> memref<32x128xf32, #tpu.memory_space<vmem_shared>>
    tpu.wait_dma2 semaphore(%arg22 : memref<!tpu.dma_semaphore, #tpu.memory_space<semaphore_mem>>) src(%arg9 : memref<32x128xf32, #tpu.memory_space<vmem>>) dst(%dma_wait3A_285 : memref<32x128xf32, #tpu.memory_space<vmem_shared>>)
    %dma_wait3A_286 = arith.constant 0 : i32
    %dma_wait3A_287 = tpu.memref_slice %arg13[%add3A_129, %dma_wait3A_286] : memref<10240x128xf32, #tpu.memory_space<vmem_shared>> -> memref<32x128xf32, #tpu.memory_space<vmem_shared>>
    %dma_wait3A_288 = arith.constant 0 : i32
    %dma_wait3A_289 = tpu.memref_slice %arg13[%add3A_129, %dma_wait3A_288] : memref<10240x128xf32, #tpu.memory_space<vmem_shared>> -> memref<32x128xf32, #tpu.memory_space<vmem_shared>>
    tpu.wait_dma2 semaphore(%arg22 : memref<!tpu.dma_semaphore, #tpu.memory_space<semaphore_mem>>) src(%arg9 : memref<32x128xf32, #tpu.memory_space<vmem>>) dst(%dma_wait3A_289 : memref<32x128xf32, #tpu.memory_space<vmem_shared>>)
    %dma_wait3A_290 = arith.constant 0 : i32
    %dma_wait3A_291 = tpu.memref_slice %arg13[%add3A_133, %dma_wait3A_290] : memref<10240x128xf32, #tpu.memory_space<vmem_shared>> -> memref<32x128xf32, #tpu.memory_space<vmem_shared>>
    %dma_wait3A_292 = arith.constant 0 : i32
    %dma_wait3A_293 = tpu.memref_slice %arg13[%add3A_133, %dma_wait3A_292] : memref<10240x128xf32, #tpu.memory_space<vmem_shared>> -> memref<32x128xf32, #tpu.memory_space<vmem_shared>>
    tpu.wait_dma2 semaphore(%arg22 : memref<!tpu.dma_semaphore, #tpu.memory_space<semaphore_mem>>) src(%arg9 : memref<32x128xf32, #tpu.memory_space<vmem>>) dst(%dma_wait3A_293 : memref<32x128xf32, #tpu.memory_space<vmem_shared>>)
    %dma_wait3A_294 = arith.constant 0 : i32
    %dma_wait3A_295 = tpu.memref_slice %arg13[%add3A_137, %dma_wait3A_294] : memref<10240x128xf32, #tpu.memory_space<vmem_shared>> -> memref<32x128xf32, #tpu.memory_space<vmem_shared>>
    %dma_wait3A_296 = arith.constant 0 : i32
    %dma_wait3A_297 = tpu.memref_slice %arg13[%add3A_137, %dma_wait3A_296] : memref<10240x128xf32, #tpu.memory_space<vmem_shared>> -> memref<32x128xf32, #tpu.memory_space<vmem_shared>>
    tpu.wait_dma2 semaphore(%arg22 : memref<!tpu.dma_semaphore, #tpu.memory_space<semaphore_mem>>) src(%arg9 : memref<32x128xf32, #tpu.memory_space<vmem>>) dst(%dma_wait3A_297 : memref<32x128xf32, #tpu.memory_space<vmem_shared>>)
    %dma_wait3A_298 = arith.constant 0 : i32
    %dma_wait3A_299 = tpu.memref_slice %arg13[%add3A_141, %dma_wait3A_298] : memref<10240x128xf32, #tpu.memory_space<vmem_shared>> -> memref<32x128xf32, #tpu.memory_space<vmem_shared>>
    %dma_wait3A_300 = arith.constant 0 : i32
    %dma_wait3A_301 = tpu.memref_slice %arg13[%add3A_141, %dma_wait3A_300] : memref<10240x128xf32, #tpu.memory_space<vmem_shared>> -> memref<32x128xf32, #tpu.memory_space<vmem_shared>>
    tpu.wait_dma2 semaphore(%arg22 : memref<!tpu.dma_semaphore, #tpu.memory_space<semaphore_mem>>) src(%arg9 : memref<32x128xf32, #tpu.memory_space<vmem>>) dst(%dma_wait3A_301 : memref<32x128xf32, #tpu.memory_space<vmem_shared>>)
    %dma_wait3A_302 = arith.constant 0 : i32
    %dma_wait3A_303 = tpu.memref_slice %arg13[%add3A_145, %dma_wait3A_302] : memref<10240x128xf32, #tpu.memory_space<vmem_shared>> -> memref<32x128xf32, #tpu.memory_space<vmem_shared>>
    %dma_wait3A_304 = arith.constant 0 : i32
    %dma_wait3A_305 = tpu.memref_slice %arg13[%add3A_145, %dma_wait3A_304] : memref<10240x128xf32, #tpu.memory_space<vmem_shared>> -> memref<32x128xf32, #tpu.memory_space<vmem_shared>>
    tpu.wait_dma2 semaphore(%arg22 : memref<!tpu.dma_semaphore, #tpu.memory_space<semaphore_mem>>) src(%arg9 : memref<32x128xf32, #tpu.memory_space<vmem>>) dst(%dma_wait3A_305 : memref<32x128xf32, #tpu.memory_space<vmem_shared>>)
    %dma_wait3A_306 = arith.constant 0 : i32
    %dma_wait3A_307 = tpu.memref_slice %arg13[%add3A_149, %dma_wait3A_306] : memref<10240x128xf32, #tpu.memory_space<vmem_shared>> -> memref<32x128xf32, #tpu.memory_space<vmem_shared>>
    %dma_wait3A_308 = arith.constant 0 : i32
    %dma_wait3A_309 = tpu.memref_slice %arg13[%add3A_149, %dma_wait3A_308] : memref<10240x128xf32, #tpu.memory_space<vmem_shared>> -> memref<32x128xf32, #tpu.memory_space<vmem_shared>>
    tpu.wait_dma2 semaphore(%arg22 : memref<!tpu.dma_semaphore, #tpu.memory_space<semaphore_mem>>) src(%arg9 : memref<32x128xf32, #tpu.memory_space<vmem>>) dst(%dma_wait3A_309 : memref<32x128xf32, #tpu.memory_space<vmem_shared>>)
    %dma_wait3A_310 = arith.constant 0 : i32
    %dma_wait3A_311 = tpu.memref_slice %arg13[%add3A_153, %dma_wait3A_310] : memref<10240x128xf32, #tpu.memory_space<vmem_shared>> -> memref<32x128xf32, #tpu.memory_space<vmem_shared>>
    %dma_wait3A_312 = arith.constant 0 : i32
    %dma_wait3A_313 = tpu.memref_slice %arg13[%add3A_153, %dma_wait3A_312] : memref<10240x128xf32, #tpu.memory_space<vmem_shared>> -> memref<32x128xf32, #tpu.memory_space<vmem_shared>>
    tpu.wait_dma2 semaphore(%arg22 : memref<!tpu.dma_semaphore, #tpu.memory_space<semaphore_mem>>) src(%arg9 : memref<32x128xf32, #tpu.memory_space<vmem>>) dst(%dma_wait3A_313 : memref<32x128xf32, #tpu.memory_space<vmem_shared>>)
    %dma_wait3A_314 = arith.constant 0 : i32
    %dma_wait3A_315 = tpu.memref_slice %arg13[%add3A_157, %dma_wait3A_314] : memref<10240x128xf32, #tpu.memory_space<vmem_shared>> -> memref<32x128xf32, #tpu.memory_space<vmem_shared>>
    %dma_wait3A_316 = arith.constant 0 : i32
    %dma_wait3A_317 = tpu.memref_slice %arg13[%add3A_157, %dma_wait3A_316] : memref<10240x128xf32, #tpu.memory_space<vmem_shared>> -> memref<32x128xf32, #tpu.memory_space<vmem_shared>>
    tpu.wait_dma2 semaphore(%arg22 : memref<!tpu.dma_semaphore, #tpu.memory_space<semaphore_mem>>) src(%arg9 : memref<32x128xf32, #tpu.memory_space<vmem>>) dst(%dma_wait3A_317 : memref<32x128xf32, #tpu.memory_space<vmem_shared>>)
    %barrier3A = arith.constant 0 : index
    tpu.barrier barrier_id(%barrier3A)
    %scan3A_318 = arith.constant 0 : i32
    %scan3A_319 = arith.constant 0 : i32
    %scan3A_320 = arith.constant 38 : i32
    %scan3A_321 = arith.addi %scan3A_319, %scan3A_320 : i32
    %scan3A_322 = arith.constant 1 : i32
    scf.for %scan3A_402 = %scan3A_319 to %scan3A_321 step %scan3A_322  : i32 {
      %mul3A_403 = arith.constant 2 : i32
      %mul3A_404 = arith.muli %scan3A_402, %mul3A_403 : i32
      %add3A_405 = arith.constant 0 : i32
      %add3A_406 = arith.addi %mul3A_404, %add3A_405 : i32
      %add3A_407 = arith.constant 2 : i32
      %add3A_408 = arith.addi %add3A_406, %add3A_407 : i32
      %sub3A = arith.constant 1 : i32
      %sub3A_409 = arith.subi %add3A_408, %sub3A : i32
      %mul3A_410 = arith.constant 128 : i32
      %mul3A_411 = arith.muli %sub3A_409, %mul3A_410 : i32
      %add3A_412 = arith.addi %mul3A_2, %mul3A_411 : i32
      %dma_wait3A_413 = arith.constant 1 : i32
      %dma_wait3A_414 = arith.constant 0 : i32
      %dma_wait3A_415 = tpu.memref_slice %arg6[%dma_wait3A_413, %dma_wait3A_414] : memref<2x128xi32, #tpu.memory_space<vmem>> -> memref<1x128xi32, #tpu.memory_space<vmem>>
      %dma_wait3A_416 = tpu.memref_squeeze %dma_wait3A_415 : memref<1x128xi32, #tpu.memory_space<vmem>> -> memref<128xi32, #tpu.memory_space<vmem>>
      %dma_wait3A_417 = tpu.memref_slice %arg3[%add3A_412] : memref<320000xi32, #tpu.memory_space<hbm>> -> memref<128xi32, #tpu.memory_space<hbm>>
      %dma_wait3A_418 = arith.constant 0 : i32
      %dma_wait3A_419 = tpu.memref_slice %arg6[%dma_wait3A_413, %dma_wait3A_418] : memref<2x128xi32, #tpu.memory_space<vmem>> -> memref<1x128xi32, #tpu.memory_space<vmem>>
      %dma_wait3A_420 = tpu.memref_squeeze %dma_wait3A_419 : memref<1x128xi32, #tpu.memory_space<vmem>> -> memref<128xi32, #tpu.memory_space<vmem>>
      %dma_wait3A_421 = tpu.memref_slice %arg3[%add3A_412] : memref<320000xi32, #tpu.memory_space<hbm>> -> memref<128xi32, #tpu.memory_space<hbm>>
      tpu.wait_dma2 semaphore(%arg19 : memref<!tpu.dma_semaphore, #tpu.memory_space<semaphore_mem>>) src(%dma_wait3A_421 : memref<128xi32, #tpu.memory_space<hbm>>) dst(%dma_wait3A_420 : memref<128xi32, #tpu.memory_space<vmem>>)
      %dma_wait3A_422 = arith.constant 1 : i32
      %dma_wait3A_423 = arith.constant 0 : i32
      %dma_wait3A_424 = tpu.memref_slice %arg7[%dma_wait3A_422, %dma_wait3A_423] : memref<2x128xi32, #tpu.memory_space<vmem>> -> memref<1x128xi32, #tpu.memory_space<vmem>>
      %dma_wait3A_425 = tpu.memref_squeeze %dma_wait3A_424 : memref<1x128xi32, #tpu.memory_space<vmem>> -> memref<128xi32, #tpu.memory_space<vmem>>
      %dma_wait3A_426 = tpu.memref_slice %arg4[%add3A_412] : memref<320000xi32, #tpu.memory_space<hbm>> -> memref<128xi32, #tpu.memory_space<hbm>>
      %dma_wait3A_427 = arith.constant 0 : i32
      %dma_wait3A_428 = tpu.memref_slice %arg7[%dma_wait3A_422, %dma_wait3A_427] : memref<2x128xi32, #tpu.memory_space<vmem>> -> memref<1x128xi32, #tpu.memory_space<vmem>>
      %dma_wait3A_429 = tpu.memref_squeeze %dma_wait3A_428 : memref<1x128xi32, #tpu.memory_space<vmem>> -> memref<128xi32, #tpu.memory_space<vmem>>
      %dma_wait3A_430 = tpu.memref_slice %arg4[%add3A_412] : memref<320000xi32, #tpu.memory_space<hbm>> -> memref<128xi32, #tpu.memory_space<hbm>>
      tpu.wait_dma2 semaphore(%arg19 : memref<!tpu.dma_semaphore, #tpu.memory_space<semaphore_mem>>) src(%dma_wait3A_430 : memref<128xi32, #tpu.memory_space<hbm>>) dst(%dma_wait3A_429 : memref<128xi32, #tpu.memory_space<vmem>>)
      %add3A_431 = arith.constant 2 : i32
      %add3A_432 = arith.addi %add3A_406, %add3A_431 : i32
      %sub3A_433 = arith.constant 1 : i32
      %sub3A_434 = arith.subi %add3A_432, %sub3A_433 : i32
      %dma_start3A_435 = arith.constant 1 : i32
      %dma_start3A_436 = arith.constant 1 : i32
      %dma_start3A_437 = arith.constant 0 : i32
      %dma_start3A_438 = arith.constant 0 : i32
      %dma_start3A_439 = tpu.memref_slice %arg8[%dma_start3A_436, %dma_start3A_437, %dma_start3A_438] : memref<2x128x128xf32, #tpu.memory_space<vmem>> -> memref<1x128x128xf32, #tpu.memory_space<vmem>>
      %dma_start3A_440 = tpu.memref_squeeze %dma_start3A_439 : memref<1x128x128xf32, #tpu.memory_space<vmem>> -> memref<128x128xf32, #tpu.memory_space<vmem>>
      %dma_start3A_441 = arith.constant 0 : i32
      %dma_start3A_442 = tpu.memref_slice %arg6[%dma_start3A_435, %dma_start3A_441] : memref<2x128xi32, #tpu.memory_space<vmem>> -> memref<1x128xi32, #tpu.memory_space<vmem>>
      %dma_start3A_443 = tpu.memref_squeeze %dma_start3A_442 : memref<1x128xi32, #tpu.memory_space<vmem>> -> memref<128xi32, #tpu.memory_space<vmem>>
      %dma_start3A_444 = arith.constant 0 : i32
      %dma_start3A_445 = arith.constant 0 : i32
      %dma_start3A_446 = tpu.memref_slice %arg2[%dma_start3A_444, %dma_start3A_445] : memref<10000x128xf32, #tpu.memory_space<hbm>> -> memref<10000x128xf32, #tpu.memory_space<hbm>>
      tpu.enqueue_indirect_dma source(%dma_start3A_446 : memref<10000x128xf32, #tpu.memory_space<hbm>>) target(%dma_start3A_440 : memref<128x128xf32, #tpu.memory_space<vmem>>) offsets(%dma_start3A_443 : memref<128xi32, #tpu.memory_space<vmem>>) semaphore(%arg15 : memref<!tpu.dma_semaphore, #tpu.memory_space<semaphore_mem>>)
      %dma_wait3A_447 = arith.constant 0 : i32
      %dma_wait3A_448 = arith.constant 0 : i32
      %dma_wait3A_449 = arith.constant 0 : i32
      %dma_wait3A_450 = arith.constant 0 : i32
      %dma_wait3A_451 = tpu.memref_slice %arg8[%dma_wait3A_448, %dma_wait3A_449, %dma_wait3A_450] : memref<2x128x128xf32, #tpu.memory_space<vmem>> -> memref<1x128x128xf32, #tpu.memory_space<vmem>>
      %dma_wait3A_452 = tpu.memref_squeeze %dma_wait3A_451 : memref<1x128x128xf32, #tpu.memory_space<vmem>> -> memref<128x128xf32, #tpu.memory_space<vmem>>
      %dma_wait3A_453 = arith.constant 0 : i32
      %dma_wait3A_454 = tpu.memref_slice %arg6[%dma_wait3A_447, %dma_wait3A_453] : memref<2x128xi32, #tpu.memory_space<vmem>> -> memref<1x128xi32, #tpu.memory_space<vmem>>
      %dma_wait3A_455 = tpu.memref_squeeze %dma_wait3A_454 : memref<1x128xi32, #tpu.memory_space<vmem>> -> memref<128xi32, #tpu.memory_space<vmem>>
      %dma_wait3A_456 = arith.constant 0 : i32
      %dma_wait3A_457 = arith.constant 0 : i32
      %dma_wait3A_458 = tpu.memref_slice %arg2[%dma_wait3A_456, %dma_wait3A_457] : memref<10000x128xf32, #tpu.memory_space<hbm>> -> memref<10000x128xf32, #tpu.memory_space<hbm>>
      tpu.wait_indirect_dma semaphore(%arg14 : memref<!tpu.dma_semaphore, #tpu.memory_space<semaphore_mem>>) src(%dma_wait3A_458 : memref<10000x128xf32, #tpu.memory_space<hbm>>) dst(%dma_wait3A_452 : memref<128x128xf32, #tpu.memory_space<vmem>>)
      %run_scoped3A_459 = arith.constant 0 : i32
      %run_scoped3A_460 = arith.constant 0 : i32
      "tpu.region"() ({
        %run_scoped3A_564 = tpu.sem_alloc : memref<!tpu.dma_semaphore, #tpu.memory_space<semaphore_mem>>
        %dma_start3A_565 = arith.constant 0 : i32
        %dma_start3A_566 = arith.constant 0 : i32
        %dma_start3A_567 = tpu.memref_slice %arg8[%run_scoped3A_459, %dma_start3A_565, %dma_start3A_566] : memref<2x128x128xf32, #tpu.memory_space<vmem>> -> memref<1x128x128xf32, #tpu.memory_space<vmem>>
        %dma_start3A_568 = tpu.memref_squeeze %dma_start3A_567 : memref<1x128x128xf32, #tpu.memory_space<vmem>> -> memref<128x128xf32, #tpu.memory_space<vmem>>
        %dma_start3A_569 = arith.constant 0 : i32
        %dma_start3A_570 = tpu.memref_slice %arg7[%run_scoped3A_460, %dma_start3A_569] : memref<2x128xi32, #tpu.memory_space<vmem>> -> memref<1x128xi32, #tpu.memory_space<vmem>>
        %dma_start3A_571 = tpu.memref_squeeze %dma_start3A_570 : memref<1x128xi32, #tpu.memory_space<vmem>> -> memref<128xi32, #tpu.memory_space<vmem>>
        %dma_start3A_572 = arith.constant 0 : i32
        %dma_start3A_573 = arith.constant 0 : i32
        %dma_start3A_574 = tpu.memref_slice %arg13[%dma_start3A_572, %dma_start3A_573] : memref<10240x128xf32, #tpu.memory_space<vmem_shared>> -> memref<10240x128xf32, #tpu.memory_space<vmem_shared>>
        tpu.enqueue_indirect_dma source(%dma_start3A_568 : memref<128x128xf32, #tpu.memory_space<vmem>>) target(%dma_start3A_574 : memref<10240x128xf32, #tpu.memory_space<vmem_shared>>) offsets(%dma_start3A_571 : memref<128xi32, #tpu.memory_space<vmem>>) semaphore(%run_scoped3A_564 : memref<!tpu.dma_semaphore, #tpu.memory_space<semaphore_mem>>) {add = true}
        %dma_wait3A_575 = arith.constant 0 : i32
        %dma_wait3A_576 = arith.constant 0 : i32
        %dma_wait3A_577 = tpu.memref_slice %arg8[%run_scoped3A_459, %dma_wait3A_575, %dma_wait3A_576] : memref<2x128x128xf32, #tpu.memory_space<vmem>> -> memref<1x128x128xf32, #tpu.memory_space<vmem>>
        %dma_wait3A_578 = tpu.memref_squeeze %dma_wait3A_577 : memref<1x128x128xf32, #tpu.memory_space<vmem>> -> memref<128x128xf32, #tpu.memory_space<vmem>>
        %dma_wait3A_579 = arith.constant 0 : i32
        %dma_wait3A_580 = tpu.memref_slice %arg7[%run_scoped3A_460, %dma_wait3A_579] : memref<2x128xi32, #tpu.memory_space<vmem>> -> memref<1x128xi32, #tpu.memory_space<vmem>>
        %dma_wait3A_581 = tpu.memref_squeeze %dma_wait3A_580 : memref<1x128xi32, #tpu.memory_space<vmem>> -> memref<128xi32, #tpu.memory_space<vmem>>
        %dma_wait3A_582 = arith.constant 0 : i32
        %dma_wait3A_583 = arith.constant 0 : i32
        %dma_wait3A_584 = tpu.memref_slice %arg13[%dma_wait3A_582, %dma_wait3A_583] : memref<10240x128xf32, #tpu.memory_space<vmem_shared>> -> memref<10240x128xf32, #tpu.memory_space<vmem_shared>>
        tpu.wait_indirect_dma semaphore(%run_scoped3A_564 : memref<!tpu.dma_semaphore, #tpu.memory_space<semaphore_mem>>) src(%dma_wait3A_578 : memref<128x128xf32, #tpu.memory_space<vmem>>) dst(%dma_wait3A_584 : memref<10240x128xf32, #tpu.memory_space<vmem_shared>>)
        tpu.yield
      }) : () -> ()
      %add3A_461 = arith.constant 2 : i32
      %add3A_462 = arith.addi %add3A_406, %add3A_461 : i32
      %mul3A_463 = arith.constant 128 : i32
      %mul3A_464 = arith.muli %add3A_462, %mul3A_463 : i32
      %add3A_465 = arith.addi %mul3A_2, %mul3A_464 : i32
      %dma_start3A_466 = arith.constant 0 : i32
      %dma_start3A_467 = arith.constant 0 : i32
      %dma_start3A_468 = tpu.memref_slice %arg6[%dma_start3A_466, %dma_start3A_467] : memref<2x128xi32, #tpu.memory_space<vmem>> -> memref<1x128xi32, #tpu.memory_space<vmem>>
      %dma_start3A_469 = tpu.memref_squeeze %dma_start3A_468 : memref<1x128xi32, #tpu.memory_space<vmem>> -> memref<128xi32, #tpu.memory_space<vmem>>
      %dma_start3A_470 = tpu.memref_slice %arg3[%add3A_465] : memref<320000xi32, #tpu.memory_space<hbm>> -> memref<128xi32, #tpu.memory_space<hbm>>
      %dma_start3A_471 = arith.constant 0 : i32
      %dma_start3A_472 = tpu.memref_slice %arg6[%dma_start3A_466, %dma_start3A_471] : memref<2x128xi32, #tpu.memory_space<vmem>> -> memref<1x128xi32, #tpu.memory_space<vmem>>
      %dma_start3A_473 = tpu.memref_squeeze %dma_start3A_472 : memref<1x128xi32, #tpu.memory_space<vmem>> -> memref<128xi32, #tpu.memory_space<vmem>>
      %dma_start3A_474 = tpu.memref_slice %arg3[%add3A_465] : memref<320000xi32, #tpu.memory_space<hbm>> -> memref<128xi32, #tpu.memory_space<hbm>>
      tpu.enqueue_dma source(%dma_start3A_474 : memref<128xi32, #tpu.memory_space<hbm>>) target(%dma_start3A_473 : memref<128xi32, #tpu.memory_space<vmem>>) target_semaphore(%arg18 : memref<!tpu.dma_semaphore, #tpu.memory_space<semaphore_mem>>)
      %dma_start3A_475 = arith.constant 0 : i32
      %dma_start3A_476 = arith.constant 0 : i32
      %dma_start3A_477 = tpu.memref_slice %arg7[%dma_start3A_475, %dma_start3A_476] : memref<2x128xi32, #tpu.memory_space<vmem>> -> memref<1x128xi32, #tpu.memory_space<vmem>>
      %dma_start3A_478 = tpu.memref_squeeze %dma_start3A_477 : memref<1x128xi32, #tpu.memory_space<vmem>> -> memref<128xi32, #tpu.memory_space<vmem>>
      %dma_start3A_479 = tpu.memref_slice %arg4[%add3A_465] : memref<320000xi32, #tpu.memory_space<hbm>> -> memref<128xi32, #tpu.memory_space<hbm>>
      %dma_start3A_480 = arith.constant 0 : i32
      %dma_start3A_481 = tpu.memref_slice %arg7[%dma_start3A_475, %dma_start3A_480] : memref<2x128xi32, #tpu.memory_space<vmem>> -> memref<1x128xi32, #tpu.memory_space<vmem>>
      %dma_start3A_482 = tpu.memref_squeeze %dma_start3A_481 : memref<1x128xi32, #tpu.memory_space<vmem>> -> memref<128xi32, #tpu.memory_space<vmem>>
      %dma_start3A_483 = tpu.memref_slice %arg4[%add3A_465] : memref<320000xi32, #tpu.memory_space<hbm>> -> memref<128xi32, #tpu.memory_space<hbm>>
      tpu.enqueue_dma source(%dma_start3A_483 : memref<128xi32, #tpu.memory_space<hbm>>) target(%dma_start3A_482 : memref<128xi32, #tpu.memory_space<vmem>>) target_semaphore(%arg18 : memref<!tpu.dma_semaphore, #tpu.memory_space<semaphore_mem>>)
      %add3A_484 = arith.constant 1 : i32
      %add3A_485 = arith.addi %mul3A_404, %add3A_484 : i32
      %add3A_486 = arith.constant 2 : i32
      %add3A_487 = arith.addi %add3A_485, %add3A_486 : i32
      %sub3A_488 = arith.constant 1 : i32
      %sub3A_489 = arith.subi %add3A_487, %sub3A_488 : i32
      %mul3A_490 = arith.constant 128 : i32
      %mul3A_491 = arith.muli %sub3A_489, %mul3A_490 : i32
      %add3A_492 = arith.addi %mul3A_2, %mul3A_491 : i32
      %dma_wait3A_493 = arith.constant 0 : i32
      %dma_wait3A_494 = arith.constant 0 : i32
      %dma_wait3A_495 = tpu.memref_slice %arg6[%dma_wait3A_493, %dma_wait3A_494] : memref<2x128xi32, #tpu.memory_space<vmem>> -> memref<1x128xi32, #tpu.memory_space<vmem>>
      %dma_wait3A_496 = tpu.memref_squeeze %dma_wait3A_495 : memref<1x128xi32, #tpu.memory_space<vmem>> -> memref<128xi32, #tpu.memory_space<vmem>>
      %dma_wait3A_497 = tpu.memref_slice %arg3[%add3A_492] : memref<320000xi32, #tpu.memory_space<hbm>> -> memref<128xi32, #tpu.memory_space<hbm>>
      %dma_wait3A_498 = arith.constant 0 : i32
      %dma_wait3A_499 = tpu.memref_slice %arg6[%dma_wait3A_493, %dma_wait3A_498] : memref<2x128xi32, #tpu.memory_space<vmem>> -> memref<1x128xi32, #tpu.memory_space<vmem>>
      %dma_wait3A_500 = tpu.memref_squeeze %dma_wait3A_499 : memref<1x128xi32, #tpu.memory_space<vmem>> -> memref<128xi32, #tpu.memory_space<vmem>>
      %dma_wait3A_501 = tpu.memref_slice %arg3[%add3A_492] : memref<320000xi32, #tpu.memory_space<hbm>> -> memref<128xi32, #tpu.memory_space<hbm>>
      tpu.wait_dma2 semaphore(%arg18 : memref<!tpu.dma_semaphore, #tpu.memory_space<semaphore_mem>>) src(%dma_wait3A_501 : memref<128xi32, #tpu.memory_space<hbm>>) dst(%dma_wait3A_500 : memref<128xi32, #tpu.memory_space<vmem>>)
      %dma_wait3A_502 = arith.constant 0 : i32
      %dma_wait3A_503 = arith.constant 0 : i32
      %dma_wait3A_504 = tpu.memref_slice %arg7[%dma_wait3A_502, %dma_wait3A_503] : memref<2x128xi32, #tpu.memory_space<vmem>> -> memref<1x128xi32, #tpu.memory_space<vmem>>
      %dma_wait3A_505 = tpu.memref_squeeze %dma_wait3A_504 : memref<1x128xi32, #tpu.memory_space<vmem>> -> memref<128xi32, #tpu.memory_space<vmem>>
      %dma_wait3A_506 = tpu.memref_slice %arg4[%add3A_492] : memref<320000xi32, #tpu.memory_space<hbm>> -> memref<128xi32, #tpu.memory_space<hbm>>
      %dma_wait3A_507 = arith.constant 0 : i32
      %dma_wait3A_508 = tpu.memref_slice %arg7[%dma_wait3A_502, %dma_wait3A_507] : memref<2x128xi32, #tpu.memory_space<vmem>> -> memref<1x128xi32, #tpu.memory_space<vmem>>
      %dma_wait3A_509 = tpu.memref_squeeze %dma_wait3A_508 : memref<1x128xi32, #tpu.memory_space<vmem>> -> memref<128xi32, #tpu.memory_space<vmem>>
      %dma_wait3A_510 = tpu.memref_slice %arg4[%add3A_492] : memref<320000xi32, #tpu.memory_space<hbm>> -> memref<128xi32, #tpu.memory_space<hbm>>
      tpu.wait_dma2 semaphore(%arg18 : memref<!tpu.dma_semaphore, #tpu.memory_space<semaphore_mem>>) src(%dma_wait3A_510 : memref<128xi32, #tpu.memory_space<hbm>>) dst(%dma_wait3A_509 : memref<128xi32, #tpu.memory_space<vmem>>)
      %add3A_511 = arith.constant 2 : i32
      %add3A_512 = arith.addi %add3A_485, %add3A_511 : i32
      %sub3A_513 = arith.constant 1 : i32
      %sub3A_514 = arith.subi %add3A_512, %sub3A_513 : i32
      %dma_start3A_515 = arith.constant 0 : i32
      %dma_start3A_516 = arith.constant 0 : i32
      %dma_start3A_517 = arith.constant 0 : i32
      %dma_start3A_518 = arith.constant 0 : i32
      %dma_start3A_519 = tpu.memref_slice %arg8[%dma_start3A_516, %dma_start3A_517, %dma_start3A_518] : memref<2x128x128xf32, #tpu.memory_space<vmem>> -> memref<1x128x128xf32, #tpu.memory_space<vmem>>
      %dma_start3A_520 = tpu.memref_squeeze %dma_start3A_519 : memref<1x128x128xf32, #tpu.memory_space<vmem>> -> memref<128x128xf32, #tpu.memory_space<vmem>>
      %dma_start3A_521 = arith.constant 0 : i32
      %dma_start3A_522 = tpu.memref_slice %arg6[%dma_start3A_515, %dma_start3A_521] : memref<2x128xi32, #tpu.memory_space<vmem>> -> memref<1x128xi32, #tpu.memory_space<vmem>>
      %dma_start3A_523 = tpu.memref_squeeze %dma_start3A_522 : memref<1x128xi32, #tpu.memory_space<vmem>> -> memref<128xi32, #tpu.memory_space<vmem>>
      %dma_start3A_524 = arith.constant 0 : i32
      %dma_start3A_525 = arith.constant 0 : i32
      %dma_start3A_526 = tpu.memref_slice %arg2[%dma_start3A_524, %dma_start3A_525] : memref<10000x128xf32, #tpu.memory_space<hbm>> -> memref<10000x128xf32, #tpu.memory_space<hbm>>
      tpu.enqueue_indirect_dma source(%dma_start3A_526 : memref<10000x128xf32, #tpu.memory_space<hbm>>) target(%dma_start3A_520 : memref<128x128xf32, #tpu.memory_space<vmem>>) offsets(%dma_start3A_523 : memref<128xi32, #tpu.memory_space<vmem>>) semaphore(%arg14 : memref<!tpu.dma_semaphore, #tpu.memory_space<semaphore_mem>>)
      %dma_wait3A_527 = arith.constant 1 : i32
      %dma_wait3A_528 = arith.constant 1 : i32
      %dma_wait3A_529 = arith.constant 0 : i32
      %dma_wait3A_530 = arith.constant 0 : i32
      %dma_wait3A_531 = tpu.memref_slice %arg8[%dma_wait3A_528, %dma_wait3A_529, %dma_wait3A_530] : memref<2x128x128xf32, #tpu.memory_space<vmem>> -> memref<1x128x128xf32, #tpu.memory_space<vmem>>
      %dma_wait3A_532 = tpu.memref_squeeze %dma_wait3A_531 : memref<1x128x128xf32, #tpu.memory_space<vmem>> -> memref<128x128xf32, #tpu.memory_space<vmem>>
      %dma_wait3A_533 = arith.constant 0 : i32
      %dma_wait3A_534 = tpu.memref_slice %arg6[%dma_wait3A_527, %dma_wait3A_533] : memref<2x128xi32, #tpu.memory_space<vmem>> -> memref<1x128xi32, #tpu.memory_space<vmem>>
      %dma_wait3A_535 = tpu.memref_squeeze %dma_wait3A_534 : memref<1x128xi32, #tpu.memory_space<vmem>> -> memref<128xi32, #tpu.memory_space<vmem>>
      %dma_wait3A_536 = arith.constant 0 : i32
      %dma_wait3A_537 = arith.constant 0 : i32
      %dma_wait3A_538 = tpu.memref_slice %arg2[%dma_wait3A_536, %dma_wait3A_537] : memref<10000x128xf32, #tpu.memory_space<hbm>> -> memref<10000x128xf32, #tpu.memory_space<hbm>>
      tpu.wait_indirect_dma semaphore(%arg15 : memref<!tpu.dma_semaphore, #tpu.memory_space<semaphore_mem>>) src(%dma_wait3A_538 : memref<10000x128xf32, #tpu.memory_space<hbm>>) dst(%dma_wait3A_532 : memref<128x128xf32, #tpu.memory_space<vmem>>)
      %run_scoped3A_539 = arith.constant 1 : i32
      %run_scoped3A_540 = arith.constant 1 : i32
      "tpu.region"() ({
        %run_scoped3A_564 = tpu.sem_alloc : memref<!tpu.dma_semaphore, #tpu.memory_space<semaphore_mem>>
        %dma_start3A_565 = arith.constant 0 : i32
        %dma_start3A_566 = arith.constant 0 : i32
        %dma_start3A_567 = tpu.memref_slice %arg8[%run_scoped3A_539, %dma_start3A_565, %dma_start3A_566] : memref<2x128x128xf32, #tpu.memory_space<vmem>> -> memref<1x128x128xf32, #tpu.memory_space<vmem>>
        %dma_start3A_568 = tpu.memref_squeeze %dma_start3A_567 : memref<1x128x128xf32, #tpu.memory_space<vmem>> -> memref<128x128xf32, #tpu.memory_space<vmem>>
        %dma_start3A_569 = arith.constant 0 : i32
        %dma_start3A_570 = tpu.memref_slice %arg7[%run_scoped3A_540, %dma_start3A_569] : memref<2x128xi32, #tpu.memory_space<vmem>> -> memref<1x128xi32, #tpu.memory_space<vmem>>
        %dma_start3A_571 = tpu.memref_squeeze %dma_start3A_570 : memref<1x128xi32, #tpu.memory_space<vmem>> -> memref<128xi32, #tpu.memory_space<vmem>>
        %dma_start3A_572 = arith.constant 0 : i32
        %dma_start3A_573 = arith.constant 0 : i32
        %dma_start3A_574 = tpu.memref_slice %arg13[%dma_start3A_572, %dma_start3A_573] : memref<10240x128xf32, #tpu.memory_space<vmem_shared>> -> memref<10240x128xf32, #tpu.memory_space<vmem_shared>>
        tpu.enqueue_indirect_dma source(%dma_start3A_568 : memref<128x128xf32, #tpu.memory_space<vmem>>) target(%dma_start3A_574 : memref<10240x128xf32, #tpu.memory_space<vmem_shared>>) offsets(%dma_start3A_571 : memref<128xi32, #tpu.memory_space<vmem>>) semaphore(%run_scoped3A_564 : memref<!tpu.dma_semaphore, #tpu.memory_space<semaphore_mem>>) {add = true}
        %dma_wait3A_575 = arith.constant 0 : i32
        %dma_wait3A_576 = arith.constant 0 : i32
        %dma_wait3A_577 = tpu.memref_slice %arg8[%run_scoped3A_539, %dma_wait3A_575, %dma_wait3A_576] : memref<2x128x128xf32, #tpu.memory_space<vmem>> -> memref<1x128x128xf32, #tpu.memory_space<vmem>>
        %dma_wait3A_578 = tpu.memref_squeeze %dma_wait3A_577 : memref<1x128x128xf32, #tpu.memory_space<vmem>> -> memref<128x128xf32, #tpu.memory_space<vmem>>
        %dma_wait3A_579 = arith.constant 0 : i32
        %dma_wait3A_580 = tpu.memref_slice %arg7[%run_scoped3A_540, %dma_wait3A_579] : memref<2x128xi32, #tpu.memory_space<vmem>> -> memref<1x128xi32, #tpu.memory_space<vmem>>
        %dma_wait3A_581 = tpu.memref_squeeze %dma_wait3A_580 : memref<1x128xi32, #tpu.memory_space<vmem>> -> memref<128xi32, #tpu.memory_space<vmem>>
        %dma_wait3A_582 = arith.constant 0 : i32
        %dma_wait3A_583 = arith.constant 0 : i32
        %dma_wait3A_584 = tpu.memref_slice %arg13[%dma_wait3A_582, %dma_wait3A_583] : memref<10240x128xf32, #tpu.memory_space<vmem_shared>> -> memref<10240x128xf32, #tpu.memory_space<vmem_shared>>
        tpu.wait_indirect_dma semaphore(%run_scoped3A_564 : memref<!tpu.dma_semaphore, #tpu.memory_space<semaphore_mem>>) src(%dma_wait3A_578 : memref<128x128xf32, #tpu.memory_space<vmem>>) dst(%dma_wait3A_584 : memref<10240x128xf32, #tpu.memory_space<vmem_shared>>)
        tpu.yield
      }) : () -> ()
      %add3A_541 = arith.constant 2 : i32
      %add3A_542 = arith.addi %add3A_485, %add3A_541 : i32
      %mul3A_543 = arith.constant 128 : i32
      %mul3A_544 = arith.muli %add3A_542, %mul3A_543 : i32
      %add3A_545 = arith.addi %mul3A_2, %mul3A_544 : i32
      %dma_start3A_546 = arith.constant 1 : i32
      %dma_start3A_547 = arith.constant 0 : i32
      %dma_start3A_548 = tpu.memref_slice %arg6[%dma_start3A_546, %dma_start3A_547] : memref<2x128xi32, #tpu.memory_space<vmem>> -> memref<1x128xi32, #tpu.memory_space<vmem>>
      %dma_start3A_549 = tpu.memref_squeeze %dma_start3A_548 : memref<1x128xi32, #tpu.memory_space<vmem>> -> memref<128xi32, #tpu.memory_space<vmem>>
      %dma_start3A_550 = tpu.memref_slice %arg3[%add3A_545] : memref<320000xi32, #tpu.memory_space<hbm>> -> memref<128xi32, #tpu.memory_space<hbm>>
      %dma_start3A_551 = arith.constant 0 : i32
      %dma_start3A_552 = tpu.memref_slice %arg6[%dma_start3A_546, %dma_start3A_551] : memref<2x128xi32, #tpu.memory_space<vmem>> -> memref<1x128xi32, #tpu.memory_space<vmem>>
      %dma_start3A_553 = tpu.memref_squeeze %dma_start3A_552 : memref<1x128xi32, #tpu.memory_space<vmem>> -> memref<128xi32, #tpu.memory_space<vmem>>
      %dma_start3A_554 = tpu.memref_slice %arg3[%add3A_545] : memref<320000xi32, #tpu.memory_space<hbm>> -> memref<128xi32, #tpu.memory_space<hbm>>
      tpu.enqueue_dma source(%dma_start3A_554 : memref<128xi32, #tpu.memory_space<hbm>>) target(%dma_start3A_553 : memref<128xi32, #tpu.memory_space<vmem>>) target_semaphore(%arg19 : memref<!tpu.dma_semaphore, #tpu.memory_space<semaphore_mem>>)
      %dma_start3A_555 = arith.constant 1 : i32
      %dma_start3A_556 = arith.constant 0 : i32
      %dma_start3A_557 = tpu.memref_slice %arg7[%dma_start3A_555, %dma_start3A_556] : memref<2x128xi32, #tpu.memory_space<vmem>> -> memref<1x128xi32, #tpu.memory_space<vmem>>
      %dma_start3A_558 = tpu.memref_squeeze %dma_start3A_557 : memref<1x128xi32, #tpu.memory_space<vmem>> -> memref<128xi32, #tpu.memory_space<vmem>>
      %dma_start3A_559 = tpu.memref_slice %arg4[%add3A_545] : memref<320000xi32, #tpu.memory_space<hbm>> -> memref<128xi32, #tpu.memory_space<hbm>>
      %dma_start3A_560 = arith.constant 0 : i32
      %dma_start3A_561 = tpu.memref_slice %arg7[%dma_start3A_555, %dma_start3A_560] : memref<2x128xi32, #tpu.memory_space<vmem>> -> memref<1x128xi32, #tpu.memory_space<vmem>>
      %dma_start3A_562 = tpu.memref_squeeze %dma_start3A_561 : memref<1x128xi32, #tpu.memory_space<vmem>> -> memref<128xi32, #tpu.memory_space<vmem>>
      %dma_start3A_563 = tpu.memref_slice %arg4[%add3A_545] : memref<320000xi32, #tpu.memory_space<hbm>> -> memref<128xi32, #tpu.memory_space<hbm>>
      tpu.enqueue_dma source(%dma_start3A_563 : memref<128xi32, #tpu.memory_space<hbm>>) target(%dma_start3A_562 : memref<128xi32, #tpu.memory_space<vmem>>) target_semaphore(%arg19 : memref<!tpu.dma_semaphore, #tpu.memory_space<semaphore_mem>>)
    }
    %scan3A_323 = arith.constant 38 : i32
    %add3A_324 = arith.constant 9984 : i32
    %add3A_325 = arith.addi %mul3A_2, %add3A_324 : i32
    %add3A_326 = arith.constant 9856 : i32
    %add3A_327 = arith.addi %mul3A_2, %add3A_326 : i32
    %dma_wait3A_328 = arith.constant 1 : i32
    %dma_wait3A_329 = arith.constant 0 : i32
    %dma_wait3A_330 = tpu.memref_slice %arg6[%dma_wait3A_328, %dma_wait3A_329] : memref<2x128xi32, #tpu.memory_space<vmem>> -> memref<1x128xi32, #tpu.memory_space<vmem>>
    %dma_wait3A_331 = tpu.memref_squeeze %dma_wait3A_330 : memref<1x128xi32, #tpu.memory_space<vmem>> -> memref<128xi32, #tpu.memory_space<vmem>>
    %dma_wait3A_332 = tpu.memref_slice %arg3[%add3A_327] : memref<320000xi32, #tpu.memory_space<hbm>> -> memref<128xi32, #tpu.memory_space<hbm>>
    %dma_wait3A_333 = arith.constant 0 : i32
    %dma_wait3A_334 = tpu.memref_slice %arg6[%dma_wait3A_328, %dma_wait3A_333] : memref<2x128xi32, #tpu.memory_space<vmem>> -> memref<1x128xi32, #tpu.memory_space<vmem>>
    %dma_wait3A_335 = tpu.memref_squeeze %dma_wait3A_334 : memref<1x128xi32, #tpu.memory_space<vmem>> -> memref<128xi32, #tpu.memory_space<vmem>>
    %dma_wait3A_336 = tpu.memref_slice %arg3[%add3A_327] : memref<320000xi32, #tpu.memory_space<hbm>> -> memref<128xi32, #tpu.memory_space<hbm>>
    tpu.wait_dma2 semaphore(%arg19 : memref<!tpu.dma_semaphore, #tpu.memory_space<semaphore_mem>>) src(%dma_wait3A_336 : memref<128xi32, #tpu.memory_space<hbm>>) dst(%dma_wait3A_335 : memref<128xi32, #tpu.memory_space<vmem>>)
    %dma_wait3A_337 = arith.constant 1 : i32
    %dma_wait3A_338 = arith.constant 0 : i32
    %dma_wait3A_339 = tpu.memref_slice %arg7[%dma_wait3A_337, %dma_wait3A_338] : memref<2x128xi32, #tpu.memory_space<vmem>> -> memref<1x128xi32, #tpu.memory_space<vmem>>
    %dma_wait3A_340 = tpu.memref_squeeze %dma_wait3A_339 : memref<1x128xi32, #tpu.memory_space<vmem>> -> memref<128xi32, #tpu.memory_space<vmem>>
    %dma_wait3A_341 = tpu.memref_slice %arg4[%add3A_327] : memref<320000xi32, #tpu.memory_space<hbm>> -> memref<128xi32, #tpu.memory_space<hbm>>
    %dma_wait3A_342 = arith.constant 0 : i32
    %dma_wait3A_343 = tpu.memref_slice %arg7[%dma_wait3A_337, %dma_wait3A_342] : memref<2x128xi32, #tpu.memory_space<vmem>> -> memref<1x128xi32, #tpu.memory_space<vmem>>
    %dma_wait3A_344 = tpu.memref_squeeze %dma_wait3A_343 : memref<1x128xi32, #tpu.memory_space<vmem>> -> memref<128xi32, #tpu.memory_space<vmem>>
    %dma_wait3A_345 = tpu.memref_slice %arg4[%add3A_327] : memref<320000xi32, #tpu.memory_space<hbm>> -> memref<128xi32, #tpu.memory_space<hbm>>
    tpu.wait_dma2 semaphore(%arg19 : memref<!tpu.dma_semaphore, #tpu.memory_space<semaphore_mem>>) src(%dma_wait3A_345 : memref<128xi32, #tpu.memory_space<hbm>>) dst(%dma_wait3A_344 : memref<128xi32, #tpu.memory_space<vmem>>)
    %dma_start3A_346 = arith.constant 1 : i32
    %dma_start3A_347 = arith.constant 1 : i32
    %dma_start3A_348 = arith.constant 0 : i32
    %dma_start3A_349 = arith.constant 0 : i32
    %dma_start3A_350 = tpu.memref_slice %arg8[%dma_start3A_347, %dma_start3A_348, %dma_start3A_349] : memref<2x128x128xf32, #tpu.memory_space<vmem>> -> memref<1x128x128xf32, #tpu.memory_space<vmem>>
    %dma_start3A_351 = tpu.memref_squeeze %dma_start3A_350 : memref<1x128x128xf32, #tpu.memory_space<vmem>> -> memref<128x128xf32, #tpu.memory_space<vmem>>
    %dma_start3A_352 = arith.constant 0 : i32
    %dma_start3A_353 = tpu.memref_slice %arg6[%dma_start3A_346, %dma_start3A_352] : memref<2x128xi32, #tpu.memory_space<vmem>> -> memref<1x128xi32, #tpu.memory_space<vmem>>
    %dma_start3A_354 = tpu.memref_squeeze %dma_start3A_353 : memref<1x128xi32, #tpu.memory_space<vmem>> -> memref<128xi32, #tpu.memory_space<vmem>>
    %dma_start3A_355 = arith.constant 0 : i32
    %dma_start3A_356 = arith.constant 0 : i32
    %dma_start3A_357 = tpu.memref_slice %arg2[%dma_start3A_355, %dma_start3A_356] : memref<10000x128xf32, #tpu.memory_space<hbm>> -> memref<10000x128xf32, #tpu.memory_space<hbm>>
    tpu.enqueue_indirect_dma source(%dma_start3A_357 : memref<10000x128xf32, #tpu.memory_space<hbm>>) target(%dma_start3A_351 : memref<128x128xf32, #tpu.memory_space<vmem>>) offsets(%dma_start3A_354 : memref<128xi32, #tpu.memory_space<vmem>>) semaphore(%arg15 : memref<!tpu.dma_semaphore, #tpu.memory_space<semaphore_mem>>)
    %dma_wait3A_358 = arith.constant 0 : i32
    %dma_wait3A_359 = arith.constant 0 : i32
    %dma_wait3A_360 = arith.constant 0 : i32
    %dma_wait3A_361 = arith.constant 0 : i32
    %dma_wait3A_362 = tpu.memref_slice %arg8[%dma_wait3A_359, %dma_wait3A_360, %dma_wait3A_361] : memref<2x128x128xf32, #tpu.memory_space<vmem>> -> memref<1x128x128xf32, #tpu.memory_space<vmem>>
    %dma_wait3A_363 = tpu.memref_squeeze %dma_wait3A_362 : memref<1x128x128xf32, #tpu.memory_space<vmem>> -> memref<128x128xf32, #tpu.memory_space<vmem>>
    %dma_wait3A_364 = arith.constant 0 : i32
    %dma_wait3A_365 = tpu.memref_slice %arg6[%dma_wait3A_358, %dma_wait3A_364] : memref<2x128xi32, #tpu.memory_space<vmem>> -> memref<1x128xi32, #tpu.memory_space<vmem>>
    %dma_wait3A_366 = tpu.memref_squeeze %dma_wait3A_365 : memref<1x128xi32, #tpu.memory_space<vmem>> -> memref<128xi32, #tpu.memory_space<vmem>>
    %dma_wait3A_367 = arith.constant 0 : i32
    %dma_wait3A_368 = arith.constant 0 : i32
    %dma_wait3A_369 = tpu.memref_slice %arg2[%dma_wait3A_367, %dma_wait3A_368] : memref<10000x128xf32, #tpu.memory_space<hbm>> -> memref<10000x128xf32, #tpu.memory_space<hbm>>
    tpu.wait_indirect_dma semaphore(%arg14 : memref<!tpu.dma_semaphore, #tpu.memory_space<semaphore_mem>>) src(%dma_wait3A_369 : memref<10000x128xf32, #tpu.memory_space<hbm>>) dst(%dma_wait3A_363 : memref<128x128xf32, #tpu.memory_space<vmem>>)
    %run_scoped3A = arith.constant 0 : i32
    %run_scoped3A_370 = arith.constant 0 : i32
    "tpu.region"() ({
      %run_scoped3A_402 = tpu.sem_alloc : memref<!tpu.dma_semaphore, #tpu.memory_space<semaphore_mem>>
      %dma_start3A_403 = arith.constant 0 : i32
      %dma_start3A_404 = arith.constant 0 : i32
      %dma_start3A_405 = tpu.memref_slice %arg8[%run_scoped3A, %dma_start3A_403, %dma_start3A_404] : memref<2x128x128xf32, #tpu.memory_space<vmem>> -> memref<1x128x128xf32, #tpu.memory_space<vmem>>
      %dma_start3A_406 = tpu.memref_squeeze %dma_start3A_405 : memref<1x128x128xf32, #tpu.memory_space<vmem>> -> memref<128x128xf32, #tpu.memory_space<vmem>>
      %dma_start3A_407 = arith.constant 0 : i32
      %dma_start3A_408 = tpu.memref_slice %arg7[%run_scoped3A_370, %dma_start3A_407] : memref<2x128xi32, #tpu.memory_space<vmem>> -> memref<1x128xi32, #tpu.memory_space<vmem>>
      %dma_start3A_409 = tpu.memref_squeeze %dma_start3A_408 : memref<1x128xi32, #tpu.memory_space<vmem>> -> memref<128xi32, #tpu.memory_space<vmem>>
      %dma_start3A_410 = arith.constant 0 : i32
      %dma_start3A_411 = arith.constant 0 : i32
      %dma_start3A_412 = tpu.memref_slice %arg13[%dma_start3A_410, %dma_start3A_411] : memref<10240x128xf32, #tpu.memory_space<vmem_shared>> -> memref<10240x128xf32, #tpu.memory_space<vmem_shared>>
      tpu.enqueue_indirect_dma source(%dma_start3A_406 : memref<128x128xf32, #tpu.memory_space<vmem>>) target(%dma_start3A_412 : memref<10240x128xf32, #tpu.memory_space<vmem_shared>>) offsets(%dma_start3A_409 : memref<128xi32, #tpu.memory_space<vmem>>) semaphore(%run_scoped3A_402 : memref<!tpu.dma_semaphore, #tpu.memory_space<semaphore_mem>>) {add = true}
      %dma_wait3A_413 = arith.constant 0 : i32
      %dma_wait3A_414 = arith.constant 0 : i32
      %dma_wait3A_415 = tpu.memref_slice %arg8[%run_scoped3A, %dma_wait3A_413, %dma_wait3A_414] : memref<2x128x128xf32, #tpu.memory_space<vmem>> -> memref<1x128x128xf32, #tpu.memory_space<vmem>>
      %dma_wait3A_416 = tpu.memref_squeeze %dma_wait3A_415 : memref<1x128x128xf32, #tpu.memory_space<vmem>> -> memref<128x128xf32, #tpu.memory_space<vmem>>
      %dma_wait3A_417 = arith.constant 0 : i32
      %dma_wait3A_418 = tpu.memref_slice %arg7[%run_scoped3A_370, %dma_wait3A_417] : memref<2x128xi32, #tpu.memory_space<vmem>> -> memref<1x128xi32, #tpu.memory_space<vmem>>
      %dma_wait3A_419 = tpu.memref_squeeze %dma_wait3A_418 : memref<1x128xi32, #tpu.memory_space<vmem>> -> memref<128xi32, #tpu.memory_space<vmem>>
      %dma_wait3A_420 = arith.constant 0 : i32
      %dma_wait3A_421 = arith.constant 0 : i32
      %dma_wait3A_422 = tpu.memref_slice %arg13[%dma_wait3A_420, %dma_wait3A_421] : memref<10240x128xf32, #tpu.memory_space<vmem_shared>> -> memref<10240x128xf32, #tpu.memory_space<vmem_shared>>
      tpu.wait_indirect_dma semaphore(%run_scoped3A_402 : memref<!tpu.dma_semaphore, #tpu.memory_space<semaphore_mem>>) src(%dma_wait3A_416 : memref<128x128xf32, #tpu.memory_space<vmem>>) dst(%dma_wait3A_422 : memref<10240x128xf32, #tpu.memory_space<vmem_shared>>)
      tpu.yield
    }) : () -> ()
    %dma_start3A_371 = tpu.memref_slice %arg3[%add3A_325] : memref<320000xi32, #tpu.memory_space<hbm>> -> memref<16xi32, #tpu.memory_space<hbm>>
    %dma_start3A_372 = tpu.memref_slice %arg3[%add3A_325] : memref<320000xi32, #tpu.memory_space<hbm>> -> memref<16xi32, #tpu.memory_space<hbm>>
    tpu.enqueue_dma source(%dma_start3A_372 : memref<16xi32, #tpu.memory_space<hbm>>) target(%arg10 : memref<16xi32, #tpu.memory_space<vmem>>) target_semaphore(%arg18 : memref<!tpu.dma_semaphore, #tpu.memory_space<semaphore_mem>>)
    %dma_start3A_373 = tpu.memref_slice %arg4[%add3A_325] : memref<320000xi32, #tpu.memory_space<hbm>> -> memref<16xi32, #tpu.memory_space<hbm>>
    %dma_start3A_374 = tpu.memref_slice %arg4[%add3A_325] : memref<320000xi32, #tpu.memory_space<hbm>> -> memref<16xi32, #tpu.memory_space<hbm>>
    tpu.enqueue_dma source(%dma_start3A_374 : memref<16xi32, #tpu.memory_space<hbm>>) target(%arg11 : memref<16xi32, #tpu.memory_space<vmem>>) target_semaphore(%arg18 : memref<!tpu.dma_semaphore, #tpu.memory_space<semaphore_mem>>)
    %dma_wait3A_375 = arith.constant 1 : i32
    %dma_wait3A_376 = arith.constant 1 : i32
    %dma_wait3A_377 = arith.constant 0 : i32
    %dma_wait3A_378 = arith.constant 0 : i32
    %dma_wait3A_379 = tpu.memref_slice %arg8[%dma_wait3A_376, %dma_wait3A_377, %dma_wait3A_378] : memref<2x128x128xf32, #tpu.memory_space<vmem>> -> memref<1x128x128xf32, #tpu.memory_space<vmem>>
    %dma_wait3A_380 = tpu.memref_squeeze %dma_wait3A_379 : memref<1x128x128xf32, #tpu.memory_space<vmem>> -> memref<128x128xf32, #tpu.memory_space<vmem>>
    %dma_wait3A_381 = arith.constant 0 : i32
    %dma_wait3A_382 = tpu.memref_slice %arg6[%dma_wait3A_375, %dma_wait3A_381] : memref<2x128xi32, #tpu.memory_space<vmem>> -> memref<1x128xi32, #tpu.memory_space<vmem>>
    %dma_wait3A_383 = tpu.memref_squeeze %dma_wait3A_382 : memref<1x128xi32, #tpu.memory_space<vmem>> -> memref<128xi32, #tpu.memory_space<vmem>>
    %dma_wait3A_384 = arith.constant 0 : i32
    %dma_wait3A_385 = arith.constant 0 : i32
    %dma_wait3A_386 = tpu.memref_slice %arg2[%dma_wait3A_384, %dma_wait3A_385] : memref<10000x128xf32, #tpu.memory_space<hbm>> -> memref<10000x128xf32, #tpu.memory_space<hbm>>
    tpu.wait_indirect_dma semaphore(%arg15 : memref<!tpu.dma_semaphore, #tpu.memory_space<semaphore_mem>>) src(%dma_wait3A_386 : memref<10000x128xf32, #tpu.memory_space<hbm>>) dst(%dma_wait3A_380 : memref<128x128xf32, #tpu.memory_space<vmem>>)
    %run_scoped3A_387 = arith.constant 1 : i32
    %run_scoped3A_388 = arith.constant 1 : i32
    "tpu.region"() ({
      %run_scoped3A_402 = tpu.sem_alloc : memref<!tpu.dma_semaphore, #tpu.memory_space<semaphore_mem>>
      %dma_start3A_403 = arith.constant 0 : i32
      %dma_start3A_404 = arith.constant 0 : i32
      %dma_start3A_405 = tpu.memref_slice %arg8[%run_scoped3A_387, %dma_start3A_403, %dma_start3A_404] : memref<2x128x128xf32, #tpu.memory_space<vmem>> -> memref<1x128x128xf32, #tpu.memory_space<vmem>>
      %dma_start3A_406 = tpu.memref_squeeze %dma_start3A_405 : memref<1x128x128xf32, #tpu.memory_space<vmem>> -> memref<128x128xf32, #tpu.memory_space<vmem>>
      %dma_start3A_407 = arith.constant 0 : i32
      %dma_start3A_408 = tpu.memref_slice %arg7[%run_scoped3A_388, %dma_start3A_407] : memref<2x128xi32, #tpu.memory_space<vmem>> -> memref<1x128xi32, #tpu.memory_space<vmem>>
      %dma_start3A_409 = tpu.memref_squeeze %dma_start3A_408 : memref<1x128xi32, #tpu.memory_space<vmem>> -> memref<128xi32, #tpu.memory_space<vmem>>
      %dma_start3A_410 = arith.constant 0 : i32
      %dma_start3A_411 = arith.constant 0 : i32
      %dma_start3A_412 = tpu.memref_slice %arg13[%dma_start3A_410, %dma_start3A_411] : memref<10240x128xf32, #tpu.memory_space<vmem_shared>> -> memref<10240x128xf32, #tpu.memory_space<vmem_shared>>
      tpu.enqueue_indirect_dma source(%dma_start3A_406 : memref<128x128xf32, #tpu.memory_space<vmem>>) target(%dma_start3A_412 : memref<10240x128xf32, #tpu.memory_space<vmem_shared>>) offsets(%dma_start3A_409 : memref<128xi32, #tpu.memory_space<vmem>>) semaphore(%run_scoped3A_402 : memref<!tpu.dma_semaphore, #tpu.memory_space<semaphore_mem>>) {add = true}
      %dma_wait3A_413 = arith.constant 0 : i32
      %dma_wait3A_414 = arith.constant 0 : i32
      %dma_wait3A_415 = tpu.memref_slice %arg8[%run_scoped3A_387, %dma_wait3A_413, %dma_wait3A_414] : memref<2x128x128xf32, #tpu.memory_space<vmem>> -> memref<1x128x128xf32, #tpu.memory_space<vmem>>
      %dma_wait3A_416 = tpu.memref_squeeze %dma_wait3A_415 : memref<1x128x128xf32, #tpu.memory_space<vmem>> -> memref<128x128xf32, #tpu.memory_space<vmem>>
      %dma_wait3A_417 = arith.constant 0 : i32
      %dma_wait3A_418 = tpu.memref_slice %arg7[%run_scoped3A_388, %dma_wait3A_417] : memref<2x128xi32, #tpu.memory_space<vmem>> -> memref<1x128xi32, #tpu.memory_space<vmem>>
      %dma_wait3A_419 = tpu.memref_squeeze %dma_wait3A_418 : memref<1x128xi32, #tpu.memory_space<vmem>> -> memref<128xi32, #tpu.memory_space<vmem>>
      %dma_wait3A_420 = arith.constant 0 : i32
      %dma_wait3A_421 = arith.constant 0 : i32
      %dma_wait3A_422 = tpu.memref_slice %arg13[%dma_wait3A_420, %dma_wait3A_421] : memref<10240x128xf32, #tpu.memory_space<vmem_shared>> -> memref<10240x128xf32, #tpu.memory_space<vmem_shared>>
      tpu.wait_indirect_dma semaphore(%run_scoped3A_402 : memref<!tpu.dma_semaphore, #tpu.memory_space<semaphore_mem>>) src(%dma_wait3A_416 : memref<128x128xf32, #tpu.memory_space<vmem>>) dst(%dma_wait3A_422 : memref<10240x128xf32, #tpu.memory_space<vmem_shared>>)
      tpu.yield
    }) : () -> ()
    %dma_wait3A_389 = tpu.memref_slice %arg3[%add3A_325] : memref<320000xi32, #tpu.memory_space<hbm>> -> memref<16xi32, #tpu.memory_space<hbm>>
    %dma_wait3A_390 = tpu.memref_slice %arg3[%add3A_325] : memref<320000xi32, #tpu.memory_space<hbm>> -> memref<16xi32, #tpu.memory_space<hbm>>
    tpu.wait_dma2 semaphore(%arg18 : memref<!tpu.dma_semaphore, #tpu.memory_space<semaphore_mem>>) src(%dma_wait3A_390 : memref<16xi32, #tpu.memory_space<hbm>>) dst(%arg10 : memref<16xi32, #tpu.memory_space<vmem>>)
    %dma_wait3A_391 = tpu.memref_slice %arg4[%add3A_325] : memref<320000xi32, #tpu.memory_space<hbm>> -> memref<16xi32, #tpu.memory_space<hbm>>
    %dma_wait3A_392 = tpu.memref_slice %arg4[%add3A_325] : memref<320000xi32, #tpu.memory_space<hbm>> -> memref<16xi32, #tpu.memory_space<hbm>>
    tpu.wait_dma2 semaphore(%arg18 : memref<!tpu.dma_semaphore, #tpu.memory_space<semaphore_mem>>) src(%dma_wait3A_392 : memref<16xi32, #tpu.memory_space<hbm>>) dst(%arg11 : memref<16xi32, #tpu.memory_space<vmem>>)
    %dma_start3A_393 = arith.constant 0 : i32
    %dma_start3A_394 = arith.constant 0 : i32
    %dma_start3A_395 = tpu.memref_slice %arg2[%dma_start3A_393, %dma_start3A_394] : memref<10000x128xf32, #tpu.memory_space<hbm>> -> memref<10000x128xf32, #tpu.memory_space<hbm>>
    tpu.enqueue_indirect_dma source(%dma_start3A_395 : memref<10000x128xf32, #tpu.memory_space<hbm>>) target(%arg12 : memref<16x128xf32, #tpu.memory_space<vmem>>) offsets(%arg10 : memref<16xi32, #tpu.memory_space<vmem>>) semaphore(%arg14 : memref<!tpu.dma_semaphore, #tpu.memory_space<semaphore_mem>>)
    %dma_wait3A_396 = arith.constant 0 : i32
    %dma_wait3A_397 = arith.constant 0 : i32
    %dma_wait3A_398 = tpu.memref_slice %arg2[%dma_wait3A_396, %dma_wait3A_397] : memref<10000x128xf32, #tpu.memory_space<hbm>> -> memref<10000x128xf32, #tpu.memory_space<hbm>>
    tpu.wait_indirect_dma semaphore(%arg14 : memref<!tpu.dma_semaphore, #tpu.memory_space<semaphore_mem>>) src(%dma_wait3A_398 : memref<10000x128xf32, #tpu.memory_space<hbm>>) dst(%arg12 : memref<16x128xf32, #tpu.memory_space<vmem>>)
    "tpu.region"() ({
      %run_scoped3A_402 = tpu.sem_alloc : memref<!tpu.dma_semaphore, #tpu.memory_space<semaphore_mem>>
      %dma_start3A_403 = arith.constant 0 : i32
      %dma_start3A_404 = arith.constant 0 : i32
      %dma_start3A_405 = tpu.memref_slice %arg13[%dma_start3A_403, %dma_start3A_404] : memref<10240x128xf32, #tpu.memory_space<vmem_shared>> -> memref<10240x128xf32, #tpu.memory_space<vmem_shared>>
      tpu.enqueue_indirect_dma source(%arg12 : memref<16x128xf32, #tpu.memory_space<vmem>>) target(%dma_start3A_405 : memref<10240x128xf32, #tpu.memory_space<vmem_shared>>) offsets(%arg11 : memref<16xi32, #tpu.memory_space<vmem>>) semaphore(%run_scoped3A_402 : memref<!tpu.dma_semaphore, #tpu.memory_space<semaphore_mem>>) {add = true}
      %dma_wait3A_406 = arith.constant 0 : i32
      %dma_wait3A_407 = arith.constant 0 : i32
      %dma_wait3A_408 = tpu.memref_slice %arg13[%dma_wait3A_406, %dma_wait3A_407] : memref<10240x128xf32, #tpu.memory_space<vmem_shared>> -> memref<10240x128xf32, #tpu.memory_space<vmem_shared>>
      tpu.wait_indirect_dma semaphore(%run_scoped3A_402 : memref<!tpu.dma_semaphore, #tpu.memory_space<semaphore_mem>>) src(%arg12 : memref<16x128xf32, #tpu.memory_space<vmem>>) dst(%dma_wait3A_408 : memref<10240x128xf32, #tpu.memory_space<vmem_shared>>)
      tpu.yield
    }) : () -> ()
    %barrier3A_399 = arith.constant 0 : index
    tpu.barrier barrier_id(%barrier3A_399)
    %mul3A_400 = arith.constant 640 : i32
    %mul3A_401 = arith.muli %arg1, %mul3A_400 : i32
    "tpu.region"() ({
      %run_scoped3A_402 = tpu.sem_alloc : memref<!tpu.dma_semaphore, #tpu.memory_space<semaphore_mem>>
      %dma_start3A_403 = arith.constant 0 : i32
      %dma_start3A_404 = tpu.memref_slice %arg5[%arg0, %mul3A_401, %dma_start3A_403] : memref<2x10240x128xf32, #tpu.memory_space<hbm>> -> memref<1x640x128xf32, #tpu.memory_space<hbm>>
      %dma_start3A_405 = tpu.memref_squeeze %dma_start3A_404 : memref<1x640x128xf32, #tpu.memory_space<hbm>> -> memref<640x128xf32, #tpu.memory_space<hbm>>
      %dma_start3A_406 = arith.constant 0 : i32
      %dma_start3A_407 = tpu.memref_slice %arg13[%mul3A_401, %dma_start3A_406] : memref<10240x128xf32, #tpu.memory_space<vmem_shared>> -> memref<640x128xf32, #tpu.memory_space<vmem_shared>>
      tpu.enqueue_dma source(%dma_start3A_407 : memref<640x128xf32, #tpu.memory_space<vmem_shared>>) target(%dma_start3A_405 : memref<640x128xf32, #tpu.memory_space<hbm>>) target_semaphore(%run_scoped3A_402 : memref<!tpu.dma_semaphore, #tpu.memory_space<semaphore_mem>>)
      %dma_wait3A_408 = arith.constant 0 : i32
      %dma_wait3A_409 = tpu.memref_slice %arg5[%arg0, %mul3A_401, %dma_wait3A_408] : memref<2x10240x128xf32, #tpu.memory_space<hbm>> -> memref<1x640x128xf32, #tpu.memory_space<hbm>>
      %dma_wait3A_410 = tpu.memref_squeeze %dma_wait3A_409 : memref<1x640x128xf32, #tpu.memory_space<hbm>> -> memref<640x128xf32, #tpu.memory_space<hbm>>
      %dma_wait3A_411 = arith.constant 0 : i32
      %dma_wait3A_412 = tpu.memref_slice %arg13[%mul3A_401, %dma_wait3A_411] : memref<10240x128xf32, #tpu.memory_space<vmem_shared>> -> memref<640x128xf32, #tpu.memory_space<vmem_shared>>
      tpu.wait_dma2 semaphore(%run_scoped3A_402 : memref<!tpu.dma_semaphore, #tpu.memory_space<semaphore_mem>>) src(%dma_wait3A_412 : memref<640x128xf32, #tpu.memory_space<vmem_shared>>) dst(%dma_wait3A_410 : memref<640x128xf32, #tpu.memory_space<hbm>>)
      tpu.yield
    }) : () -> ()
    return
  }
}

#map = affine_map<(d0, d1) -> (0, 0)>
#map1 = affine_map<(d0, d1) -> (0)>
#map2 = affine_map<(d0, d1) -> (0, 0, 0)>
module attributes {stable_mosaic.version = 14 : i64} {
  func.func @_edge_pass(%arg0: i32, %arg1: i32, %arg2: memref<10000x128xf32, #tpu.memory_space<hbm>>, %arg3: memref<320000xi32, #tpu.memory_space<hbm>>, %arg4: memref<320000xi32, #tpu.memory_space<hbm>>, %arg5: memref<2x10240x128xf32, #tpu.memory_space<hbm>>, %arg6: memref<2x128xi32, #tpu.memory_space<vmem>>, %arg7: memref<2x128xi32, #tpu.memory_space<vmem>>, %arg8: memref<2x128x128xf32, #tpu.memory_space<vmem>>, %arg9: memref<32x128xf32, #tpu.memory_space<vmem>>, %arg10: memref<16xi32, #tpu.memory_space<vmem>>, %arg11: memref<16xi32, #tpu.memory_space<vmem>>, %arg12: memref<16x128xf32, #tpu.memory_space<vmem>>, %arg13: memref<10240x128xf32, #tpu.memory_space<vmem_shared>>, %arg14: memref<!tpu.dma_semaphore, #tpu.memory_space<semaphore_mem>>, %arg15: memref<!tpu.dma_semaphore, #tpu.memory_space<semaphore_mem>>, %arg16: memref<!tpu.dma_semaphore, #tpu.memory_space<semaphore_mem>>, %arg17: memref<!tpu.dma_semaphore, #tpu.memory_space<semaphore_mem>>, %arg18: memref<!tpu.dma_semaphore, #tpu.memory_space<semaphore_mem>>, %arg19: memref<!tpu.dma_semaphore, #tpu.memory_space<semaphore_mem>>, %arg20: memref<!tpu.dma_semaphore, #tpu.memory_space<semaphore_mem>>, %arg21: memref<!tpu.dma_semaphore, #tpu.memory_space<semaphore_mem>>, %arg22: memref<!tpu.dma_semaphore, #tpu.memory_space<semaphore_mem>>) attributes {dimension_semantics = [#tpu.dimension_semantics<core_parallel>, #tpu.dimension_semantics<subcore_parallel>], iteration_bounds = array<i64: 2, 16>, scalar_prefetch = 0 : i64, scratch_operands = 17 : i64, tpu.core_type = #tpu.core_type<sc_vector_subcore>, window_params = [{transform_indices = #map}, {transform_indices = #map1}, {transform_indices = #map1}, {transform_indices = #map2}]} {
    %mul3A = arith.constant 16 : i32
    %mul3A_0 = arith.muli %arg0, %mul3A : i32
    %add3A = arith.addi %mul3A_0, %arg1 : i32
    %mul3A_1 = arith.constant 10000 : i32
    %mul3A_2 = arith.muli %add3A, %mul3A_1 : i32
    %add3A_3 = arith.constant 0 : i32
    %add3A_4 = arith.addi %mul3A_2, %add3A_3 : i32
    %dma_start3A = arith.constant 0 : i32
    %dma_start3A_5 = arith.constant 0 : i32
    %dma_start3A_6 = tpu.memref_slice %arg6[%dma_start3A, %dma_start3A_5] : memref<2x128xi32, #tpu.memory_space<vmem>> -> memref<1x128xi32, #tpu.memory_space<vmem>>
    %dma_start3A_7 = tpu.memref_squeeze %dma_start3A_6 : memref<1x128xi32, #tpu.memory_space<vmem>> -> memref<128xi32, #tpu.memory_space<vmem>>
    %dma_start3A_8 = tpu.memref_slice %arg3[%add3A_4] : memref<320000xi32, #tpu.memory_space<hbm>> -> memref<128xi32, #tpu.memory_space<hbm>>
    %dma_start3A_9 = arith.constant 0 : i32
    %dma_start3A_10 = tpu.memref_slice %arg6[%dma_start3A, %dma_start3A_9] : memref<2x128xi32, #tpu.memory_space<vmem>> -> memref<1x128xi32, #tpu.memory_space<vmem>>
    %dma_start3A_11 = tpu.memref_squeeze %dma_start3A_10 : memref<1x128xi32, #tpu.memory_space<vmem>> -> memref<128xi32, #tpu.memory_space<vmem>>
    %dma_start3A_12 = tpu.memref_slice %arg3[%add3A_4] : memref<320000xi32, #tpu.memory_space<hbm>> -> memref<128xi32, #tpu.memory_space<hbm>>
    tpu.enqueue_dma source(%dma_start3A_12 : memref<128xi32, #tpu.memory_space<hbm>>) target(%dma_start3A_11 : memref<128xi32, #tpu.memory_space<vmem>>) target_semaphore(%arg18 : memref<!tpu.dma_semaphore, #tpu.memory_space<semaphore_mem>>)
    %dma_start3A_13 = arith.constant 0 : i32
    %dma_start3A_14 = arith.constant 0 : i32
    %dma_start3A_15 = tpu.memref_slice %arg7[%dma_start3A_13, %dma_start3A_14] : memref<2x128xi32, #tpu.memory_space<vmem>> -> memref<1x128xi32, #tpu.memory_space<vmem>>
    %dma_start3A_16 = tpu.memref_squeeze %dma_start3A_15 : memref<1x128xi32, #tpu.memory_space<vmem>> -> memref<128xi32, #tpu.memory_space<vmem>>
    %dma_start3A_17 = tpu.memref_slice %arg4[%add3A_4] : memref<320000xi32, #tpu.memory_space<hbm>> -> memref<128xi32, #tpu.memory_space<hbm>>
    %dma_start3A_18 = arith.constant 0 : i32
    %dma_start3A_19 = tpu.memref_slice %arg7[%dma_start3A_13, %dma_start3A_18] : memref<2x128xi32, #tpu.memory_space<vmem>> -> memref<1x128xi32, #tpu.memory_space<vmem>>
    %dma_start3A_20 = tpu.memref_squeeze %dma_start3A_19 : memref<1x128xi32, #tpu.memory_space<vmem>> -> memref<128xi32, #tpu.memory_space<vmem>>
    %dma_start3A_21 = tpu.memref_slice %arg4[%add3A_4] : memref<320000xi32, #tpu.memory_space<hbm>> -> memref<128xi32, #tpu.memory_space<hbm>>
    tpu.enqueue_dma source(%dma_start3A_21 : memref<128xi32, #tpu.memory_space<hbm>>) target(%dma_start3A_20 : memref<128xi32, #tpu.memory_space<vmem>>) target_semaphore(%arg18 : memref<!tpu.dma_semaphore, #tpu.memory_space<semaphore_mem>>)
    %add3A_22 = arith.constant 128 : i32
    %add3A_23 = arith.addi %mul3A_2, %add3A_22 : i32
    %dma_start3A_24 = arith.constant 1 : i32
    %dma_start3A_25 = arith.constant 0 : i32
    %dma_start3A_26 = tpu.memref_slice %arg6[%dma_start3A_24, %dma_start3A_25] : memref<2x128xi32, #tpu.memory_space<vmem>> -> memref<1x128xi32, #tpu.memory_space<vmem>>
    %dma_start3A_27 = tpu.memref_squeeze %dma_start3A_26 : memref<1x128xi32, #tpu.memory_space<vmem>> -> memref<128xi32, #tpu.memory_space<vmem>>
    %dma_start3A_28 = tpu.memref_slice %arg3[%add3A_23] : memref<320000xi32, #tpu.memory_space<hbm>> -> memref<128xi32, #tpu.memory_space<hbm>>
    %dma_start3A_29 = arith.constant 0 : i32
    %dma_start3A_30 = tpu.memref_slice %arg6[%dma_start3A_24, %dma_start3A_29] : memref<2x128xi32, #tpu.memory_space<vmem>> -> memref<1x128xi32, #tpu.memory_space<vmem>>
    %dma_start3A_31 = tpu.memref_squeeze %dma_start3A_30 : memref<1x128xi32, #tpu.memory_space<vmem>> -> memref<128xi32, #tpu.memory_space<vmem>>
    %dma_start3A_32 = tpu.memref_slice %arg3[%add3A_23] : memref<320000xi32, #tpu.memory_space<hbm>> -> memref<128xi32, #tpu.memory_space<hbm>>
    tpu.enqueue_dma source(%dma_start3A_32 : memref<128xi32, #tpu.memory_space<hbm>>) target(%dma_start3A_31 : memref<128xi32, #tpu.memory_space<vmem>>) target_semaphore(%arg19 : memref<!tpu.dma_semaphore, #tpu.memory_space<semaphore_mem>>)
    %dma_start3A_33 = arith.constant 1 : i32
    %dma_start3A_34 = arith.constant 0 : i32
    %dma_start3A_35 = tpu.memref_slice %arg7[%dma_start3A_33, %dma_start3A_34] : memref<2x128xi32, #tpu.memory_space<vmem>> -> memref<1x128xi32, #tpu.memory_space<vmem>>
    %dma_start3A_36 = tpu.memref_squeeze %dma_start3A_35 : memref<1x128xi32, #tpu.memory_space<vmem>> -> memref<128xi32, #tpu.memory_space<vmem>>
    %dma_start3A_37 = tpu.memref_slice %arg4[%add3A_23] : memref<320000xi32, #tpu.memory_space<hbm>> -> memref<128xi32, #tpu.memory_space<hbm>>
    %dma_start3A_38 = arith.constant 0 : i32
    %dma_start3A_39 = tpu.memref_slice %arg7[%dma_start3A_33, %dma_start3A_38] : memref<2x128xi32, #tpu.memory_space<vmem>> -> memref<1x128xi32, #tpu.memory_space<vmem>>
    %dma_start3A_40 = tpu.memref_squeeze %dma_start3A_39 : memref<1x128xi32, #tpu.memory_space<vmem>> -> memref<128xi32, #tpu.memory_space<vmem>>
    %dma_start3A_41 = tpu.memref_slice %arg4[%add3A_23] : memref<320000xi32, #tpu.memory_space<hbm>> -> memref<128xi32, #tpu.memory_space<hbm>>
    tpu.enqueue_dma source(%dma_start3A_41 : memref<128xi32, #tpu.memory_space<hbm>>) target(%dma_start3A_40 : memref<128xi32, #tpu.memory_space<vmem>>) target_semaphore(%arg19 : memref<!tpu.dma_semaphore, #tpu.memory_space<semaphore_mem>>)
    %add3A_42 = arith.constant 0 : i32
    %add3A_43 = arith.addi %mul3A_2, %add3A_42 : i32
    %dma_wait3A = arith.constant 0 : i32
    %dma_wait3A_44 = arith.constant 0 : i32
    %dma_wait3A_45 = tpu.memref_slice %arg6[%dma_wait3A, %dma_wait3A_44] : memref<2x128xi32, #tpu.memory_space<vmem>> -> memref<1x128xi32, #tpu.memory_space<vmem>>
    %dma_wait3A_46 = tpu.memref_squeeze %dma_wait3A_45 : memref<1x128xi32, #tpu.memory_space<vmem>> -> memref<128xi32, #tpu.memory_space<vmem>>
    %dma_wait3A_47 = tpu.memref_slice %arg3[%add3A_43] : memref<320000xi32, #tpu.memory_space<hbm>> -> memref<128xi32, #tpu.memory_space<hbm>>
    %dma_wait3A_48 = arith.constant 0 : i32
    %dma_wait3A_49 = tpu.memref_slice %arg6[%dma_wait3A, %dma_wait3A_48] : memref<2x128xi32, #tpu.memory_space<vmem>> -> memref<1x128xi32, #tpu.memory_space<vmem>>
    %dma_wait3A_50 = tpu.memref_squeeze %dma_wait3A_49 : memref<1x128xi32, #tpu.memory_space<vmem>> -> memref<128xi32, #tpu.memory_space<vmem>>
    %dma_wait3A_51 = tpu.memref_slice %arg3[%add3A_43] : memref<320000xi32, #tpu.memory_space<hbm>> -> memref<128xi32, #tpu.memory_space<hbm>>
    tpu.wait_dma2 semaphore(%arg18 : memref<!tpu.dma_semaphore, #tpu.memory_space<semaphore_mem>>) src(%dma_wait3A_51 : memref<128xi32, #tpu.memory_space<hbm>>) dst(%dma_wait3A_50 : memref<128xi32, #tpu.memory_space<vmem>>)
    %dma_wait3A_52 = arith.constant 0 : i32
    %dma_wait3A_53 = arith.constant 0 : i32
    %dma_wait3A_54 = tpu.memref_slice %arg7[%dma_wait3A_52, %dma_wait3A_53] : memref<2x128xi32, #tpu.memory_space<vmem>> -> memref<1x128xi32, #tpu.memory_space<vmem>>
    %dma_wait3A_55 = tpu.memref_squeeze %dma_wait3A_54 : memref<1x128xi32, #tpu.memory_space<vmem>> -> memref<128xi32, #tpu.memory_space<vmem>>
    %dma_wait3A_56 = tpu.memref_slice %arg4[%add3A_43] : memref<320000xi32, #tpu.memory_space<hbm>> -> memref<128xi32, #tpu.memory_space<hbm>>
    %dma_wait3A_57 = arith.constant 0 : i32
    %dma_wait3A_58 = tpu.memref_slice %arg7[%dma_wait3A_52, %dma_wait3A_57] : memref<2x128xi32, #tpu.memory_space<vmem>> -> memref<1x128xi32, #tpu.memory_space<vmem>>
    %dma_wait3A_59 = tpu.memref_squeeze %dma_wait3A_58 : memref<1x128xi32, #tpu.memory_space<vmem>> -> memref<128xi32, #tpu.memory_space<vmem>>
    %dma_wait3A_60 = tpu.memref_slice %arg4[%add3A_43] : memref<320000xi32, #tpu.memory_space<hbm>> -> memref<128xi32, #tpu.memory_space<hbm>>
    tpu.wait_dma2 semaphore(%arg18 : memref<!tpu.dma_semaphore, #tpu.memory_space<semaphore_mem>>) src(%dma_wait3A_60 : memref<128xi32, #tpu.memory_space<hbm>>) dst(%dma_wait3A_59 : memref<128xi32, #tpu.memory_space<vmem>>)
    %dma_start3A_61 = arith.constant 0 : i32
    %dma_start3A_62 = arith.constant 0 : i32
    %dma_start3A_63 = arith.constant 0 : i32
    %dma_start3A_64 = arith.constant 0 : i32
    %dma_start3A_65 = tpu.memref_slice %arg8[%dma_start3A_62, %dma_start3A_63, %dma_start3A_64] : memref<2x128x128xf32, #tpu.memory_space<vmem>> -> memref<1x128x128xf32, #tpu.memory_space<vmem>>
    %dma_start3A_66 = tpu.memref_squeeze %dma_start3A_65 : memref<1x128x128xf32, #tpu.memory_space<vmem>> -> memref<128x128xf32, #tpu.memory_space<vmem>>
    %dma_start3A_67 = arith.constant 0 : i32
    %dma_start3A_68 = tpu.memref_slice %arg6[%dma_start3A_61, %dma_start3A_67] : memref<2x128xi32, #tpu.memory_space<vmem>> -> memref<1x128xi32, #tpu.memory_space<vmem>>
    %dma_start3A_69 = tpu.memref_squeeze %dma_start3A_68 : memref<1x128xi32, #tpu.memory_space<vmem>> -> memref<128xi32, #tpu.memory_space<vmem>>
    %dma_start3A_70 = arith.constant 0 : i32
    %dma_start3A_71 = arith.constant 0 : i32
    %dma_start3A_72 = tpu.memref_slice %arg2[%dma_start3A_70, %dma_start3A_71] : memref<10000x128xf32, #tpu.memory_space<hbm>> -> memref<10000x128xf32, #tpu.memory_space<hbm>>
    tpu.enqueue_indirect_dma source(%dma_start3A_72 : memref<10000x128xf32, #tpu.memory_space<hbm>>) target(%dma_start3A_66 : memref<128x128xf32, #tpu.memory_space<vmem>>) offsets(%dma_start3A_69 : memref<128xi32, #tpu.memory_space<vmem>>) semaphore(%arg14 : memref<!tpu.dma_semaphore, #tpu.memory_space<semaphore_mem>>)
    %scan3A = arith.constant 0 : i32
    %scan3A_73 = arith.constant 0 : i32
    %scan3A_74 = arith.constant 32 : i32
    %scan3A_75 = arith.addi %scan3A_73, %scan3A_74 : i32
    %scan3A_76 = arith.constant 1 : i32
    scf.for %scan3A_402 = %scan3A_73 to %scan3A_75 step %scan3A_76  : i32 {
      %broadcast_in_dim3A = arith.constant 0.000000e+00 : f32
      %broadcast_in_dim3A_403 = vector.broadcast %broadcast_in_dim3A : f32 to vector<16xf32>
      %swap3A = arith.index_cast %scan3A_402 : i32 to index
      %swap3A_404 = arith.constant 0 : index
      %swap3A_405 = tpu.vector_load %arg9[%swap3A, %swap3A_404] {strides = array<i32>} : memref<32x128xf32, #tpu.memory_space<vmem>>, vector<1x16xf32>,
      %swap3A_406 = vector.shape_cast %swap3A_405 : vector<1x16xf32> to vector<16xf32>
      %swap3A_407 = vector.shape_cast %broadcast_in_dim3A_403 : vector<16xf32> to vector<1x16xf32>
      tpu.vector_store %arg9[%swap3A, %swap3A_404], %swap3A_407 {strides = array<i32>} : memref<32x128xf32, #tpu.memory_space<vmem>>, vector<1x16xf32>,
      %broadcast_in_dim3A_408 = arith.constant 0.000000e+00 : f32
      %broadcast_in_dim3A_409 = vector.broadcast %broadcast_in_dim3A_408 : f32 to vector<16xf32>
      %swap3A_410 = arith.index_cast %scan3A_402 : i32 to index
      %swap3A_411 = arith.constant 16 : index
      %swap3A_412 = tpu.vector_load %arg9[%swap3A_410, %swap3A_411] {strides = array<i32>} : memref<32x128xf32, #tpu.memory_space<vmem>>, vector<1x16xf32>,
      %swap3A_413 = vector.shape_cast %swap3A_412 : vector<1x16xf32> to vector<16xf32>
      %swap3A_414 = vector.shape_cast %broadcast_in_dim3A_409 : vector<16xf32> to vector<1x16xf32>
      tpu.vector_store %arg9[%swap3A_410, %swap3A_411], %swap3A_414 {strides = array<i32>} : memref<32x128xf32, #tpu.memory_space<vmem>>, vector<1x16xf32>,
      %broadcast_in_dim3A_415 = arith.constant 0.000000e+00 : f32
      %broadcast_in_dim3A_416 = vector.broadcast %broadcast_in_dim3A_415 : f32 to vector<16xf32>
      %swap3A_417 = arith.index_cast %scan3A_402 : i32 to index
      %swap3A_418 = arith.constant 32 : index
      %swap3A_419 = tpu.vector_load %arg9[%swap3A_417, %swap3A_418] {strides = array<i32>} : memref<32x128xf32, #tpu.memory_space<vmem>>, vector<1x16xf32>,
      %swap3A_420 = vector.shape_cast %swap3A_419 : vector<1x16xf32> to vector<16xf32>
      %swap3A_421 = vector.shape_cast %broadcast_in_dim3A_416 : vector<16xf32> to vector<1x16xf32>
      tpu.vector_store %arg9[%swap3A_417, %swap3A_418], %swap3A_421 {strides = array<i32>} : memref<32x128xf32, #tpu.memory_space<vmem>>, vector<1x16xf32>,
      %broadcast_in_dim3A_422 = arith.constant 0.000000e+00 : f32
      %broadcast_in_dim3A_423 = vector.broadcast %broadcast_in_dim3A_422 : f32 to vector<16xf32>
      %swap3A_424 = arith.index_cast %scan3A_402 : i32 to index
      %swap3A_425 = arith.constant 48 : index
      %swap3A_426 = tpu.vector_load %arg9[%swap3A_424, %swap3A_425] {strides = array<i32>} : memref<32x128xf32, #tpu.memory_space<vmem>>, vector<1x16xf32>,
      %swap3A_427 = vector.shape_cast %swap3A_426 : vector<1x16xf32> to vector<16xf32>
      %swap3A_428 = vector.shape_cast %broadcast_in_dim3A_423 : vector<16xf32> to vector<1x16xf32>
      tpu.vector_store %arg9[%swap3A_424, %swap3A_425], %swap3A_428 {strides = array<i32>} : memref<32x128xf32, #tpu.memory_space<vmem>>, vector<1x16xf32>,
      %broadcast_in_dim3A_429 = arith.constant 0.000000e+00 : f32
      %broadcast_in_dim3A_430 = vector.broadcast %broadcast_in_dim3A_429 : f32 to vector<16xf32>
      %swap3A_431 = arith.index_cast %scan3A_402 : i32 to index
      %swap3A_432 = arith.constant 64 : index
      %swap3A_433 = tpu.vector_load %arg9[%swap3A_431, %swap3A_432] {strides = array<i32>} : memref<32x128xf32, #tpu.memory_space<vmem>>, vector<1x16xf32>,
      %swap3A_434 = vector.shape_cast %swap3A_433 : vector<1x16xf32> to vector<16xf32>
      %swap3A_435 = vector.shape_cast %broadcast_in_dim3A_430 : vector<16xf32> to vector<1x16xf32>
      tpu.vector_store %arg9[%swap3A_431, %swap3A_432], %swap3A_435 {strides = array<i32>} : memref<32x128xf32, #tpu.memory_space<vmem>>, vector<1x16xf32>,
      %broadcast_in_dim3A_436 = arith.constant 0.000000e+00 : f32
      %broadcast_in_dim3A_437 = vector.broadcast %broadcast_in_dim3A_436 : f32 to vector<16xf32>
      %swap3A_438 = arith.index_cast %scan3A_402 : i32 to index
      %swap3A_439 = arith.constant 80 : index
      %swap3A_440 = tpu.vector_load %arg9[%swap3A_438, %swap3A_439] {strides = array<i32>} : memref<32x128xf32, #tpu.memory_space<vmem>>, vector<1x16xf32>,
      %swap3A_441 = vector.shape_cast %swap3A_440 : vector<1x16xf32> to vector<16xf32>
      %swap3A_442 = vector.shape_cast %broadcast_in_dim3A_437 : vector<16xf32> to vector<1x16xf32>
      tpu.vector_store %arg9[%swap3A_438, %swap3A_439], %swap3A_442 {strides = array<i32>} : memref<32x128xf32, #tpu.memory_space<vmem>>, vector<1x16xf32>,
      %broadcast_in_dim3A_443 = arith.constant 0.000000e+00 : f32
      %broadcast_in_dim3A_444 = vector.broadcast %broadcast_in_dim3A_443 : f32 to vector<16xf32>
      %swap3A_445 = arith.index_cast %scan3A_402 : i32 to index
      %swap3A_446 = arith.constant 96 : index
      %swap3A_447 = tpu.vector_load %arg9[%swap3A_445, %swap3A_446] {strides = array<i32>} : memref<32x128xf32, #tpu.memory_space<vmem>>, vector<1x16xf32>,
      %swap3A_448 = vector.shape_cast %swap3A_447 : vector<1x16xf32> to vector<16xf32>
      %swap3A_449 = vector.shape_cast %broadcast_in_dim3A_444 : vector<16xf32> to vector<1x16xf32>
      tpu.vector_store %arg9[%swap3A_445, %swap3A_446], %swap3A_449 {strides = array<i32>} : memref<32x128xf32, #tpu.memory_space<vmem>>, vector<1x16xf32>,
      %broadcast_in_dim3A_450 = arith.constant 0.000000e+00 : f32
      %broadcast_in_dim3A_451 = vector.broadcast %broadcast_in_dim3A_450 : f32 to vector<16xf32>
      %swap3A_452 = arith.index_cast %scan3A_402 : i32 to index
      %swap3A_453 = arith.constant 112 : index
      %swap3A_454 = tpu.vector_load %arg9[%swap3A_452, %swap3A_453] {strides = array<i32>} : memref<32x128xf32, #tpu.memory_space<vmem>>, vector<1x16xf32>,
      %swap3A_455 = vector.shape_cast %swap3A_454 : vector<1x16xf32> to vector<16xf32>
      %swap3A_456 = vector.shape_cast %broadcast_in_dim3A_451 : vector<16xf32> to vector<1x16xf32>
      tpu.vector_store %arg9[%swap3A_452, %swap3A_453], %swap3A_456 {strides = array<i32>} : memref<32x128xf32, #tpu.memory_space<vmem>>, vector<1x16xf32>,
    }
    %scan3A_77 = arith.constant 32 : i32
    %mul3A_78 = arith.constant 640 : i32
    %mul3A_79 = arith.muli %arg1, %mul3A_78 : i32
    %add3A_80 = arith.constant 0 : i32
    %add3A_81 = arith.addi %mul3A_79, %add3A_80 : i32
    %mul3A_82 = arith.constant 640 : i32
    %mul3A_83 = arith.muli %arg1, %mul3A_82 : i32
    %add3A_84 = arith.constant 32 : i32
    %add3A_85 = arith.addi %mul3A_83, %add3A_84 : i32
    %mul3A_86 = arith.constant 640 : i32
    %mul3A_87 = arith.muli %arg1, %mul3A_86 : i32
    %add3A_88 = arith.constant 64 : i32
    %add3A_89 = arith.addi %mul3A_87, %add3A_88 : i32
    %mul3A_90 = arith.constant 640 : i32
    %mul3A_91 = arith.muli %arg1, %mul3A_90 : i32
    %add3A_92 = arith.constant 96 : i32
    %add3A_93 = arith.addi %mul3A_91, %add3A_92 : i32
    %mul3A_94 = arith.constant 640 : i32
    %mul3A_95 = arith.muli %arg1, %mul3A_94 : i32
    %add3A_96 = arith.constant 128 : i32
    %add3A_97 = arith.addi %mul3A_95, %add3A_96 : i32
    %mul3A_98 = arith.constant 640 : i32
    %mul3A_99 = arith.muli %arg1, %mul3A_98 : i32
    %add3A_100 = arith.constant 160 : i32
    %add3A_101 = arith.addi %mul3A_99, %add3A_100 : i32
    %mul3A_102 = arith.constant 640 : i32
    %mul3A_103 = arith.muli %arg1, %mul3A_102 : i32
    %add3A_104 = arith.constant 192 : i32
    %add3A_105 = arith.addi %mul3A_103, %add3A_104 : i32
    %mul3A_106 = arith.constant 640 : i32
    %mul3A_107 = arith.muli %arg1, %mul3A_106 : i32
    %add3A_108 = arith.constant 224 : i32
    %add3A_109 = arith.addi %mul3A_107, %add3A_108 : i32
    %mul3A_110 = arith.constant 640 : i32
    %mul3A_111 = arith.muli %arg1, %mul3A_110 : i32
    %add3A_112 = arith.constant 256 : i32
    %add3A_113 = arith.addi %mul3A_111, %add3A_112 : i32
    %mul3A_114 = arith.constant 640 : i32
    %mul3A_115 = arith.muli %arg1, %mul3A_114 : i32
    %add3A_116 = arith.constant 288 : i32
    %add3A_117 = arith.addi %mul3A_115, %add3A_116 : i32
    %mul3A_118 = arith.constant 640 : i32
    %mul3A_119 = arith.muli %arg1, %mul3A_118 : i32
    %add3A_120 = arith.constant 320 : i32
    %add3A_121 = arith.addi %mul3A_119, %add3A_120 : i32
    %mul3A_122 = arith.constant 640 : i32
    %mul3A_123 = arith.muli %arg1, %mul3A_122 : i32
    %add3A_124 = arith.constant 352 : i32
    %add3A_125 = arith.addi %mul3A_123, %add3A_124 : i32
    %mul3A_126 = arith.constant 640 : i32
    %mul3A_127 = arith.muli %arg1, %mul3A_126 : i32
    %add3A_128 = arith.constant 384 : i32
    %add3A_129 = arith.addi %mul3A_127, %add3A_128 : i32
    %mul3A_130 = arith.constant 640 : i32
    %mul3A_131 = arith.muli %arg1, %mul3A_130 : i32
    %add3A_132 = arith.constant 416 : i32
    %add3A_133 = arith.addi %mul3A_131, %add3A_132 : i32
    %mul3A_134 = arith.constant 640 : i32
    %mul3A_135 = arith.muli %arg1, %mul3A_134 : i32
    %add3A_136 = arith.constant 448 : i32
    %add3A_137 = arith.addi %mul3A_135, %add3A_136 : i32
    %mul3A_138 = arith.constant 640 : i32
    %mul3A_139 = arith.muli %arg1, %mul3A_138 : i32
    %add3A_140 = arith.constant 480 : i32
    %add3A_141 = arith.addi %mul3A_139, %add3A_140 : i32
    %mul3A_142 = arith.constant 640 : i32
    %mul3A_143 = arith.muli %arg1, %mul3A_142 : i32
    %add3A_144 = arith.constant 512 : i32
    %add3A_145 = arith.addi %mul3A_143, %add3A_144 : i32
    %mul3A_146 = arith.constant 640 : i32
    %mul3A_147 = arith.muli %arg1, %mul3A_146 : i32
    %add3A_148 = arith.constant 544 : i32
    %add3A_149 = arith.addi %mul3A_147, %add3A_148 : i32
    %mul3A_150 = arith.constant 640 : i32
    %mul3A_151 = arith.muli %arg1, %mul3A_150 : i32
    %add3A_152 = arith.constant 576 : i32
    %add3A_153 = arith.addi %mul3A_151, %add3A_152 : i32
    %mul3A_154 = arith.constant 640 : i32
    %mul3A_155 = arith.muli %arg1, %mul3A_154 : i32
    %add3A_156 = arith.constant 608 : i32
    %add3A_157 = arith.addi %mul3A_155, %add3A_156 : i32
    %dma_start3A_158 = arith.constant 0 : i32
    %dma_start3A_159 = tpu.memref_slice %arg13[%add3A_81, %dma_start3A_158] : memref<10240x128xf32, #tpu.memory_space<vmem_shared>> -> memref<32x128xf32, #tpu.memory_space<vmem_shared>>
    %dma_start3A_160 = arith.constant 0 : i32
    %dma_start3A_161 = tpu.memref_slice %arg13[%add3A_81, %dma_start3A_160] : memref<10240x128xf32, #tpu.memory_space<vmem_shared>> -> memref<32x128xf32, #tpu.memory_space<vmem_shared>>
    tpu.enqueue_dma source(%arg9 : memref<32x128xf32, #tpu.memory_space<vmem>>) target(%dma_start3A_161 : memref<32x128xf32, #tpu.memory_space<vmem_shared>>) target_semaphore(%arg22 : memref<!tpu.dma_semaphore, #tpu.memory_space<semaphore_mem>>)
    %dma_start3A_162 = arith.constant 0 : i32
    %dma_start3A_163 = tpu.memref_slice %arg13[%add3A_85, %dma_start3A_162] : memref<10240x128xf32, #tpu.memory_space<vmem_shared>> -> memref<32x128xf32, #tpu.memory_space<vmem_shared>>
    %dma_start3A_164 = arith.constant 0 : i32
    %dma_start3A_165 = tpu.memref_slice %arg13[%add3A_85, %dma_start3A_164] : memref<10240x128xf32, #tpu.memory_space<vmem_shared>> -> memref<32x128xf32, #tpu.memory_space<vmem_shared>>
    tpu.enqueue_dma source(%arg9 : memref<32x128xf32, #tpu.memory_space<vmem>>) target(%dma_start3A_165 : memref<32x128xf32, #tpu.memory_space<vmem_shared>>) target_semaphore(%arg22 : memref<!tpu.dma_semaphore, #tpu.memory_space<semaphore_mem>>)
    %dma_start3A_166 = arith.constant 0 : i32
    %dma_start3A_167 = tpu.memref_slice %arg13[%add3A_89, %dma_start3A_166] : memref<10240x128xf32, #tpu.memory_space<vmem_shared>> -> memref<32x128xf32, #tpu.memory_space<vmem_shared>>
    %dma_start3A_168 = arith.constant 0 : i32
    %dma_start3A_169 = tpu.memref_slice %arg13[%add3A_89, %dma_start3A_168] : memref<10240x128xf32, #tpu.memory_space<vmem_shared>> -> memref<32x128xf32, #tpu.memory_space<vmem_shared>>
    tpu.enqueue_dma source(%arg9 : memref<32x128xf32, #tpu.memory_space<vmem>>) target(%dma_start3A_169 : memref<32x128xf32, #tpu.memory_space<vmem_shared>>) target_semaphore(%arg22 : memref<!tpu.dma_semaphore, #tpu.memory_space<semaphore_mem>>)
    %dma_start3A_170 = arith.constant 0 : i32
    %dma_start3A_171 = tpu.memref_slice %arg13[%add3A_93, %dma_start3A_170] : memref<10240x128xf32, #tpu.memory_space<vmem_shared>> -> memref<32x128xf32, #tpu.memory_space<vmem_shared>>
    %dma_start3A_172 = arith.constant 0 : i32
    %dma_start3A_173 = tpu.memref_slice %arg13[%add3A_93, %dma_start3A_172] : memref<10240x128xf32, #tpu.memory_space<vmem_shared>> -> memref<32x128xf32, #tpu.memory_space<vmem_shared>>
    tpu.enqueue_dma source(%arg9 : memref<32x128xf32, #tpu.memory_space<vmem>>) target(%dma_start3A_173 : memref<32x128xf32, #tpu.memory_space<vmem_shared>>) target_semaphore(%arg22 : memref<!tpu.dma_semaphore, #tpu.memory_space<semaphore_mem>>)
    %dma_start3A_174 = arith.constant 0 : i32
    %dma_start3A_175 = tpu.memref_slice %arg13[%add3A_97, %dma_start3A_174] : memref<10240x128xf32, #tpu.memory_space<vmem_shared>> -> memref<32x128xf32, #tpu.memory_space<vmem_shared>>
    %dma_start3A_176 = arith.constant 0 : i32
    %dma_start3A_177 = tpu.memref_slice %arg13[%add3A_97, %dma_start3A_176] : memref<10240x128xf32, #tpu.memory_space<vmem_shared>> -> memref<32x128xf32, #tpu.memory_space<vmem_shared>>
    tpu.enqueue_dma source(%arg9 : memref<32x128xf32, #tpu.memory_space<vmem>>) target(%dma_start3A_177 : memref<32x128xf32, #tpu.memory_space<vmem_shared>>) target_semaphore(%arg22 : memref<!tpu.dma_semaphore, #tpu.memory_space<semaphore_mem>>)
    %dma_start3A_178 = arith.constant 0 : i32
    %dma_start3A_179 = tpu.memref_slice %arg13[%add3A_101, %dma_start3A_178] : memref<10240x128xf32, #tpu.memory_space<vmem_shared>> -> memref<32x128xf32, #tpu.memory_space<vmem_shared>>
    %dma_start3A_180 = arith.constant 0 : i32
    %dma_start3A_181 = tpu.memref_slice %arg13[%add3A_101, %dma_start3A_180] : memref<10240x128xf32, #tpu.memory_space<vmem_shared>> -> memref<32x128xf32, #tpu.memory_space<vmem_shared>>
    tpu.enqueue_dma source(%arg9 : memref<32x128xf32, #tpu.memory_space<vmem>>) target(%dma_start3A_181 : memref<32x128xf32, #tpu.memory_space<vmem_shared>>) target_semaphore(%arg22 : memref<!tpu.dma_semaphore, #tpu.memory_space<semaphore_mem>>)
    %dma_start3A_182 = arith.constant 0 : i32
    %dma_start3A_183 = tpu.memref_slice %arg13[%add3A_105, %dma_start3A_182] : memref<10240x128xf32, #tpu.memory_space<vmem_shared>> -> memref<32x128xf32, #tpu.memory_space<vmem_shared>>
    %dma_start3A_184 = arith.constant 0 : i32
    %dma_start3A_185 = tpu.memref_slice %arg13[%add3A_105, %dma_start3A_184] : memref<10240x128xf32, #tpu.memory_space<vmem_shared>> -> memref<32x128xf32, #tpu.memory_space<vmem_shared>>
    tpu.enqueue_dma source(%arg9 : memref<32x128xf32, #tpu.memory_space<vmem>>) target(%dma_start3A_185 : memref<32x128xf32, #tpu.memory_space<vmem_shared>>) target_semaphore(%arg22 : memref<!tpu.dma_semaphore, #tpu.memory_space<semaphore_mem>>)
    %dma_start3A_186 = arith.constant 0 : i32
    %dma_start3A_187 = tpu.memref_slice %arg13[%add3A_109, %dma_start3A_186] : memref<10240x128xf32, #tpu.memory_space<vmem_shared>> -> memref<32x128xf32, #tpu.memory_space<vmem_shared>>
    %dma_start3A_188 = arith.constant 0 : i32
    %dma_start3A_189 = tpu.memref_slice %arg13[%add3A_109, %dma_start3A_188] : memref<10240x128xf32, #tpu.memory_space<vmem_shared>> -> memref<32x128xf32, #tpu.memory_space<vmem_shared>>
    tpu.enqueue_dma source(%arg9 : memref<32x128xf32, #tpu.memory_space<vmem>>) target(%dma_start3A_189 : memref<32x128xf32, #tpu.memory_space<vmem_shared>>) target_semaphore(%arg22 : memref<!tpu.dma_semaphore, #tpu.memory_space<semaphore_mem>>)
    %dma_start3A_190 = arith.constant 0 : i32
    %dma_start3A_191 = tpu.memref_slice %arg13[%add3A_113, %dma_start3A_190] : memref<10240x128xf32, #tpu.memory_space<vmem_shared>> -> memref<32x128xf32, #tpu.memory_space<vmem_shared>>
    %dma_start3A_192 = arith.constant 0 : i32
    %dma_start3A_193 = tpu.memref_slice %arg13[%add3A_113, %dma_start3A_192] : memref<10240x128xf32, #tpu.memory_space<vmem_shared>> -> memref<32x128xf32, #tpu.memory_space<vmem_shared>>
    tpu.enqueue_dma source(%arg9 : memref<32x128xf32, #tpu.memory_space<vmem>>) target(%dma_start3A_193 : memref<32x128xf32, #tpu.memory_space<vmem_shared>>) target_semaphore(%arg22 : memref<!tpu.dma_semaphore, #tpu.memory_space<semaphore_mem>>)
    %dma_start3A_194 = arith.constant 0 : i32
    %dma_start3A_195 = tpu.memref_slice %arg13[%add3A_117, %dma_start3A_194] : memref<10240x128xf32, #tpu.memory_space<vmem_shared>> -> memref<32x128xf32, #tpu.memory_space<vmem_shared>>
    %dma_start3A_196 = arith.constant 0 : i32
    %dma_start3A_197 = tpu.memref_slice %arg13[%add3A_117, %dma_start3A_196] : memref<10240x128xf32, #tpu.memory_space<vmem_shared>> -> memref<32x128xf32, #tpu.memory_space<vmem_shared>>
    tpu.enqueue_dma source(%arg9 : memref<32x128xf32, #tpu.memory_space<vmem>>) target(%dma_start3A_197 : memref<32x128xf32, #tpu.memory_space<vmem_shared>>) target_semaphore(%arg22 : memref<!tpu.dma_semaphore, #tpu.memory_space<semaphore_mem>>)
    %dma_start3A_198 = arith.constant 0 : i32
    %dma_start3A_199 = tpu.memref_slice %arg13[%add3A_121, %dma_start3A_198] : memref<10240x128xf32, #tpu.memory_space<vmem_shared>> -> memref<32x128xf32, #tpu.memory_space<vmem_shared>>
    %dma_start3A_200 = arith.constant 0 : i32
    %dma_start3A_201 = tpu.memref_slice %arg13[%add3A_121, %dma_start3A_200] : memref<10240x128xf32, #tpu.memory_space<vmem_shared>> -> memref<32x128xf32, #tpu.memory_space<vmem_shared>>
    tpu.enqueue_dma source(%arg9 : memref<32x128xf32, #tpu.memory_space<vmem>>) target(%dma_start3A_201 : memref<32x128xf32, #tpu.memory_space<vmem_shared>>) target_semaphore(%arg22 : memref<!tpu.dma_semaphore, #tpu.memory_space<semaphore_mem>>)
    %dma_start3A_202 = arith.constant 0 : i32
    %dma_start3A_203 = tpu.memref_slice %arg13[%add3A_125, %dma_start3A_202] : memref<10240x128xf32, #tpu.memory_space<vmem_shared>> -> memref<32x128xf32, #tpu.memory_space<vmem_shared>>
    %dma_start3A_204 = arith.constant 0 : i32
    %dma_start3A_205 = tpu.memref_slice %arg13[%add3A_125, %dma_start3A_204] : memref<10240x128xf32, #tpu.memory_space<vmem_shared>> -> memref<32x128xf32, #tpu.memory_space<vmem_shared>>
    tpu.enqueue_dma source(%arg9 : memref<32x128xf32, #tpu.memory_space<vmem>>) target(%dma_start3A_205 : memref<32x128xf32, #tpu.memory_space<vmem_shared>>) target_semaphore(%arg22 : memref<!tpu.dma_semaphore, #tpu.memory_space<semaphore_mem>>)
    %dma_start3A_206 = arith.constant 0 : i32
    %dma_start3A_207 = tpu.memref_slice %arg13[%add3A_129, %dma_start3A_206] : memref<10240x128xf32, #tpu.memory_space<vmem_shared>> -> memref<32x128xf32, #tpu.memory_space<vmem_shared>>
    %dma_start3A_208 = arith.constant 0 : i32
    %dma_start3A_209 = tpu.memref_slice %arg13[%add3A_129, %dma_start3A_208] : memref<10240x128xf32, #tpu.memory_space<vmem_shared>> -> memref<32x128xf32, #tpu.memory_space<vmem_shared>>
    tpu.enqueue_dma source(%arg9 : memref<32x128xf32, #tpu.memory_space<vmem>>) target(%dma_start3A_209 : memref<32x128xf32, #tpu.memory_space<vmem_shared>>) target_semaphore(%arg22 : memref<!tpu.dma_semaphore, #tpu.memory_space<semaphore_mem>>)
    %dma_start3A_210 = arith.constant 0 : i32
    %dma_start3A_211 = tpu.memref_slice %arg13[%add3A_133, %dma_start3A_210] : memref<10240x128xf32, #tpu.memory_space<vmem_shared>> -> memref<32x128xf32, #tpu.memory_space<vmem_shared>>
    %dma_start3A_212 = arith.constant 0 : i32
    %dma_start3A_213 = tpu.memref_slice %arg13[%add3A_133, %dma_start3A_212] : memref<10240x128xf32, #tpu.memory_space<vmem_shared>> -> memref<32x128xf32, #tpu.memory_space<vmem_shared>>
    tpu.enqueue_dma source(%arg9 : memref<32x128xf32, #tpu.memory_space<vmem>>) target(%dma_start3A_213 : memref<32x128xf32, #tpu.memory_space<vmem_shared>>) target_semaphore(%arg22 : memref<!tpu.dma_semaphore, #tpu.memory_space<semaphore_mem>>)
    %dma_start3A_214 = arith.constant 0 : i32
    %dma_start3A_215 = tpu.memref_slice %arg13[%add3A_137, %dma_start3A_214] : memref<10240x128xf32, #tpu.memory_space<vmem_shared>> -> memref<32x128xf32, #tpu.memory_space<vmem_shared>>
    %dma_start3A_216 = arith.constant 0 : i32
    %dma_start3A_217 = tpu.memref_slice %arg13[%add3A_137, %dma_start3A_216] : memref<10240x128xf32, #tpu.memory_space<vmem_shared>> -> memref<32x128xf32, #tpu.memory_space<vmem_shared>>
    tpu.enqueue_dma source(%arg9 : memref<32x128xf32, #tpu.memory_space<vmem>>) target(%dma_start3A_217 : memref<32x128xf32, #tpu.memory_space<vmem_shared>>) target_semaphore(%arg22 : memref<!tpu.dma_semaphore, #tpu.memory_space<semaphore_mem>>)
    %dma_start3A_218 = arith.constant 0 : i32
    %dma_start3A_219 = tpu.memref_slice %arg13[%add3A_141, %dma_start3A_218] : memref<10240x128xf32, #tpu.memory_space<vmem_shared>> -> memref<32x128xf32, #tpu.memory_space<vmem_shared>>
    %dma_start3A_220 = arith.constant 0 : i32
    %dma_start3A_221 = tpu.memref_slice %arg13[%add3A_141, %dma_start3A_220] : memref<10240x128xf32, #tpu.memory_space<vmem_shared>> -> memref<32x128xf32, #tpu.memory_space<vmem_shared>>
    tpu.enqueue_dma source(%arg9 : memref<32x128xf32, #tpu.memory_space<vmem>>) target(%dma_start3A_221 : memref<32x128xf32, #tpu.memory_space<vmem_shared>>) target_semaphore(%arg22 : memref<!tpu.dma_semaphore, #tpu.memory_space<semaphore_mem>>)
    %dma_start3A_222 = arith.constant 0 : i32
    %dma_start3A_223 = tpu.memref_slice %arg13[%add3A_145, %dma_start3A_222] : memref<10240x128xf32, #tpu.memory_space<vmem_shared>> -> memref<32x128xf32, #tpu.memory_space<vmem_shared>>
    %dma_start3A_224 = arith.constant 0 : i32
    %dma_start3A_225 = tpu.memref_slice %arg13[%add3A_145, %dma_start3A_224] : memref<10240x128xf32, #tpu.memory_space<vmem_shared>> -> memref<32x128xf32, #tpu.memory_space<vmem_shared>>
    tpu.enqueue_dma source(%arg9 : memref<32x128xf32, #tpu.memory_space<vmem>>) target(%dma_start3A_225 : memref<32x128xf32, #tpu.memory_space<vmem_shared>>) target_semaphore(%arg22 : memref<!tpu.dma_semaphore, #tpu.memory_space<semaphore_mem>>)
    %dma_start3A_226 = arith.constant 0 : i32
    %dma_start3A_227 = tpu.memref_slice %arg13[%add3A_149, %dma_start3A_226] : memref<10240x128xf32, #tpu.memory_space<vmem_shared>> -> memref<32x128xf32, #tpu.memory_space<vmem_shared>>
    %dma_start3A_228 = arith.constant 0 : i32
    %dma_start3A_229 = tpu.memref_slice %arg13[%add3A_149, %dma_start3A_228] : memref<10240x128xf32, #tpu.memory_space<vmem_shared>> -> memref<32x128xf32, #tpu.memory_space<vmem_shared>>
    tpu.enqueue_dma source(%arg9 : memref<32x128xf32, #tpu.memory_space<vmem>>) target(%dma_start3A_229 : memref<32x128xf32, #tpu.memory_space<vmem_shared>>) target_semaphore(%arg22 : memref<!tpu.dma_semaphore, #tpu.memory_space<semaphore_mem>>)
    %dma_start3A_230 = arith.constant 0 : i32
    %dma_start3A_231 = tpu.memref_slice %arg13[%add3A_153, %dma_start3A_230] : memref<10240x128xf32, #tpu.memory_space<vmem_shared>> -> memref<32x128xf32, #tpu.memory_space<vmem_shared>>
    %dma_start3A_232 = arith.constant 0 : i32
    %dma_start3A_233 = tpu.memref_slice %arg13[%add3A_153, %dma_start3A_232] : memref<10240x128xf32, #tpu.memory_space<vmem_shared>> -> memref<32x128xf32, #tpu.memory_space<vmem_shared>>
    tpu.enqueue_dma source(%arg9 : memref<32x128xf32, #tpu.memory_space<vmem>>) target(%dma_start3A_233 : memref<32x128xf32, #tpu.memory_space<vmem_shared>>) target_semaphore(%arg22 : memref<!tpu.dma_semaphore, #tpu.memory_space<semaphore_mem>>)
    %dma_start3A_234 = arith.constant 0 : i32
    %dma_start3A_235 = tpu.memref_slice %arg13[%add3A_157, %dma_start3A_234] : memref<10240x128xf32, #tpu.memory_space<vmem_shared>> -> memref<32x128xf32, #tpu.memory_space<vmem_shared>>
    %dma_start3A_236 = arith.constant 0 : i32
    %dma_start3A_237 = tpu.memref_slice %arg13[%add3A_157, %dma_start3A_236] : memref<10240x128xf32, #tpu.memory_space<vmem_shared>> -> memref<32x128xf32, #tpu.memory_space<vmem_shared>>
    tpu.enqueue_dma source(%arg9 : memref<32x128xf32, #tpu.memory_space<vmem>>) target(%dma_start3A_237 : memref<32x128xf32, #tpu.memory_space<vmem_shared>>) target_semaphore(%arg22 : memref<!tpu.dma_semaphore, #tpu.memory_space<semaphore_mem>>)
    %dma_wait3A_238 = arith.constant 0 : i32
    %dma_wait3A_239 = tpu.memref_slice %arg13[%add3A_81, %dma_wait3A_238] : memref<10240x128xf32, #tpu.memory_space<vmem_shared>> -> memref<32x128xf32, #tpu.memory_space<vmem_shared>>
    %dma_wait3A_240 = arith.constant 0 : i32
    %dma_wait3A_241 = tpu.memref_slice %arg13[%add3A_81, %dma_wait3A_240] : memref<10240x128xf32, #tpu.memory_space<vmem_shared>> -> memref<32x128xf32, #tpu.memory_space<vmem_shared>>
    tpu.wait_dma2 semaphore(%arg22 : memref<!tpu.dma_semaphore, #tpu.memory_space<semaphore_mem>>) src(%arg9 : memref<32x128xf32, #tpu.memory_space<vmem>>) dst(%dma_wait3A_241 : memref<32x128xf32, #tpu.memory_space<vmem_shared>>)
    %dma_wait3A_242 = arith.constant 0 : i32
    %dma_wait3A_243 = tpu.memref_slice %arg13[%add3A_85, %dma_wait3A_242] : memref<10240x128xf32, #tpu.memory_space<vmem_shared>> -> memref<32x128xf32, #tpu.memory_space<vmem_shared>>
    %dma_wait3A_244 = arith.constant 0 : i32
    %dma_wait3A_245 = tpu.memref_slice %arg13[%add3A_85, %dma_wait3A_244] : memref<10240x128xf32, #tpu.memory_space<vmem_shared>> -> memref<32x128xf32, #tpu.memory_space<vmem_shared>>
    tpu.wait_dma2 semaphore(%arg22 : memref<!tpu.dma_semaphore, #tpu.memory_space<semaphore_mem>>) src(%arg9 : memref<32x128xf32, #tpu.memory_space<vmem>>) dst(%dma_wait3A_245 : memref<32x128xf32, #tpu.memory_space<vmem_shared>>)
    %dma_wait3A_246 = arith.constant 0 : i32
    %dma_wait3A_247 = tpu.memref_slice %arg13[%add3A_89, %dma_wait3A_246] : memref<10240x128xf32, #tpu.memory_space<vmem_shared>> -> memref<32x128xf32, #tpu.memory_space<vmem_shared>>
    %dma_wait3A_248 = arith.constant 0 : i32
    %dma_wait3A_249 = tpu.memref_slice %arg13[%add3A_89, %dma_wait3A_248] : memref<10240x128xf32, #tpu.memory_space<vmem_shared>> -> memref<32x128xf32, #tpu.memory_space<vmem_shared>>
    tpu.wait_dma2 semaphore(%arg22 : memref<!tpu.dma_semaphore, #tpu.memory_space<semaphore_mem>>) src(%arg9 : memref<32x128xf32, #tpu.memory_space<vmem>>) dst(%dma_wait3A_249 : memref<32x128xf32, #tpu.memory_space<vmem_shared>>)
    %dma_wait3A_250 = arith.constant 0 : i32
    %dma_wait3A_251 = tpu.memref_slice %arg13[%add3A_93, %dma_wait3A_250] : memref<10240x128xf32, #tpu.memory_space<vmem_shared>> -> memref<32x128xf32, #tpu.memory_space<vmem_shared>>
    %dma_wait3A_252 = arith.constant 0 : i32
    %dma_wait3A_253 = tpu.memref_slice %arg13[%add3A_93, %dma_wait3A_252] : memref<10240x128xf32, #tpu.memory_space<vmem_shared>> -> memref<32x128xf32, #tpu.memory_space<vmem_shared>>
    tpu.wait_dma2 semaphore(%arg22 : memref<!tpu.dma_semaphore, #tpu.memory_space<semaphore_mem>>) src(%arg9 : memref<32x128xf32, #tpu.memory_space<vmem>>) dst(%dma_wait3A_253 : memref<32x128xf32, #tpu.memory_space<vmem_shared>>)
    %dma_wait3A_254 = arith.constant 0 : i32
    %dma_wait3A_255 = tpu.memref_slice %arg13[%add3A_97, %dma_wait3A_254] : memref<10240x128xf32, #tpu.memory_space<vmem_shared>> -> memref<32x128xf32, #tpu.memory_space<vmem_shared>>
    %dma_wait3A_256 = arith.constant 0 : i32
    %dma_wait3A_257 = tpu.memref_slice %arg13[%add3A_97, %dma_wait3A_256] : memref<10240x128xf32, #tpu.memory_space<vmem_shared>> -> memref<32x128xf32, #tpu.memory_space<vmem_shared>>
    tpu.wait_dma2 semaphore(%arg22 : memref<!tpu.dma_semaphore, #tpu.memory_space<semaphore_mem>>) src(%arg9 : memref<32x128xf32, #tpu.memory_space<vmem>>) dst(%dma_wait3A_257 : memref<32x128xf32, #tpu.memory_space<vmem_shared>>)
    %dma_wait3A_258 = arith.constant 0 : i32
    %dma_wait3A_259 = tpu.memref_slice %arg13[%add3A_101, %dma_wait3A_258] : memref<10240x128xf32, #tpu.memory_space<vmem_shared>> -> memref<32x128xf32, #tpu.memory_space<vmem_shared>>
    %dma_wait3A_260 = arith.constant 0 : i32
    %dma_wait3A_261 = tpu.memref_slice %arg13[%add3A_101, %dma_wait3A_260] : memref<10240x128xf32, #tpu.memory_space<vmem_shared>> -> memref<32x128xf32, #tpu.memory_space<vmem_shared>>
    tpu.wait_dma2 semaphore(%arg22 : memref<!tpu.dma_semaphore, #tpu.memory_space<semaphore_mem>>) src(%arg9 : memref<32x128xf32, #tpu.memory_space<vmem>>) dst(%dma_wait3A_261 : memref<32x128xf32, #tpu.memory_space<vmem_shared>>)
    %dma_wait3A_262 = arith.constant 0 : i32
    %dma_wait3A_263 = tpu.memref_slice %arg13[%add3A_105, %dma_wait3A_262] : memref<10240x128xf32, #tpu.memory_space<vmem_shared>> -> memref<32x128xf32, #tpu.memory_space<vmem_shared>>
    %dma_wait3A_264 = arith.constant 0 : i32
    %dma_wait3A_265 = tpu.memref_slice %arg13[%add3A_105, %dma_wait3A_264] : memref<10240x128xf32, #tpu.memory_space<vmem_shared>> -> memref<32x128xf32, #tpu.memory_space<vmem_shared>>
    tpu.wait_dma2 semaphore(%arg22 : memref<!tpu.dma_semaphore, #tpu.memory_space<semaphore_mem>>) src(%arg9 : memref<32x128xf32, #tpu.memory_space<vmem>>) dst(%dma_wait3A_265 : memref<32x128xf32, #tpu.memory_space<vmem_shared>>)
    %dma_wait3A_266 = arith.constant 0 : i32
    %dma_wait3A_267 = tpu.memref_slice %arg13[%add3A_109, %dma_wait3A_266] : memref<10240x128xf32, #tpu.memory_space<vmem_shared>> -> memref<32x128xf32, #tpu.memory_space<vmem_shared>>
    %dma_wait3A_268 = arith.constant 0 : i32
    %dma_wait3A_269 = tpu.memref_slice %arg13[%add3A_109, %dma_wait3A_268] : memref<10240x128xf32, #tpu.memory_space<vmem_shared>> -> memref<32x128xf32, #tpu.memory_space<vmem_shared>>
    tpu.wait_dma2 semaphore(%arg22 : memref<!tpu.dma_semaphore, #tpu.memory_space<semaphore_mem>>) src(%arg9 : memref<32x128xf32, #tpu.memory_space<vmem>>) dst(%dma_wait3A_269 : memref<32x128xf32, #tpu.memory_space<vmem_shared>>)
    %dma_wait3A_270 = arith.constant 0 : i32
    %dma_wait3A_271 = tpu.memref_slice %arg13[%add3A_113, %dma_wait3A_270] : memref<10240x128xf32, #tpu.memory_space<vmem_shared>> -> memref<32x128xf32, #tpu.memory_space<vmem_shared>>
    %dma_wait3A_272 = arith.constant 0 : i32
    %dma_wait3A_273 = tpu.memref_slice %arg13[%add3A_113, %dma_wait3A_272] : memref<10240x128xf32, #tpu.memory_space<vmem_shared>> -> memref<32x128xf32, #tpu.memory_space<vmem_shared>>
    tpu.wait_dma2 semaphore(%arg22 : memref<!tpu.dma_semaphore, #tpu.memory_space<semaphore_mem>>) src(%arg9 : memref<32x128xf32, #tpu.memory_space<vmem>>) dst(%dma_wait3A_273 : memref<32x128xf32, #tpu.memory_space<vmem_shared>>)
    %dma_wait3A_274 = arith.constant 0 : i32
    %dma_wait3A_275 = tpu.memref_slice %arg13[%add3A_117, %dma_wait3A_274] : memref<10240x128xf32, #tpu.memory_space<vmem_shared>> -> memref<32x128xf32, #tpu.memory_space<vmem_shared>>
    %dma_wait3A_276 = arith.constant 0 : i32
    %dma_wait3A_277 = tpu.memref_slice %arg13[%add3A_117, %dma_wait3A_276] : memref<10240x128xf32, #tpu.memory_space<vmem_shared>> -> memref<32x128xf32, #tpu.memory_space<vmem_shared>>
    tpu.wait_dma2 semaphore(%arg22 : memref<!tpu.dma_semaphore, #tpu.memory_space<semaphore_mem>>) src(%arg9 : memref<32x128xf32, #tpu.memory_space<vmem>>) dst(%dma_wait3A_277 : memref<32x128xf32, #tpu.memory_space<vmem_shared>>)
    %dma_wait3A_278 = arith.constant 0 : i32
    %dma_wait3A_279 = tpu.memref_slice %arg13[%add3A_121, %dma_wait3A_278] : memref<10240x128xf32, #tpu.memory_space<vmem_shared>> -> memref<32x128xf32, #tpu.memory_space<vmem_shared>>
    %dma_wait3A_280 = arith.constant 0 : i32
    %dma_wait3A_281 = tpu.memref_slice %arg13[%add3A_121, %dma_wait3A_280] : memref<10240x128xf32, #tpu.memory_space<vmem_shared>> -> memref<32x128xf32, #tpu.memory_space<vmem_shared>>
    tpu.wait_dma2 semaphore(%arg22 : memref<!tpu.dma_semaphore, #tpu.memory_space<semaphore_mem>>) src(%arg9 : memref<32x128xf32, #tpu.memory_space<vmem>>) dst(%dma_wait3A_281 : memref<32x128xf32, #tpu.memory_space<vmem_shared>>)
    %dma_wait3A_282 = arith.constant 0 : i32
    %dma_wait3A_283 = tpu.memref_slice %arg13[%add3A_125, %dma_wait3A_282] : memref<10240x128xf32, #tpu.memory_space<vmem_shared>> -> memref<32x128xf32, #tpu.memory_space<vmem_shared>>
    %dma_wait3A_284 = arith.constant 0 : i32
    %dma_wait3A_285 = tpu.memref_slice %arg13[%add3A_125, %dma_wait3A_284] : memref<10240x128xf32, #tpu.memory_space<vmem_shared>> -> memref<32x128xf32, #tpu.memory_space<vmem_shared>>
    tpu.wait_dma2 semaphore(%arg22 : memref<!tpu.dma_semaphore, #tpu.memory_space<semaphore_mem>>) src(%arg9 : memref<32x128xf32, #tpu.memory_space<vmem>>) dst(%dma_wait3A_285 : memref<32x128xf32, #tpu.memory_space<vmem_shared>>)
    %dma_wait3A_286 = arith.constant 0 : i32
    %dma_wait3A_287 = tpu.memref_slice %arg13[%add3A_129, %dma_wait3A_286] : memref<10240x128xf32, #tpu.memory_space<vmem_shared>> -> memref<32x128xf32, #tpu.memory_space<vmem_shared>>
    %dma_wait3A_288 = arith.constant 0 : i32
    %dma_wait3A_289 = tpu.memref_slice %arg13[%add3A_129, %dma_wait3A_288] : memref<10240x128xf32, #tpu.memory_space<vmem_shared>> -> memref<32x128xf32, #tpu.memory_space<vmem_shared>>
    tpu.wait_dma2 semaphore(%arg22 : memref<!tpu.dma_semaphore, #tpu.memory_space<semaphore_mem>>) src(%arg9 : memref<32x128xf32, #tpu.memory_space<vmem>>) dst(%dma_wait3A_289 : memref<32x128xf32, #tpu.memory_space<vmem_shared>>)
    %dma_wait3A_290 = arith.constant 0 : i32
    %dma_wait3A_291 = tpu.memref_slice %arg13[%add3A_133, %dma_wait3A_290] : memref<10240x128xf32, #tpu.memory_space<vmem_shared>> -> memref<32x128xf32, #tpu.memory_space<vmem_shared>>
    %dma_wait3A_292 = arith.constant 0 : i32
    %dma_wait3A_293 = tpu.memref_slice %arg13[%add3A_133, %dma_wait3A_292] : memref<10240x128xf32, #tpu.memory_space<vmem_shared>> -> memref<32x128xf32, #tpu.memory_space<vmem_shared>>
    tpu.wait_dma2 semaphore(%arg22 : memref<!tpu.dma_semaphore, #tpu.memory_space<semaphore_mem>>) src(%arg9 : memref<32x128xf32, #tpu.memory_space<vmem>>) dst(%dma_wait3A_293 : memref<32x128xf32, #tpu.memory_space<vmem_shared>>)
    %dma_wait3A_294 = arith.constant 0 : i32
    %dma_wait3A_295 = tpu.memref_slice %arg13[%add3A_137, %dma_wait3A_294] : memref<10240x128xf32, #tpu.memory_space<vmem_shared>> -> memref<32x128xf32, #tpu.memory_space<vmem_shared>>
    %dma_wait3A_296 = arith.constant 0 : i32
    %dma_wait3A_297 = tpu.memref_slice %arg13[%add3A_137, %dma_wait3A_296] : memref<10240x128xf32, #tpu.memory_space<vmem_shared>> -> memref<32x128xf32, #tpu.memory_space<vmem_shared>>
    tpu.wait_dma2 semaphore(%arg22 : memref<!tpu.dma_semaphore, #tpu.memory_space<semaphore_mem>>) src(%arg9 : memref<32x128xf32, #tpu.memory_space<vmem>>) dst(%dma_wait3A_297 : memref<32x128xf32, #tpu.memory_space<vmem_shared>>)
    %dma_wait3A_298 = arith.constant 0 : i32
    %dma_wait3A_299 = tpu.memref_slice %arg13[%add3A_141, %dma_wait3A_298] : memref<10240x128xf32, #tpu.memory_space<vmem_shared>> -> memref<32x128xf32, #tpu.memory_space<vmem_shared>>
    %dma_wait3A_300 = arith.constant 0 : i32
    %dma_wait3A_301 = tpu.memref_slice %arg13[%add3A_141, %dma_wait3A_300] : memref<10240x128xf32, #tpu.memory_space<vmem_shared>> -> memref<32x128xf32, #tpu.memory_space<vmem_shared>>
    tpu.wait_dma2 semaphore(%arg22 : memref<!tpu.dma_semaphore, #tpu.memory_space<semaphore_mem>>) src(%arg9 : memref<32x128xf32, #tpu.memory_space<vmem>>) dst(%dma_wait3A_301 : memref<32x128xf32, #tpu.memory_space<vmem_shared>>)
    %dma_wait3A_302 = arith.constant 0 : i32
    %dma_wait3A_303 = tpu.memref_slice %arg13[%add3A_145, %dma_wait3A_302] : memref<10240x128xf32, #tpu.memory_space<vmem_shared>> -> memref<32x128xf32, #tpu.memory_space<vmem_shared>>
    %dma_wait3A_304 = arith.constant 0 : i32
    %dma_wait3A_305 = tpu.memref_slice %arg13[%add3A_145, %dma_wait3A_304] : memref<10240x128xf32, #tpu.memory_space<vmem_shared>> -> memref<32x128xf32, #tpu.memory_space<vmem_shared>>
    tpu.wait_dma2 semaphore(%arg22 : memref<!tpu.dma_semaphore, #tpu.memory_space<semaphore_mem>>) src(%arg9 : memref<32x128xf32, #tpu.memory_space<vmem>>) dst(%dma_wait3A_305 : memref<32x128xf32, #tpu.memory_space<vmem_shared>>)
    %dma_wait3A_306 = arith.constant 0 : i32
    %dma_wait3A_307 = tpu.memref_slice %arg13[%add3A_149, %dma_wait3A_306] : memref<10240x128xf32, #tpu.memory_space<vmem_shared>> -> memref<32x128xf32, #tpu.memory_space<vmem_shared>>
    %dma_wait3A_308 = arith.constant 0 : i32
    %dma_wait3A_309 = tpu.memref_slice %arg13[%add3A_149, %dma_wait3A_308] : memref<10240x128xf32, #tpu.memory_space<vmem_shared>> -> memref<32x128xf32, #tpu.memory_space<vmem_shared>>
    tpu.wait_dma2 semaphore(%arg22 : memref<!tpu.dma_semaphore, #tpu.memory_space<semaphore_mem>>) src(%arg9 : memref<32x128xf32, #tpu.memory_space<vmem>>) dst(%dma_wait3A_309 : memref<32x128xf32, #tpu.memory_space<vmem_shared>>)
    %dma_wait3A_310 = arith.constant 0 : i32
    %dma_wait3A_311 = tpu.memref_slice %arg13[%add3A_153, %dma_wait3A_310] : memref<10240x128xf32, #tpu.memory_space<vmem_shared>> -> memref<32x128xf32, #tpu.memory_space<vmem_shared>>
    %dma_wait3A_312 = arith.constant 0 : i32
    %dma_wait3A_313 = tpu.memref_slice %arg13[%add3A_153, %dma_wait3A_312] : memref<10240x128xf32, #tpu.memory_space<vmem_shared>> -> memref<32x128xf32, #tpu.memory_space<vmem_shared>>
    tpu.wait_dma2 semaphore(%arg22 : memref<!tpu.dma_semaphore, #tpu.memory_space<semaphore_mem>>) src(%arg9 : memref<32x128xf32, #tpu.memory_space<vmem>>) dst(%dma_wait3A_313 : memref<32x128xf32, #tpu.memory_space<vmem_shared>>)
    %dma_wait3A_314 = arith.constant 0 : i32
    %dma_wait3A_315 = tpu.memref_slice %arg13[%add3A_157, %dma_wait3A_314] : memref<10240x128xf32, #tpu.memory_space<vmem_shared>> -> memref<32x128xf32, #tpu.memory_space<vmem_shared>>
    %dma_wait3A_316 = arith.constant 0 : i32
    %dma_wait3A_317 = tpu.memref_slice %arg13[%add3A_157, %dma_wait3A_316] : memref<10240x128xf32, #tpu.memory_space<vmem_shared>> -> memref<32x128xf32, #tpu.memory_space<vmem_shared>>
    tpu.wait_dma2 semaphore(%arg22 : memref<!tpu.dma_semaphore, #tpu.memory_space<semaphore_mem>>) src(%arg9 : memref<32x128xf32, #tpu.memory_space<vmem>>) dst(%dma_wait3A_317 : memref<32x128xf32, #tpu.memory_space<vmem_shared>>)
    %barrier3A = arith.constant 0 : index
    tpu.barrier barrier_id(%barrier3A)
    %scan3A_318 = arith.constant 0 : i32
    %scan3A_319 = arith.constant 0 : i32
    %scan3A_320 = arith.constant 38 : i32
    %scan3A_321 = arith.addi %scan3A_319, %scan3A_320 : i32
    %scan3A_322 = arith.constant 1 : i32
    scf.for %scan3A_402 = %scan3A_319 to %scan3A_321 step %scan3A_322  : i32 {
      %mul3A_403 = arith.constant 2 : i32
      %mul3A_404 = arith.muli %scan3A_402, %mul3A_403 : i32
      %add3A_405 = arith.constant 0 : i32
      %add3A_406 = arith.addi %mul3A_404, %add3A_405 : i32
      %add3A_407 = arith.constant 2 : i32
      %add3A_408 = arith.addi %add3A_406, %add3A_407 : i32
      %sub3A = arith.constant 1 : i32
      %sub3A_409 = arith.subi %add3A_408, %sub3A : i32
      %mul3A_410 = arith.constant 128 : i32
      %mul3A_411 = arith.muli %sub3A_409, %mul3A_410 : i32
      %add3A_412 = arith.addi %mul3A_2, %mul3A_411 : i32
      %dma_wait3A_413 = arith.constant 1 : i32
      %dma_wait3A_414 = arith.constant 0 : i32
      %dma_wait3A_415 = tpu.memref_slice %arg6[%dma_wait3A_413, %dma_wait3A_414] : memref<2x128xi32, #tpu.memory_space<vmem>> -> memref<1x128xi32, #tpu.memory_space<vmem>>
      %dma_wait3A_416 = tpu.memref_squeeze %dma_wait3A_415 : memref<1x128xi32, #tpu.memory_space<vmem>> -> memref<128xi32, #tpu.memory_space<vmem>>
      %dma_wait3A_417 = tpu.memref_slice %arg3[%add3A_412] : memref<320000xi32, #tpu.memory_space<hbm>> -> memref<128xi32, #tpu.memory_space<hbm>>
      %dma_wait3A_418 = arith.constant 0 : i32
      %dma_wait3A_419 = tpu.memref_slice %arg6[%dma_wait3A_413, %dma_wait3A_418] : memref<2x128xi32, #tpu.memory_space<vmem>> -> memref<1x128xi32, #tpu.memory_space<vmem>>
      %dma_wait3A_420 = tpu.memref_squeeze %dma_wait3A_419 : memref<1x128xi32, #tpu.memory_space<vmem>> -> memref<128xi32, #tpu.memory_space<vmem>>
      %dma_wait3A_421 = tpu.memref_slice %arg3[%add3A_412] : memref<320000xi32, #tpu.memory_space<hbm>> -> memref<128xi32, #tpu.memory_space<hbm>>
      tpu.wait_dma2 semaphore(%arg19 : memref<!tpu.dma_semaphore, #tpu.memory_space<semaphore_mem>>) src(%dma_wait3A_421 : memref<128xi32, #tpu.memory_space<hbm>>) dst(%dma_wait3A_420 : memref<128xi32, #tpu.memory_space<vmem>>)
      %dma_wait3A_422 = arith.constant 1 : i32
      %dma_wait3A_423 = arith.constant 0 : i32
      %dma_wait3A_424 = tpu.memref_slice %arg7[%dma_wait3A_422, %dma_wait3A_423] : memref<2x128xi32, #tpu.memory_space<vmem>> -> memref<1x128xi32, #tpu.memory_space<vmem>>
      %dma_wait3A_425 = tpu.memref_squeeze %dma_wait3A_424 : memref<1x128xi32, #tpu.memory_space<vmem>> -> memref<128xi32, #tpu.memory_space<vmem>>
      %dma_wait3A_426 = tpu.memref_slice %arg4[%add3A_412] : memref<320000xi32, #tpu.memory_space<hbm>> -> memref<128xi32, #tpu.memory_space<hbm>>
      %dma_wait3A_427 = arith.constant 0 : i32
      %dma_wait3A_428 = tpu.memref_slice %arg7[%dma_wait3A_422, %dma_wait3A_427] : memref<2x128xi32, #tpu.memory_space<vmem>> -> memref<1x128xi32, #tpu.memory_space<vmem>>
      %dma_wait3A_429 = tpu.memref_squeeze %dma_wait3A_428 : memref<1x128xi32, #tpu.memory_space<vmem>> -> memref<128xi32, #tpu.memory_space<vmem>>
      %dma_wait3A_430 = tpu.memref_slice %arg4[%add3A_412] : memref<320000xi32, #tpu.memory_space<hbm>> -> memref<128xi32, #tpu.memory_space<hbm>>
      tpu.wait_dma2 semaphore(%arg19 : memref<!tpu.dma_semaphore, #tpu.memory_space<semaphore_mem>>) src(%dma_wait3A_430 : memref<128xi32, #tpu.memory_space<hbm>>) dst(%dma_wait3A_429 : memref<128xi32, #tpu.memory_space<vmem>>)
      %add3A_431 = arith.constant 2 : i32
      %add3A_432 = arith.addi %add3A_406, %add3A_431 : i32
      %sub3A_433 = arith.constant 1 : i32
      %sub3A_434 = arith.subi %add3A_432, %sub3A_433 : i32
      %dma_start3A_435 = arith.constant 1 : i32
      %dma_start3A_436 = arith.constant 1 : i32
      %dma_start3A_437 = arith.constant 0 : i32
      %dma_start3A_438 = arith.constant 0 : i32
      %dma_start3A_439 = tpu.memref_slice %arg8[%dma_start3A_436, %dma_start3A_437, %dma_start3A_438] : memref<2x128x128xf32, #tpu.memory_space<vmem>> -> memref<1x128x128xf32, #tpu.memory_space<vmem>>
      %dma_start3A_440 = tpu.memref_squeeze %dma_start3A_439 : memref<1x128x128xf32, #tpu.memory_space<vmem>> -> memref<128x128xf32, #tpu.memory_space<vmem>>
      %dma_start3A_441 = arith.constant 0 : i32
      %dma_start3A_442 = tpu.memref_slice %arg6[%dma_start3A_435, %dma_start3A_441] : memref<2x128xi32, #tpu.memory_space<vmem>> -> memref<1x128xi32, #tpu.memory_space<vmem>>
      %dma_start3A_443 = tpu.memref_squeeze %dma_start3A_442 : memref<1x128xi32, #tpu.memory_space<vmem>> -> memref<128xi32, #tpu.memory_space<vmem>>
      %dma_start3A_444 = arith.constant 0 : i32
      %dma_start3A_445 = arith.constant 0 : i32
      %dma_start3A_446 = tpu.memref_slice %arg2[%dma_start3A_444, %dma_start3A_445] : memref<10000x128xf32, #tpu.memory_space<hbm>> -> memref<10000x128xf32, #tpu.memory_space<hbm>>
      tpu.enqueue_indirect_dma source(%dma_start3A_446 : memref<10000x128xf32, #tpu.memory_space<hbm>>) target(%dma_start3A_440 : memref<128x128xf32, #tpu.memory_space<vmem>>) offsets(%dma_start3A_443 : memref<128xi32, #tpu.memory_space<vmem>>) semaphore(%arg15 : memref<!tpu.dma_semaphore, #tpu.memory_space<semaphore_mem>>)
      %dma_wait3A_447 = arith.constant 0 : i32
      %dma_wait3A_448 = arith.constant 0 : i32
      %dma_wait3A_449 = arith.constant 0 : i32
      %dma_wait3A_450 = arith.constant 0 : i32
      %dma_wait3A_451 = tpu.memref_slice %arg8[%dma_wait3A_448, %dma_wait3A_449, %dma_wait3A_450] : memref<2x128x128xf32, #tpu.memory_space<vmem>> -> memref<1x128x128xf32, #tpu.memory_space<vmem>>
      %dma_wait3A_452 = tpu.memref_squeeze %dma_wait3A_451 : memref<1x128x128xf32, #tpu.memory_space<vmem>> -> memref<128x128xf32, #tpu.memory_space<vmem>>
      %dma_wait3A_453 = arith.constant 0 : i32
      %dma_wait3A_454 = tpu.memref_slice %arg6[%dma_wait3A_447, %dma_wait3A_453] : memref<2x128xi32, #tpu.memory_space<vmem>> -> memref<1x128xi32, #tpu.memory_space<vmem>>
      %dma_wait3A_455 = tpu.memref_squeeze %dma_wait3A_454 : memref<1x128xi32, #tpu.memory_space<vmem>> -> memref<128xi32, #tpu.memory_space<vmem>>
      %dma_wait3A_456 = arith.constant 0 : i32
      %dma_wait3A_457 = arith.constant 0 : i32
      %dma_wait3A_458 = tpu.memref_slice %arg2[%dma_wait3A_456, %dma_wait3A_457] : memref<10000x128xf32, #tpu.memory_space<hbm>> -> memref<10000x128xf32, #tpu.memory_space<hbm>>
      tpu.wait_indirect_dma semaphore(%arg14 : memref<!tpu.dma_semaphore, #tpu.memory_space<semaphore_mem>>) src(%dma_wait3A_458 : memref<10000x128xf32, #tpu.memory_space<hbm>>) dst(%dma_wait3A_452 : memref<128x128xf32, #tpu.memory_space<vmem>>)
      %run_scoped3A_459 = arith.constant 0 : i32
      %run_scoped3A_460 = arith.constant 0 : i32
      "tpu.region"() ({
        %run_scoped3A_564 = tpu.sem_alloc : memref<!tpu.dma_semaphore, #tpu.memory_space<semaphore_mem>>
        %dma_start3A_565 = arith.constant 0 : i32
        %dma_start3A_566 = arith.constant 0 : i32
        %dma_start3A_567 = tpu.memref_slice %arg8[%run_scoped3A_459, %dma_start3A_565, %dma_start3A_566] : memref<2x128x128xf32, #tpu.memory_space<vmem>> -> memref<1x128x128xf32, #tpu.memory_space<vmem>>
        %dma_start3A_568 = tpu.memref_squeeze %dma_start3A_567 : memref<1x128x128xf32, #tpu.memory_space<vmem>> -> memref<128x128xf32, #tpu.memory_space<vmem>>
        %dma_start3A_569 = arith.constant 0 : i32
        %dma_start3A_570 = tpu.memref_slice %arg7[%run_scoped3A_460, %dma_start3A_569] : memref<2x128xi32, #tpu.memory_space<vmem>> -> memref<1x128xi32, #tpu.memory_space<vmem>>
        %dma_start3A_571 = tpu.memref_squeeze %dma_start3A_570 : memref<1x128xi32, #tpu.memory_space<vmem>> -> memref<128xi32, #tpu.memory_space<vmem>>
        %dma_start3A_572 = arith.constant 0 : i32
        %dma_start3A_573 = arith.constant 0 : i32
        %dma_start3A_574 = tpu.memref_slice %arg13[%dma_start3A_572, %dma_start3A_573] : memref<10240x128xf32, #tpu.memory_space<vmem_shared>> -> memref<10240x128xf32, #tpu.memory_space<vmem_shared>>
        tpu.enqueue_indirect_dma source(%dma_start3A_568 : memref<128x128xf32, #tpu.memory_space<vmem>>) target(%dma_start3A_574 : memref<10240x128xf32, #tpu.memory_space<vmem_shared>>) offsets(%dma_start3A_571 : memref<128xi32, #tpu.memory_space<vmem>>) semaphore(%run_scoped3A_564 : memref<!tpu.dma_semaphore, #tpu.memory_space<semaphore_mem>>) {add = true}
        %dma_wait3A_575 = arith.constant 0 : i32
        %dma_wait3A_576 = arith.constant 0 : i32
        %dma_wait3A_577 = tpu.memref_slice %arg8[%run_scoped3A_459, %dma_wait3A_575, %dma_wait3A_576] : memref<2x128x128xf32, #tpu.memory_space<vmem>> -> memref<1x128x128xf32, #tpu.memory_space<vmem>>
        %dma_wait3A_578 = tpu.memref_squeeze %dma_wait3A_577 : memref<1x128x128xf32, #tpu.memory_space<vmem>> -> memref<128x128xf32, #tpu.memory_space<vmem>>
        %dma_wait3A_579 = arith.constant 0 : i32
        %dma_wait3A_580 = tpu.memref_slice %arg7[%run_scoped3A_460, %dma_wait3A_579] : memref<2x128xi32, #tpu.memory_space<vmem>> -> memref<1x128xi32, #tpu.memory_space<vmem>>
        %dma_wait3A_581 = tpu.memref_squeeze %dma_wait3A_580 : memref<1x128xi32, #tpu.memory_space<vmem>> -> memref<128xi32, #tpu.memory_space<vmem>>
        %dma_wait3A_582 = arith.constant 0 : i32
        %dma_wait3A_583 = arith.constant 0 : i32
        %dma_wait3A_584 = tpu.memref_slice %arg13[%dma_wait3A_582, %dma_wait3A_583] : memref<10240x128xf32, #tpu.memory_space<vmem_shared>> -> memref<10240x128xf32, #tpu.memory_space<vmem_shared>>
        tpu.wait_indirect_dma semaphore(%run_scoped3A_564 : memref<!tpu.dma_semaphore, #tpu.memory_space<semaphore_mem>>) src(%dma_wait3A_578 : memref<128x128xf32, #tpu.memory_space<vmem>>) dst(%dma_wait3A_584 : memref<10240x128xf32, #tpu.memory_space<vmem_shared>>)
        tpu.yield
      }) : () -> ()
      %add3A_461 = arith.constant 2 : i32
      %add3A_462 = arith.addi %add3A_406, %add3A_461 : i32
      %mul3A_463 = arith.constant 128 : i32
      %mul3A_464 = arith.muli %add3A_462, %mul3A_463 : i32
      %add3A_465 = arith.addi %mul3A_2, %mul3A_464 : i32
      %dma_start3A_466 = arith.constant 0 : i32
      %dma_start3A_467 = arith.constant 0 : i32
      %dma_start3A_468 = tpu.memref_slice %arg6[%dma_start3A_466, %dma_start3A_467] : memref<2x128xi32, #tpu.memory_space<vmem>> -> memref<1x128xi32, #tpu.memory_space<vmem>>
      %dma_start3A_469 = tpu.memref_squeeze %dma_start3A_468 : memref<1x128xi32, #tpu.memory_space<vmem>> -> memref<128xi32, #tpu.memory_space<vmem>>
      %dma_start3A_470 = tpu.memref_slice %arg3[%add3A_465] : memref<320000xi32, #tpu.memory_space<hbm>> -> memref<128xi32, #tpu.memory_space<hbm>>
      %dma_start3A_471 = arith.constant 0 : i32
      %dma_start3A_472 = tpu.memref_slice %arg6[%dma_start3A_466, %dma_start3A_471] : memref<2x128xi32, #tpu.memory_space<vmem>> -> memref<1x128xi32, #tpu.memory_space<vmem>>
      %dma_start3A_473 = tpu.memref_squeeze %dma_start3A_472 : memref<1x128xi32, #tpu.memory_space<vmem>> -> memref<128xi32, #tpu.memory_space<vmem>>
      %dma_start3A_474 = tpu.memref_slice %arg3[%add3A_465] : memref<320000xi32, #tpu.memory_space<hbm>> -> memref<128xi32, #tpu.memory_space<hbm>>
      tpu.enqueue_dma source(%dma_start3A_474 : memref<128xi32, #tpu.memory_space<hbm>>) target(%dma_start3A_473 : memref<128xi32, #tpu.memory_space<vmem>>) target_semaphore(%arg18 : memref<!tpu.dma_semaphore, #tpu.memory_space<semaphore_mem>>)
      %dma_start3A_475 = arith.constant 0 : i32
      %dma_start3A_476 = arith.constant 0 : i32
      %dma_start3A_477 = tpu.memref_slice %arg7[%dma_start3A_475, %dma_start3A_476] : memref<2x128xi32, #tpu.memory_space<vmem>> -> memref<1x128xi32, #tpu.memory_space<vmem>>
      %dma_start3A_478 = tpu.memref_squeeze %dma_start3A_477 : memref<1x128xi32, #tpu.memory_space<vmem>> -> memref<128xi32, #tpu.memory_space<vmem>>
      %dma_start3A_479 = tpu.memref_slice %arg4[%add3A_465] : memref<320000xi32, #tpu.memory_space<hbm>> -> memref<128xi32, #tpu.memory_space<hbm>>
      %dma_start3A_480 = arith.constant 0 : i32
      %dma_start3A_481 = tpu.memref_slice %arg7[%dma_start3A_475, %dma_start3A_480] : memref<2x128xi32, #tpu.memory_space<vmem>> -> memref<1x128xi32, #tpu.memory_space<vmem>>
      %dma_start3A_482 = tpu.memref_squeeze %dma_start3A_481 : memref<1x128xi32, #tpu.memory_space<vmem>> -> memref<128xi32, #tpu.memory_space<vmem>>
      %dma_start3A_483 = tpu.memref_slice %arg4[%add3A_465] : memref<320000xi32, #tpu.memory_space<hbm>> -> memref<128xi32, #tpu.memory_space<hbm>>
      tpu.enqueue_dma source(%dma_start3A_483 : memref<128xi32, #tpu.memory_space<hbm>>) target(%dma_start3A_482 : memref<128xi32, #tpu.memory_space<vmem>>) target_semaphore(%arg18 : memref<!tpu.dma_semaphore, #tpu.memory_space<semaphore_mem>>)
      %add3A_484 = arith.constant 1 : i32
      %add3A_485 = arith.addi %mul3A_404, %add3A_484 : i32
      %add3A_486 = arith.constant 2 : i32
      %add3A_487 = arith.addi %add3A_485, %add3A_486 : i32
      %sub3A_488 = arith.constant 1 : i32
      %sub3A_489 = arith.subi %add3A_487, %sub3A_488 : i32
      %mul3A_490 = arith.constant 128 : i32
      %mul3A_491 = arith.muli %sub3A_489, %mul3A_490 : i32
      %add3A_492 = arith.addi %mul3A_2, %mul3A_491 : i32
      %dma_wait3A_493 = arith.constant 0 : i32
      %dma_wait3A_494 = arith.constant 0 : i32
      %dma_wait3A_495 = tpu.memref_slice %arg6[%dma_wait3A_493, %dma_wait3A_494] : memref<2x128xi32, #tpu.memory_space<vmem>> -> memref<1x128xi32, #tpu.memory_space<vmem>>
      %dma_wait3A_496 = tpu.memref_squeeze %dma_wait3A_495 : memref<1x128xi32, #tpu.memory_space<vmem>> -> memref<128xi32, #tpu.memory_space<vmem>>
      %dma_wait3A_497 = tpu.memref_slice %arg3[%add3A_492] : memref<320000xi32, #tpu.memory_space<hbm>> -> memref<128xi32, #tpu.memory_space<hbm>>
      %dma_wait3A_498 = arith.constant 0 : i32
      %dma_wait3A_499 = tpu.memref_slice %arg6[%dma_wait3A_493, %dma_wait3A_498] : memref<2x128xi32, #tpu.memory_space<vmem>> -> memref<1x128xi32, #tpu.memory_space<vmem>>
      %dma_wait3A_500 = tpu.memref_squeeze %dma_wait3A_499 : memref<1x128xi32, #tpu.memory_space<vmem>> -> memref<128xi32, #tpu.memory_space<vmem>>
      %dma_wait3A_501 = tpu.memref_slice %arg3[%add3A_492] : memref<320000xi32, #tpu.memory_space<hbm>> -> memref<128xi32, #tpu.memory_space<hbm>>
      tpu.wait_dma2 semaphore(%arg18 : memref<!tpu.dma_semaphore, #tpu.memory_space<semaphore_mem>>) src(%dma_wait3A_501 : memref<128xi32, #tpu.memory_space<hbm>>) dst(%dma_wait3A_500 : memref<128xi32, #tpu.memory_space<vmem>>)
      %dma_wait3A_502 = arith.constant 0 : i32
      %dma_wait3A_503 = arith.constant 0 : i32
      %dma_wait3A_504 = tpu.memref_slice %arg7[%dma_wait3A_502, %dma_wait3A_503] : memref<2x128xi32, #tpu.memory_space<vmem>> -> memref<1x128xi32, #tpu.memory_space<vmem>>
      %dma_wait3A_505 = tpu.memref_squeeze %dma_wait3A_504 : memref<1x128xi32, #tpu.memory_space<vmem>> -> memref<128xi32, #tpu.memory_space<vmem>>
      %dma_wait3A_506 = tpu.memref_slice %arg4[%add3A_492] : memref<320000xi32, #tpu.memory_space<hbm>> -> memref<128xi32, #tpu.memory_space<hbm>>
      %dma_wait3A_507 = arith.constant 0 : i32
      %dma_wait3A_508 = tpu.memref_slice %arg7[%dma_wait3A_502, %dma_wait3A_507] : memref<2x128xi32, #tpu.memory_space<vmem>> -> memref<1x128xi32, #tpu.memory_space<vmem>>
      %dma_wait3A_509 = tpu.memref_squeeze %dma_wait3A_508 : memref<1x128xi32, #tpu.memory_space<vmem>> -> memref<128xi32, #tpu.memory_space<vmem>>
      %dma_wait3A_510 = tpu.memref_slice %arg4[%add3A_492] : memref<320000xi32, #tpu.memory_space<hbm>> -> memref<128xi32, #tpu.memory_space<hbm>>
      tpu.wait_dma2 semaphore(%arg18 : memref<!tpu.dma_semaphore, #tpu.memory_space<semaphore_mem>>) src(%dma_wait3A_510 : memref<128xi32, #tpu.memory_space<hbm>>) dst(%dma_wait3A_509 : memref<128xi32, #tpu.memory_space<vmem>>)
      %add3A_511 = arith.constant 2 : i32
      %add3A_512 = arith.addi %add3A_485, %add3A_511 : i32
      %sub3A_513 = arith.constant 1 : i32
      %sub3A_514 = arith.subi %add3A_512, %sub3A_513 : i32
      %dma_start3A_515 = arith.constant 0 : i32
      %dma_start3A_516 = arith.constant 0 : i32
      %dma_start3A_517 = arith.constant 0 : i32
      %dma_start3A_518 = arith.constant 0 : i32
      %dma_start3A_519 = tpu.memref_slice %arg8[%dma_start3A_516, %dma_start3A_517, %dma_start3A_518] : memref<2x128x128xf32, #tpu.memory_space<vmem>> -> memref<1x128x128xf32, #tpu.memory_space<vmem>>
      %dma_start3A_520 = tpu.memref_squeeze %dma_start3A_519 : memref<1x128x128xf32, #tpu.memory_space<vmem>> -> memref<128x128xf32, #tpu.memory_space<vmem>>
      %dma_start3A_521 = arith.constant 0 : i32
      %dma_start3A_522 = tpu.memref_slice %arg6[%dma_start3A_515, %dma_start3A_521] : memref<2x128xi32, #tpu.memory_space<vmem>> -> memref<1x128xi32, #tpu.memory_space<vmem>>
      %dma_start3A_523 = tpu.memref_squeeze %dma_start3A_522 : memref<1x128xi32, #tpu.memory_space<vmem>> -> memref<128xi32, #tpu.memory_space<vmem>>
      %dma_start3A_524 = arith.constant 0 : i32
      %dma_start3A_525 = arith.constant 0 : i32
      %dma_start3A_526 = tpu.memref_slice %arg2[%dma_start3A_524, %dma_start3A_525] : memref<10000x128xf32, #tpu.memory_space<hbm>> -> memref<10000x128xf32, #tpu.memory_space<hbm>>
      tpu.enqueue_indirect_dma source(%dma_start3A_526 : memref<10000x128xf32, #tpu.memory_space<hbm>>) target(%dma_start3A_520 : memref<128x128xf32, #tpu.memory_space<vmem>>) offsets(%dma_start3A_523 : memref<128xi32, #tpu.memory_space<vmem>>) semaphore(%arg14 : memref<!tpu.dma_semaphore, #tpu.memory_space<semaphore_mem>>)
      %dma_wait3A_527 = arith.constant 1 : i32
      %dma_wait3A_528 = arith.constant 1 : i32
      %dma_wait3A_529 = arith.constant 0 : i32
      %dma_wait3A_530 = arith.constant 0 : i32
      %dma_wait3A_531 = tpu.memref_slice %arg8[%dma_wait3A_528, %dma_wait3A_529, %dma_wait3A_530] : memref<2x128x128xf32, #tpu.memory_space<vmem>> -> memref<1x128x128xf32, #tpu.memory_space<vmem>>
      %dma_wait3A_532 = tpu.memref_squeeze %dma_wait3A_531 : memref<1x128x128xf32, #tpu.memory_space<vmem>> -> memref<128x128xf32, #tpu.memory_space<vmem>>
      %dma_wait3A_533 = arith.constant 0 : i32
      %dma_wait3A_534 = tpu.memref_slice %arg6[%dma_wait3A_527, %dma_wait3A_533] : memref<2x128xi32, #tpu.memory_space<vmem>> -> memref<1x128xi32, #tpu.memory_space<vmem>>
      %dma_wait3A_535 = tpu.memref_squeeze %dma_wait3A_534 : memref<1x128xi32, #tpu.memory_space<vmem>> -> memref<128xi32, #tpu.memory_space<vmem>>
      %dma_wait3A_536 = arith.constant 0 : i32
      %dma_wait3A_537 = arith.constant 0 : i32
      %dma_wait3A_538 = tpu.memref_slice %arg2[%dma_wait3A_536, %dma_wait3A_537] : memref<10000x128xf32, #tpu.memory_space<hbm>> -> memref<10000x128xf32, #tpu.memory_space<hbm>>
      tpu.wait_indirect_dma semaphore(%arg15 : memref<!tpu.dma_semaphore, #tpu.memory_space<semaphore_mem>>) src(%dma_wait3A_538 : memref<10000x128xf32, #tpu.memory_space<hbm>>) dst(%dma_wait3A_532 : memref<128x128xf32, #tpu.memory_space<vmem>>)
      %run_scoped3A_539 = arith.constant 1 : i32
      %run_scoped3A_540 = arith.constant 1 : i32
      "tpu.region"() ({
        %run_scoped3A_564 = tpu.sem_alloc : memref<!tpu.dma_semaphore, #tpu.memory_space<semaphore_mem>>
        %dma_start3A_565 = arith.constant 0 : i32
        %dma_start3A_566 = arith.constant 0 : i32
        %dma_start3A_567 = tpu.memref_slice %arg8[%run_scoped3A_539, %dma_start3A_565, %dma_start3A_566] : memref<2x128x128xf32, #tpu.memory_space<vmem>> -> memref<1x128x128xf32, #tpu.memory_space<vmem>>
        %dma_start3A_568 = tpu.memref_squeeze %dma_start3A_567 : memref<1x128x128xf32, #tpu.memory_space<vmem>> -> memref<128x128xf32, #tpu.memory_space<vmem>>
        %dma_start3A_569 = arith.constant 0 : i32
        %dma_start3A_570 = tpu.memref_slice %arg7[%run_scoped3A_540, %dma_start3A_569] : memref<2x128xi32, #tpu.memory_space<vmem>> -> memref<1x128xi32, #tpu.memory_space<vmem>>
        %dma_start3A_571 = tpu.memref_squeeze %dma_start3A_570 : memref<1x128xi32, #tpu.memory_space<vmem>> -> memref<128xi32, #tpu.memory_space<vmem>>
        %dma_start3A_572 = arith.constant 0 : i32
        %dma_start3A_573 = arith.constant 0 : i32
        %dma_start3A_574 = tpu.memref_slice %arg13[%dma_start3A_572, %dma_start3A_573] : memref<10240x128xf32, #tpu.memory_space<vmem_shared>> -> memref<10240x128xf32, #tpu.memory_space<vmem_shared>>
        tpu.enqueue_indirect_dma source(%dma_start3A_568 : memref<128x128xf32, #tpu.memory_space<vmem>>) target(%dma_start3A_574 : memref<10240x128xf32, #tpu.memory_space<vmem_shared>>) offsets(%dma_start3A_571 : memref<128xi32, #tpu.memory_space<vmem>>) semaphore(%run_scoped3A_564 : memref<!tpu.dma_semaphore, #tpu.memory_space<semaphore_mem>>) {add = true}
        %dma_wait3A_575 = arith.constant 0 : i32
        %dma_wait3A_576 = arith.constant 0 : i32
        %dma_wait3A_577 = tpu.memref_slice %arg8[%run_scoped3A_539, %dma_wait3A_575, %dma_wait3A_576] : memref<2x128x128xf32, #tpu.memory_space<vmem>> -> memref<1x128x128xf32, #tpu.memory_space<vmem>>
        %dma_wait3A_578 = tpu.memref_squeeze %dma_wait3A_577 : memref<1x128x128xf32, #tpu.memory_space<vmem>> -> memref<128x128xf32, #tpu.memory_space<vmem>>
        %dma_wait3A_579 = arith.constant 0 : i32
        %dma_wait3A_580 = tpu.memref_slice %arg7[%run_scoped3A_540, %dma_wait3A_579] : memref<2x128xi32, #tpu.memory_space<vmem>> -> memref<1x128xi32, #tpu.memory_space<vmem>>
        %dma_wait3A_581 = tpu.memref_squeeze %dma_wait3A_580 : memref<1x128xi32, #tpu.memory_space<vmem>> -> memref<128xi32, #tpu.memory_space<vmem>>
        %dma_wait3A_582 = arith.constant 0 : i32
        %dma_wait3A_583 = arith.constant 0 : i32
        %dma_wait3A_584 = tpu.memref_slice %arg13[%dma_wait3A_582, %dma_wait3A_583] : memref<10240x128xf32, #tpu.memory_space<vmem_shared>> -> memref<10240x128xf32, #tpu.memory_space<vmem_shared>>
        tpu.wait_indirect_dma semaphore(%run_scoped3A_564 : memref<!tpu.dma_semaphore, #tpu.memory_space<semaphore_mem>>) src(%dma_wait3A_578 : memref<128x128xf32, #tpu.memory_space<vmem>>) dst(%dma_wait3A_584 : memref<10240x128xf32, #tpu.memory_space<vmem_shared>>)
        tpu.yield
      }) : () -> ()
      %add3A_541 = arith.constant 2 : i32
      %add3A_542 = arith.addi %add3A_485, %add3A_541 : i32
      %mul3A_543 = arith.constant 128 : i32
      %mul3A_544 = arith.muli %add3A_542, %mul3A_543 : i32
      %add3A_545 = arith.addi %mul3A_2, %mul3A_544 : i32
      %dma_start3A_546 = arith.constant 1 : i32
      %dma_start3A_547 = arith.constant 0 : i32
      %dma_start3A_548 = tpu.memref_slice %arg6[%dma_start3A_546, %dma_start3A_547] : memref<2x128xi32, #tpu.memory_space<vmem>> -> memref<1x128xi32, #tpu.memory_space<vmem>>
      %dma_start3A_549 = tpu.memref_squeeze %dma_start3A_548 : memref<1x128xi32, #tpu.memory_space<vmem>> -> memref<128xi32, #tpu.memory_space<vmem>>
      %dma_start3A_550 = tpu.memref_slice %arg3[%add3A_545] : memref<320000xi32, #tpu.memory_space<hbm>> -> memref<128xi32, #tpu.memory_space<hbm>>
      %dma_start3A_551 = arith.constant 0 : i32
      %dma_start3A_552 = tpu.memref_slice %arg6[%dma_start3A_546, %dma_start3A_551] : memref<2x128xi32, #tpu.memory_space<vmem>> -> memref<1x128xi32, #tpu.memory_space<vmem>>
      %dma_start3A_553 = tpu.memref_squeeze %dma_start3A_552 : memref<1x128xi32, #tpu.memory_space<vmem>> -> memref<128xi32, #tpu.memory_space<vmem>>
      %dma_start3A_554 = tpu.memref_slice %arg3[%add3A_545] : memref<320000xi32, #tpu.memory_space<hbm>> -> memref<128xi32, #tpu.memory_space<hbm>>
      tpu.enqueue_dma source(%dma_start3A_554 : memref<128xi32, #tpu.memory_space<hbm>>) target(%dma_start3A_553 : memref<128xi32, #tpu.memory_space<vmem>>) target_semaphore(%arg19 : memref<!tpu.dma_semaphore, #tpu.memory_space<semaphore_mem>>)
      %dma_start3A_555 = arith.constant 1 : i32
      %dma_start3A_556 = arith.constant 0 : i32
      %dma_start3A_557 = tpu.memref_slice %arg7[%dma_start3A_555, %dma_start3A_556] : memref<2x128xi32, #tpu.memory_space<vmem>> -> memref<1x128xi32, #tpu.memory_space<vmem>>
      %dma_start3A_558 = tpu.memref_squeeze %dma_start3A_557 : memref<1x128xi32, #tpu.memory_space<vmem>> -> memref<128xi32, #tpu.memory_space<vmem>>
      %dma_start3A_559 = tpu.memref_slice %arg4[%add3A_545] : memref<320000xi32, #tpu.memory_space<hbm>> -> memref<128xi32, #tpu.memory_space<hbm>>
      %dma_start3A_560 = arith.constant 0 : i32
      %dma_start3A_561 = tpu.memref_slice %arg7[%dma_start3A_555, %dma_start3A_560] : memref<2x128xi32, #tpu.memory_space<vmem>> -> memref<1x128xi32, #tpu.memory_space<vmem>>
      %dma_start3A_562 = tpu.memref_squeeze %dma_start3A_561 : memref<1x128xi32, #tpu.memory_space<vmem>> -> memref<128xi32, #tpu.memory_space<vmem>>
      %dma_start3A_563 = tpu.memref_slice %arg4[%add3A_545] : memref<320000xi32, #tpu.memory_space<hbm>> -> memref<128xi32, #tpu.memory_space<hbm>>
      tpu.enqueue_dma source(%dma_start3A_563 : memref<128xi32, #tpu.memory_space<hbm>>) target(%dma_start3A_562 : memref<128xi32, #tpu.memory_space<vmem>>) target_semaphore(%arg19 : memref<!tpu.dma_semaphore, #tpu.memory_space<semaphore_mem>>)
    }
    %scan3A_323 = arith.constant 38 : i32
    %add3A_324 = arith.constant 9984 : i32
    %add3A_325 = arith.addi %mul3A_2, %add3A_324 : i32
    %add3A_326 = arith.constant 9856 : i32
    %add3A_327 = arith.addi %mul3A_2, %add3A_326 : i32
    %dma_wait3A_328 = arith.constant 1 : i32
    %dma_wait3A_329 = arith.constant 0 : i32
    %dma_wait3A_330 = tpu.memref_slice %arg6[%dma_wait3A_328, %dma_wait3A_329] : memref<2x128xi32, #tpu.memory_space<vmem>> -> memref<1x128xi32, #tpu.memory_space<vmem>>
    %dma_wait3A_331 = tpu.memref_squeeze %dma_wait3A_330 : memref<1x128xi32, #tpu.memory_space<vmem>> -> memref<128xi32, #tpu.memory_space<vmem>>
    %dma_wait3A_332 = tpu.memref_slice %arg3[%add3A_327] : memref<320000xi32, #tpu.memory_space<hbm>> -> memref<128xi32, #tpu.memory_space<hbm>>
    %dma_wait3A_333 = arith.constant 0 : i32
    %dma_wait3A_334 = tpu.memref_slice %arg6[%dma_wait3A_328, %dma_wait3A_333] : memref<2x128xi32, #tpu.memory_space<vmem>> -> memref<1x128xi32, #tpu.memory_space<vmem>>
    %dma_wait3A_335 = tpu.memref_squeeze %dma_wait3A_334 : memref<1x128xi32, #tpu.memory_space<vmem>> -> memref<128xi32, #tpu.memory_space<vmem>>
    %dma_wait3A_336 = tpu.memref_slice %arg3[%add3A_327] : memref<320000xi32, #tpu.memory_space<hbm>> -> memref<128xi32, #tpu.memory_space<hbm>>
    tpu.wait_dma2 semaphore(%arg19 : memref<!tpu.dma_semaphore, #tpu.memory_space<semaphore_mem>>) src(%dma_wait3A_336 : memref<128xi32, #tpu.memory_space<hbm>>) dst(%dma_wait3A_335 : memref<128xi32, #tpu.memory_space<vmem>>)
    %dma_wait3A_337 = arith.constant 1 : i32
    %dma_wait3A_338 = arith.constant 0 : i32
    %dma_wait3A_339 = tpu.memref_slice %arg7[%dma_wait3A_337, %dma_wait3A_338] : memref<2x128xi32, #tpu.memory_space<vmem>> -> memref<1x128xi32, #tpu.memory_space<vmem>>
    %dma_wait3A_340 = tpu.memref_squeeze %dma_wait3A_339 : memref<1x128xi32, #tpu.memory_space<vmem>> -> memref<128xi32, #tpu.memory_space<vmem>>
    %dma_wait3A_341 = tpu.memref_slice %arg4[%add3A_327] : memref<320000xi32, #tpu.memory_space<hbm>> -> memref<128xi32, #tpu.memory_space<hbm>>
    %dma_wait3A_342 = arith.constant 0 : i32
    %dma_wait3A_343 = tpu.memref_slice %arg7[%dma_wait3A_337, %dma_wait3A_342] : memref<2x128xi32, #tpu.memory_space<vmem>> -> memref<1x128xi32, #tpu.memory_space<vmem>>
    %dma_wait3A_344 = tpu.memref_squeeze %dma_wait3A_343 : memref<1x128xi32, #tpu.memory_space<vmem>> -> memref<128xi32, #tpu.memory_space<vmem>>
    %dma_wait3A_345 = tpu.memref_slice %arg4[%add3A_327] : memref<320000xi32, #tpu.memory_space<hbm>> -> memref<128xi32, #tpu.memory_space<hbm>>
    tpu.wait_dma2 semaphore(%arg19 : memref<!tpu.dma_semaphore, #tpu.memory_space<semaphore_mem>>) src(%dma_wait3A_345 : memref<128xi32, #tpu.memory_space<hbm>>) dst(%dma_wait3A_344 : memref<128xi32, #tpu.memory_space<vmem>>)
    %dma_start3A_346 = arith.constant 1 : i32
    %dma_start3A_347 = arith.constant 1 : i32
    %dma_start3A_348 = arith.constant 0 : i32
    %dma_start3A_349 = arith.constant 0 : i32
    %dma_start3A_350 = tpu.memref_slice %arg8[%dma_start3A_347, %dma_start3A_348, %dma_start3A_349] : memref<2x128x128xf32, #tpu.memory_space<vmem>> -> memref<1x128x128xf32, #tpu.memory_space<vmem>>
    %dma_start3A_351 = tpu.memref_squeeze %dma_start3A_350 : memref<1x128x128xf32, #tpu.memory_space<vmem>> -> memref<128x128xf32, #tpu.memory_space<vmem>>
    %dma_start3A_352 = arith.constant 0 : i32
    %dma_start3A_353 = tpu.memref_slice %arg6[%dma_start3A_346, %dma_start3A_352] : memref<2x128xi32, #tpu.memory_space<vmem>> -> memref<1x128xi32, #tpu.memory_space<vmem>>
    %dma_start3A_354 = tpu.memref_squeeze %dma_start3A_353 : memref<1x128xi32, #tpu.memory_space<vmem>> -> memref<128xi32, #tpu.memory_space<vmem>>
    %dma_start3A_355 = arith.constant 0 : i32
    %dma_start3A_356 = arith.constant 0 : i32
    %dma_start3A_357 = tpu.memref_slice %arg2[%dma_start3A_355, %dma_start3A_356] : memref<10000x128xf32, #tpu.memory_space<hbm>> -> memref<10000x128xf32, #tpu.memory_space<hbm>>
    tpu.enqueue_indirect_dma source(%dma_start3A_357 : memref<10000x128xf32, #tpu.memory_space<hbm>>) target(%dma_start3A_351 : memref<128x128xf32, #tpu.memory_space<vmem>>) offsets(%dma_start3A_354 : memref<128xi32, #tpu.memory_space<vmem>>) semaphore(%arg15 : memref<!tpu.dma_semaphore, #tpu.memory_space<semaphore_mem>>)
    %dma_wait3A_358 = arith.constant 0 : i32
    %dma_wait3A_359 = arith.constant 0 : i32
    %dma_wait3A_360 = arith.constant 0 : i32
    %dma_wait3A_361 = arith.constant 0 : i32
    %dma_wait3A_362 = tpu.memref_slice %arg8[%dma_wait3A_359, %dma_wait3A_360, %dma_wait3A_361] : memref<2x128x128xf32, #tpu.memory_space<vmem>> -> memref<1x128x128xf32, #tpu.memory_space<vmem>>
    %dma_wait3A_363 = tpu.memref_squeeze %dma_wait3A_362 : memref<1x128x128xf32, #tpu.memory_space<vmem>> -> memref<128x128xf32, #tpu.memory_space<vmem>>
    %dma_wait3A_364 = arith.constant 0 : i32
    %dma_wait3A_365 = tpu.memref_slice %arg6[%dma_wait3A_358, %dma_wait3A_364] : memref<2x128xi32, #tpu.memory_space<vmem>> -> memref<1x128xi32, #tpu.memory_space<vmem>>
    %dma_wait3A_366 = tpu.memref_squeeze %dma_wait3A_365 : memref<1x128xi32, #tpu.memory_space<vmem>> -> memref<128xi32, #tpu.memory_space<vmem>>
    %dma_wait3A_367 = arith.constant 0 : i32
    %dma_wait3A_368 = arith.constant 0 : i32
    %dma_wait3A_369 = tpu.memref_slice %arg2[%dma_wait3A_367, %dma_wait3A_368] : memref<10000x128xf32, #tpu.memory_space<hbm>> -> memref<10000x128xf32, #tpu.memory_space<hbm>>
    tpu.wait_indirect_dma semaphore(%arg14 : memref<!tpu.dma_semaphore, #tpu.memory_space<semaphore_mem>>) src(%dma_wait3A_369 : memref<10000x128xf32, #tpu.memory_space<hbm>>) dst(%dma_wait3A_363 : memref<128x128xf32, #tpu.memory_space<vmem>>)
    %run_scoped3A = arith.constant 0 : i32
    %run_scoped3A_370 = arith.constant 0 : i32
    "tpu.region"() ({
      %run_scoped3A_402 = tpu.sem_alloc : memref<!tpu.dma_semaphore, #tpu.memory_space<semaphore_mem>>
      %dma_start3A_403 = arith.constant 0 : i32
      %dma_start3A_404 = arith.constant 0 : i32
      %dma_start3A_405 = tpu.memref_slice %arg8[%run_scoped3A, %dma_start3A_403, %dma_start3A_404] : memref<2x128x128xf32, #tpu.memory_space<vmem>> -> memref<1x128x128xf32, #tpu.memory_space<vmem>>
      %dma_start3A_406 = tpu.memref_squeeze %dma_start3A_405 : memref<1x128x128xf32, #tpu.memory_space<vmem>> -> memref<128x128xf32, #tpu.memory_space<vmem>>
      %dma_start3A_407 = arith.constant 0 : i32
      %dma_start3A_408 = tpu.memref_slice %arg7[%run_scoped3A_370, %dma_start3A_407] : memref<2x128xi32, #tpu.memory_space<vmem>> -> memref<1x128xi32, #tpu.memory_space<vmem>>
      %dma_start3A_409 = tpu.memref_squeeze %dma_start3A_408 : memref<1x128xi32, #tpu.memory_space<vmem>> -> memref<128xi32, #tpu.memory_space<vmem>>
      %dma_start3A_410 = arith.constant 0 : i32
      %dma_start3A_411 = arith.constant 0 : i32
      %dma_start3A_412 = tpu.memref_slice %arg13[%dma_start3A_410, %dma_start3A_411] : memref<10240x128xf32, #tpu.memory_space<vmem_shared>> -> memref<10240x128xf32, #tpu.memory_space<vmem_shared>>
      tpu.enqueue_indirect_dma source(%dma_start3A_406 : memref<128x128xf32, #tpu.memory_space<vmem>>) target(%dma_start3A_412 : memref<10240x128xf32, #tpu.memory_space<vmem_shared>>) offsets(%dma_start3A_409 : memref<128xi32, #tpu.memory_space<vmem>>) semaphore(%run_scoped3A_402 : memref<!tpu.dma_semaphore, #tpu.memory_space<semaphore_mem>>) {add = true}
      %dma_wait3A_413 = arith.constant 0 : i32
      %dma_wait3A_414 = arith.constant 0 : i32
      %dma_wait3A_415 = tpu.memref_slice %arg8[%run_scoped3A, %dma_wait3A_413, %dma_wait3A_414] : memref<2x128x128xf32, #tpu.memory_space<vmem>> -> memref<1x128x128xf32, #tpu.memory_space<vmem>>
      %dma_wait3A_416 = tpu.memref_squeeze %dma_wait3A_415 : memref<1x128x128xf32, #tpu.memory_space<vmem>> -> memref<128x128xf32, #tpu.memory_space<vmem>>
      %dma_wait3A_417 = arith.constant 0 : i32
      %dma_wait3A_418 = tpu.memref_slice %arg7[%run_scoped3A_370, %dma_wait3A_417] : memref<2x128xi32, #tpu.memory_space<vmem>> -> memref<1x128xi32, #tpu.memory_space<vmem>>
      %dma_wait3A_419 = tpu.memref_squeeze %dma_wait3A_418 : memref<1x128xi32, #tpu.memory_space<vmem>> -> memref<128xi32, #tpu.memory_space<vmem>>
      %dma_wait3A_420 = arith.constant 0 : i32
      %dma_wait3A_421 = arith.constant 0 : i32
      %dma_wait3A_422 = tpu.memref_slice %arg13[%dma_wait3A_420, %dma_wait3A_421] : memref<10240x128xf32, #tpu.memory_space<vmem_shared>> -> memref<10240x128xf32, #tpu.memory_space<vmem_shared>>
      tpu.wait_indirect_dma semaphore(%run_scoped3A_402 : memref<!tpu.dma_semaphore, #tpu.memory_space<semaphore_mem>>) src(%dma_wait3A_416 : memref<128x128xf32, #tpu.memory_space<vmem>>) dst(%dma_wait3A_422 : memref<10240x128xf32, #tpu.memory_space<vmem_shared>>)
      tpu.yield
    }) : () -> ()
    %dma_start3A_371 = tpu.memref_slice %arg3[%add3A_325] : memref<320000xi32, #tpu.memory_space<hbm>> -> memref<16xi32, #tpu.memory_space<hbm>>
    %dma_start3A_372 = tpu.memref_slice %arg3[%add3A_325] : memref<320000xi32, #tpu.memory_space<hbm>> -> memref<16xi32, #tpu.memory_space<hbm>>
    tpu.enqueue_dma source(%dma_start3A_372 : memref<16xi32, #tpu.memory_space<hbm>>) target(%arg10 : memref<16xi32, #tpu.memory_space<vmem>>) target_semaphore(%arg18 : memref<!tpu.dma_semaphore, #tpu.memory_space<semaphore_mem>>)
    %dma_start3A_373 = tpu.memref_slice %arg4[%add3A_325] : memref<320000xi32, #tpu.memory_space<hbm>> -> memref<16xi32, #tpu.memory_space<hbm>>
    %dma_start3A_374 = tpu.memref_slice %arg4[%add3A_325] : memref<320000xi32, #tpu.memory_space<hbm>> -> memref<16xi32, #tpu.memory_space<hbm>>
    tpu.enqueue_dma source(%dma_start3A_374 : memref<16xi32, #tpu.memory_space<hbm>>) target(%arg11 : memref<16xi32, #tpu.memory_space<vmem>>) target_semaphore(%arg18 : memref<!tpu.dma_semaphore, #tpu.memory_space<semaphore_mem>>)
    %dma_wait3A_375 = arith.constant 1 : i32
    %dma_wait3A_376 = arith.constant 1 : i32
    %dma_wait3A_377 = arith.constant 0 : i32
    %dma_wait3A_378 = arith.constant 0 : i32
    %dma_wait3A_379 = tpu.memref_slice %arg8[%dma_wait3A_376, %dma_wait3A_377, %dma_wait3A_378] : memref<2x128x128xf32, #tpu.memory_space<vmem>> -> memref<1x128x128xf32, #tpu.memory_space<vmem>>
    %dma_wait3A_380 = tpu.memref_squeeze %dma_wait3A_379 : memref<1x128x128xf32, #tpu.memory_space<vmem>> -> memref<128x128xf32, #tpu.memory_space<vmem>>
    %dma_wait3A_381 = arith.constant 0 : i32
    %dma_wait3A_382 = tpu.memref_slice %arg6[%dma_wait3A_375, %dma_wait3A_381] : memref<2x128xi32, #tpu.memory_space<vmem>> -> memref<1x128xi32, #tpu.memory_space<vmem>>
    %dma_wait3A_383 = tpu.memref_squeeze %dma_wait3A_382 : memref<1x128xi32, #tpu.memory_space<vmem>> -> memref<128xi32, #tpu.memory_space<vmem>>
    %dma_wait3A_384 = arith.constant 0 : i32
    %dma_wait3A_385 = arith.constant 0 : i32
    %dma_wait3A_386 = tpu.memref_slice %arg2[%dma_wait3A_384, %dma_wait3A_385] : memref<10000x128xf32, #tpu.memory_space<hbm>> -> memref<10000x128xf32, #tpu.memory_space<hbm>>
    tpu.wait_indirect_dma semaphore(%arg15 : memref<!tpu.dma_semaphore, #tpu.memory_space<semaphore_mem>>) src(%dma_wait3A_386 : memref<10000x128xf32, #tpu.memory_space<hbm>>) dst(%dma_wait3A_380 : memref<128x128xf32, #tpu.memory_space<vmem>>)
    %run_scoped3A_387 = arith.constant 1 : i32
    %run_scoped3A_388 = arith.constant 1 : i32
    "tpu.region"() ({
      %run_scoped3A_402 = tpu.sem_alloc : memref<!tpu.dma_semaphore, #tpu.memory_space<semaphore_mem>>
      %dma_start3A_403 = arith.constant 0 : i32
      %dma_start3A_404 = arith.constant 0 : i32
      %dma_start3A_405 = tpu.memref_slice %arg8[%run_scoped3A_387, %dma_start3A_403, %dma_start3A_404] : memref<2x128x128xf32, #tpu.memory_space<vmem>> -> memref<1x128x128xf32, #tpu.memory_space<vmem>>
      %dma_start3A_406 = tpu.memref_squeeze %dma_start3A_405 : memref<1x128x128xf32, #tpu.memory_space<vmem>> -> memref<128x128xf32, #tpu.memory_space<vmem>>
      %dma_start3A_407 = arith.constant 0 : i32
      %dma_start3A_408 = tpu.memref_slice %arg7[%run_scoped3A_388, %dma_start3A_407] : memref<2x128xi32, #tpu.memory_space<vmem>> -> memref<1x128xi32, #tpu.memory_space<vmem>>
      %dma_start3A_409 = tpu.memref_squeeze %dma_start3A_408 : memref<1x128xi32, #tpu.memory_space<vmem>> -> memref<128xi32, #tpu.memory_space<vmem>>
      %dma_start3A_410 = arith.constant 0 : i32
      %dma_start3A_411 = arith.constant 0 : i32
      %dma_start3A_412 = tpu.memref_slice %arg13[%dma_start3A_410, %dma_start3A_411] : memref<10240x128xf32, #tpu.memory_space<vmem_shared>> -> memref<10240x128xf32, #tpu.memory_space<vmem_shared>>
      tpu.enqueue_indirect_dma source(%dma_start3A_406 : memref<128x128xf32, #tpu.memory_space<vmem>>) target(%dma_start3A_412 : memref<10240x128xf32, #tpu.memory_space<vmem_shared>>) offsets(%dma_start3A_409 : memref<128xi32, #tpu.memory_space<vmem>>) semaphore(%run_scoped3A_402 : memref<!tpu.dma_semaphore, #tpu.memory_space<semaphore_mem>>) {add = true}
      %dma_wait3A_413 = arith.constant 0 : i32
      %dma_wait3A_414 = arith.constant 0 : i32
      %dma_wait3A_415 = tpu.memref_slice %arg8[%run_scoped3A_387, %dma_wait3A_413, %dma_wait3A_414] : memref<2x128x128xf32, #tpu.memory_space<vmem>> -> memref<1x128x128xf32, #tpu.memory_space<vmem>>
      %dma_wait3A_416 = tpu.memref_squeeze %dma_wait3A_415 : memref<1x128x128xf32, #tpu.memory_space<vmem>> -> memref<128x128xf32, #tpu.memory_space<vmem>>
      %dma_wait3A_417 = arith.constant 0 : i32
      %dma_wait3A_418 = tpu.memref_slice %arg7[%run_scoped3A_388, %dma_wait3A_417] : memref<2x128xi32, #tpu.memory_space<vmem>> -> memref<1x128xi32, #tpu.memory_space<vmem>>
      %dma_wait3A_419 = tpu.memref_squeeze %dma_wait3A_418 : memref<1x128xi32, #tpu.memory_space<vmem>> -> memref<128xi32, #tpu.memory_space<vmem>>
      %dma_wait3A_420 = arith.constant 0 : i32
      %dma_wait3A_421 = arith.constant 0 : i32
      %dma_wait3A_422 = tpu.memref_slice %arg13[%dma_wait3A_420, %dma_wait3A_421] : memref<10240x128xf32, #tpu.memory_space<vmem_shared>> -> memref<10240x128xf32, #tpu.memory_space<vmem_shared>>
      tpu.wait_indirect_dma semaphore(%run_scoped3A_402 : memref<!tpu.dma_semaphore, #tpu.memory_space<semaphore_mem>>) src(%dma_wait3A_416 : memref<128x128xf32, #tpu.memory_space<vmem>>) dst(%dma_wait3A_422 : memref<10240x128xf32, #tpu.memory_space<vmem_shared>>)
      tpu.yield
    }) : () -> ()
    %dma_wait3A_389 = tpu.memref_slice %arg3[%add3A_325] : memref<320000xi32, #tpu.memory_space<hbm>> -> memref<16xi32, #tpu.memory_space<hbm>>
    %dma_wait3A_390 = tpu.memref_slice %arg3[%add3A_325] : memref<320000xi32, #tpu.memory_space<hbm>> -> memref<16xi32, #tpu.memory_space<hbm>>
    tpu.wait_dma2 semaphore(%arg18 : memref<!tpu.dma_semaphore, #tpu.memory_space<semaphore_mem>>) src(%dma_wait3A_390 : memref<16xi32, #tpu.memory_space<hbm>>) dst(%arg10 : memref<16xi32, #tpu.memory_space<vmem>>)
    %dma_wait3A_391 = tpu.memref_slice %arg4[%add3A_325] : memref<320000xi32, #tpu.memory_space<hbm>> -> memref<16xi32, #tpu.memory_space<hbm>>
    %dma_wait3A_392 = tpu.memref_slice %arg4[%add3A_325] : memref<320000xi32, #tpu.memory_space<hbm>> -> memref<16xi32, #tpu.memory_space<hbm>>
    tpu.wait_dma2 semaphore(%arg18 : memref<!tpu.dma_semaphore, #tpu.memory_space<semaphore_mem>>) src(%dma_wait3A_392 : memref<16xi32, #tpu.memory_space<hbm>>) dst(%arg11 : memref<16xi32, #tpu.memory_space<vmem>>)
    %dma_start3A_393 = arith.constant 0 : i32
    %dma_start3A_394 = arith.constant 0 : i32
    %dma_start3A_395 = tpu.memref_slice %arg2[%dma_start3A_393, %dma_start3A_394] : memref<10000x128xf32, #tpu.memory_space<hbm>> -> memref<10000x128xf32, #tpu.memory_space<hbm>>
    tpu.enqueue_indirect_dma source(%dma_start3A_395 : memref<10000x128xf32, #tpu.memory_space<hbm>>) target(%arg12 : memref<16x128xf32, #tpu.memory_space<vmem>>) offsets(%arg10 : memref<16xi32, #tpu.memory_space<vmem>>) semaphore(%arg14 : memref<!tpu.dma_semaphore, #tpu.memory_space<semaphore_mem>>)
    %dma_wait3A_396 = arith.constant 0 : i32
    %dma_wait3A_397 = arith.constant 0 : i32
    %dma_wait3A_398 = tpu.memref_slice %arg2[%dma_wait3A_396, %dma_wait3A_397] : memref<10000x128xf32, #tpu.memory_space<hbm>> -> memref<10000x128xf32, #tpu.memory_space<hbm>>
    tpu.wait_indirect_dma semaphore(%arg14 : memref<!tpu.dma_semaphore, #tpu.memory_space<semaphore_mem>>) src(%dma_wait3A_398 : memref<10000x128xf32, #tpu.memory_space<hbm>>) dst(%arg12 : memref<16x128xf32, #tpu.memory_space<vmem>>)
    "tpu.region"() ({
      %run_scoped3A_402 = tpu.sem_alloc : memref<!tpu.dma_semaphore, #tpu.memory_space<semaphore_mem>>
      %dma_start3A_403 = arith.constant 0 : i32
      %dma_start3A_404 = arith.constant 0 : i32
      %dma_start3A_405 = tpu.memref_slice %arg13[%dma_start3A_403, %dma_start3A_404] : memref<10240x128xf32, #tpu.memory_space<vmem_shared>> -> memref<10240x128xf32, #tpu.memory_space<vmem_shared>>
      tpu.enqueue_indirect_dma source(%arg12 : memref<16x128xf32, #tpu.memory_space<vmem>>) target(%dma_start3A_405 : memref<10240x128xf32, #tpu.memory_space<vmem_shared>>) offsets(%arg11 : memref<16xi32, #tpu.memory_space<vmem>>) semaphore(%run_scoped3A_402 : memref<!tpu.dma_semaphore, #tpu.memory_space<semaphore_mem>>) {add = true}
      %dma_wait3A_406 = arith.constant 0 : i32
      %dma_wait3A_407 = arith.constant 0 : i32
      %dma_wait3A_408 = tpu.memref_slice %arg13[%dma_wait3A_406, %dma_wait3A_407] : memref<10240x128xf32, #tpu.memory_space<vmem_shared>> -> memref<10240x128xf32, #tpu.memory_space<vmem_shared>>
      tpu.wait_indirect_dma semaphore(%run_scoped3A_402 : memref<!tpu.dma_semaphore, #tpu.memory_space<semaphore_mem>>) src(%arg12 : memref<16x128xf32, #tpu.memory_space<vmem>>) dst(%dma_wait3A_408 : memref<10240x128xf32, #tpu.memory_space<vmem_shared>>)
      tpu.yield
    }) : () -> ()
    %barrier3A_399 = arith.constant 0 : index
    tpu.barrier barrier_id(%barrier3A_399)
    %mul3A_400 = arith.constant 640 : i32
    %mul3A_401 = arith.muli %arg1, %mul3A_400 : i32
    "tpu.region"() ({
      %run_scoped3A_402 = tpu.sem_alloc : memref<!tpu.dma_semaphore, #tpu.memory_space<semaphore_mem>>
      %dma_start3A_403 = arith.constant 0 : i32
      %dma_start3A_404 = tpu.memref_slice %arg5[%arg0, %mul3A_401, %dma_start3A_403] : memref<2x10240x128xf32, #tpu.memory_space<hbm>> -> memref<1x640x128xf32, #tpu.memory_space<hbm>>
      %dma_start3A_405 = tpu.memref_squeeze %dma_start3A_404 : memref<1x640x128xf32, #tpu.memory_space<hbm>> -> memref<640x128xf32, #tpu.memory_space<hbm>>
      %dma_start3A_406 = arith.constant 0 : i32
      %dma_start3A_407 = tpu.memref_slice %arg13[%mul3A_401, %dma_start3A_406] : memref<10240x128xf32, #tpu.memory_space<vmem_shared>> -> memref<640x128xf32, #tpu.memory_space<vmem_shared>>
      tpu.enqueue_dma source(%dma_start3A_407 : memref<640x128xf32, #tpu.memory_space<vmem_shared>>) target(%dma_start3A_405 : memref<640x128xf32, #tpu.memory_space<hbm>>) target_semaphore(%run_scoped3A_402 : memref<!tpu.dma_semaphore, #tpu.memory_space<semaphore_mem>>)
      %dma_wait3A_408 = arith.constant 0 : i32
      %dma_wait3A_409 = tpu.memref_slice %arg5[%arg0, %mul3A_401, %dma_wait3A_408] : memref<2x10240x128xf32, #tpu.memory_space<hbm>> -> memref<1x640x128xf32, #tpu.memory_space<hbm>>
      %dma_wait3A_410 = tpu.memref_squeeze %dma_wait3A_409 : memref<1x640x128xf32, #tpu.memory_space<hbm>> -> memref<640x128xf32, #tpu.memory_space<hbm>>
      %dma_wait3A_411 = arith.constant 0 : i32
      %dma_wait3A_412 = tpu.memref_slice %arg13[%mul3A_401, %dma_wait3A_411] : memref<10240x128xf32, #tpu.memory_space<vmem_shared>> -> memref<640x128xf32, #tpu.memory_space<vmem_shared>>
      tpu.wait_dma2 semaphore(%run_scoped3A_402 : memref<!tpu.dma_semaphore, #tpu.memory_space<semaphore_mem>>) src(%dma_wait3A_412 : memref<640x128xf32, #tpu.memory_space<vmem_shared>>) dst(%dma_wait3A_410 : memref<640x128xf32, #tpu.memory_space<hbm>>)
      tpu.yield
    }) : () -> ()
    return
  }
}

#map = affine_map<(d0, d1) -> (0, 0)>
#map1 = affine_map<(d0, d1) -> (0)>
#map2 = affine_map<(d0, d1) -> (0, 0, 0)>
module attributes {stable_mosaic.version = 14 : i64} {
  func.func @_edge_pass(%arg0: i32, %arg1: i32, %arg2: memref<10000x128xf32, #tpu.memory_space<hbm>>, %arg3: memref<320000xi32, #tpu.memory_space<hbm>>, %arg4: memref<320000xi32, #tpu.memory_space<hbm>>, %arg5: memref<2x10240x128xf32, #tpu.memory_space<hbm>>, %arg6: memref<2x128xi32, #tpu.memory_space<vmem>>, %arg7: memref<2x128xi32, #tpu.memory_space<vmem>>, %arg8: memref<2x128x128xf32, #tpu.memory_space<vmem>>, %arg9: memref<32x128xf32, #tpu.memory_space<vmem>>, %arg10: memref<16xi32, #tpu.memory_space<vmem>>, %arg11: memref<16xi32, #tpu.memory_space<vmem>>, %arg12: memref<16x128xf32, #tpu.memory_space<vmem>>, %arg13: memref<10240x128xf32, #tpu.memory_space<vmem_shared>>, %arg14: memref<!tpu.dma_semaphore, #tpu.memory_space<semaphore_mem>>, %arg15: memref<!tpu.dma_semaphore, #tpu.memory_space<semaphore_mem>>, %arg16: memref<!tpu.dma_semaphore, #tpu.memory_space<semaphore_mem>>, %arg17: memref<!tpu.dma_semaphore, #tpu.memory_space<semaphore_mem>>, %arg18: memref<!tpu.dma_semaphore, #tpu.memory_space<semaphore_mem>>, %arg19: memref<!tpu.dma_semaphore, #tpu.memory_space<semaphore_mem>>, %arg20: memref<!tpu.dma_semaphore, #tpu.memory_space<semaphore_mem>>, %arg21: memref<!tpu.dma_semaphore, #tpu.memory_space<semaphore_mem>>, %arg22: memref<!tpu.dma_semaphore, #tpu.memory_space<semaphore_mem>>) attributes {dimension_semantics = [#tpu.dimension_semantics<core_parallel>, #tpu.dimension_semantics<subcore_parallel>], iteration_bounds = array<i64: 2, 16>, scalar_prefetch = 0 : i64, scratch_operands = 17 : i64, tpu.core_type = #tpu.core_type<sc_vector_subcore>, window_params = [{transform_indices = #map}, {transform_indices = #map1}, {transform_indices = #map1}, {transform_indices = #map2}]} {
    %mul3A = arith.constant 16 : i32
    %mul3A_0 = arith.muli %arg0, %mul3A : i32
    %add3A = arith.addi %mul3A_0, %arg1 : i32
    %mul3A_1 = arith.constant 10000 : i32
    %mul3A_2 = arith.muli %add3A, %mul3A_1 : i32
    %add3A_3 = arith.constant 0 : i32
    %add3A_4 = arith.addi %mul3A_2, %add3A_3 : i32
    %dma_start3A = arith.constant 0 : i32
    %dma_start3A_5 = arith.constant 0 : i32
    %dma_start3A_6 = tpu.memref_slice %arg6[%dma_start3A, %dma_start3A_5] : memref<2x128xi32, #tpu.memory_space<vmem>> -> memref<1x128xi32, #tpu.memory_space<vmem>>
    %dma_start3A_7 = tpu.memref_squeeze %dma_start3A_6 : memref<1x128xi32, #tpu.memory_space<vmem>> -> memref<128xi32, #tpu.memory_space<vmem>>
    %dma_start3A_8 = tpu.memref_slice %arg3[%add3A_4] : memref<320000xi32, #tpu.memory_space<hbm>> -> memref<128xi32, #tpu.memory_space<hbm>>
    %dma_start3A_9 = arith.constant 0 : i32
    %dma_start3A_10 = tpu.memref_slice %arg6[%dma_start3A, %dma_start3A_9] : memref<2x128xi32, #tpu.memory_space<vmem>> -> memref<1x128xi32, #tpu.memory_space<vmem>>
    %dma_start3A_11 = tpu.memref_squeeze %dma_start3A_10 : memref<1x128xi32, #tpu.memory_space<vmem>> -> memref<128xi32, #tpu.memory_space<vmem>>
    %dma_start3A_12 = tpu.memref_slice %arg3[%add3A_4] : memref<320000xi32, #tpu.memory_space<hbm>> -> memref<128xi32, #tpu.memory_space<hbm>>
    tpu.enqueue_dma source(%dma_start3A_12 : memref<128xi32, #tpu.memory_space<hbm>>) target(%dma_start3A_11 : memref<128xi32, #tpu.memory_space<vmem>>) target_semaphore(%arg18 : memref<!tpu.dma_semaphore, #tpu.memory_space<semaphore_mem>>)
    %dma_start3A_13 = arith.constant 0 : i32
    %dma_start3A_14 = arith.constant 0 : i32
    %dma_start3A_15 = tpu.memref_slice %arg7[%dma_start3A_13, %dma_start3A_14] : memref<2x128xi32, #tpu.memory_space<vmem>> -> memref<1x128xi32, #tpu.memory_space<vmem>>
    %dma_start3A_16 = tpu.memref_squeeze %dma_start3A_15 : memref<1x128xi32, #tpu.memory_space<vmem>> -> memref<128xi32, #tpu.memory_space<vmem>>
    %dma_start3A_17 = tpu.memref_slice %arg4[%add3A_4] : memref<320000xi32, #tpu.memory_space<hbm>> -> memref<128xi32, #tpu.memory_space<hbm>>
    %dma_start3A_18 = arith.constant 0 : i32
    %dma_start3A_19 = tpu.memref_slice %arg7[%dma_start3A_13, %dma_start3A_18] : memref<2x128xi32, #tpu.memory_space<vmem>> -> memref<1x128xi32, #tpu.memory_space<vmem>>
    %dma_start3A_20 = tpu.memref_squeeze %dma_start3A_19 : memref<1x128xi32, #tpu.memory_space<vmem>> -> memref<128xi32, #tpu.memory_space<vmem>>
    %dma_start3A_21 = tpu.memref_slice %arg4[%add3A_4] : memref<320000xi32, #tpu.memory_space<hbm>> -> memref<128xi32, #tpu.memory_space<hbm>>
    tpu.enqueue_dma source(%dma_start3A_21 : memref<128xi32, #tpu.memory_space<hbm>>) target(%dma_start3A_20 : memref<128xi32, #tpu.memory_space<vmem>>) target_semaphore(%arg18 : memref<!tpu.dma_semaphore, #tpu.memory_space<semaphore_mem>>)
    %add3A_22 = arith.constant 128 : i32
    %add3A_23 = arith.addi %mul3A_2, %add3A_22 : i32
    %dma_start3A_24 = arith.constant 1 : i32
    %dma_start3A_25 = arith.constant 0 : i32
    %dma_start3A_26 = tpu.memref_slice %arg6[%dma_start3A_24, %dma_start3A_25] : memref<2x128xi32, #tpu.memory_space<vmem>> -> memref<1x128xi32, #tpu.memory_space<vmem>>
    %dma_start3A_27 = tpu.memref_squeeze %dma_start3A_26 : memref<1x128xi32, #tpu.memory_space<vmem>> -> memref<128xi32, #tpu.memory_space<vmem>>
    %dma_start3A_28 = tpu.memref_slice %arg3[%add3A_23] : memref<320000xi32, #tpu.memory_space<hbm>> -> memref<128xi32, #tpu.memory_space<hbm>>
    %dma_start3A_29 = arith.constant 0 : i32
    %dma_start3A_30 = tpu.memref_slice %arg6[%dma_start3A_24, %dma_start3A_29] : memref<2x128xi32, #tpu.memory_space<vmem>> -> memref<1x128xi32, #tpu.memory_space<vmem>>
    %dma_start3A_31 = tpu.memref_squeeze %dma_start3A_30 : memref<1x128xi32, #tpu.memory_space<vmem>> -> memref<128xi32, #tpu.memory_space<vmem>>
    %dma_start3A_32 = tpu.memref_slice %arg3[%add3A_23] : memref<320000xi32, #tpu.memory_space<hbm>> -> memref<128xi32, #tpu.memory_space<hbm>>
    tpu.enqueue_dma source(%dma_start3A_32 : memref<128xi32, #tpu.memory_space<hbm>>) target(%dma_start3A_31 : memref<128xi32, #tpu.memory_space<vmem>>) target_semaphore(%arg19 : memref<!tpu.dma_semaphore, #tpu.memory_space<semaphore_mem>>)
    %dma_start3A_33 = arith.constant 1 : i32
    %dma_start3A_34 = arith.constant 0 : i32
    %dma_start3A_35 = tpu.memref_slice %arg7[%dma_start3A_33, %dma_start3A_34] : memref<2x128xi32, #tpu.memory_space<vmem>> -> memref<1x128xi32, #tpu.memory_space<vmem>>
    %dma_start3A_36 = tpu.memref_squeeze %dma_start3A_35 : memref<1x128xi32, #tpu.memory_space<vmem>> -> memref<128xi32, #tpu.memory_space<vmem>>
    %dma_start3A_37 = tpu.memref_slice %arg4[%add3A_23] : memref<320000xi32, #tpu.memory_space<hbm>> -> memref<128xi32, #tpu.memory_space<hbm>>
    %dma_start3A_38 = arith.constant 0 : i32
    %dma_start3A_39 = tpu.memref_slice %arg7[%dma_start3A_33, %dma_start3A_38] : memref<2x128xi32, #tpu.memory_space<vmem>> -> memref<1x128xi32, #tpu.memory_space<vmem>>
    %dma_start3A_40 = tpu.memref_squeeze %dma_start3A_39 : memref<1x128xi32, #tpu.memory_space<vmem>> -> memref<128xi32, #tpu.memory_space<vmem>>
    %dma_start3A_41 = tpu.memref_slice %arg4[%add3A_23] : memref<320000xi32, #tpu.memory_space<hbm>> -> memref<128xi32, #tpu.memory_space<hbm>>
    tpu.enqueue_dma source(%dma_start3A_41 : memref<128xi32, #tpu.memory_space<hbm>>) target(%dma_start3A_40 : memref<128xi32, #tpu.memory_space<vmem>>) target_semaphore(%arg19 : memref<!tpu.dma_semaphore, #tpu.memory_space<semaphore_mem>>)
    %add3A_42 = arith.constant 0 : i32
    %add3A_43 = arith.addi %mul3A_2, %add3A_42 : i32
    %dma_wait3A = arith.constant 0 : i32
    %dma_wait3A_44 = arith.constant 0 : i32
    %dma_wait3A_45 = tpu.memref_slice %arg6[%dma_wait3A, %dma_wait3A_44] : memref<2x128xi32, #tpu.memory_space<vmem>> -> memref<1x128xi32, #tpu.memory_space<vmem>>
    %dma_wait3A_46 = tpu.memref_squeeze %dma_wait3A_45 : memref<1x128xi32, #tpu.memory_space<vmem>> -> memref<128xi32, #tpu.memory_space<vmem>>
    %dma_wait3A_47 = tpu.memref_slice %arg3[%add3A_43] : memref<320000xi32, #tpu.memory_space<hbm>> -> memref<128xi32, #tpu.memory_space<hbm>>
    %dma_wait3A_48 = arith.constant 0 : i32
    %dma_wait3A_49 = tpu.memref_slice %arg6[%dma_wait3A, %dma_wait3A_48] : memref<2x128xi32, #tpu.memory_space<vmem>> -> memref<1x128xi32, #tpu.memory_space<vmem>>
    %dma_wait3A_50 = tpu.memref_squeeze %dma_wait3A_49 : memref<1x128xi32, #tpu.memory_space<vmem>> -> memref<128xi32, #tpu.memory_space<vmem>>
    %dma_wait3A_51 = tpu.memref_slice %arg3[%add3A_43] : memref<320000xi32, #tpu.memory_space<hbm>> -> memref<128xi32, #tpu.memory_space<hbm>>
    tpu.wait_dma2 semaphore(%arg18 : memref<!tpu.dma_semaphore, #tpu.memory_space<semaphore_mem>>) src(%dma_wait3A_51 : memref<128xi32, #tpu.memory_space<hbm>>) dst(%dma_wait3A_50 : memref<128xi32, #tpu.memory_space<vmem>>)
    %dma_wait3A_52 = arith.constant 0 : i32
    %dma_wait3A_53 = arith.constant 0 : i32
    %dma_wait3A_54 = tpu.memref_slice %arg7[%dma_wait3A_52, %dma_wait3A_53] : memref<2x128xi32, #tpu.memory_space<vmem>> -> memref<1x128xi32, #tpu.memory_space<vmem>>
    %dma_wait3A_55 = tpu.memref_squeeze %dma_wait3A_54 : memref<1x128xi32, #tpu.memory_space<vmem>> -> memref<128xi32, #tpu.memory_space<vmem>>
    %dma_wait3A_56 = tpu.memref_slice %arg4[%add3A_43] : memref<320000xi32, #tpu.memory_space<hbm>> -> memref<128xi32, #tpu.memory_space<hbm>>
    %dma_wait3A_57 = arith.constant 0 : i32
    %dma_wait3A_58 = tpu.memref_slice %arg7[%dma_wait3A_52, %dma_wait3A_57] : memref<2x128xi32, #tpu.memory_space<vmem>> -> memref<1x128xi32, #tpu.memory_space<vmem>>
    %dma_wait3A_59 = tpu.memref_squeeze %dma_wait3A_58 : memref<1x128xi32, #tpu.memory_space<vmem>> -> memref<128xi32, #tpu.memory_space<vmem>>
    %dma_wait3A_60 = tpu.memref_slice %arg4[%add3A_43] : memref<320000xi32, #tpu.memory_space<hbm>> -> memref<128xi32, #tpu.memory_space<hbm>>
    tpu.wait_dma2 semaphore(%arg18 : memref<!tpu.dma_semaphore, #tpu.memory_space<semaphore_mem>>) src(%dma_wait3A_60 : memref<128xi32, #tpu.memory_space<hbm>>) dst(%dma_wait3A_59 : memref<128xi32, #tpu.memory_space<vmem>>)
    %dma_start3A_61 = arith.constant 0 : i32
    %dma_start3A_62 = arith.constant 0 : i32
    %dma_start3A_63 = arith.constant 0 : i32
    %dma_start3A_64 = arith.constant 0 : i32
    %dma_start3A_65 = tpu.memref_slice %arg8[%dma_start3A_62, %dma_start3A_63, %dma_start3A_64] : memref<2x128x128xf32, #tpu.memory_space<vmem>> -> memref<1x128x128xf32, #tpu.memory_space<vmem>>
    %dma_start3A_66 = tpu.memref_squeeze %dma_start3A_65 : memref<1x128x128xf32, #tpu.memory_space<vmem>> -> memref<128x128xf32, #tpu.memory_space<vmem>>
    %dma_start3A_67 = arith.constant 0 : i32
    %dma_start3A_68 = tpu.memref_slice %arg6[%dma_start3A_61, %dma_start3A_67] : memref<2x128xi32, #tpu.memory_space<vmem>> -> memref<1x128xi32, #tpu.memory_space<vmem>>
    %dma_start3A_69 = tpu.memref_squeeze %dma_start3A_68 : memref<1x128xi32, #tpu.memory_space<vmem>> -> memref<128xi32, #tpu.memory_space<vmem>>
    %dma_start3A_70 = arith.constant 0 : i32
    %dma_start3A_71 = arith.constant 0 : i32
    %dma_start3A_72 = tpu.memref_slice %arg2[%dma_start3A_70, %dma_start3A_71] : memref<10000x128xf32, #tpu.memory_space<hbm>> -> memref<10000x128xf32, #tpu.memory_space<hbm>>
    tpu.enqueue_indirect_dma source(%dma_start3A_72 : memref<10000x128xf32, #tpu.memory_space<hbm>>) target(%dma_start3A_66 : memref<128x128xf32, #tpu.memory_space<vmem>>) offsets(%dma_start3A_69 : memref<128xi32, #tpu.memory_space<vmem>>) semaphore(%arg14 : memref<!tpu.dma_semaphore, #tpu.memory_space<semaphore_mem>>)
    %scan3A = arith.constant 0 : i32
    %scan3A_73 = arith.constant 0 : i32
    %scan3A_74 = arith.constant 32 : i32
    %scan3A_75 = arith.addi %scan3A_73, %scan3A_74 : i32
    %scan3A_76 = arith.constant 1 : i32
    scf.for %scan3A_402 = %scan3A_73 to %scan3A_75 step %scan3A_76  : i32 {
      %broadcast_in_dim3A = arith.constant 0.000000e+00 : f32
      %broadcast_in_dim3A_403 = vector.broadcast %broadcast_in_dim3A : f32 to vector<16xf32>
      %swap3A = arith.index_cast %scan3A_402 : i32 to index
      %swap3A_404 = arith.constant 0 : index
      %swap3A_405 = tpu.vector_load %arg9[%swap3A, %swap3A_404] {strides = array<i32>} : memref<32x128xf32, #tpu.memory_space<vmem>>, vector<1x16xf32>,
      %swap3A_406 = vector.shape_cast %swap3A_405 : vector<1x16xf32> to vector<16xf32>
      %swap3A_407 = vector.shape_cast %broadcast_in_dim3A_403 : vector<16xf32> to vector<1x16xf32>
      tpu.vector_store %arg9[%swap3A, %swap3A_404], %swap3A_407 {strides = array<i32>} : memref<32x128xf32, #tpu.memory_space<vmem>>, vector<1x16xf32>,
      %broadcast_in_dim3A_408 = arith.constant 0.000000e+00 : f32
      %broadcast_in_dim3A_409 = vector.broadcast %broadcast_in_dim3A_408 : f32 to vector<16xf32>
      %swap3A_410 = arith.index_cast %scan3A_402 : i32 to index
      %swap3A_411 = arith.constant 16 : index
      %swap3A_412 = tpu.vector_load %arg9[%swap3A_410, %swap3A_411] {strides = array<i32>} : memref<32x128xf32, #tpu.memory_space<vmem>>, vector<1x16xf32>,
      %swap3A_413 = vector.shape_cast %swap3A_412 : vector<1x16xf32> to vector<16xf32>
      %swap3A_414 = vector.shape_cast %broadcast_in_dim3A_409 : vector<16xf32> to vector<1x16xf32>
      tpu.vector_store %arg9[%swap3A_410, %swap3A_411], %swap3A_414 {strides = array<i32>} : memref<32x128xf32, #tpu.memory_space<vmem>>, vector<1x16xf32>,
      %broadcast_in_dim3A_415 = arith.constant 0.000000e+00 : f32
      %broadcast_in_dim3A_416 = vector.broadcast %broadcast_in_dim3A_415 : f32 to vector<16xf32>
      %swap3A_417 = arith.index_cast %scan3A_402 : i32 to index
      %swap3A_418 = arith.constant 32 : index
      %swap3A_419 = tpu.vector_load %arg9[%swap3A_417, %swap3A_418] {strides = array<i32>} : memref<32x128xf32, #tpu.memory_space<vmem>>, vector<1x16xf32>,
      %swap3A_420 = vector.shape_cast %swap3A_419 : vector<1x16xf32> to vector<16xf32>
      %swap3A_421 = vector.shape_cast %broadcast_in_dim3A_416 : vector<16xf32> to vector<1x16xf32>
      tpu.vector_store %arg9[%swap3A_417, %swap3A_418], %swap3A_421 {strides = array<i32>} : memref<32x128xf32, #tpu.memory_space<vmem>>, vector<1x16xf32>,
      %broadcast_in_dim3A_422 = arith.constant 0.000000e+00 : f32
      %broadcast_in_dim3A_423 = vector.broadcast %broadcast_in_dim3A_422 : f32 to vector<16xf32>
      %swap3A_424 = arith.index_cast %scan3A_402 : i32 to index
      %swap3A_425 = arith.constant 48 : index
      %swap3A_426 = tpu.vector_load %arg9[%swap3A_424, %swap3A_425] {strides = array<i32>} : memref<32x128xf32, #tpu.memory_space<vmem>>, vector<1x16xf32>,
      %swap3A_427 = vector.shape_cast %swap3A_426 : vector<1x16xf32> to vector<16xf32>
      %swap3A_428 = vector.shape_cast %broadcast_in_dim3A_423 : vector<16xf32> to vector<1x16xf32>
      tpu.vector_store %arg9[%swap3A_424, %swap3A_425], %swap3A_428 {strides = array<i32>} : memref<32x128xf32, #tpu.memory_space<vmem>>, vector<1x16xf32>,
      %broadcast_in_dim3A_429 = arith.constant 0.000000e+00 : f32
      %broadcast_in_dim3A_430 = vector.broadcast %broadcast_in_dim3A_429 : f32 to vector<16xf32>
      %swap3A_431 = arith.index_cast %scan3A_402 : i32 to index
      %swap3A_432 = arith.constant 64 : index
      %swap3A_433 = tpu.vector_load %arg9[%swap3A_431, %swap3A_432] {strides = array<i32>} : memref<32x128xf32, #tpu.memory_space<vmem>>, vector<1x16xf32>,
      %swap3A_434 = vector.shape_cast %swap3A_433 : vector<1x16xf32> to vector<16xf32>
      %swap3A_435 = vector.shape_cast %broadcast_in_dim3A_430 : vector<16xf32> to vector<1x16xf32>
      tpu.vector_store %arg9[%swap3A_431, %swap3A_432], %swap3A_435 {strides = array<i32>} : memref<32x128xf32, #tpu.memory_space<vmem>>, vector<1x16xf32>,
      %broadcast_in_dim3A_436 = arith.constant 0.000000e+00 : f32
      %broadcast_in_dim3A_437 = vector.broadcast %broadcast_in_dim3A_436 : f32 to vector<16xf32>
      %swap3A_438 = arith.index_cast %scan3A_402 : i32 to index
      %swap3A_439 = arith.constant 80 : index
      %swap3A_440 = tpu.vector_load %arg9[%swap3A_438, %swap3A_439] {strides = array<i32>} : memref<32x128xf32, #tpu.memory_space<vmem>>, vector<1x16xf32>,
      %swap3A_441 = vector.shape_cast %swap3A_440 : vector<1x16xf32> to vector<16xf32>
      %swap3A_442 = vector.shape_cast %broadcast_in_dim3A_437 : vector<16xf32> to vector<1x16xf32>
      tpu.vector_store %arg9[%swap3A_438, %swap3A_439], %swap3A_442 {strides = array<i32>} : memref<32x128xf32, #tpu.memory_space<vmem>>, vector<1x16xf32>,
      %broadcast_in_dim3A_443 = arith.constant 0.000000e+00 : f32
      %broadcast_in_dim3A_444 = vector.broadcast %broadcast_in_dim3A_443 : f32 to vector<16xf32>
      %swap3A_445 = arith.index_cast %scan3A_402 : i32 to index
      %swap3A_446 = arith.constant 96 : index
      %swap3A_447 = tpu.vector_load %arg9[%swap3A_445, %swap3A_446] {strides = array<i32>} : memref<32x128xf32, #tpu.memory_space<vmem>>, vector<1x16xf32>,
      %swap3A_448 = vector.shape_cast %swap3A_447 : vector<1x16xf32> to vector<16xf32>
      %swap3A_449 = vector.shape_cast %broadcast_in_dim3A_444 : vector<16xf32> to vector<1x16xf32>
      tpu.vector_store %arg9[%swap3A_445, %swap3A_446], %swap3A_449 {strides = array<i32>} : memref<32x128xf32, #tpu.memory_space<vmem>>, vector<1x16xf32>,
      %broadcast_in_dim3A_450 = arith.constant 0.000000e+00 : f32
      %broadcast_in_dim3A_451 = vector.broadcast %broadcast_in_dim3A_450 : f32 to vector<16xf32>
      %swap3A_452 = arith.index_cast %scan3A_402 : i32 to index
      %swap3A_453 = arith.constant 112 : index
      %swap3A_454 = tpu.vector_load %arg9[%swap3A_452, %swap3A_453] {strides = array<i32>} : memref<32x128xf32, #tpu.memory_space<vmem>>, vector<1x16xf32>,
      %swap3A_455 = vector.shape_cast %swap3A_454 : vector<1x16xf32> to vector<16xf32>
      %swap3A_456 = vector.shape_cast %broadcast_in_dim3A_451 : vector<16xf32> to vector<1x16xf32>
      tpu.vector_store %arg9[%swap3A_452, %swap3A_453], %swap3A_456 {strides = array<i32>} : memref<32x128xf32, #tpu.memory_space<vmem>>, vector<1x16xf32>,
    }
    %scan3A_77 = arith.constant 32 : i32
    %mul3A_78 = arith.constant 640 : i32
    %mul3A_79 = arith.muli %arg1, %mul3A_78 : i32
    %add3A_80 = arith.constant 0 : i32
    %add3A_81 = arith.addi %mul3A_79, %add3A_80 : i32
    %mul3A_82 = arith.constant 640 : i32
    %mul3A_83 = arith.muli %arg1, %mul3A_82 : i32
    %add3A_84 = arith.constant 32 : i32
    %add3A_85 = arith.addi %mul3A_83, %add3A_84 : i32
    %mul3A_86 = arith.constant 640 : i32
    %mul3A_87 = arith.muli %arg1, %mul3A_86 : i32
    %add3A_88 = arith.constant 64 : i32
    %add3A_89 = arith.addi %mul3A_87, %add3A_88 : i32
    %mul3A_90 = arith.constant 640 : i32
    %mul3A_91 = arith.muli %arg1, %mul3A_90 : i32
    %add3A_92 = arith.constant 96 : i32
    %add3A_93 = arith.addi %mul3A_91, %add3A_92 : i32
    %mul3A_94 = arith.constant 640 : i32
    %mul3A_95 = arith.muli %arg1, %mul3A_94 : i32
    %add3A_96 = arith.constant 128 : i32
    %add3A_97 = arith.addi %mul3A_95, %add3A_96 : i32
    %mul3A_98 = arith.constant 640 : i32
    %mul3A_99 = arith.muli %arg1, %mul3A_98 : i32
    %add3A_100 = arith.constant 160 : i32
    %add3A_101 = arith.addi %mul3A_99, %add3A_100 : i32
    %mul3A_102 = arith.constant 640 : i32
    %mul3A_103 = arith.muli %arg1, %mul3A_102 : i32
    %add3A_104 = arith.constant 192 : i32
    %add3A_105 = arith.addi %mul3A_103, %add3A_104 : i32
    %mul3A_106 = arith.constant 640 : i32
    %mul3A_107 = arith.muli %arg1, %mul3A_106 : i32
    %add3A_108 = arith.constant 224 : i32
    %add3A_109 = arith.addi %mul3A_107, %add3A_108 : i32
    %mul3A_110 = arith.constant 640 : i32
    %mul3A_111 = arith.muli %arg1, %mul3A_110 : i32
    %add3A_112 = arith.constant 256 : i32
    %add3A_113 = arith.addi %mul3A_111, %add3A_112 : i32
    %mul3A_114 = arith.constant 640 : i32
    %mul3A_115 = arith.muli %arg1, %mul3A_114 : i32
    %add3A_116 = arith.constant 288 : i32
    %add3A_117 = arith.addi %mul3A_115, %add3A_116 : i32
    %mul3A_118 = arith.constant 640 : i32
    %mul3A_119 = arith.muli %arg1, %mul3A_118 : i32
    %add3A_120 = arith.constant 320 : i32
    %add3A_121 = arith.addi %mul3A_119, %add3A_120 : i32
    %mul3A_122 = arith.constant 640 : i32
    %mul3A_123 = arith.muli %arg1, %mul3A_122 : i32
    %add3A_124 = arith.constant 352 : i32
    %add3A_125 = arith.addi %mul3A_123, %add3A_124 : i32
    %mul3A_126 = arith.constant 640 : i32
    %mul3A_127 = arith.muli %arg1, %mul3A_126 : i32
    %add3A_128 = arith.constant 384 : i32
    %add3A_129 = arith.addi %mul3A_127, %add3A_128 : i32
    %mul3A_130 = arith.constant 640 : i32
    %mul3A_131 = arith.muli %arg1, %mul3A_130 : i32
    %add3A_132 = arith.constant 416 : i32
    %add3A_133 = arith.addi %mul3A_131, %add3A_132 : i32
    %mul3A_134 = arith.constant 640 : i32
    %mul3A_135 = arith.muli %arg1, %mul3A_134 : i32
    %add3A_136 = arith.constant 448 : i32
    %add3A_137 = arith.addi %mul3A_135, %add3A_136 : i32
    %mul3A_138 = arith.constant 640 : i32
    %mul3A_139 = arith.muli %arg1, %mul3A_138 : i32
    %add3A_140 = arith.constant 480 : i32
    %add3A_141 = arith.addi %mul3A_139, %add3A_140 : i32
    %mul3A_142 = arith.constant 640 : i32
    %mul3A_143 = arith.muli %arg1, %mul3A_142 : i32
    %add3A_144 = arith.constant 512 : i32
    %add3A_145 = arith.addi %mul3A_143, %add3A_144 : i32
    %mul3A_146 = arith.constant 640 : i32
    %mul3A_147 = arith.muli %arg1, %mul3A_146 : i32
    %add3A_148 = arith.constant 544 : i32
    %add3A_149 = arith.addi %mul3A_147, %add3A_148 : i32
    %mul3A_150 = arith.constant 640 : i32
    %mul3A_151 = arith.muli %arg1, %mul3A_150 : i32
    %add3A_152 = arith.constant 576 : i32
    %add3A_153 = arith.addi %mul3A_151, %add3A_152 : i32
    %mul3A_154 = arith.constant 640 : i32
    %mul3A_155 = arith.muli %arg1, %mul3A_154 : i32
    %add3A_156 = arith.constant 608 : i32
    %add3A_157 = arith.addi %mul3A_155, %add3A_156 : i32
    %dma_start3A_158 = arith.constant 0 : i32
    %dma_start3A_159 = tpu.memref_slice %arg13[%add3A_81, %dma_start3A_158] : memref<10240x128xf32, #tpu.memory_space<vmem_shared>> -> memref<32x128xf32, #tpu.memory_space<vmem_shared>>
    %dma_start3A_160 = arith.constant 0 : i32
    %dma_start3A_161 = tpu.memref_slice %arg13[%add3A_81, %dma_start3A_160] : memref<10240x128xf32, #tpu.memory_space<vmem_shared>> -> memref<32x128xf32, #tpu.memory_space<vmem_shared>>
    tpu.enqueue_dma source(%arg9 : memref<32x128xf32, #tpu.memory_space<vmem>>) target(%dma_start3A_161 : memref<32x128xf32, #tpu.memory_space<vmem_shared>>) target_semaphore(%arg22 : memref<!tpu.dma_semaphore, #tpu.memory_space<semaphore_mem>>)
    %dma_start3A_162 = arith.constant 0 : i32
    %dma_start3A_163 = tpu.memref_slice %arg13[%add3A_85, %dma_start3A_162] : memref<10240x128xf32, #tpu.memory_space<vmem_shared>> -> memref<32x128xf32, #tpu.memory_space<vmem_shared>>
    %dma_start3A_164 = arith.constant 0 : i32
    %dma_start3A_165 = tpu.memref_slice %arg13[%add3A_85, %dma_start3A_164] : memref<10240x128xf32, #tpu.memory_space<vmem_shared>> -> memref<32x128xf32, #tpu.memory_space<vmem_shared>>
    tpu.enqueue_dma source(%arg9 : memref<32x128xf32, #tpu.memory_space<vmem>>) target(%dma_start3A_165 : memref<32x128xf32, #tpu.memory_space<vmem_shared>>) target_semaphore(%arg22 : memref<!tpu.dma_semaphore, #tpu.memory_space<semaphore_mem>>)
    %dma_start3A_166 = arith.constant 0 : i32
    %dma_start3A_167 = tpu.memref_slice %arg13[%add3A_89, %dma_start3A_166] : memref<10240x128xf32, #tpu.memory_space<vmem_shared>> -> memref<32x128xf32, #tpu.memory_space<vmem_shared>>
    %dma_start3A_168 = arith.constant 0 : i32
    %dma_start3A_169 = tpu.memref_slice %arg13[%add3A_89, %dma_start3A_168] : memref<10240x128xf32, #tpu.memory_space<vmem_shared>> -> memref<32x128xf32, #tpu.memory_space<vmem_shared>>
    tpu.enqueue_dma source(%arg9 : memref<32x128xf32, #tpu.memory_space<vmem>>) target(%dma_start3A_169 : memref<32x128xf32, #tpu.memory_space<vmem_shared>>) target_semaphore(%arg22 : memref<!tpu.dma_semaphore, #tpu.memory_space<semaphore_mem>>)
    %dma_start3A_170 = arith.constant 0 : i32
    %dma_start3A_171 = tpu.memref_slice %arg13[%add3A_93, %dma_start3A_170] : memref<10240x128xf32, #tpu.memory_space<vmem_shared>> -> memref<32x128xf32, #tpu.memory_space<vmem_shared>>
    %dma_start3A_172 = arith.constant 0 : i32
    %dma_start3A_173 = tpu.memref_slice %arg13[%add3A_93, %dma_start3A_172] : memref<10240x128xf32, #tpu.memory_space<vmem_shared>> -> memref<32x128xf32, #tpu.memory_space<vmem_shared>>
    tpu.enqueue_dma source(%arg9 : memref<32x128xf32, #tpu.memory_space<vmem>>) target(%dma_start3A_173 : memref<32x128xf32, #tpu.memory_space<vmem_shared>>) target_semaphore(%arg22 : memref<!tpu.dma_semaphore, #tpu.memory_space<semaphore_mem>>)
    %dma_start3A_174 = arith.constant 0 : i32
    %dma_start3A_175 = tpu.memref_slice %arg13[%add3A_97, %dma_start3A_174] : memref<10240x128xf32, #tpu.memory_space<vmem_shared>> -> memref<32x128xf32, #tpu.memory_space<vmem_shared>>
    %dma_start3A_176 = arith.constant 0 : i32
    %dma_start3A_177 = tpu.memref_slice %arg13[%add3A_97, %dma_start3A_176] : memref<10240x128xf32, #tpu.memory_space<vmem_shared>> -> memref<32x128xf32, #tpu.memory_space<vmem_shared>>
    tpu.enqueue_dma source(%arg9 : memref<32x128xf32, #tpu.memory_space<vmem>>) target(%dma_start3A_177 : memref<32x128xf32, #tpu.memory_space<vmem_shared>>) target_semaphore(%arg22 : memref<!tpu.dma_semaphore, #tpu.memory_space<semaphore_mem>>)
    %dma_start3A_178 = arith.constant 0 : i32
    %dma_start3A_179 = tpu.memref_slice %arg13[%add3A_101, %dma_start3A_178] : memref<10240x128xf32, #tpu.memory_space<vmem_shared>> -> memref<32x128xf32, #tpu.memory_space<vmem_shared>>
    %dma_start3A_180 = arith.constant 0 : i32
    %dma_start3A_181 = tpu.memref_slice %arg13[%add3A_101, %dma_start3A_180] : memref<10240x128xf32, #tpu.memory_space<vmem_shared>> -> memref<32x128xf32, #tpu.memory_space<vmem_shared>>
    tpu.enqueue_dma source(%arg9 : memref<32x128xf32, #tpu.memory_space<vmem>>) target(%dma_start3A_181 : memref<32x128xf32, #tpu.memory_space<vmem_shared>>) target_semaphore(%arg22 : memref<!tpu.dma_semaphore, #tpu.memory_space<semaphore_mem>>)
    %dma_start3A_182 = arith.constant 0 : i32
    %dma_start3A_183 = tpu.memref_slice %arg13[%add3A_105, %dma_start3A_182] : memref<10240x128xf32, #tpu.memory_space<vmem_shared>> -> memref<32x128xf32, #tpu.memory_space<vmem_shared>>
    %dma_start3A_184 = arith.constant 0 : i32
    %dma_start3A_185 = tpu.memref_slice %arg13[%add3A_105, %dma_start3A_184] : memref<10240x128xf32, #tpu.memory_space<vmem_shared>> -> memref<32x128xf32, #tpu.memory_space<vmem_shared>>
    tpu.enqueue_dma source(%arg9 : memref<32x128xf32, #tpu.memory_space<vmem>>) target(%dma_start3A_185 : memref<32x128xf32, #tpu.memory_space<vmem_shared>>) target_semaphore(%arg22 : memref<!tpu.dma_semaphore, #tpu.memory_space<semaphore_mem>>)
    %dma_start3A_186 = arith.constant 0 : i32
    %dma_start3A_187 = tpu.memref_slice %arg13[%add3A_109, %dma_start3A_186] : memref<10240x128xf32, #tpu.memory_space<vmem_shared>> -> memref<32x128xf32, #tpu.memory_space<vmem_shared>>
    %dma_start3A_188 = arith.constant 0 : i32
    %dma_start3A_189 = tpu.memref_slice %arg13[%add3A_109, %dma_start3A_188] : memref<10240x128xf32, #tpu.memory_space<vmem_shared>> -> memref<32x128xf32, #tpu.memory_space<vmem_shared>>
    tpu.enqueue_dma source(%arg9 : memref<32x128xf32, #tpu.memory_space<vmem>>) target(%dma_start3A_189 : memref<32x128xf32, #tpu.memory_space<vmem_shared>>) target_semaphore(%arg22 : memref<!tpu.dma_semaphore, #tpu.memory_space<semaphore_mem>>)
    %dma_start3A_190 = arith.constant 0 : i32
    %dma_start3A_191 = tpu.memref_slice %arg13[%add3A_113, %dma_start3A_190] : memref<10240x128xf32, #tpu.memory_space<vmem_shared>> -> memref<32x128xf32, #tpu.memory_space<vmem_shared>>
    %dma_start3A_192 = arith.constant 0 : i32
    %dma_start3A_193 = tpu.memref_slice %arg13[%add3A_113, %dma_start3A_192] : memref<10240x128xf32, #tpu.memory_space<vmem_shared>> -> memref<32x128xf32, #tpu.memory_space<vmem_shared>>
    tpu.enqueue_dma source(%arg9 : memref<32x128xf32, #tpu.memory_space<vmem>>) target(%dma_start3A_193 : memref<32x128xf32, #tpu.memory_space<vmem_shared>>) target_semaphore(%arg22 : memref<!tpu.dma_semaphore, #tpu.memory_space<semaphore_mem>>)
    %dma_start3A_194 = arith.constant 0 : i32
    %dma_start3A_195 = tpu.memref_slice %arg13[%add3A_117, %dma_start3A_194] : memref<10240x128xf32, #tpu.memory_space<vmem_shared>> -> memref<32x128xf32, #tpu.memory_space<vmem_shared>>
    %dma_start3A_196 = arith.constant 0 : i32
    %dma_start3A_197 = tpu.memref_slice %arg13[%add3A_117, %dma_start3A_196] : memref<10240x128xf32, #tpu.memory_space<vmem_shared>> -> memref<32x128xf32, #tpu.memory_space<vmem_shared>>
    tpu.enqueue_dma source(%arg9 : memref<32x128xf32, #tpu.memory_space<vmem>>) target(%dma_start3A_197 : memref<32x128xf32, #tpu.memory_space<vmem_shared>>) target_semaphore(%arg22 : memref<!tpu.dma_semaphore, #tpu.memory_space<semaphore_mem>>)
    %dma_start3A_198 = arith.constant 0 : i32
    %dma_start3A_199 = tpu.memref_slice %arg13[%add3A_121, %dma_start3A_198] : memref<10240x128xf32, #tpu.memory_space<vmem_shared>> -> memref<32x128xf32, #tpu.memory_space<vmem_shared>>
    %dma_start3A_200 = arith.constant 0 : i32
    %dma_start3A_201 = tpu.memref_slice %arg13[%add3A_121, %dma_start3A_200] : memref<10240x128xf32, #tpu.memory_space<vmem_shared>> -> memref<32x128xf32, #tpu.memory_space<vmem_shared>>
    tpu.enqueue_dma source(%arg9 : memref<32x128xf32, #tpu.memory_space<vmem>>) target(%dma_start3A_201 : memref<32x128xf32, #tpu.memory_space<vmem_shared>>) target_semaphore(%arg22 : memref<!tpu.dma_semaphore, #tpu.memory_space<semaphore_mem>>)
    %dma_start3A_202 = arith.constant 0 : i32
    %dma_start3A_203 = tpu.memref_slice %arg13[%add3A_125, %dma_start3A_202] : memref<10240x128xf32, #tpu.memory_space<vmem_shared>> -> memref<32x128xf32, #tpu.memory_space<vmem_shared>>
    %dma_start3A_204 = arith.constant 0 : i32
    %dma_start3A_205 = tpu.memref_slice %arg13[%add3A_125, %dma_start3A_204] : memref<10240x128xf32, #tpu.memory_space<vmem_shared>> -> memref<32x128xf32, #tpu.memory_space<vmem_shared>>
    tpu.enqueue_dma source(%arg9 : memref<32x128xf32, #tpu.memory_space<vmem>>) target(%dma_start3A_205 : memref<32x128xf32, #tpu.memory_space<vmem_shared>>) target_semaphore(%arg22 : memref<!tpu.dma_semaphore, #tpu.memory_space<semaphore_mem>>)
    %dma_start3A_206 = arith.constant 0 : i32
    %dma_start3A_207 = tpu.memref_slice %arg13[%add3A_129, %dma_start3A_206] : memref<10240x128xf32, #tpu.memory_space<vmem_shared>> -> memref<32x128xf32, #tpu.memory_space<vmem_shared>>
    %dma_start3A_208 = arith.constant 0 : i32
    %dma_start3A_209 = tpu.memref_slice %arg13[%add3A_129, %dma_start3A_208] : memref<10240x128xf32, #tpu.memory_space<vmem_shared>> -> memref<32x128xf32, #tpu.memory_space<vmem_shared>>
    tpu.enqueue_dma source(%arg9 : memref<32x128xf32, #tpu.memory_space<vmem>>) target(%dma_start3A_209 : memref<32x128xf32, #tpu.memory_space<vmem_shared>>) target_semaphore(%arg22 : memref<!tpu.dma_semaphore, #tpu.memory_space<semaphore_mem>>)
    %dma_start3A_210 = arith.constant 0 : i32
    %dma_start3A_211 = tpu.memref_slice %arg13[%add3A_133, %dma_start3A_210] : memref<10240x128xf32, #tpu.memory_space<vmem_shared>> -> memref<32x128xf32, #tpu.memory_space<vmem_shared>>
    %dma_start3A_212 = arith.constant 0 : i32
    %dma_start3A_213 = tpu.memref_slice %arg13[%add3A_133, %dma_start3A_212] : memref<10240x128xf32, #tpu.memory_space<vmem_shared>> -> memref<32x128xf32, #tpu.memory_space<vmem_shared>>
    tpu.enqueue_dma source(%arg9 : memref<32x128xf32, #tpu.memory_space<vmem>>) target(%dma_start3A_213 : memref<32x128xf32, #tpu.memory_space<vmem_shared>>) target_semaphore(%arg22 : memref<!tpu.dma_semaphore, #tpu.memory_space<semaphore_mem>>)
    %dma_start3A_214 = arith.constant 0 : i32
    %dma_start3A_215 = tpu.memref_slice %arg13[%add3A_137, %dma_start3A_214] : memref<10240x128xf32, #tpu.memory_space<vmem_shared>> -> memref<32x128xf32, #tpu.memory_space<vmem_shared>>
    %dma_start3A_216 = arith.constant 0 : i32
    %dma_start3A_217 = tpu.memref_slice %arg13[%add3A_137, %dma_start3A_216] : memref<10240x128xf32, #tpu.memory_space<vmem_shared>> -> memref<32x128xf32, #tpu.memory_space<vmem_shared>>
    tpu.enqueue_dma source(%arg9 : memref<32x128xf32, #tpu.memory_space<vmem>>) target(%dma_start3A_217 : memref<32x128xf32, #tpu.memory_space<vmem_shared>>) target_semaphore(%arg22 : memref<!tpu.dma_semaphore, #tpu.memory_space<semaphore_mem>>)
    %dma_start3A_218 = arith.constant 0 : i32
    %dma_start3A_219 = tpu.memref_slice %arg13[%add3A_141, %dma_start3A_218] : memref<10240x128xf32, #tpu.memory_space<vmem_shared>> -> memref<32x128xf32, #tpu.memory_space<vmem_shared>>
    %dma_start3A_220 = arith.constant 0 : i32
    %dma_start3A_221 = tpu.memref_slice %arg13[%add3A_141, %dma_start3A_220] : memref<10240x128xf32, #tpu.memory_space<vmem_shared>> -> memref<32x128xf32, #tpu.memory_space<vmem_shared>>
    tpu.enqueue_dma source(%arg9 : memref<32x128xf32, #tpu.memory_space<vmem>>) target(%dma_start3A_221 : memref<32x128xf32, #tpu.memory_space<vmem_shared>>) target_semaphore(%arg22 : memref<!tpu.dma_semaphore, #tpu.memory_space<semaphore_mem>>)
    %dma_start3A_222 = arith.constant 0 : i32
    %dma_start3A_223 = tpu.memref_slice %arg13[%add3A_145, %dma_start3A_222] : memref<10240x128xf32, #tpu.memory_space<vmem_shared>> -> memref<32x128xf32, #tpu.memory_space<vmem_shared>>
    %dma_start3A_224 = arith.constant 0 : i32
    %dma_start3A_225 = tpu.memref_slice %arg13[%add3A_145, %dma_start3A_224] : memref<10240x128xf32, #tpu.memory_space<vmem_shared>> -> memref<32x128xf32, #tpu.memory_space<vmem_shared>>
    tpu.enqueue_dma source(%arg9 : memref<32x128xf32, #tpu.memory_space<vmem>>) target(%dma_start3A_225 : memref<32x128xf32, #tpu.memory_space<vmem_shared>>) target_semaphore(%arg22 : memref<!tpu.dma_semaphore, #tpu.memory_space<semaphore_mem>>)
    %dma_start3A_226 = arith.constant 0 : i32
    %dma_start3A_227 = tpu.memref_slice %arg13[%add3A_149, %dma_start3A_226] : memref<10240x128xf32, #tpu.memory_space<vmem_shared>> -> memref<32x128xf32, #tpu.memory_space<vmem_shared>>
    %dma_start3A_228 = arith.constant 0 : i32
    %dma_start3A_229 = tpu.memref_slice %arg13[%add3A_149, %dma_start3A_228] : memref<10240x128xf32, #tpu.memory_space<vmem_shared>> -> memref<32x128xf32, #tpu.memory_space<vmem_shared>>
    tpu.enqueue_dma source(%arg9 : memref<32x128xf32, #tpu.memory_space<vmem>>) target(%dma_start3A_229 : memref<32x128xf32, #tpu.memory_space<vmem_shared>>) target_semaphore(%arg22 : memref<!tpu.dma_semaphore, #tpu.memory_space<semaphore_mem>>)
    %dma_start3A_230 = arith.constant 0 : i32
    %dma_start3A_231 = tpu.memref_slice %arg13[%add3A_153, %dma_start3A_230] : memref<10240x128xf32, #tpu.memory_space<vmem_shared>> -> memref<32x128xf32, #tpu.memory_space<vmem_shared>>
    %dma_start3A_232 = arith.constant 0 : i32
    %dma_start3A_233 = tpu.memref_slice %arg13[%add3A_153, %dma_start3A_232] : memref<10240x128xf32, #tpu.memory_space<vmem_shared>> -> memref<32x128xf32, #tpu.memory_space<vmem_shared>>
    tpu.enqueue_dma source(%arg9 : memref<32x128xf32, #tpu.memory_space<vmem>>) target(%dma_start3A_233 : memref<32x128xf32, #tpu.memory_space<vmem_shared>>) target_semaphore(%arg22 : memref<!tpu.dma_semaphore, #tpu.memory_space<semaphore_mem>>)
    %dma_start3A_234 = arith.constant 0 : i32
    %dma_start3A_235 = tpu.memref_slice %arg13[%add3A_157, %dma_start3A_234] : memref<10240x128xf32, #tpu.memory_space<vmem_shared>> -> memref<32x128xf32, #tpu.memory_space<vmem_shared>>
    %dma_start3A_236 = arith.constant 0 : i32
    %dma_start3A_237 = tpu.memref_slice %arg13[%add3A_157, %dma_start3A_236] : memref<10240x128xf32, #tpu.memory_space<vmem_shared>> -> memref<32x128xf32, #tpu.memory_space<vmem_shared>>
    tpu.enqueue_dma source(%arg9 : memref<32x128xf32, #tpu.memory_space<vmem>>) target(%dma_start3A_237 : memref<32x128xf32, #tpu.memory_space<vmem_shared>>) target_semaphore(%arg22 : memref<!tpu.dma_semaphore, #tpu.memory_space<semaphore_mem>>)
    %dma_wait3A_238 = arith.constant 0 : i32
    %dma_wait3A_239 = tpu.memref_slice %arg13[%add3A_81, %dma_wait3A_238] : memref<10240x128xf32, #tpu.memory_space<vmem_shared>> -> memref<32x128xf32, #tpu.memory_space<vmem_shared>>
    %dma_wait3A_240 = arith.constant 0 : i32
    %dma_wait3A_241 = tpu.memref_slice %arg13[%add3A_81, %dma_wait3A_240] : memref<10240x128xf32, #tpu.memory_space<vmem_shared>> -> memref<32x128xf32, #tpu.memory_space<vmem_shared>>
    tpu.wait_dma2 semaphore(%arg22 : memref<!tpu.dma_semaphore, #tpu.memory_space<semaphore_mem>>) src(%arg9 : memref<32x128xf32, #tpu.memory_space<vmem>>) dst(%dma_wait3A_241 : memref<32x128xf32, #tpu.memory_space<vmem_shared>>)
    %dma_wait3A_242 = arith.constant 0 : i32
    %dma_wait3A_243 = tpu.memref_slice %arg13[%add3A_85, %dma_wait3A_242] : memref<10240x128xf32, #tpu.memory_space<vmem_shared>> -> memref<32x128xf32, #tpu.memory_space<vmem_shared>>
    %dma_wait3A_244 = arith.constant 0 : i32
    %dma_wait3A_245 = tpu.memref_slice %arg13[%add3A_85, %dma_wait3A_244] : memref<10240x128xf32, #tpu.memory_space<vmem_shared>> -> memref<32x128xf32, #tpu.memory_space<vmem_shared>>
    tpu.wait_dma2 semaphore(%arg22 : memref<!tpu.dma_semaphore, #tpu.memory_space<semaphore_mem>>) src(%arg9 : memref<32x128xf32, #tpu.memory_space<vmem>>) dst(%dma_wait3A_245 : memref<32x128xf32, #tpu.memory_space<vmem_shared>>)
    %dma_wait3A_246 = arith.constant 0 : i32
    %dma_wait3A_247 = tpu.memref_slice %arg13[%add3A_89, %dma_wait3A_246] : memref<10240x128xf32, #tpu.memory_space<vmem_shared>> -> memref<32x128xf32, #tpu.memory_space<vmem_shared>>
    %dma_wait3A_248 = arith.constant 0 : i32
    %dma_wait3A_249 = tpu.memref_slice %arg13[%add3A_89, %dma_wait3A_248] : memref<10240x128xf32, #tpu.memory_space<vmem_shared>> -> memref<32x128xf32, #tpu.memory_space<vmem_shared>>
    tpu.wait_dma2 semaphore(%arg22 : memref<!tpu.dma_semaphore, #tpu.memory_space<semaphore_mem>>) src(%arg9 : memref<32x128xf32, #tpu.memory_space<vmem>>) dst(%dma_wait3A_249 : memref<32x128xf32, #tpu.memory_space<vmem_shared>>)
    %dma_wait3A_250 = arith.constant 0 : i32
    %dma_wait3A_251 = tpu.memref_slice %arg13[%add3A_93, %dma_wait3A_250] : memref<10240x128xf32, #tpu.memory_space<vmem_shared>> -> memref<32x128xf32, #tpu.memory_space<vmem_shared>>
    %dma_wait3A_252 = arith.constant 0 : i32
    %dma_wait3A_253 = tpu.memref_slice %arg13[%add3A_93, %dma_wait3A_252] : memref<10240x128xf32, #tpu.memory_space<vmem_shared>> -> memref<32x128xf32, #tpu.memory_space<vmem_shared>>
    tpu.wait_dma2 semaphore(%arg22 : memref<!tpu.dma_semaphore, #tpu.memory_space<semaphore_mem>>) src(%arg9 : memref<32x128xf32, #tpu.memory_space<vmem>>) dst(%dma_wait3A_253 : memref<32x128xf32, #tpu.memory_space<vmem_shared>>)
    %dma_wait3A_254 = arith.constant 0 : i32
    %dma_wait3A_255 = tpu.memref_slice %arg13[%add3A_97, %dma_wait3A_254] : memref<10240x128xf32, #tpu.memory_space<vmem_shared>> -> memref<32x128xf32, #tpu.memory_space<vmem_shared>>
    %dma_wait3A_256 = arith.constant 0 : i32
    %dma_wait3A_257 = tpu.memref_slice %arg13[%add3A_97, %dma_wait3A_256] : memref<10240x128xf32, #tpu.memory_space<vmem_shared>> -> memref<32x128xf32, #tpu.memory_space<vmem_shared>>
    tpu.wait_dma2 semaphore(%arg22 : memref<!tpu.dma_semaphore, #tpu.memory_space<semaphore_mem>>) src(%arg9 : memref<32x128xf32, #tpu.memory_space<vmem>>) dst(%dma_wait3A_257 : memref<32x128xf32, #tpu.memory_space<vmem_shared>>)
    %dma_wait3A_258 = arith.constant 0 : i32
    %dma_wait3A_259 = tpu.memref_slice %arg13[%add3A_101, %dma_wait3A_258] : memref<10240x128xf32, #tpu.memory_space<vmem_shared>> -> memref<32x128xf32, #tpu.memory_space<vmem_shared>>
    %dma_wait3A_260 = arith.constant 0 : i32
    %dma_wait3A_261 = tpu.memref_slice %arg13[%add3A_101, %dma_wait3A_260] : memref<10240x128xf32, #tpu.memory_space<vmem_shared>> -> memref<32x128xf32, #tpu.memory_space<vmem_shared>>
    tpu.wait_dma2 semaphore(%arg22 : memref<!tpu.dma_semaphore, #tpu.memory_space<semaphore_mem>>) src(%arg9 : memref<32x128xf32, #tpu.memory_space<vmem>>) dst(%dma_wait3A_261 : memref<32x128xf32, #tpu.memory_space<vmem_shared>>)
    %dma_wait3A_262 = arith.constant 0 : i32
    %dma_wait3A_263 = tpu.memref_slice %arg13[%add3A_105, %dma_wait3A_262] : memref<10240x128xf32, #tpu.memory_space<vmem_shared>> -> memref<32x128xf32, #tpu.memory_space<vmem_shared>>
    %dma_wait3A_264 = arith.constant 0 : i32
    %dma_wait3A_265 = tpu.memref_slice %arg13[%add3A_105, %dma_wait3A_264] : memref<10240x128xf32, #tpu.memory_space<vmem_shared>> -> memref<32x128xf32, #tpu.memory_space<vmem_shared>>
    tpu.wait_dma2 semaphore(%arg22 : memref<!tpu.dma_semaphore, #tpu.memory_space<semaphore_mem>>) src(%arg9 : memref<32x128xf32, #tpu.memory_space<vmem>>) dst(%dma_wait3A_265 : memref<32x128xf32, #tpu.memory_space<vmem_shared>>)
    %dma_wait3A_266 = arith.constant 0 : i32
    %dma_wait3A_267 = tpu.memref_slice %arg13[%add3A_109, %dma_wait3A_266] : memref<10240x128xf32, #tpu.memory_space<vmem_shared>> -> memref<32x128xf32, #tpu.memory_space<vmem_shared>>
    %dma_wait3A_268 = arith.constant 0 : i32
    %dma_wait3A_269 = tpu.memref_slice %arg13[%add3A_109, %dma_wait3A_268] : memref<10240x128xf32, #tpu.memory_space<vmem_shared>> -> memref<32x128xf32, #tpu.memory_space<vmem_shared>>
    tpu.wait_dma2 semaphore(%arg22 : memref<!tpu.dma_semaphore, #tpu.memory_space<semaphore_mem>>) src(%arg9 : memref<32x128xf32, #tpu.memory_space<vmem>>) dst(%dma_wait3A_269 : memref<32x128xf32, #tpu.memory_space<vmem_shared>>)
    %dma_wait3A_270 = arith.constant 0 : i32
    %dma_wait3A_271 = tpu.memref_slice %arg13[%add3A_113, %dma_wait3A_270] : memref<10240x128xf32, #tpu.memory_space<vmem_shared>> -> memref<32x128xf32, #tpu.memory_space<vmem_shared>>
    %dma_wait3A_272 = arith.constant 0 : i32
    %dma_wait3A_273 = tpu.memref_slice %arg13[%add3A_113, %dma_wait3A_272] : memref<10240x128xf32, #tpu.memory_space<vmem_shared>> -> memref<32x128xf32, #tpu.memory_space<vmem_shared>>
    tpu.wait_dma2 semaphore(%arg22 : memref<!tpu.dma_semaphore, #tpu.memory_space<semaphore_mem>>) src(%arg9 : memref<32x128xf32, #tpu.memory_space<vmem>>) dst(%dma_wait3A_273 : memref<32x128xf32, #tpu.memory_space<vmem_shared>>)
    %dma_wait3A_274 = arith.constant 0 : i32
    %dma_wait3A_275 = tpu.memref_slice %arg13[%add3A_117, %dma_wait3A_274] : memref<10240x128xf32, #tpu.memory_space<vmem_shared>> -> memref<32x128xf32, #tpu.memory_space<vmem_shared>>
    %dma_wait3A_276 = arith.constant 0 : i32
    %dma_wait3A_277 = tpu.memref_slice %arg13[%add3A_117, %dma_wait3A_276] : memref<10240x128xf32, #tpu.memory_space<vmem_shared>> -> memref<32x128xf32, #tpu.memory_space<vmem_shared>>
    tpu.wait_dma2 semaphore(%arg22 : memref<!tpu.dma_semaphore, #tpu.memory_space<semaphore_mem>>) src(%arg9 : memref<32x128xf32, #tpu.memory_space<vmem>>) dst(%dma_wait3A_277 : memref<32x128xf32, #tpu.memory_space<vmem_shared>>)
    %dma_wait3A_278 = arith.constant 0 : i32
    %dma_wait3A_279 = tpu.memref_slice %arg13[%add3A_121, %dma_wait3A_278] : memref<10240x128xf32, #tpu.memory_space<vmem_shared>> -> memref<32x128xf32, #tpu.memory_space<vmem_shared>>
    %dma_wait3A_280 = arith.constant 0 : i32
    %dma_wait3A_281 = tpu.memref_slice %arg13[%add3A_121, %dma_wait3A_280] : memref<10240x128xf32, #tpu.memory_space<vmem_shared>> -> memref<32x128xf32, #tpu.memory_space<vmem_shared>>
    tpu.wait_dma2 semaphore(%arg22 : memref<!tpu.dma_semaphore, #tpu.memory_space<semaphore_mem>>) src(%arg9 : memref<32x128xf32, #tpu.memory_space<vmem>>) dst(%dma_wait3A_281 : memref<32x128xf32, #tpu.memory_space<vmem_shared>>)
    %dma_wait3A_282 = arith.constant 0 : i32
    %dma_wait3A_283 = tpu.memref_slice %arg13[%add3A_125, %dma_wait3A_282] : memref<10240x128xf32, #tpu.memory_space<vmem_shared>> -> memref<32x128xf32, #tpu.memory_space<vmem_shared>>
    %dma_wait3A_284 = arith.constant 0 : i32
    %dma_wait3A_285 = tpu.memref_slice %arg13[%add3A_125, %dma_wait3A_284] : memref<10240x128xf32, #tpu.memory_space<vmem_shared>> -> memref<32x128xf32, #tpu.memory_space<vmem_shared>>
    tpu.wait_dma2 semaphore(%arg22 : memref<!tpu.dma_semaphore, #tpu.memory_space<semaphore_mem>>) src(%arg9 : memref<32x128xf32, #tpu.memory_space<vmem>>) dst(%dma_wait3A_285 : memref<32x128xf32, #tpu.memory_space<vmem_shared>>)
    %dma_wait3A_286 = arith.constant 0 : i32
    %dma_wait3A_287 = tpu.memref_slice %arg13[%add3A_129, %dma_wait3A_286] : memref<10240x128xf32, #tpu.memory_space<vmem_shared>> -> memref<32x128xf32, #tpu.memory_space<vmem_shared>>
    %dma_wait3A_288 = arith.constant 0 : i32
    %dma_wait3A_289 = tpu.memref_slice %arg13[%add3A_129, %dma_wait3A_288] : memref<10240x128xf32, #tpu.memory_space<vmem_shared>> -> memref<32x128xf32, #tpu.memory_space<vmem_shared>>
    tpu.wait_dma2 semaphore(%arg22 : memref<!tpu.dma_semaphore, #tpu.memory_space<semaphore_mem>>) src(%arg9 : memref<32x128xf32, #tpu.memory_space<vmem>>) dst(%dma_wait3A_289 : memref<32x128xf32, #tpu.memory_space<vmem_shared>>)
    %dma_wait3A_290 = arith.constant 0 : i32
    %dma_wait3A_291 = tpu.memref_slice %arg13[%add3A_133, %dma_wait3A_290] : memref<10240x128xf32, #tpu.memory_space<vmem_shared>> -> memref<32x128xf32, #tpu.memory_space<vmem_shared>>
    %dma_wait3A_292 = arith.constant 0 : i32
    %dma_wait3A_293 = tpu.memref_slice %arg13[%add3A_133, %dma_wait3A_292] : memref<10240x128xf32, #tpu.memory_space<vmem_shared>> -> memref<32x128xf32, #tpu.memory_space<vmem_shared>>
    tpu.wait_dma2 semaphore(%arg22 : memref<!tpu.dma_semaphore, #tpu.memory_space<semaphore_mem>>) src(%arg9 : memref<32x128xf32, #tpu.memory_space<vmem>>) dst(%dma_wait3A_293 : memref<32x128xf32, #tpu.memory_space<vmem_shared>>)
    %dma_wait3A_294 = arith.constant 0 : i32
    %dma_wait3A_295 = tpu.memref_slice %arg13[%add3A_137, %dma_wait3A_294] : memref<10240x128xf32, #tpu.memory_space<vmem_shared>> -> memref<32x128xf32, #tpu.memory_space<vmem_shared>>
    %dma_wait3A_296 = arith.constant 0 : i32
    %dma_wait3A_297 = tpu.memref_slice %arg13[%add3A_137, %dma_wait3A_296] : memref<10240x128xf32, #tpu.memory_space<vmem_shared>> -> memref<32x128xf32, #tpu.memory_space<vmem_shared>>
    tpu.wait_dma2 semaphore(%arg22 : memref<!tpu.dma_semaphore, #tpu.memory_space<semaphore_mem>>) src(%arg9 : memref<32x128xf32, #tpu.memory_space<vmem>>) dst(%dma_wait3A_297 : memref<32x128xf32, #tpu.memory_space<vmem_shared>>)
    %dma_wait3A_298 = arith.constant 0 : i32
    %dma_wait3A_299 = tpu.memref_slice %arg13[%add3A_141, %dma_wait3A_298] : memref<10240x128xf32, #tpu.memory_space<vmem_shared>> -> memref<32x128xf32, #tpu.memory_space<vmem_shared>>
    %dma_wait3A_300 = arith.constant 0 : i32
    %dma_wait3A_301 = tpu.memref_slice %arg13[%add3A_141, %dma_wait3A_300] : memref<10240x128xf32, #tpu.memory_space<vmem_shared>> -> memref<32x128xf32, #tpu.memory_space<vmem_shared>>
    tpu.wait_dma2 semaphore(%arg22 : memref<!tpu.dma_semaphore, #tpu.memory_space<semaphore_mem>>) src(%arg9 : memref<32x128xf32, #tpu.memory_space<vmem>>) dst(%dma_wait3A_301 : memref<32x128xf32, #tpu.memory_space<vmem_shared>>)
    %dma_wait3A_302 = arith.constant 0 : i32
    %dma_wait3A_303 = tpu.memref_slice %arg13[%add3A_145, %dma_wait3A_302] : memref<10240x128xf32, #tpu.memory_space<vmem_shared>> -> memref<32x128xf32, #tpu.memory_space<vmem_shared>>
    %dma_wait3A_304 = arith.constant 0 : i32
    %dma_wait3A_305 = tpu.memref_slice %arg13[%add3A_145, %dma_wait3A_304] : memref<10240x128xf32, #tpu.memory_space<vmem_shared>> -> memref<32x128xf32, #tpu.memory_space<vmem_shared>>
    tpu.wait_dma2 semaphore(%arg22 : memref<!tpu.dma_semaphore, #tpu.memory_space<semaphore_mem>>) src(%arg9 : memref<32x128xf32, #tpu.memory_space<vmem>>) dst(%dma_wait3A_305 : memref<32x128xf32, #tpu.memory_space<vmem_shared>>)
    %dma_wait3A_306 = arith.constant 0 : i32
    %dma_wait3A_307 = tpu.memref_slice %arg13[%add3A_149, %dma_wait3A_306] : memref<10240x128xf32, #tpu.memory_space<vmem_shared>> -> memref<32x128xf32, #tpu.memory_space<vmem_shared>>
    %dma_wait3A_308 = arith.constant 0 : i32
    %dma_wait3A_309 = tpu.memref_slice %arg13[%add3A_149, %dma_wait3A_308] : memref<10240x128xf32, #tpu.memory_space<vmem_shared>> -> memref<32x128xf32, #tpu.memory_space<vmem_shared>>
    tpu.wait_dma2 semaphore(%arg22 : memref<!tpu.dma_semaphore, #tpu.memory_space<semaphore_mem>>) src(%arg9 : memref<32x128xf32, #tpu.memory_space<vmem>>) dst(%dma_wait3A_309 : memref<32x128xf32, #tpu.memory_space<vmem_shared>>)
    %dma_wait3A_310 = arith.constant 0 : i32
    %dma_wait3A_311 = tpu.memref_slice %arg13[%add3A_153, %dma_wait3A_310] : memref<10240x128xf32, #tpu.memory_space<vmem_shared>> -> memref<32x128xf32, #tpu.memory_space<vmem_shared>>
    %dma_wait3A_312 = arith.constant 0 : i32
    %dma_wait3A_313 = tpu.memref_slice %arg13[%add3A_153, %dma_wait3A_312] : memref<10240x128xf32, #tpu.memory_space<vmem_shared>> -> memref<32x128xf32, #tpu.memory_space<vmem_shared>>
    tpu.wait_dma2 semaphore(%arg22 : memref<!tpu.dma_semaphore, #tpu.memory_space<semaphore_mem>>) src(%arg9 : memref<32x128xf32, #tpu.memory_space<vmem>>) dst(%dma_wait3A_313 : memref<32x128xf32, #tpu.memory_space<vmem_shared>>)
    %dma_wait3A_314 = arith.constant 0 : i32
    %dma_wait3A_315 = tpu.memref_slice %arg13[%add3A_157, %dma_wait3A_314] : memref<10240x128xf32, #tpu.memory_space<vmem_shared>> -> memref<32x128xf32, #tpu.memory_space<vmem_shared>>
    %dma_wait3A_316 = arith.constant 0 : i32
    %dma_wait3A_317 = tpu.memref_slice %arg13[%add3A_157, %dma_wait3A_316] : memref<10240x128xf32, #tpu.memory_space<vmem_shared>> -> memref<32x128xf32, #tpu.memory_space<vmem_shared>>
    tpu.wait_dma2 semaphore(%arg22 : memref<!tpu.dma_semaphore, #tpu.memory_space<semaphore_mem>>) src(%arg9 : memref<32x128xf32, #tpu.memory_space<vmem>>) dst(%dma_wait3A_317 : memref<32x128xf32, #tpu.memory_space<vmem_shared>>)
    %barrier3A = arith.constant 0 : index
    tpu.barrier barrier_id(%barrier3A)
    %scan3A_318 = arith.constant 0 : i32
    %scan3A_319 = arith.constant 0 : i32
    %scan3A_320 = arith.constant 38 : i32
    %scan3A_321 = arith.addi %scan3A_319, %scan3A_320 : i32
    %scan3A_322 = arith.constant 1 : i32
    scf.for %scan3A_402 = %scan3A_319 to %scan3A_321 step %scan3A_322  : i32 {
      %mul3A_403 = arith.constant 2 : i32
      %mul3A_404 = arith.muli %scan3A_402, %mul3A_403 : i32
      %add3A_405 = arith.constant 0 : i32
      %add3A_406 = arith.addi %mul3A_404, %add3A_405 : i32
      %add3A_407 = arith.constant 2 : i32
      %add3A_408 = arith.addi %add3A_406, %add3A_407 : i32
      %sub3A = arith.constant 1 : i32
      %sub3A_409 = arith.subi %add3A_408, %sub3A : i32
      %mul3A_410 = arith.constant 128 : i32
      %mul3A_411 = arith.muli %sub3A_409, %mul3A_410 : i32
      %add3A_412 = arith.addi %mul3A_2, %mul3A_411 : i32
      %dma_wait3A_413 = arith.constant 1 : i32
      %dma_wait3A_414 = arith.constant 0 : i32
      %dma_wait3A_415 = tpu.memref_slice %arg6[%dma_wait3A_413, %dma_wait3A_414] : memref<2x128xi32, #tpu.memory_space<vmem>> -> memref<1x128xi32, #tpu.memory_space<vmem>>
      %dma_wait3A_416 = tpu.memref_squeeze %dma_wait3A_415 : memref<1x128xi32, #tpu.memory_space<vmem>> -> memref<128xi32, #tpu.memory_space<vmem>>
      %dma_wait3A_417 = tpu.memref_slice %arg3[%add3A_412] : memref<320000xi32, #tpu.memory_space<hbm>> -> memref<128xi32, #tpu.memory_space<hbm>>
      %dma_wait3A_418 = arith.constant 0 : i32
      %dma_wait3A_419 = tpu.memref_slice %arg6[%dma_wait3A_413, %dma_wait3A_418] : memref<2x128xi32, #tpu.memory_space<vmem>> -> memref<1x128xi32, #tpu.memory_space<vmem>>
      %dma_wait3A_420 = tpu.memref_squeeze %dma_wait3A_419 : memref<1x128xi32, #tpu.memory_space<vmem>> -> memref<128xi32, #tpu.memory_space<vmem>>
      %dma_wait3A_421 = tpu.memref_slice %arg3[%add3A_412] : memref<320000xi32, #tpu.memory_space<hbm>> -> memref<128xi32, #tpu.memory_space<hbm>>
      tpu.wait_dma2 semaphore(%arg19 : memref<!tpu.dma_semaphore, #tpu.memory_space<semaphore_mem>>) src(%dma_wait3A_421 : memref<128xi32, #tpu.memory_space<hbm>>) dst(%dma_wait3A_420 : memref<128xi32, #tpu.memory_space<vmem>>)
      %dma_wait3A_422 = arith.constant 1 : i32
      %dma_wait3A_423 = arith.constant 0 : i32
      %dma_wait3A_424 = tpu.memref_slice %arg7[%dma_wait3A_422, %dma_wait3A_423] : memref<2x128xi32, #tpu.memory_space<vmem>> -> memref<1x128xi32, #tpu.memory_space<vmem>>
      %dma_wait3A_425 = tpu.memref_squeeze %dma_wait3A_424 : memref<1x128xi32, #tpu.memory_space<vmem>> -> memref<128xi32, #tpu.memory_space<vmem>>
      %dma_wait3A_426 = tpu.memref_slice %arg4[%add3A_412] : memref<320000xi32, #tpu.memory_space<hbm>> -> memref<128xi32, #tpu.memory_space<hbm>>
      %dma_wait3A_427 = arith.constant 0 : i32
      %dma_wait3A_428 = tpu.memref_slice %arg7[%dma_wait3A_422, %dma_wait3A_427] : memref<2x128xi32, #tpu.memory_space<vmem>> -> memref<1x128xi32, #tpu.memory_space<vmem>>
      %dma_wait3A_429 = tpu.memref_squeeze %dma_wait3A_428 : memref<1x128xi32, #tpu.memory_space<vmem>> -> memref<128xi32, #tpu.memory_space<vmem>>
      %dma_wait3A_430 = tpu.memref_slice %arg4[%add3A_412] : memref<320000xi32, #tpu.memory_space<hbm>> -> memref<128xi32, #tpu.memory_space<hbm>>
      tpu.wait_dma2 semaphore(%arg19 : memref<!tpu.dma_semaphore, #tpu.memory_space<semaphore_mem>>) src(%dma_wait3A_430 : memref<128xi32, #tpu.memory_space<hbm>>) dst(%dma_wait3A_429 : memref<128xi32, #tpu.memory_space<vmem>>)
      %add3A_431 = arith.constant 2 : i32
      %add3A_432 = arith.addi %add3A_406, %add3A_431 : i32
      %sub3A_433 = arith.constant 1 : i32
      %sub3A_434 = arith.subi %add3A_432, %sub3A_433 : i32
      %dma_start3A_435 = arith.constant 1 : i32
      %dma_start3A_436 = arith.constant 1 : i32
      %dma_start3A_437 = arith.constant 0 : i32
      %dma_start3A_438 = arith.constant 0 : i32
      %dma_start3A_439 = tpu.memref_slice %arg8[%dma_start3A_436, %dma_start3A_437, %dma_start3A_438] : memref<2x128x128xf32, #tpu.memory_space<vmem>> -> memref<1x128x128xf32, #tpu.memory_space<vmem>>
      %dma_start3A_440 = tpu.memref_squeeze %dma_start3A_439 : memref<1x128x128xf32, #tpu.memory_space<vmem>> -> memref<128x128xf32, #tpu.memory_space<vmem>>
      %dma_start3A_441 = arith.constant 0 : i32
      %dma_start3A_442 = tpu.memref_slice %arg6[%dma_start3A_435, %dma_start3A_441] : memref<2x128xi32, #tpu.memory_space<vmem>> -> memref<1x128xi32, #tpu.memory_space<vmem>>
      %dma_start3A_443 = tpu.memref_squeeze %dma_start3A_442 : memref<1x128xi32, #tpu.memory_space<vmem>> -> memref<128xi32, #tpu.memory_space<vmem>>
      %dma_start3A_444 = arith.constant 0 : i32
      %dma_start3A_445 = arith.constant 0 : i32
      %dma_start3A_446 = tpu.memref_slice %arg2[%dma_start3A_444, %dma_start3A_445] : memref<10000x128xf32, #tpu.memory_space<hbm>> -> memref<10000x128xf32, #tpu.memory_space<hbm>>
      tpu.enqueue_indirect_dma source(%dma_start3A_446 : memref<10000x128xf32, #tpu.memory_space<hbm>>) target(%dma_start3A_440 : memref<128x128xf32, #tpu.memory_space<vmem>>) offsets(%dma_start3A_443 : memref<128xi32, #tpu.memory_space<vmem>>) semaphore(%arg15 : memref<!tpu.dma_semaphore, #tpu.memory_space<semaphore_mem>>)
      %dma_wait3A_447 = arith.constant 0 : i32
      %dma_wait3A_448 = arith.constant 0 : i32
      %dma_wait3A_449 = arith.constant 0 : i32
      %dma_wait3A_450 = arith.constant 0 : i32
      %dma_wait3A_451 = tpu.memref_slice %arg8[%dma_wait3A_448, %dma_wait3A_449, %dma_wait3A_450] : memref<2x128x128xf32, #tpu.memory_space<vmem>> -> memref<1x128x128xf32, #tpu.memory_space<vmem>>
      %dma_wait3A_452 = tpu.memref_squeeze %dma_wait3A_451 : memref<1x128x128xf32, #tpu.memory_space<vmem>> -> memref<128x128xf32, #tpu.memory_space<vmem>>
      %dma_wait3A_453 = arith.constant 0 : i32
      %dma_wait3A_454 = tpu.memref_slice %arg6[%dma_wait3A_447, %dma_wait3A_453] : memref<2x128xi32, #tpu.memory_space<vmem>> -> memref<1x128xi32, #tpu.memory_space<vmem>>
      %dma_wait3A_455 = tpu.memref_squeeze %dma_wait3A_454 : memref<1x128xi32, #tpu.memory_space<vmem>> -> memref<128xi32, #tpu.memory_space<vmem>>
      %dma_wait3A_456 = arith.constant 0 : i32
      %dma_wait3A_457 = arith.constant 0 : i32
      %dma_wait3A_458 = tpu.memref_slice %arg2[%dma_wait3A_456, %dma_wait3A_457] : memref<10000x128xf32, #tpu.memory_space<hbm>> -> memref<10000x128xf32, #tpu.memory_space<hbm>>
      tpu.wait_indirect_dma semaphore(%arg14 : memref<!tpu.dma_semaphore, #tpu.memory_space<semaphore_mem>>) src(%dma_wait3A_458 : memref<10000x128xf32, #tpu.memory_space<hbm>>) dst(%dma_wait3A_452 : memref<128x128xf32, #tpu.memory_space<vmem>>)
      %run_scoped3A_459 = arith.constant 0 : i32
      %run_scoped3A_460 = arith.constant 0 : i32
      "tpu.region"() ({
        %run_scoped3A_564 = tpu.sem_alloc : memref<!tpu.dma_semaphore, #tpu.memory_space<semaphore_mem>>
        %dma_start3A_565 = arith.constant 0 : i32
        %dma_start3A_566 = arith.constant 0 : i32
        %dma_start3A_567 = tpu.memref_slice %arg8[%run_scoped3A_459, %dma_start3A_565, %dma_start3A_566] : memref<2x128x128xf32, #tpu.memory_space<vmem>> -> memref<1x128x128xf32, #tpu.memory_space<vmem>>
        %dma_start3A_568 = tpu.memref_squeeze %dma_start3A_567 : memref<1x128x128xf32, #tpu.memory_space<vmem>> -> memref<128x128xf32, #tpu.memory_space<vmem>>
        %dma_start3A_569 = arith.constant 0 : i32
        %dma_start3A_570 = tpu.memref_slice %arg7[%run_scoped3A_460, %dma_start3A_569] : memref<2x128xi32, #tpu.memory_space<vmem>> -> memref<1x128xi32, #tpu.memory_space<vmem>>
        %dma_start3A_571 = tpu.memref_squeeze %dma_start3A_570 : memref<1x128xi32, #tpu.memory_space<vmem>> -> memref<128xi32, #tpu.memory_space<vmem>>
        %dma_start3A_572 = arith.constant 0 : i32
        %dma_start3A_573 = arith.constant 0 : i32
        %dma_start3A_574 = tpu.memref_slice %arg13[%dma_start3A_572, %dma_start3A_573] : memref<10240x128xf32, #tpu.memory_space<vmem_shared>> -> memref<10240x128xf32, #tpu.memory_space<vmem_shared>>
        tpu.enqueue_indirect_dma source(%dma_start3A_568 : memref<128x128xf32, #tpu.memory_space<vmem>>) target(%dma_start3A_574 : memref<10240x128xf32, #tpu.memory_space<vmem_shared>>) offsets(%dma_start3A_571 : memref<128xi32, #tpu.memory_space<vmem>>) semaphore(%run_scoped3A_564 : memref<!tpu.dma_semaphore, #tpu.memory_space<semaphore_mem>>) {add = true}
        %dma_wait3A_575 = arith.constant 0 : i32
        %dma_wait3A_576 = arith.constant 0 : i32
        %dma_wait3A_577 = tpu.memref_slice %arg8[%run_scoped3A_459, %dma_wait3A_575, %dma_wait3A_576] : memref<2x128x128xf32, #tpu.memory_space<vmem>> -> memref<1x128x128xf32, #tpu.memory_space<vmem>>
        %dma_wait3A_578 = tpu.memref_squeeze %dma_wait3A_577 : memref<1x128x128xf32, #tpu.memory_space<vmem>> -> memref<128x128xf32, #tpu.memory_space<vmem>>
        %dma_wait3A_579 = arith.constant 0 : i32
        %dma_wait3A_580 = tpu.memref_slice %arg7[%run_scoped3A_460, %dma_wait3A_579] : memref<2x128xi32, #tpu.memory_space<vmem>> -> memref<1x128xi32, #tpu.memory_space<vmem>>
        %dma_wait3A_581 = tpu.memref_squeeze %dma_wait3A_580 : memref<1x128xi32, #tpu.memory_space<vmem>> -> memref<128xi32, #tpu.memory_space<vmem>>
        %dma_wait3A_582 = arith.constant 0 : i32
        %dma_wait3A_583 = arith.constant 0 : i32
        %dma_wait3A_584 = tpu.memref_slice %arg13[%dma_wait3A_582, %dma_wait3A_583] : memref<10240x128xf32, #tpu.memory_space<vmem_shared>> -> memref<10240x128xf32, #tpu.memory_space<vmem_shared>>
        tpu.wait_indirect_dma semaphore(%run_scoped3A_564 : memref<!tpu.dma_semaphore, #tpu.memory_space<semaphore_mem>>) src(%dma_wait3A_578 : memref<128x128xf32, #tpu.memory_space<vmem>>) dst(%dma_wait3A_584 : memref<10240x128xf32, #tpu.memory_space<vmem_shared>>)
        tpu.yield
      }) : () -> ()
      %add3A_461 = arith.constant 2 : i32
      %add3A_462 = arith.addi %add3A_406, %add3A_461 : i32
      %mul3A_463 = arith.constant 128 : i32
      %mul3A_464 = arith.muli %add3A_462, %mul3A_463 : i32
      %add3A_465 = arith.addi %mul3A_2, %mul3A_464 : i32
      %dma_start3A_466 = arith.constant 0 : i32
      %dma_start3A_467 = arith.constant 0 : i32
      %dma_start3A_468 = tpu.memref_slice %arg6[%dma_start3A_466, %dma_start3A_467] : memref<2x128xi32, #tpu.memory_space<vmem>> -> memref<1x128xi32, #tpu.memory_space<vmem>>
      %dma_start3A_469 = tpu.memref_squeeze %dma_start3A_468 : memref<1x128xi32, #tpu.memory_space<vmem>> -> memref<128xi32, #tpu.memory_space<vmem>>
      %dma_start3A_470 = tpu.memref_slice %arg3[%add3A_465] : memref<320000xi32, #tpu.memory_space<hbm>> -> memref<128xi32, #tpu.memory_space<hbm>>
      %dma_start3A_471 = arith.constant 0 : i32
      %dma_start3A_472 = tpu.memref_slice %arg6[%dma_start3A_466, %dma_start3A_471] : memref<2x128xi32, #tpu.memory_space<vmem>> -> memref<1x128xi32, #tpu.memory_space<vmem>>
      %dma_start3A_473 = tpu.memref_squeeze %dma_start3A_472 : memref<1x128xi32, #tpu.memory_space<vmem>> -> memref<128xi32, #tpu.memory_space<vmem>>
      %dma_start3A_474 = tpu.memref_slice %arg3[%add3A_465] : memref<320000xi32, #tpu.memory_space<hbm>> -> memref<128xi32, #tpu.memory_space<hbm>>
      tpu.enqueue_dma source(%dma_start3A_474 : memref<128xi32, #tpu.memory_space<hbm>>) target(%dma_start3A_473 : memref<128xi32, #tpu.memory_space<vmem>>) target_semaphore(%arg18 : memref<!tpu.dma_semaphore, #tpu.memory_space<semaphore_mem>>)
      %dma_start3A_475 = arith.constant 0 : i32
      %dma_start3A_476 = arith.constant 0 : i32
      %dma_start3A_477 = tpu.memref_slice %arg7[%dma_start3A_475, %dma_start3A_476] : memref<2x128xi32, #tpu.memory_space<vmem>> -> memref<1x128xi32, #tpu.memory_space<vmem>>
      %dma_start3A_478 = tpu.memref_squeeze %dma_start3A_477 : memref<1x128xi32, #tpu.memory_space<vmem>> -> memref<128xi32, #tpu.memory_space<vmem>>
      %dma_start3A_479 = tpu.memref_slice %arg4[%add3A_465] : memref<320000xi32, #tpu.memory_space<hbm>> -> memref<128xi32, #tpu.memory_space<hbm>>
      %dma_start3A_480 = arith.constant 0 : i32
      %dma_start3A_481 = tpu.memref_slice %arg7[%dma_start3A_475, %dma_start3A_480] : memref<2x128xi32, #tpu.memory_space<vmem>> -> memref<1x128xi32, #tpu.memory_space<vmem>>
      %dma_start3A_482 = tpu.memref_squeeze %dma_start3A_481 : memref<1x128xi32, #tpu.memory_space<vmem>> -> memref<128xi32, #tpu.memory_space<vmem>>
      %dma_start3A_483 = tpu.memref_slice %arg4[%add3A_465] : memref<320000xi32, #tpu.memory_space<hbm>> -> memref<128xi32, #tpu.memory_space<hbm>>
      tpu.enqueue_dma source(%dma_start3A_483 : memref<128xi32, #tpu.memory_space<hbm>>) target(%dma_start3A_482 : memref<128xi32, #tpu.memory_space<vmem>>) target_semaphore(%arg18 : memref<!tpu.dma_semaphore, #tpu.memory_space<semaphore_mem>>)
      %add3A_484 = arith.constant 1 : i32
      %add3A_485 = arith.addi %mul3A_404, %add3A_484 : i32
      %add3A_486 = arith.constant 2 : i32
      %add3A_487 = arith.addi %add3A_485, %add3A_486 : i32
      %sub3A_488 = arith.constant 1 : i32
      %sub3A_489 = arith.subi %add3A_487, %sub3A_488 : i32
      %mul3A_490 = arith.constant 128 : i32
      %mul3A_491 = arith.muli %sub3A_489, %mul3A_490 : i32
      %add3A_492 = arith.addi %mul3A_2, %mul3A_491 : i32
      %dma_wait3A_493 = arith.constant 0 : i32
      %dma_wait3A_494 = arith.constant 0 : i32
      %dma_wait3A_495 = tpu.memref_slice %arg6[%dma_wait3A_493, %dma_wait3A_494] : memref<2x128xi32, #tpu.memory_space<vmem>> -> memref<1x128xi32, #tpu.memory_space<vmem>>
      %dma_wait3A_496 = tpu.memref_squeeze %dma_wait3A_495 : memref<1x128xi32, #tpu.memory_space<vmem>> -> memref<128xi32, #tpu.memory_space<vmem>>
      %dma_wait3A_497 = tpu.memref_slice %arg3[%add3A_492] : memref<320000xi32, #tpu.memory_space<hbm>> -> memref<128xi32, #tpu.memory_space<hbm>>
      %dma_wait3A_498 = arith.constant 0 : i32
      %dma_wait3A_499 = tpu.memref_slice %arg6[%dma_wait3A_493, %dma_wait3A_498] : memref<2x128xi32, #tpu.memory_space<vmem>> -> memref<1x128xi32, #tpu.memory_space<vmem>>
      %dma_wait3A_500 = tpu.memref_squeeze %dma_wait3A_499 : memref<1x128xi32, #tpu.memory_space<vmem>> -> memref<128xi32, #tpu.memory_space<vmem>>
      %dma_wait3A_501 = tpu.memref_slice %arg3[%add3A_492] : memref<320000xi32, #tpu.memory_space<hbm>> -> memref<128xi32, #tpu.memory_space<hbm>>
      tpu.wait_dma2 semaphore(%arg18 : memref<!tpu.dma_semaphore, #tpu.memory_space<semaphore_mem>>) src(%dma_wait3A_501 : memref<128xi32, #tpu.memory_space<hbm>>) dst(%dma_wait3A_500 : memref<128xi32, #tpu.memory_space<vmem>>)
      %dma_wait3A_502 = arith.constant 0 : i32
      %dma_wait3A_503 = arith.constant 0 : i32
      %dma_wait3A_504 = tpu.memref_slice %arg7[%dma_wait3A_502, %dma_wait3A_503] : memref<2x128xi32, #tpu.memory_space<vmem>> -> memref<1x128xi32, #tpu.memory_space<vmem>>
      %dma_wait3A_505 = tpu.memref_squeeze %dma_wait3A_504 : memref<1x128xi32, #tpu.memory_space<vmem>> -> memref<128xi32, #tpu.memory_space<vmem>>
      %dma_wait3A_506 = tpu.memref_slice %arg4[%add3A_492] : memref<320000xi32, #tpu.memory_space<hbm>> -> memref<128xi32, #tpu.memory_space<hbm>>
      %dma_wait3A_507 = arith.constant 0 : i32
      %dma_wait3A_508 = tpu.memref_slice %arg7[%dma_wait3A_502, %dma_wait3A_507] : memref<2x128xi32, #tpu.memory_space<vmem>> -> memref<1x128xi32, #tpu.memory_space<vmem>>
      %dma_wait3A_509 = tpu.memref_squeeze %dma_wait3A_508 : memref<1x128xi32, #tpu.memory_space<vmem>> -> memref<128xi32, #tpu.memory_space<vmem>>
      %dma_wait3A_510 = tpu.memref_slice %arg4[%add3A_492] : memref<320000xi32, #tpu.memory_space<hbm>> -> memref<128xi32, #tpu.memory_space<hbm>>
      tpu.wait_dma2 semaphore(%arg18 : memref<!tpu.dma_semaphore, #tpu.memory_space<semaphore_mem>>) src(%dma_wait3A_510 : memref<128xi32, #tpu.memory_space<hbm>>) dst(%dma_wait3A_509 : memref<128xi32, #tpu.memory_space<vmem>>)
      %add3A_511 = arith.constant 2 : i32
      %add3A_512 = arith.addi %add3A_485, %add3A_511 : i32
      %sub3A_513 = arith.constant 1 : i32
      %sub3A_514 = arith.subi %add3A_512, %sub3A_513 : i32
      %dma_start3A_515 = arith.constant 0 : i32
      %dma_start3A_516 = arith.constant 0 : i32
      %dma_start3A_517 = arith.constant 0 : i32
      %dma_start3A_518 = arith.constant 0 : i32
      %dma_start3A_519 = tpu.memref_slice %arg8[%dma_start3A_516, %dma_start3A_517, %dma_start3A_518] : memref<2x128x128xf32, #tpu.memory_space<vmem>> -> memref<1x128x128xf32, #tpu.memory_space<vmem>>
      %dma_start3A_520 = tpu.memref_squeeze %dma_start3A_519 : memref<1x128x128xf32, #tpu.memory_space<vmem>> -> memref<128x128xf32, #tpu.memory_space<vmem>>
      %dma_start3A_521 = arith.constant 0 : i32
      %dma_start3A_522 = tpu.memref_slice %arg6[%dma_start3A_515, %dma_start3A_521] : memref<2x128xi32, #tpu.memory_space<vmem>> -> memref<1x128xi32, #tpu.memory_space<vmem>>
      %dma_start3A_523 = tpu.memref_squeeze %dma_start3A_522 : memref<1x128xi32, #tpu.memory_space<vmem>> -> memref<128xi32, #tpu.memory_space<vmem>>
      %dma_start3A_524 = arith.constant 0 : i32
      %dma_start3A_525 = arith.constant 0 : i32
      %dma_start3A_526 = tpu.memref_slice %arg2[%dma_start3A_524, %dma_start3A_525] : memref<10000x128xf32, #tpu.memory_space<hbm>> -> memref<10000x128xf32, #tpu.memory_space<hbm>>
      tpu.enqueue_indirect_dma source(%dma_start3A_526 : memref<10000x128xf32, #tpu.memory_space<hbm>>) target(%dma_start3A_520 : memref<128x128xf32, #tpu.memory_space<vmem>>) offsets(%dma_start3A_523 : memref<128xi32, #tpu.memory_space<vmem>>) semaphore(%arg14 : memref<!tpu.dma_semaphore, #tpu.memory_space<semaphore_mem>>)
      %dma_wait3A_527 = arith.constant 1 : i32
      %dma_wait3A_528 = arith.constant 1 : i32
      %dma_wait3A_529 = arith.constant 0 : i32
      %dma_wait3A_530 = arith.constant 0 : i32
      %dma_wait3A_531 = tpu.memref_slice %arg8[%dma_wait3A_528, %dma_wait3A_529, %dma_wait3A_530] : memref<2x128x128xf32, #tpu.memory_space<vmem>> -> memref<1x128x128xf32, #tpu.memory_space<vmem>>
      %dma_wait3A_532 = tpu.memref_squeeze %dma_wait3A_531 : memref<1x128x128xf32, #tpu.memory_space<vmem>> -> memref<128x128xf32, #tpu.memory_space<vmem>>
      %dma_wait3A_533 = arith.constant 0 : i32
      %dma_wait3A_534 = tpu.memref_slice %arg6[%dma_wait3A_527, %dma_wait3A_533] : memref<2x128xi32, #tpu.memory_space<vmem>> -> memref<1x128xi32, #tpu.memory_space<vmem>>
      %dma_wait3A_535 = tpu.memref_squeeze %dma_wait3A_534 : memref<1x128xi32, #tpu.memory_space<vmem>> -> memref<128xi32, #tpu.memory_space<vmem>>
      %dma_wait3A_536 = arith.constant 0 : i32
      %dma_wait3A_537 = arith.constant 0 : i32
      %dma_wait3A_538 = tpu.memref_slice %arg2[%dma_wait3A_536, %dma_wait3A_537] : memref<10000x128xf32, #tpu.memory_space<hbm>> -> memref<10000x128xf32, #tpu.memory_space<hbm>>
      tpu.wait_indirect_dma semaphore(%arg15 : memref<!tpu.dma_semaphore, #tpu.memory_space<semaphore_mem>>) src(%dma_wait3A_538 : memref<10000x128xf32, #tpu.memory_space<hbm>>) dst(%dma_wait3A_532 : memref<128x128xf32, #tpu.memory_space<vmem>>)
      %run_scoped3A_539 = arith.constant 1 : i32
      %run_scoped3A_540 = arith.constant 1 : i32
      "tpu.region"() ({
        %run_scoped3A_564 = tpu.sem_alloc : memref<!tpu.dma_semaphore, #tpu.memory_space<semaphore_mem>>
        %dma_start3A_565 = arith.constant 0 : i32
        %dma_start3A_566 = arith.constant 0 : i32
        %dma_start3A_567 = tpu.memref_slice %arg8[%run_scoped3A_539, %dma_start3A_565, %dma_start3A_566] : memref<2x128x128xf32, #tpu.memory_space<vmem>> -> memref<1x128x128xf32, #tpu.memory_space<vmem>>
        %dma_start3A_568 = tpu.memref_squeeze %dma_start3A_567 : memref<1x128x128xf32, #tpu.memory_space<vmem>> -> memref<128x128xf32, #tpu.memory_space<vmem>>
        %dma_start3A_569 = arith.constant 0 : i32
        %dma_start3A_570 = tpu.memref_slice %arg7[%run_scoped3A_540, %dma_start3A_569] : memref<2x128xi32, #tpu.memory_space<vmem>> -> memref<1x128xi32, #tpu.memory_space<vmem>>
        %dma_start3A_571 = tpu.memref_squeeze %dma_start3A_570 : memref<1x128xi32, #tpu.memory_space<vmem>> -> memref<128xi32, #tpu.memory_space<vmem>>
        %dma_start3A_572 = arith.constant 0 : i32
        %dma_start3A_573 = arith.constant 0 : i32
        %dma_start3A_574 = tpu.memref_slice %arg13[%dma_start3A_572, %dma_start3A_573] : memref<10240x128xf32, #tpu.memory_space<vmem_shared>> -> memref<10240x128xf32, #tpu.memory_space<vmem_shared>>
        tpu.enqueue_indirect_dma source(%dma_start3A_568 : memref<128x128xf32, #tpu.memory_space<vmem>>) target(%dma_start3A_574 : memref<10240x128xf32, #tpu.memory_space<vmem_shared>>) offsets(%dma_start3A_571 : memref<128xi32, #tpu.memory_space<vmem>>) semaphore(%run_scoped3A_564 : memref<!tpu.dma_semaphore, #tpu.memory_space<semaphore_mem>>) {add = true}
        %dma_wait3A_575 = arith.constant 0 : i32
        %dma_wait3A_576 = arith.constant 0 : i32
        %dma_wait3A_577 = tpu.memref_slice %arg8[%run_scoped3A_539, %dma_wait3A_575, %dma_wait3A_576] : memref<2x128x128xf32, #tpu.memory_space<vmem>> -> memref<1x128x128xf32, #tpu.memory_space<vmem>>
        %dma_wait3A_578 = tpu.memref_squeeze %dma_wait3A_577 : memref<1x128x128xf32, #tpu.memory_space<vmem>> -> memref<128x128xf32, #tpu.memory_space<vmem>>
        %dma_wait3A_579 = arith.constant 0 : i32
        %dma_wait3A_580 = tpu.memref_slice %arg7[%run_scoped3A_540, %dma_wait3A_579] : memref<2x128xi32, #tpu.memory_space<vmem>> -> memref<1x128xi32, #tpu.memory_space<vmem>>
        %dma_wait3A_581 = tpu.memref_squeeze %dma_wait3A_580 : memref<1x128xi32, #tpu.memory_space<vmem>> -> memref<128xi32, #tpu.memory_space<vmem>>
        %dma_wait3A_582 = arith.constant 0 : i32
        %dma_wait3A_583 = arith.constant 0 : i32
        %dma_wait3A_584 = tpu.memref_slice %arg13[%dma_wait3A_582, %dma_wait3A_583] : memref<10240x128xf32, #tpu.memory_space<vmem_shared>> -> memref<10240x128xf32, #tpu.memory_space<vmem_shared>>
        tpu.wait_indirect_dma semaphore(%run_scoped3A_564 : memref<!tpu.dma_semaphore, #tpu.memory_space<semaphore_mem>>) src(%dma_wait3A_578 : memref<128x128xf32, #tpu.memory_space<vmem>>) dst(%dma_wait3A_584 : memref<10240x128xf32, #tpu.memory_space<vmem_shared>>)
        tpu.yield
      }) : () -> ()
      %add3A_541 = arith.constant 2 : i32
      %add3A_542 = arith.addi %add3A_485, %add3A_541 : i32
      %mul3A_543 = arith.constant 128 : i32
      %mul3A_544 = arith.muli %add3A_542, %mul3A_543 : i32
      %add3A_545 = arith.addi %mul3A_2, %mul3A_544 : i32
      %dma_start3A_546 = arith.constant 1 : i32
      %dma_start3A_547 = arith.constant 0 : i32
      %dma_start3A_548 = tpu.memref_slice %arg6[%dma_start3A_546, %dma_start3A_547] : memref<2x128xi32, #tpu.memory_space<vmem>> -> memref<1x128xi32, #tpu.memory_space<vmem>>
      %dma_start3A_549 = tpu.memref_squeeze %dma_start3A_548 : memref<1x128xi32, #tpu.memory_space<vmem>> -> memref<128xi32, #tpu.memory_space<vmem>>
      %dma_start3A_550 = tpu.memref_slice %arg3[%add3A_545] : memref<320000xi32, #tpu.memory_space<hbm>> -> memref<128xi32, #tpu.memory_space<hbm>>
      %dma_start3A_551 = arith.constant 0 : i32
      %dma_start3A_552 = tpu.memref_slice %arg6[%dma_start3A_546, %dma_start3A_551] : memref<2x128xi32, #tpu.memory_space<vmem>> -> memref<1x128xi32, #tpu.memory_space<vmem>>
      %dma_start3A_553 = tpu.memref_squeeze %dma_start3A_552 : memref<1x128xi32, #tpu.memory_space<vmem>> -> memref<128xi32, #tpu.memory_space<vmem>>
      %dma_start3A_554 = tpu.memref_slice %arg3[%add3A_545] : memref<320000xi32, #tpu.memory_space<hbm>> -> memref<128xi32, #tpu.memory_space<hbm>>
      tpu.enqueue_dma source(%dma_start3A_554 : memref<128xi32, #tpu.memory_space<hbm>>) target(%dma_start3A_553 : memref<128xi32, #tpu.memory_space<vmem>>) target_semaphore(%arg19 : memref<!tpu.dma_semaphore, #tpu.memory_space<semaphore_mem>>)
      %dma_start3A_555 = arith.constant 1 : i32
      %dma_start3A_556 = arith.constant 0 : i32
      %dma_start3A_557 = tpu.memref_slice %arg7[%dma_start3A_555, %dma_start3A_556] : memref<2x128xi32, #tpu.memory_space<vmem>> -> memref<1x128xi32, #tpu.memory_space<vmem>>
      %dma_start3A_558 = tpu.memref_squeeze %dma_start3A_557 : memref<1x128xi32, #tpu.memory_space<vmem>> -> memref<128xi32, #tpu.memory_space<vmem>>
      %dma_start3A_559 = tpu.memref_slice %arg4[%add3A_545] : memref<320000xi32, #tpu.memory_space<hbm>> -> memref<128xi32, #tpu.memory_space<hbm>>
      %dma_start3A_560 = arith.constant 0 : i32
      %dma_start3A_561 = tpu.memref_slice %arg7[%dma_start3A_555, %dma_start3A_560] : memref<2x128xi32, #tpu.memory_space<vmem>> -> memref<1x128xi32, #tpu.memory_space<vmem>>
      %dma_start3A_562 = tpu.memref_squeeze %dma_start3A_561 : memref<1x128xi32, #tpu.memory_space<vmem>> -> memref<128xi32, #tpu.memory_space<vmem>>
      %dma_start3A_563 = tpu.memref_slice %arg4[%add3A_545] : memref<320000xi32, #tpu.memory_space<hbm>> -> memref<128xi32, #tpu.memory_space<hbm>>
      tpu.enqueue_dma source(%dma_start3A_563 : memref<128xi32, #tpu.memory_space<hbm>>) target(%dma_start3A_562 : memref<128xi32, #tpu.memory_space<vmem>>) target_semaphore(%arg19 : memref<!tpu.dma_semaphore, #tpu.memory_space<semaphore_mem>>)
    }
    %scan3A_323 = arith.constant 38 : i32
    %add3A_324 = arith.constant 9984 : i32
    %add3A_325 = arith.addi %mul3A_2, %add3A_324 : i32
    %add3A_326 = arith.constant 9856 : i32
    %add3A_327 = arith.addi %mul3A_2, %add3A_326 : i32
    %dma_wait3A_328 = arith.constant 1 : i32
    %dma_wait3A_329 = arith.constant 0 : i32
    %dma_wait3A_330 = tpu.memref_slice %arg6[%dma_wait3A_328, %dma_wait3A_329] : memref<2x128xi32, #tpu.memory_space<vmem>> -> memref<1x128xi32, #tpu.memory_space<vmem>>
    %dma_wait3A_331 = tpu.memref_squeeze %dma_wait3A_330 : memref<1x128xi32, #tpu.memory_space<vmem>> -> memref<128xi32, #tpu.memory_space<vmem>>
    %dma_wait3A_332 = tpu.memref_slice %arg3[%add3A_327] : memref<320000xi32, #tpu.memory_space<hbm>> -> memref<128xi32, #tpu.memory_space<hbm>>
    %dma_wait3A_333 = arith.constant 0 : i32
    %dma_wait3A_334 = tpu.memref_slice %arg6[%dma_wait3A_328, %dma_wait3A_333] : memref<2x128xi32, #tpu.memory_space<vmem>> -> memref<1x128xi32, #tpu.memory_space<vmem>>
    %dma_wait3A_335 = tpu.memref_squeeze %dma_wait3A_334 : memref<1x128xi32, #tpu.memory_space<vmem>> -> memref<128xi32, #tpu.memory_space<vmem>>
    %dma_wait3A_336 = tpu.memref_slice %arg3[%add3A_327] : memref<320000xi32, #tpu.memory_space<hbm>> -> memref<128xi32, #tpu.memory_space<hbm>>
    tpu.wait_dma2 semaphore(%arg19 : memref<!tpu.dma_semaphore, #tpu.memory_space<semaphore_mem>>) src(%dma_wait3A_336 : memref<128xi32, #tpu.memory_space<hbm>>) dst(%dma_wait3A_335 : memref<128xi32, #tpu.memory_space<vmem>>)
    %dma_wait3A_337 = arith.constant 1 : i32
    %dma_wait3A_338 = arith.constant 0 : i32
    %dma_wait3A_339 = tpu.memref_slice %arg7[%dma_wait3A_337, %dma_wait3A_338] : memref<2x128xi32, #tpu.memory_space<vmem>> -> memref<1x128xi32, #tpu.memory_space<vmem>>
    %dma_wait3A_340 = tpu.memref_squeeze %dma_wait3A_339 : memref<1x128xi32, #tpu.memory_space<vmem>> -> memref<128xi32, #tpu.memory_space<vmem>>
    %dma_wait3A_341 = tpu.memref_slice %arg4[%add3A_327] : memref<320000xi32, #tpu.memory_space<hbm>> -> memref<128xi32, #tpu.memory_space<hbm>>
    %dma_wait3A_342 = arith.constant 0 : i32
    %dma_wait3A_343 = tpu.memref_slice %arg7[%dma_wait3A_337, %dma_wait3A_342] : memref<2x128xi32, #tpu.memory_space<vmem>> -> memref<1x128xi32, #tpu.memory_space<vmem>>
    %dma_wait3A_344 = tpu.memref_squeeze %dma_wait3A_343 : memref<1x128xi32, #tpu.memory_space<vmem>> -> memref<128xi32, #tpu.memory_space<vmem>>
    %dma_wait3A_345 = tpu.memref_slice %arg4[%add3A_327] : memref<320000xi32, #tpu.memory_space<hbm>> -> memref<128xi32, #tpu.memory_space<hbm>>
    tpu.wait_dma2 semaphore(%arg19 : memref<!tpu.dma_semaphore, #tpu.memory_space<semaphore_mem>>) src(%dma_wait3A_345 : memref<128xi32, #tpu.memory_space<hbm>>) dst(%dma_wait3A_344 : memref<128xi32, #tpu.memory_space<vmem>>)
    %dma_start3A_346 = arith.constant 1 : i32
    %dma_start3A_347 = arith.constant 1 : i32
    %dma_start3A_348 = arith.constant 0 : i32
    %dma_start3A_349 = arith.constant 0 : i32
    %dma_start3A_350 = tpu.memref_slice %arg8[%dma_start3A_347, %dma_start3A_348, %dma_start3A_349] : memref<2x128x128xf32, #tpu.memory_space<vmem>> -> memref<1x128x128xf32, #tpu.memory_space<vmem>>
    %dma_start3A_351 = tpu.memref_squeeze %dma_start3A_350 : memref<1x128x128xf32, #tpu.memory_space<vmem>> -> memref<128x128xf32, #tpu.memory_space<vmem>>
    %dma_start3A_352 = arith.constant 0 : i32
    %dma_start3A_353 = tpu.memref_slice %arg6[%dma_start3A_346, %dma_start3A_352] : memref<2x128xi32, #tpu.memory_space<vmem>> -> memref<1x128xi32, #tpu.memory_space<vmem>>
    %dma_start3A_354 = tpu.memref_squeeze %dma_start3A_353 : memref<1x128xi32, #tpu.memory_space<vmem>> -> memref<128xi32, #tpu.memory_space<vmem>>
    %dma_start3A_355 = arith.constant 0 : i32
    %dma_start3A_356 = arith.constant 0 : i32
    %dma_start3A_357 = tpu.memref_slice %arg2[%dma_start3A_355, %dma_start3A_356] : memref<10000x128xf32, #tpu.memory_space<hbm>> -> memref<10000x128xf32, #tpu.memory_space<hbm>>
    tpu.enqueue_indirect_dma source(%dma_start3A_357 : memref<10000x128xf32, #tpu.memory_space<hbm>>) target(%dma_start3A_351 : memref<128x128xf32, #tpu.memory_space<vmem>>) offsets(%dma_start3A_354 : memref<128xi32, #tpu.memory_space<vmem>>) semaphore(%arg15 : memref<!tpu.dma_semaphore, #tpu.memory_space<semaphore_mem>>)
    %dma_wait3A_358 = arith.constant 0 : i32
    %dma_wait3A_359 = arith.constant 0 : i32
    %dma_wait3A_360 = arith.constant 0 : i32
    %dma_wait3A_361 = arith.constant 0 : i32
    %dma_wait3A_362 = tpu.memref_slice %arg8[%dma_wait3A_359, %dma_wait3A_360, %dma_wait3A_361] : memref<2x128x128xf32, #tpu.memory_space<vmem>> -> memref<1x128x128xf32, #tpu.memory_space<vmem>>
    %dma_wait3A_363 = tpu.memref_squeeze %dma_wait3A_362 : memref<1x128x128xf32, #tpu.memory_space<vmem>> -> memref<128x128xf32, #tpu.memory_space<vmem>>
    %dma_wait3A_364 = arith.constant 0 : i32
    %dma_wait3A_365 = tpu.memref_slice %arg6[%dma_wait3A_358, %dma_wait3A_364] : memref<2x128xi32, #tpu.memory_space<vmem>> -> memref<1x128xi32, #tpu.memory_space<vmem>>
    %dma_wait3A_366 = tpu.memref_squeeze %dma_wait3A_365 : memref<1x128xi32, #tpu.memory_space<vmem>> -> memref<128xi32, #tpu.memory_space<vmem>>
    %dma_wait3A_367 = arith.constant 0 : i32
    %dma_wait3A_368 = arith.constant 0 : i32
    %dma_wait3A_369 = tpu.memref_slice %arg2[%dma_wait3A_367, %dma_wait3A_368] : memref<10000x128xf32, #tpu.memory_space<hbm>> -> memref<10000x128xf32, #tpu.memory_space<hbm>>
    tpu.wait_indirect_dma semaphore(%arg14 : memref<!tpu.dma_semaphore, #tpu.memory_space<semaphore_mem>>) src(%dma_wait3A_369 : memref<10000x128xf32, #tpu.memory_space<hbm>>) dst(%dma_wait3A_363 : memref<128x128xf32, #tpu.memory_space<vmem>>)
    %run_scoped3A = arith.constant 0 : i32
    %run_scoped3A_370 = arith.constant 0 : i32
    "tpu.region"() ({
      %run_scoped3A_402 = tpu.sem_alloc : memref<!tpu.dma_semaphore, #tpu.memory_space<semaphore_mem>>
      %dma_start3A_403 = arith.constant 0 : i32
      %dma_start3A_404 = arith.constant 0 : i32
      %dma_start3A_405 = tpu.memref_slice %arg8[%run_scoped3A, %dma_start3A_403, %dma_start3A_404] : memref<2x128x128xf32, #tpu.memory_space<vmem>> -> memref<1x128x128xf32, #tpu.memory_space<vmem>>
      %dma_start3A_406 = tpu.memref_squeeze %dma_start3A_405 : memref<1x128x128xf32, #tpu.memory_space<vmem>> -> memref<128x128xf32, #tpu.memory_space<vmem>>
      %dma_start3A_407 = arith.constant 0 : i32
      %dma_start3A_408 = tpu.memref_slice %arg7[%run_scoped3A_370, %dma_start3A_407] : memref<2x128xi32, #tpu.memory_space<vmem>> -> memref<1x128xi32, #tpu.memory_space<vmem>>
      %dma_start3A_409 = tpu.memref_squeeze %dma_start3A_408 : memref<1x128xi32, #tpu.memory_space<vmem>> -> memref<128xi32, #tpu.memory_space<vmem>>
      %dma_start3A_410 = arith.constant 0 : i32
      %dma_start3A_411 = arith.constant 0 : i32
      %dma_start3A_412 = tpu.memref_slice %arg13[%dma_start3A_410, %dma_start3A_411] : memref<10240x128xf32, #tpu.memory_space<vmem_shared>> -> memref<10240x128xf32, #tpu.memory_space<vmem_shared>>
      tpu.enqueue_indirect_dma source(%dma_start3A_406 : memref<128x128xf32, #tpu.memory_space<vmem>>) target(%dma_start3A_412 : memref<10240x128xf32, #tpu.memory_space<vmem_shared>>) offsets(%dma_start3A_409 : memref<128xi32, #tpu.memory_space<vmem>>) semaphore(%run_scoped3A_402 : memref<!tpu.dma_semaphore, #tpu.memory_space<semaphore_mem>>) {add = true}
      %dma_wait3A_413 = arith.constant 0 : i32
      %dma_wait3A_414 = arith.constant 0 : i32
      %dma_wait3A_415 = tpu.memref_slice %arg8[%run_scoped3A, %dma_wait3A_413, %dma_wait3A_414] : memref<2x128x128xf32, #tpu.memory_space<vmem>> -> memref<1x128x128xf32, #tpu.memory_space<vmem>>
      %dma_wait3A_416 = tpu.memref_squeeze %dma_wait3A_415 : memref<1x128x128xf32, #tpu.memory_space<vmem>> -> memref<128x128xf32, #tpu.memory_space<vmem>>
      %dma_wait3A_417 = arith.constant 0 : i32
      %dma_wait3A_418 = tpu.memref_slice %arg7[%run_scoped3A_370, %dma_wait3A_417] : memref<2x128xi32, #tpu.memory_space<vmem>> -> memref<1x128xi32, #tpu.memory_space<vmem>>
      %dma_wait3A_419 = tpu.memref_squeeze %dma_wait3A_418 : memref<1x128xi32, #tpu.memory_space<vmem>> -> memref<128xi32, #tpu.memory_space<vmem>>
      %dma_wait3A_420 = arith.constant 0 : i32
      %dma_wait3A_421 = arith.constant 0 : i32
      %dma_wait3A_422 = tpu.memref_slice %arg13[%dma_wait3A_420, %dma_wait3A_421] : memref<10240x128xf32, #tpu.memory_space<vmem_shared>> -> memref<10240x128xf32, #tpu.memory_space<vmem_shared>>
      tpu.wait_indirect_dma semaphore(%run_scoped3A_402 : memref<!tpu.dma_semaphore, #tpu.memory_space<semaphore_mem>>) src(%dma_wait3A_416 : memref<128x128xf32, #tpu.memory_space<vmem>>) dst(%dma_wait3A_422 : memref<10240x128xf32, #tpu.memory_space<vmem_shared>>)
      tpu.yield
    }) : () -> ()
    %dma_start3A_371 = tpu.memref_slice %arg3[%add3A_325] : memref<320000xi32, #tpu.memory_space<hbm>> -> memref<16xi32, #tpu.memory_space<hbm>>
    %dma_start3A_372 = tpu.memref_slice %arg3[%add3A_325] : memref<320000xi32, #tpu.memory_space<hbm>> -> memref<16xi32, #tpu.memory_space<hbm>>
    tpu.enqueue_dma source(%dma_start3A_372 : memref<16xi32, #tpu.memory_space<hbm>>) target(%arg10 : memref<16xi32, #tpu.memory_space<vmem>>) target_semaphore(%arg18 : memref<!tpu.dma_semaphore, #tpu.memory_space<semaphore_mem>>)
    %dma_start3A_373 = tpu.memref_slice %arg4[%add3A_325] : memref<320000xi32, #tpu.memory_space<hbm>> -> memref<16xi32, #tpu.memory_space<hbm>>
    %dma_start3A_374 = tpu.memref_slice %arg4[%add3A_325] : memref<320000xi32, #tpu.memory_space<hbm>> -> memref<16xi32, #tpu.memory_space<hbm>>
    tpu.enqueue_dma source(%dma_start3A_374 : memref<16xi32, #tpu.memory_space<hbm>>) target(%arg11 : memref<16xi32, #tpu.memory_space<vmem>>) target_semaphore(%arg18 : memref<!tpu.dma_semaphore, #tpu.memory_space<semaphore_mem>>)
    %dma_wait3A_375 = arith.constant 1 : i32
    %dma_wait3A_376 = arith.constant 1 : i32
    %dma_wait3A_377 = arith.constant 0 : i32
    %dma_wait3A_378 = arith.constant 0 : i32
    %dma_wait3A_379 = tpu.memref_slice %arg8[%dma_wait3A_376, %dma_wait3A_377, %dma_wait3A_378] : memref<2x128x128xf32, #tpu.memory_space<vmem>> -> memref<1x128x128xf32, #tpu.memory_space<vmem>>
    %dma_wait3A_380 = tpu.memref_squeeze %dma_wait3A_379 : memref<1x128x128xf32, #tpu.memory_space<vmem>> -> memref<128x128xf32, #tpu.memory_space<vmem>>
    %dma_wait3A_381 = arith.constant 0 : i32
    %dma_wait3A_382 = tpu.memref_slice %arg6[%dma_wait3A_375, %dma_wait3A_381] : memref<2x128xi32, #tpu.memory_space<vmem>> -> memref<1x128xi32, #tpu.memory_space<vmem>>
    %dma_wait3A_383 = tpu.memref_squeeze %dma_wait3A_382 : memref<1x128xi32, #tpu.memory_space<vmem>> -> memref<128xi32, #tpu.memory_space<vmem>>
    %dma_wait3A_384 = arith.constant 0 : i32
    %dma_wait3A_385 = arith.constant 0 : i32
    %dma_wait3A_386 = tpu.memref_slice %arg2[%dma_wait3A_384, %dma_wait3A_385] : memref<10000x128xf32, #tpu.memory_space<hbm>> -> memref<10000x128xf32, #tpu.memory_space<hbm>>
    tpu.wait_indirect_dma semaphore(%arg15 : memref<!tpu.dma_semaphore, #tpu.memory_space<semaphore_mem>>) src(%dma_wait3A_386 : memref<10000x128xf32, #tpu.memory_space<hbm>>) dst(%dma_wait3A_380 : memref<128x128xf32, #tpu.memory_space<vmem>>)
    %run_scoped3A_387 = arith.constant 1 : i32
    %run_scoped3A_388 = arith.constant 1 : i32
    "tpu.region"() ({
      %run_scoped3A_402 = tpu.sem_alloc : memref<!tpu.dma_semaphore, #tpu.memory_space<semaphore_mem>>
      %dma_start3A_403 = arith.constant 0 : i32
      %dma_start3A_404 = arith.constant 0 : i32
      %dma_start3A_405 = tpu.memref_slice %arg8[%run_scoped3A_387, %dma_start3A_403, %dma_start3A_404] : memref<2x128x128xf32, #tpu.memory_space<vmem>> -> memref<1x128x128xf32, #tpu.memory_space<vmem>>
      %dma_start3A_406 = tpu.memref_squeeze %dma_start3A_405 : memref<1x128x128xf32, #tpu.memory_space<vmem>> -> memref<128x128xf32, #tpu.memory_space<vmem>>
      %dma_start3A_407 = arith.constant 0 : i32
      %dma_start3A_408 = tpu.memref_slice %arg7[%run_scoped3A_388, %dma_start3A_407] : memref<2x128xi32, #tpu.memory_space<vmem>> -> memref<1x128xi32, #tpu.memory_space<vmem>>
      %dma_start3A_409 = tpu.memref_squeeze %dma_start3A_408 : memref<1x128xi32, #tpu.memory_space<vmem>> -> memref<128xi32, #tpu.memory_space<vmem>>
      %dma_start3A_410 = arith.constant 0 : i32
      %dma_start3A_411 = arith.constant 0 : i32
      %dma_start3A_412 = tpu.memref_slice %arg13[%dma_start3A_410, %dma_start3A_411] : memref<10240x128xf32, #tpu.memory_space<vmem_shared>> -> memref<10240x128xf32, #tpu.memory_space<vmem_shared>>
      tpu.enqueue_indirect_dma source(%dma_start3A_406 : memref<128x128xf32, #tpu.memory_space<vmem>>) target(%dma_start3A_412 : memref<10240x128xf32, #tpu.memory_space<vmem_shared>>) offsets(%dma_start3A_409 : memref<128xi32, #tpu.memory_space<vmem>>) semaphore(%run_scoped3A_402 : memref<!tpu.dma_semaphore, #tpu.memory_space<semaphore_mem>>) {add = true}
      %dma_wait3A_413 = arith.constant 0 : i32
      %dma_wait3A_414 = arith.constant 0 : i32
      %dma_wait3A_415 = tpu.memref_slice %arg8[%run_scoped3A_387, %dma_wait3A_413, %dma_wait3A_414] : memref<2x128x128xf32, #tpu.memory_space<vmem>> -> memref<1x128x128xf32, #tpu.memory_space<vmem>>
      %dma_wait3A_416 = tpu.memref_squeeze %dma_wait3A_415 : memref<1x128x128xf32, #tpu.memory_space<vmem>> -> memref<128x128xf32, #tpu.memory_space<vmem>>
      %dma_wait3A_417 = arith.constant 0 : i32
      %dma_wait3A_418 = tpu.memref_slice %arg7[%run_scoped3A_388, %dma_wait3A_417] : memref<2x128xi32, #tpu.memory_space<vmem>> -> memref<1x128xi32, #tpu.memory_space<vmem>>
      %dma_wait3A_419 = tpu.memref_squeeze %dma_wait3A_418 : memref<1x128xi32, #tpu.memory_space<vmem>> -> memref<128xi32, #tpu.memory_space<vmem>>
      %dma_wait3A_420 = arith.constant 0 : i32
      %dma_wait3A_421 = arith.constant 0 : i32
      %dma_wait3A_422 = tpu.memref_slice %arg13[%dma_wait3A_420, %dma_wait3A_421] : memref<10240x128xf32, #tpu.memory_space<vmem_shared>> -> memref<10240x128xf32, #tpu.memory_space<vmem_shared>>
      tpu.wait_indirect_dma semaphore(%run_scoped3A_402 : memref<!tpu.dma_semaphore, #tpu.memory_space<semaphore_mem>>) src(%dma_wait3A_416 : memref<128x128xf32, #tpu.memory_space<vmem>>) dst(%dma_wait3A_422 : memref<10240x128xf32, #tpu.memory_space<vmem_shared>>)
      tpu.yield
    }) : () -> ()
    %dma_wait3A_389 = tpu.memref_slice %arg3[%add3A_325] : memref<320000xi32, #tpu.memory_space<hbm>> -> memref<16xi32, #tpu.memory_space<hbm>>
    %dma_wait3A_390 = tpu.memref_slice %arg3[%add3A_325] : memref<320000xi32, #tpu.memory_space<hbm>> -> memref<16xi32, #tpu.memory_space<hbm>>
    tpu.wait_dma2 semaphore(%arg18 : memref<!tpu.dma_semaphore, #tpu.memory_space<semaphore_mem>>) src(%dma_wait3A_390 : memref<16xi32, #tpu.memory_space<hbm>>) dst(%arg10 : memref<16xi32, #tpu.memory_space<vmem>>)
    %dma_wait3A_391 = tpu.memref_slice %arg4[%add3A_325] : memref<320000xi32, #tpu.memory_space<hbm>> -> memref<16xi32, #tpu.memory_space<hbm>>
    %dma_wait3A_392 = tpu.memref_slice %arg4[%add3A_325] : memref<320000xi32, #tpu.memory_space<hbm>> -> memref<16xi32, #tpu.memory_space<hbm>>
    tpu.wait_dma2 semaphore(%arg18 : memref<!tpu.dma_semaphore, #tpu.memory_space<semaphore_mem>>) src(%dma_wait3A_392 : memref<16xi32, #tpu.memory_space<hbm>>) dst(%arg11 : memref<16xi32, #tpu.memory_space<vmem>>)
    %dma_start3A_393 = arith.constant 0 : i32
    %dma_start3A_394 = arith.constant 0 : i32
    %dma_start3A_395 = tpu.memref_slice %arg2[%dma_start3A_393, %dma_start3A_394] : memref<10000x128xf32, #tpu.memory_space<hbm>> -> memref<10000x128xf32, #tpu.memory_space<hbm>>
    tpu.enqueue_indirect_dma source(%dma_start3A_395 : memref<10000x128xf32, #tpu.memory_space<hbm>>) target(%arg12 : memref<16x128xf32, #tpu.memory_space<vmem>>) offsets(%arg10 : memref<16xi32, #tpu.memory_space<vmem>>) semaphore(%arg14 : memref<!tpu.dma_semaphore, #tpu.memory_space<semaphore_mem>>)
    %dma_wait3A_396 = arith.constant 0 : i32
    %dma_wait3A_397 = arith.constant 0 : i32
    %dma_wait3A_398 = tpu.memref_slice %arg2[%dma_wait3A_396, %dma_wait3A_397] : memref<10000x128xf32, #tpu.memory_space<hbm>> -> memref<10000x128xf32, #tpu.memory_space<hbm>>
    tpu.wait_indirect_dma semaphore(%arg14 : memref<!tpu.dma_semaphore, #tpu.memory_space<semaphore_mem>>) src(%dma_wait3A_398 : memref<10000x128xf32, #tpu.memory_space<hbm>>) dst(%arg12 : memref<16x128xf32, #tpu.memory_space<vmem>>)
    "tpu.region"() ({
      %run_scoped3A_402 = tpu.sem_alloc : memref<!tpu.dma_semaphore, #tpu.memory_space<semaphore_mem>>
      %dma_start3A_403 = arith.constant 0 : i32
      %dma_start3A_404 = arith.constant 0 : i32
      %dma_start3A_405 = tpu.memref_slice %arg13[%dma_start3A_403, %dma_start3A_404] : memref<10240x128xf32, #tpu.memory_space<vmem_shared>> -> memref<10240x128xf32, #tpu.memory_space<vmem_shared>>
      tpu.enqueue_indirect_dma source(%arg12 : memref<16x128xf32, #tpu.memory_space<vmem>>) target(%dma_start3A_405 : memref<10240x128xf32, #tpu.memory_space<vmem_shared>>) offsets(%arg11 : memref<16xi32, #tpu.memory_space<vmem>>) semaphore(%run_scoped3A_402 : memref<!tpu.dma_semaphore, #tpu.memory_space<semaphore_mem>>) {add = true}
      %dma_wait3A_406 = arith.constant 0 : i32
      %dma_wait3A_407 = arith.constant 0 : i32
      %dma_wait3A_408 = tpu.memref_slice %arg13[%dma_wait3A_406, %dma_wait3A_407] : memref<10240x128xf32, #tpu.memory_space<vmem_shared>> -> memref<10240x128xf32, #tpu.memory_space<vmem_shared>>
      tpu.wait_indirect_dma semaphore(%run_scoped3A_402 : memref<!tpu.dma_semaphore, #tpu.memory_space<semaphore_mem>>) src(%arg12 : memref<16x128xf32, #tpu.memory_space<vmem>>) dst(%dma_wait3A_408 : memref<10240x128xf32, #tpu.memory_space<vmem_shared>>)
      tpu.yield
    }) : () -> ()
    %barrier3A_399 = arith.constant 0 : index
    tpu.barrier barrier_id(%barrier3A_399)
    %mul3A_400 = arith.constant 640 : i32
    %mul3A_401 = arith.muli %arg1, %mul3A_400 : i32
    "tpu.region"() ({
      %run_scoped3A_402 = tpu.sem_alloc : memref<!tpu.dma_semaphore, #tpu.memory_space<semaphore_mem>>
      %dma_start3A_403 = arith.constant 0 : i32
      %dma_start3A_404 = tpu.memref_slice %arg5[%arg0, %mul3A_401, %dma_start3A_403] : memref<2x10240x128xf32, #tpu.memory_space<hbm>> -> memref<1x640x128xf32, #tpu.memory_space<hbm>>
      %dma_start3A_405 = tpu.memref_squeeze %dma_start3A_404 : memref<1x640x128xf32, #tpu.memory_space<hbm>> -> memref<640x128xf32, #tpu.memory_space<hbm>>
      %dma_start3A_406 = arith.constant 0 : i32
      %dma_start3A_407 = tpu.memref_slice %arg13[%mul3A_401, %dma_start3A_406] : memref<10240x128xf32, #tpu.memory_space<vmem_shared>> -> memref<640x128xf32, #tpu.memory_space<vmem_shared>>
      tpu.enqueue_dma source(%dma_start3A_407 : memref<640x128xf32, #tpu.memory_space<vmem_shared>>) target(%dma_start3A_405 : memref<640x128xf32, #tpu.memory_space<hbm>>) target_semaphore(%run_scoped3A_402 : memref<!tpu.dma_semaphore, #tpu.memory_space<semaphore_mem>>)
      %dma_wait3A_408 = arith.constant 0 : i32
      %dma_wait3A_409 = tpu.memref_slice %arg5[%arg0, %mul3A_401, %dma_wait3A_408] : memref<2x10240x128xf32, #tpu.memory_space<hbm>> -> memref<1x640x128xf32, #tpu.memory_space<hbm>>
      %dma_wait3A_410 = tpu.memref_squeeze %dma_wait3A_409 : memref<1x640x128xf32, #tpu.memory_space<hbm>> -> memref<640x128xf32, #tpu.memory_space<hbm>>
      %dma_wait3A_411 = arith.constant 0 : i32
      %dma_wait3A_412 = tpu.memref_slice %arg13[%mul3A_401, %dma_wait3A_411] : memref<10240x128xf32, #tpu.memory_space<vmem_shared>> -> memref<640x128xf32, #tpu.memory_space<vmem_shared>>
      tpu.wait_dma2 semaphore(%run_scoped3A_402 : memref<!tpu.dma_semaphore, #tpu.memory_space<semaphore_mem>>) src(%dma_wait3A_412 : memref<640x128xf32, #tpu.memory_space<vmem_shared>>) dst(%dma_wait3A_410 : memref<640x128xf32, #tpu.memory_space<hbm>>)
      tpu.yield
    }) : () -> ()
    return
  }
}

module attributes {stable_mosaic.version = 14 : i64} {
  func.func @_mlp_body(%arg0: memref<10000x128xf32, #tpu.memory_space<vmem>>, %arg1: memref<2x10240x128xf32, #tpu.memory_space<vmem>>, %arg2: memref<3x128x256xf32, #tpu.memory_space<vmem>>, %arg3: memref<3x256xf32, #tpu.memory_space<vmem>>, %arg4: memref<3x256xf32, #tpu.memory_space<vmem>>, %arg5: memref<3x256xf32, #tpu.memory_space<vmem>>, %arg6: memref<3x256x128xf32, #tpu.memory_space<vmem>>, %arg7: memref<3x128xf32, #tpu.memory_space<vmem>>, %arg8: memref<3x128xf32, #tpu.memory_space<vmem>>, %arg9: memref<3x128xf32, #tpu.memory_space<vmem>>, %arg10: memref<1x3xf32, #tpu.memory_space<smem>>, %arg11: memref<10000x128xf32, #tpu.memory_space<vmem>>, %arg12: memref<10000x128xf32, #tpu.memory_space<vmem>>) attributes {dimension_semantics = [], scalar_prefetch = 0 : i64, scratch_operands = 0 : i64, tpu.core_type = #tpu.core_type<tc>} {
    %get3A = arith.constant 0 : index
    %get3A_0 = arith.constant 0 : index
    %get3A_1 = arith.constant 0 : index
    %get3A_2 = vector.load %arg1[%get3A, %get3A_0, %get3A_1] : memref<2x10240x128xf32, #tpu.memory_space<vmem>>, vector<1x10000x128xf32>
    %get3A_3 = vector.shape_cast %get3A_2 : vector<1x10000x128xf32> to vector<10000x128xf32>
    %get3A_4 = arith.constant 1 : index
    %get3A_5 = arith.constant 0 : index
    %get3A_6 = arith.constant 0 : index
    %get3A_7 = vector.load %arg1[%get3A_4, %get3A_5, %get3A_6] : memref<2x10240x128xf32, #tpu.memory_space<vmem>>, vector<1x10000x128xf32>
    %get3A_8 = vector.shape_cast %get3A_7 : vector<1x10000x128xf32> to vector<10000x128xf32>
    %add3A = arith.addf %get3A_3, %get3A_8 : vector<10000x128xf32>
    %get3A_9 = arith.constant 0 : index
    %get3A_10 = arith.constant 1 : index
    %get3A_11 = memref.load %arg10[%get3A_9, %get3A_10] : memref<1x3xf32, #tpu.memory_space<smem>>
    %add3A_12 = arith.constant 1.000000e+00 : f32
    %add3A_13 = arith.addf %add3A_12, %get3A_11 : f32
    %get3A_14 = arith.constant 0 : index
    %get3A_15 = arith.constant 0 : index
    %get3A_16 = vector.load %arg0[%get3A_14, %get3A_15] : memref<10000x128xf32, #tpu.memory_space<vmem>>, vector<10000x128xf32>
    %mul3A = vector.broadcast %add3A_13 : f32 to vector<10000x128xf32>
    %mul3A_17 = arith.mulf %mul3A, %get3A_16 : vector<10000x128xf32>
    %add3A_18 = arith.addf %mul3A_17, %add3A : vector<10000x128xf32>
    %get3A_19 = arith.constant 1 : index
    %get3A_20 = arith.constant 0 : index
    %get3A_21 = arith.constant 0 : index
    %get3A_22 = vector.load %arg2[%get3A_19, %get3A_20, %get3A_21] : memref<3x128x256xf32, #tpu.memory_space<vmem>>, vector<1x128x256xf32>
    %get3A_23 = vector.shape_cast %get3A_22 : vector<1x128x256xf32> to vector<128x256xf32>
    %dot_general3A = arith.constant dense<0.000000e+00> : vector<10000x256xf32>
    %dot_general3A_24 = tpu.matmul %add3A_18, %get3A_23, %dot_general3A {dimension_numbers = #tpu.dot_dimension_numbers<[1], [0], [0], [1], [0, 0, 1, 1], [], []>, transpose_lhs_hint = false} : vector<10000x128xf32>, vector<128x256xf32>, vector<10000x256xf32> -> vector<10000x256xf32>
    %get3A_25 = arith.constant 1 : index
    %get3A_26 = arith.constant 0 : index
    %get3A_27 = vector.load %arg3[%get3A_25, %get3A_26] : memref<3x256xf32, #tpu.memory_space<vmem>>, vector<1x256xf32>
    %get3A_28 = vector.shape_cast %get3A_27 : vector<1x256xf32> to vector<256xf32>
    %broadcast_in_dim3A = vector.shape_cast %get3A_28 : vector<256xf32> to vector<1x256xf32>
    %add3A_29 = vector.broadcast %broadcast_in_dim3A : vector<1x256xf32> to vector<10000x256xf32>
    %add3A_30 = arith.addf %dot_general3A_24, %add3A_29 : vector<10000x256xf32>
    %get3A_31 = arith.constant 1 : index
    %get3A_32 = arith.constant 0 : index
    %get3A_33 = vector.load %arg4[%get3A_31, %get3A_32] : memref<3x256xf32, #tpu.memory_space<vmem>>, vector<1x256xf32>
    %get3A_34 = vector.shape_cast %get3A_33 : vector<1x256xf32> to vector<256xf32>
    %get3A_35 = arith.constant 1 : index
    %get3A_36 = arith.constant 0 : index
    %get3A_37 = vector.load %arg5[%get3A_35, %get3A_36] : memref<3x256xf32, #tpu.memory_space<vmem>>, vector<1x256xf32>
    %get3A_38 = vector.shape_cast %get3A_37 : vector<1x256xf32> to vector<256xf32>
    %reduce_sum3A = arith.constant dense<0.000000e+00> : vector<256xf32>
    %reduce_sum3A_39 = vector.multi_reduction <add>, %add3A_30, %reduce_sum3A [0] : vector<10000x256xf32> to vector<256xf32>
    %broadcast_in_dim3A_40 = vector.shape_cast %reduce_sum3A_39 : vector<256xf32> to vector<1x256xf32>
    %mul3A_41 = arith.constant 9.99999974E-5 : f32
    %mul3A_42 = vector.broadcast %mul3A_41 : f32 to vector<1x256xf32>
    %mul3A_43 = arith.mulf %broadcast_in_dim3A_40, %mul3A_42 : vector<1x256xf32>
    %mul3A_44 = arith.mulf %add3A_30, %add3A_30 : vector<10000x256xf32>
    %reduce_sum3A_45 = arith.constant dense<0.000000e+00> : vector<256xf32>
    %reduce_sum3A_46 = vector.multi_reduction <add>, %mul3A_44, %reduce_sum3A_45 [0] : vector<10000x256xf32> to vector<256xf32>
    %broadcast_in_dim3A_47 = vector.shape_cast %reduce_sum3A_46 : vector<256xf32> to vector<1x256xf32>
    %mul3A_48 = arith.constant 9.99999974E-5 : f32
    %mul3A_49 = vector.broadcast %mul3A_48 : f32 to vector<1x256xf32>
    %mul3A_50 = arith.mulf %broadcast_in_dim3A_47, %mul3A_49 : vector<1x256xf32>
    %mul3A_51 = arith.mulf %mul3A_43, %mul3A_43 : vector<1x256xf32>
    %sub3A = arith.subf %mul3A_50, %mul3A_51 : vector<1x256xf32>
    %max3A = arith.constant 0.000000e+00 : f32
    %max3A_52 = vector.broadcast %max3A : f32 to vector<1x256xf32>
    %max3A_53 = arith.maximumf %sub3A, %max3A_52 : vector<1x256xf32>
    %add3A_54 = arith.constant 9.99999974E-6 : f32
    %add3A_55 = vector.broadcast %add3A_54 : f32 to vector<1x256xf32>
    %add3A_56 = arith.addf %max3A_53, %add3A_55 : vector<1x256xf32>
    %rsqrt3A = math.rsqrt %add3A_56 : vector<1x256xf32>
    %broadcast_in_dim3A_57 = vector.shape_cast %get3A_34 : vector<256xf32> to vector<1x256xf32>
    %mul3A_58 = arith.mulf %rsqrt3A, %broadcast_in_dim3A_57 : vector<1x256xf32>
    %mul3A_59 = vector.broadcast %mul3A_58 : vector<1x256xf32> to vector<10000x256xf32>
    %mul3A_60 = arith.mulf %add3A_30, %mul3A_59 : vector<10000x256xf32>
    %mul3A_61 = arith.mulf %mul3A_43, %mul3A_58 : vector<1x256xf32>
    %broadcast_in_dim3A_62 = vector.shape_cast %get3A_38 : vector<256xf32> to vector<1x256xf32>
    %sub3A_63 = arith.subf %broadcast_in_dim3A_62, %mul3A_61 : vector<1x256xf32>
    %add3A_64 = vector.broadcast %sub3A_63 : vector<1x256xf32> to vector<10000x256xf32>
    %add3A_65 = arith.addf %mul3A_60, %add3A_64 : vector<10000x256xf32>
    %max3A_66 = arith.constant 0.000000e+00 : f32
    %max3A_67 = vector.broadcast %max3A_66 : f32 to vector<10000x256xf32>
    %max3A_68 = arith.maximumf %add3A_65, %max3A_67 : vector<10000x256xf32>
    %get3A_69 = arith.constant 1 : index
    %get3A_70 = arith.constant 0 : index
    %get3A_71 = arith.constant 0 : index
    %get3A_72 = vector.load %arg6[%get3A_69, %get3A_70, %get3A_71] : memref<3x256x128xf32, #tpu.memory_space<vmem>>, vector<1x256x128xf32>
    %get3A_73 = vector.shape_cast %get3A_72 : vector<1x256x128xf32> to vector<256x128xf32>
    %dot_general3A_74 = arith.constant dense<0.000000e+00> : vector<10000x128xf32>
    %dot_general3A_75 = tpu.matmul %max3A_68, %get3A_73, %dot_general3A_74 {dimension_numbers = #tpu.dot_dimension_numbers<[1], [0], [0], [1], [0, 0, 1, 1], [], []>, transpose_lhs_hint = false} : vector<10000x256xf32>, vector<256x128xf32>, vector<10000x128xf32> -> vector<10000x128xf32>
    %get3A_76 = arith.constant 1 : index
    %get3A_77 = arith.constant 0 : index
    %get3A_78 = vector.load %arg7[%get3A_76, %get3A_77] : memref<3x128xf32, #tpu.memory_space<vmem>>, vector<1x128xf32>
    %get3A_79 = vector.shape_cast %get3A_78 : vector<1x128xf32> to vector<128xf32>
    %broadcast_in_dim3A_80 = vector.shape_cast %get3A_79 : vector<128xf32> to vector<1x128xf32>
    %add3A_81 = vector.broadcast %broadcast_in_dim3A_80 : vector<1x128xf32> to vector<10000x128xf32>
    %add3A_82 = arith.addf %dot_general3A_75, %add3A_81 : vector<10000x128xf32>
    %get3A_83 = arith.constant 1 : index
    %get3A_84 = arith.constant 0 : index
    %get3A_85 = vector.load %arg8[%get3A_83, %get3A_84] : memref<3x128xf32, #tpu.memory_space<vmem>>, vector<1x128xf32>
    %get3A_86 = vector.shape_cast %get3A_85 : vector<1x128xf32> to vector<128xf32>
    %get3A_87 = arith.constant 1 : index
    %get3A_88 = arith.constant 0 : index
    %get3A_89 = vector.load %arg9[%get3A_87, %get3A_88] : memref<3x128xf32, #tpu.memory_space<vmem>>, vector<1x128xf32>
    %get3A_90 = vector.shape_cast %get3A_89 : vector<1x128xf32> to vector<128xf32>
    %reduce_sum3A_91 = arith.constant dense<0.000000e+00> : vector<128xf32>
    %reduce_sum3A_92 = vector.multi_reduction <add>, %add3A_82, %reduce_sum3A_91 [0] : vector<10000x128xf32> to vector<128xf32>
    %broadcast_in_dim3A_93 = vector.shape_cast %reduce_sum3A_92 : vector<128xf32> to vector<1x128xf32>
    %mul3A_94 = arith.constant 9.99999974E-5 : f32
    %mul3A_95 = vector.broadcast %mul3A_94 : f32 to vector<1x128xf32>
    %mul3A_96 = arith.mulf %broadcast_in_dim3A_93, %mul3A_95 : vector<1x128xf32>
    %mul3A_97 = arith.mulf %add3A_82, %add3A_82 : vector<10000x128xf32>
    %reduce_sum3A_98 = arith.constant dense<0.000000e+00> : vector<128xf32>
    %reduce_sum3A_99 = vector.multi_reduction <add>, %mul3A_97, %reduce_sum3A_98 [0] : vector<10000x128xf32> to vector<128xf32>
    %broadcast_in_dim3A_100 = vector.shape_cast %reduce_sum3A_99 : vector<128xf32> to vector<1x128xf32>
    %mul3A_101 = arith.constant 9.99999974E-5 : f32
    %mul3A_102 = vector.broadcast %mul3A_101 : f32 to vector<1x128xf32>
    %mul3A_103 = arith.mulf %broadcast_in_dim3A_100, %mul3A_102 : vector<1x128xf32>
    %mul3A_104 = arith.mulf %mul3A_96, %mul3A_96 : vector<1x128xf32>
    %sub3A_105 = arith.subf %mul3A_103, %mul3A_104 : vector<1x128xf32>
    %max3A_106 = arith.constant 0.000000e+00 : f32
    %max3A_107 = vector.broadcast %max3A_106 : f32 to vector<1x128xf32>
    %max3A_108 = arith.maximumf %sub3A_105, %max3A_107 : vector<1x128xf32>
    %add3A_109 = arith.constant 9.99999974E-6 : f32
    %add3A_110 = vector.broadcast %add3A_109 : f32 to vector<1x128xf32>
    %add3A_111 = arith.addf %max3A_108, %add3A_110 : vector<1x128xf32>
    %rsqrt3A_112 = math.rsqrt %add3A_111 : vector<1x128xf32>
    %broadcast_in_dim3A_113 = vector.shape_cast %get3A_86 : vector<128xf32> to vector<1x128xf32>
    %mul3A_114 = arith.mulf %rsqrt3A_112, %broadcast_in_dim3A_113 : vector<1x128xf32>
    %mul3A_115 = vector.broadcast %mul3A_114 : vector<1x128xf32> to vector<10000x128xf32>
    %mul3A_116 = arith.mulf %add3A_82, %mul3A_115 : vector<10000x128xf32>
    %mul3A_117 = arith.mulf %mul3A_96, %mul3A_114 : vector<1x128xf32>
    %broadcast_in_dim3A_118 = vector.shape_cast %get3A_90 : vector<128xf32> to vector<1x128xf32>
    %sub3A_119 = arith.subf %broadcast_in_dim3A_118, %mul3A_117 : vector<1x128xf32>
    %add3A_120 = vector.broadcast %sub3A_119 : vector<1x128xf32> to vector<10000x128xf32>
    %add3A_121 = arith.addf %mul3A_116, %add3A_120 : vector<10000x128xf32>
    %max3A_122 = arith.constant 0.000000e+00 : f32
    %max3A_123 = vector.broadcast %max3A_122 : f32 to vector<10000x128xf32>
    %max3A_124 = arith.maximumf %add3A_121, %max3A_123 : vector<10000x128xf32>
    %swap3A = arith.constant 0 : index
    %swap3A_125 = arith.constant 0 : index
    %swap3A_126 = vector.load %arg11[%swap3A, %swap3A_125] : memref<10000x128xf32, #tpu.memory_space<vmem>>, vector<10000x128xf32>
    tpu.vector_store %arg11[%swap3A, %swap3A_125], %max3A_124 {strides = array<i32>} : memref<10000x128xf32, #tpu.memory_space<vmem>>, vector<10000x128xf32>,
    %max3A_127 = arith.constant 0.000000e+00 : f32
    %max3A_128 = vector.broadcast %max3A_127 : f32 to vector<10000x128xf32>
    %max3A_129 = arith.maximumf %max3A_124, %max3A_128 : vector<10000x128xf32>
    %swap3A_130 = arith.constant 0 : index
    %swap3A_131 = arith.constant 0 : index
    %swap3A_132 = vector.load %arg12[%swap3A_130, %swap3A_131] : memref<10000x128xf32, #tpu.memory_space<vmem>>, vector<10000x128xf32>
    tpu.vector_store %arg12[%swap3A_130, %swap3A_131], %max3A_129 {strides = array<i32>} : memref<10000x128xf32, #tpu.memory_space<vmem>>, vector<10000x128xf32>,
    return
  }
}

module attributes {stable_mosaic.version = 14 : i64} {
  func.func @_prep_body(%arg0: memref<10000x128xf32, #tpu.memory_space<vmem>>, %arg1: memref<10000x128xf32, #tpu.memory_space<vmem>>) attributes {dimension_semantics = [], scalar_prefetch = 0 : i64, scratch_operands = 0 : i64, tpu.core_type = #tpu.core_type<tc>} {
    %get3A = arith.constant 0 : index
    %get3A_0 = arith.constant 0 : index
    %get3A_1 = vector.load %arg0[%get3A, %get3A_0] : memref<10000x128xf32, #tpu.memory_space<vmem>>, vector<10000x128xf32>
    %max3A = arith.constant 0.000000e+00 : f32
    %max3A_2 = vector.broadcast %max3A : f32 to vector<10000x128xf32>
    %max3A_3 = arith.maximumf %get3A_1, %max3A_2 : vector<10000x128xf32>
    %swap3A = arith.constant 0 : index
    %swap3A_4 = arith.constant 0 : index
    %swap3A_5 = vector.load %arg1[%swap3A, %swap3A_4] : memref<10000x128xf32, #tpu.memory_space<vmem>>, vector<10000x128xf32>
    tpu.vector_store %arg1[%swap3A, %swap3A_4], %max3A_3 {strides = array<i32>} : memref<10000x128xf32, #tpu.memory_space<vmem>>, vector<10000x128xf32>,
    return
  }
}

module attributes {stable_mosaic.version = 14 : i64} {
  func.func @_mlp_body(%arg0: memref<10000x128xf32, #tpu.memory_space<vmem>>, %arg1: memref<2x10240x128xf32, #tpu.memory_space<vmem>>, %arg2: memref<3x128x256xf32, #tpu.memory_space<vmem>>, %arg3: memref<3x256xf32, #tpu.memory_space<vmem>>, %arg4: memref<3x256xf32, #tpu.memory_space<vmem>>, %arg5: memref<3x256xf32, #tpu.memory_space<vmem>>, %arg6: memref<3x256x128xf32, #tpu.memory_space<vmem>>, %arg7: memref<3x128xf32, #tpu.memory_space<vmem>>, %arg8: memref<3x128xf32, #tpu.memory_space<vmem>>, %arg9: memref<3x128xf32, #tpu.memory_space<vmem>>, %arg10: memref<1x3xf32, #tpu.memory_space<smem>>, %arg11: memref<10000x128xf32, #tpu.memory_space<vmem>>, %arg12: memref<10000x128xf32, #tpu.memory_space<vmem>>) attributes {dimension_semantics = [], scalar_prefetch = 0 : i64, scratch_operands = 0 : i64, tpu.core_type = #tpu.core_type<tc>} {
    %get3A = arith.constant 0 : index
    %get3A_0 = arith.constant 0 : index
    %get3A_1 = arith.constant 0 : index
    %get3A_2 = vector.load %arg1[%get3A, %get3A_0, %get3A_1] : memref<2x10240x128xf32, #tpu.memory_space<vmem>>, vector<1x10000x128xf32>
    %get3A_3 = vector.shape_cast %get3A_2 : vector<1x10000x128xf32> to vector<10000x128xf32>
    %get3A_4 = arith.constant 1 : index
    %get3A_5 = arith.constant 0 : index
    %get3A_6 = arith.constant 0 : index
    %get3A_7 = vector.load %arg1[%get3A_4, %get3A_5, %get3A_6] : memref<2x10240x128xf32, #tpu.memory_space<vmem>>, vector<1x10000x128xf32>
    %get3A_8 = vector.shape_cast %get3A_7 : vector<1x10000x128xf32> to vector<10000x128xf32>
    %add3A = arith.addf %get3A_3, %get3A_8 : vector<10000x128xf32>
    %get3A_9 = arith.constant 0 : index
    %get3A_10 = arith.constant 0 : index
    %get3A_11 = memref.load %arg10[%get3A_9, %get3A_10] : memref<1x3xf32, #tpu.memory_space<smem>>
    %add3A_12 = arith.constant 1.000000e+00 : f32
    %add3A_13 = arith.addf %add3A_12, %get3A_11 : f32
    %get3A_14 = arith.constant 0 : index
    %get3A_15 = arith.constant 0 : index
    %get3A_16 = vector.load %arg0[%get3A_14, %get3A_15] : memref<10000x128xf32, #tpu.memory_space<vmem>>, vector<10000x128xf32>
    %mul3A = vector.broadcast %add3A_13 : f32 to vector<10000x128xf32>
    %mul3A_17 = arith.mulf %mul3A, %get3A_16 : vector<10000x128xf32>
    %add3A_18 = arith.addf %mul3A_17, %add3A : vector<10000x128xf32>
    %get3A_19 = arith.constant 0 : index
    %get3A_20 = arith.constant 0 : index
    %get3A_21 = arith.constant 0 : index
    %get3A_22 = vector.load %arg2[%get3A_19, %get3A_20, %get3A_21] : memref<3x128x256xf32, #tpu.memory_space<vmem>>, vector<1x128x256xf32>
    %get3A_23 = vector.shape_cast %get3A_22 : vector<1x128x256xf32> to vector<128x256xf32>
    %dot_general3A = arith.constant dense<0.000000e+00> : vector<10000x256xf32>
    %dot_general3A_24 = tpu.matmul %add3A_18, %get3A_23, %dot_general3A {dimension_numbers = #tpu.dot_dimension_numbers<[1], [0], [0], [1], [0, 0, 1, 1], [], []>, transpose_lhs_hint = false} : vector<10000x128xf32>, vector<128x256xf32>, vector<10000x256xf32> -> vector<10000x256xf32>
    %get3A_25 = arith.constant 0 : index
    %get3A_26 = arith.constant 0 : index
    %get3A_27 = vector.load %arg3[%get3A_25, %get3A_26] : memref<3x256xf32, #tpu.memory_space<vmem>>, vector<1x256xf32>
    %get3A_28 = vector.shape_cast %get3A_27 : vector<1x256xf32> to vector<256xf32>
    %broadcast_in_dim3A = vector.shape_cast %get3A_28 : vector<256xf32> to vector<1x256xf32>
    %add3A_29 = vector.broadcast %broadcast_in_dim3A : vector<1x256xf32> to vector<10000x256xf32>
    %add3A_30 = arith.addf %dot_general3A_24, %add3A_29 : vector<10000x256xf32>
    %get3A_31 = arith.constant 0 : index
    %get3A_32 = arith.constant 0 : index
    %get3A_33 = vector.load %arg4[%get3A_31, %get3A_32] : memref<3x256xf32, #tpu.memory_space<vmem>>, vector<1x256xf32>
    %get3A_34 = vector.shape_cast %get3A_33 : vector<1x256xf32> to vector<256xf32>
    %get3A_35 = arith.constant 0 : index
    %get3A_36 = arith.constant 0 : index
    %get3A_37 = vector.load %arg5[%get3A_35, %get3A_36] : memref<3x256xf32, #tpu.memory_space<vmem>>, vector<1x256xf32>
    %get3A_38 = vector.shape_cast %get3A_37 : vector<1x256xf32> to vector<256xf32>
    %reduce_sum3A = arith.constant dense<0.000000e+00> : vector<256xf32>
    %reduce_sum3A_39 = vector.multi_reduction <add>, %add3A_30, %reduce_sum3A [0] : vector<10000x256xf32> to vector<256xf32>
    %broadcast_in_dim3A_40 = vector.shape_cast %reduce_sum3A_39 : vector<256xf32> to vector<1x256xf32>
    %mul3A_41 = arith.constant 9.99999974E-5 : f32
    %mul3A_42 = vector.broadcast %mul3A_41 : f32 to vector<1x256xf32>
    %mul3A_43 = arith.mulf %broadcast_in_dim3A_40, %mul3A_42 : vector<1x256xf32>
    %mul3A_44 = arith.mulf %add3A_30, %add3A_30 : vector<10000x256xf32>
    %reduce_sum3A_45 = arith.constant dense<0.000000e+00> : vector<256xf32>
    %reduce_sum3A_46 = vector.multi_reduction <add>, %mul3A_44, %reduce_sum3A_45 [0] : vector<10000x256xf32> to vector<256xf32>
    %broadcast_in_dim3A_47 = vector.shape_cast %reduce_sum3A_46 : vector<256xf32> to vector<1x256xf32>
    %mul3A_48 = arith.constant 9.99999974E-5 : f32
    %mul3A_49 = vector.broadcast %mul3A_48 : f32 to vector<1x256xf32>
    %mul3A_50 = arith.mulf %broadcast_in_dim3A_47, %mul3A_49 : vector<1x256xf32>
    %mul3A_51 = arith.mulf %mul3A_43, %mul3A_43 : vector<1x256xf32>
    %sub3A = arith.subf %mul3A_50, %mul3A_51 : vector<1x256xf32>
    %max3A = arith.constant 0.000000e+00 : f32
    %max3A_52 = vector.broadcast %max3A : f32 to vector<1x256xf32>
    %max3A_53 = arith.maximumf %sub3A, %max3A_52 : vector<1x256xf32>
    %add3A_54 = arith.constant 9.99999974E-6 : f32
    %add3A_55 = vector.broadcast %add3A_54 : f32 to vector<1x256xf32>
    %add3A_56 = arith.addf %max3A_53, %add3A_55 : vector<1x256xf32>
    %rsqrt3A = math.rsqrt %add3A_56 : vector<1x256xf32>
    %broadcast_in_dim3A_57 = vector.shape_cast %get3A_34 : vector<256xf32> to vector<1x256xf32>
    %mul3A_58 = arith.mulf %rsqrt3A, %broadcast_in_dim3A_57 : vector<1x256xf32>
    %mul3A_59 = vector.broadcast %mul3A_58 : vector<1x256xf32> to vector<10000x256xf32>
    %mul3A_60 = arith.mulf %add3A_30, %mul3A_59 : vector<10000x256xf32>
    %mul3A_61 = arith.mulf %mul3A_43, %mul3A_58 : vector<1x256xf32>
    %broadcast_in_dim3A_62 = vector.shape_cast %get3A_38 : vector<256xf32> to vector<1x256xf32>
    %sub3A_63 = arith.subf %broadcast_in_dim3A_62, %mul3A_61 : vector<1x256xf32>
    %add3A_64 = vector.broadcast %sub3A_63 : vector<1x256xf32> to vector<10000x256xf32>
    %add3A_65 = arith.addf %mul3A_60, %add3A_64 : vector<10000x256xf32>
    %max3A_66 = arith.constant 0.000000e+00 : f32
    %max3A_67 = vector.broadcast %max3A_66 : f32 to vector<10000x256xf32>
    %max3A_68 = arith.maximumf %add3A_65, %max3A_67 : vector<10000x256xf32>
    %get3A_69 = arith.constant 0 : index
    %get3A_70 = arith.constant 0 : index
    %get3A_71 = arith.constant 0 : index
    %get3A_72 = vector.load %arg6[%get3A_69, %get3A_70, %get3A_71] : memref<3x256x128xf32, #tpu.memory_space<vmem>>, vector<1x256x128xf32>
    %get3A_73 = vector.shape_cast %get3A_72 : vector<1x256x128xf32> to vector<256x128xf32>
    %dot_general3A_74 = arith.constant dense<0.000000e+00> : vector<10000x128xf32>
    %dot_general3A_75 = tpu.matmul %max3A_68, %get3A_73, %dot_general3A_74 {dimension_numbers = #tpu.dot_dimension_numbers<[1], [0], [0], [1], [0, 0, 1, 1], [], []>, transpose_lhs_hint = false} : vector<10000x256xf32>, vector<256x128xf32>, vector<10000x128xf32> -> vector<10000x128xf32>
    %get3A_76 = arith.constant 0 : index
    %get3A_77 = arith.constant 0 : index
    %get3A_78 = vector.load %arg7[%get3A_76, %get3A_77] : memref<3x128xf32, #tpu.memory_space<vmem>>, vector<1x128xf32>
    %get3A_79 = vector.shape_cast %get3A_78 : vector<1x128xf32> to vector<128xf32>
    %broadcast_in_dim3A_80 = vector.shape_cast %get3A_79 : vector<128xf32> to vector<1x128xf32>
    %add3A_81 = vector.broadcast %broadcast_in_dim3A_80 : vector<1x128xf32> to vector<10000x128xf32>
    %add3A_82 = arith.addf %dot_general3A_75, %add3A_81 : vector<10000x128xf32>
    %get3A_83 = arith.constant 0 : index
    %get3A_84 = arith.constant 0 : index
    %get3A_85 = vector.load %arg8[%get3A_83, %get3A_84] : memref<3x128xf32, #tpu.memory_space<vmem>>, vector<1x128xf32>
    %get3A_86 = vector.shape_cast %get3A_85 : vector<1x128xf32> to vector<128xf32>
    %get3A_87 = arith.constant 0 : index
    %get3A_88 = arith.constant 0 : index
    %get3A_89 = vector.load %arg9[%get3A_87, %get3A_88] : memref<3x128xf32, #tpu.memory_space<vmem>>, vector<1x128xf32>
    %get3A_90 = vector.shape_cast %get3A_89 : vector<1x128xf32> to vector<128xf32>
    %reduce_sum3A_91 = arith.constant dense<0.000000e+00> : vector<128xf32>
    %reduce_sum3A_92 = vector.multi_reduction <add>, %add3A_82, %reduce_sum3A_91 [0] : vector<10000x128xf32> to vector<128xf32>
    %broadcast_in_dim3A_93 = vector.shape_cast %reduce_sum3A_92 : vector<128xf32> to vector<1x128xf32>
    %mul3A_94 = arith.constant 9.99999974E-5 : f32
    %mul3A_95 = vector.broadcast %mul3A_94 : f32 to vector<1x128xf32>
    %mul3A_96 = arith.mulf %broadcast_in_dim3A_93, %mul3A_95 : vector<1x128xf32>
    %mul3A_97 = arith.mulf %add3A_82, %add3A_82 : vector<10000x128xf32>
    %reduce_sum3A_98 = arith.constant dense<0.000000e+00> : vector<128xf32>
    %reduce_sum3A_99 = vector.multi_reduction <add>, %mul3A_97, %reduce_sum3A_98 [0] : vector<10000x128xf32> to vector<128xf32>
    %broadcast_in_dim3A_100 = vector.shape_cast %reduce_sum3A_99 : vector<128xf32> to vector<1x128xf32>
    %mul3A_101 = arith.constant 9.99999974E-5 : f32
    %mul3A_102 = vector.broadcast %mul3A_101 : f32 to vector<1x128xf32>
    %mul3A_103 = arith.mulf %broadcast_in_dim3A_100, %mul3A_102 : vector<1x128xf32>
    %mul3A_104 = arith.mulf %mul3A_96, %mul3A_96 : vector<1x128xf32>
    %sub3A_105 = arith.subf %mul3A_103, %mul3A_104 : vector<1x128xf32>
    %max3A_106 = arith.constant 0.000000e+00 : f32
    %max3A_107 = vector.broadcast %max3A_106 : f32 to vector<1x128xf32>
    %max3A_108 = arith.maximumf %sub3A_105, %max3A_107 : vector<1x128xf32>
    %add3A_109 = arith.constant 9.99999974E-6 : f32
    %add3A_110 = vector.broadcast %add3A_109 : f32 to vector<1x128xf32>
    %add3A_111 = arith.addf %max3A_108, %add3A_110 : vector<1x128xf32>
    %rsqrt3A_112 = math.rsqrt %add3A_111 : vector<1x128xf32>
    %broadcast_in_dim3A_113 = vector.shape_cast %get3A_86 : vector<128xf32> to vector<1x128xf32>
    %mul3A_114 = arith.mulf %rsqrt3A_112, %broadcast_in_dim3A_113 : vector<1x128xf32>
    %mul3A_115 = vector.broadcast %mul3A_114 : vector<1x128xf32> to vector<10000x128xf32>
    %mul3A_116 = arith.mulf %add3A_82, %mul3A_115 : vector<10000x128xf32>
    %mul3A_117 = arith.mulf %mul3A_96, %mul3A_114 : vector<1x128xf32>
    %broadcast_in_dim3A_118 = vector.shape_cast %get3A_90 : vector<128xf32> to vector<1x128xf32>
    %sub3A_119 = arith.subf %broadcast_in_dim3A_118, %mul3A_117 : vector<1x128xf32>
    %add3A_120 = vector.broadcast %sub3A_119 : vector<1x128xf32> to vector<10000x128xf32>
    %add3A_121 = arith.addf %mul3A_116, %add3A_120 : vector<10000x128xf32>
    %max3A_122 = arith.constant 0.000000e+00 : f32
    %max3A_123 = vector.broadcast %max3A_122 : f32 to vector<10000x128xf32>
    %max3A_124 = arith.maximumf %add3A_121, %max3A_123 : vector<10000x128xf32>
    %swap3A = arith.constant 0 : index
    %swap3A_125 = arith.constant 0 : index
    %swap3A_126 = vector.load %arg11[%swap3A, %swap3A_125] : memref<10000x128xf32, #tpu.memory_space<vmem>>, vector<10000x128xf32>
    tpu.vector_store %arg11[%swap3A, %swap3A_125], %max3A_124 {strides = array<i32>} : memref<10000x128xf32, #tpu.memory_space<vmem>>, vector<10000x128xf32>,
    %max3A_127 = arith.constant 0.000000e+00 : f32
    %max3A_128 = vector.broadcast %max3A_127 : f32 to vector<10000x128xf32>
    %max3A_129 = arith.maximumf %max3A_124, %max3A_128 : vector<10000x128xf32>
    %swap3A_130 = arith.constant 0 : index
    %swap3A_131 = arith.constant 0 : index
    %swap3A_132 = vector.load %arg12[%swap3A_130, %swap3A_131] : memref<10000x128xf32, #tpu.memory_space<vmem>>, vector<10000x128xf32>
    tpu.vector_store %arg12[%swap3A_130, %swap3A_131], %max3A_129 {strides = array<i32>} : memref<10000x128xf32, #tpu.memory_space<vmem>>, vector<10000x128xf32>,
    return
  }
}

module attributes {stable_mosaic.version = 14 : i64} {
  func.func @_mlp_body(%arg0: memref<10000x128xf32, #tpu.memory_space<vmem>>, %arg1: memref<2x10240x128xf32, #tpu.memory_space<vmem>>, %arg2: memref<3x128x256xf32, #tpu.memory_space<vmem>>, %arg3: memref<3x256xf32, #tpu.memory_space<vmem>>, %arg4: memref<3x256xf32, #tpu.memory_space<vmem>>, %arg5: memref<3x256xf32, #tpu.memory_space<vmem>>, %arg6: memref<3x256x128xf32, #tpu.memory_space<vmem>>, %arg7: memref<3x128xf32, #tpu.memory_space<vmem>>, %arg8: memref<3x128xf32, #tpu.memory_space<vmem>>, %arg9: memref<3x128xf32, #tpu.memory_space<vmem>>, %arg10: memref<1x3xf32, #tpu.memory_space<smem>>, %arg11: memref<10000x128xf32, #tpu.memory_space<vmem>>, %arg12: memref<10000x128xf32, #tpu.memory_space<vmem>>) attributes {dimension_semantics = [], scalar_prefetch = 0 : i64, scratch_operands = 0 : i64, tpu.core_type = #tpu.core_type<tc>} {
    %get3A = arith.constant 0 : index
    %get3A_0 = arith.constant 0 : index
    %get3A_1 = arith.constant 0 : index
    %get3A_2 = vector.load %arg1[%get3A, %get3A_0, %get3A_1] : memref<2x10240x128xf32, #tpu.memory_space<vmem>>, vector<1x10000x128xf32>
    %get3A_3 = vector.shape_cast %get3A_2 : vector<1x10000x128xf32> to vector<10000x128xf32>
    %get3A_4 = arith.constant 1 : index
    %get3A_5 = arith.constant 0 : index
    %get3A_6 = arith.constant 0 : index
    %get3A_7 = vector.load %arg1[%get3A_4, %get3A_5, %get3A_6] : memref<2x10240x128xf32, #tpu.memory_space<vmem>>, vector<1x10000x128xf32>
    %get3A_8 = vector.shape_cast %get3A_7 : vector<1x10000x128xf32> to vector<10000x128xf32>
    %add3A = arith.addf %get3A_3, %get3A_8 : vector<10000x128xf32>
    %get3A_9 = arith.constant 0 : index
    %get3A_10 = arith.constant 2 : index
    %get3A_11 = memref.load %arg10[%get3A_9, %get3A_10] : memref<1x3xf32, #tpu.memory_space<smem>>
    %add3A_12 = arith.constant 1.000000e+00 : f32
    %add3A_13 = arith.addf %add3A_12, %get3A_11 : f32
    %get3A_14 = arith.constant 0 : index
    %get3A_15 = arith.constant 0 : index
    %get3A_16 = vector.load %arg0[%get3A_14, %get3A_15] : memref<10000x128xf32, #tpu.memory_space<vmem>>, vector<10000x128xf32>
    %mul3A = vector.broadcast %add3A_13 : f32 to vector<10000x128xf32>
    %mul3A_17 = arith.mulf %mul3A, %get3A_16 : vector<10000x128xf32>
    %add3A_18 = arith.addf %mul3A_17, %add3A : vector<10000x128xf32>
    %get3A_19 = arith.constant 2 : index
    %get3A_20 = arith.constant 0 : index
    %get3A_21 = arith.constant 0 : index
    %get3A_22 = vector.load %arg2[%get3A_19, %get3A_20, %get3A_21] : memref<3x128x256xf32, #tpu.memory_space<vmem>>, vector<1x128x256xf32>
    %get3A_23 = vector.shape_cast %get3A_22 : vector<1x128x256xf32> to vector<128x256xf32>
    %dot_general3A = arith.constant dense<0.000000e+00> : vector<10000x256xf32>
    %dot_general3A_24 = tpu.matmul %add3A_18, %get3A_23, %dot_general3A {dimension_numbers = #tpu.dot_dimension_numbers<[1], [0], [0], [1], [0, 0, 1, 1], [], []>, transpose_lhs_hint = false} : vector<10000x128xf32>, vector<128x256xf32>, vector<10000x256xf32> -> vector<10000x256xf32>
    %get3A_25 = arith.constant 2 : index
    %get3A_26 = arith.constant 0 : index
    %get3A_27 = vector.load %arg3[%get3A_25, %get3A_26] : memref<3x256xf32, #tpu.memory_space<vmem>>, vector<1x256xf32>
    %get3A_28 = vector.shape_cast %get3A_27 : vector<1x256xf32> to vector<256xf32>
    %broadcast_in_dim3A = vector.shape_cast %get3A_28 : vector<256xf32> to vector<1x256xf32>
    %add3A_29 = vector.broadcast %broadcast_in_dim3A : vector<1x256xf32> to vector<10000x256xf32>
    %add3A_30 = arith.addf %dot_general3A_24, %add3A_29 : vector<10000x256xf32>
    %get3A_31 = arith.constant 2 : index
    %get3A_32 = arith.constant 0 : index
    %get3A_33 = vector.load %arg4[%get3A_31, %get3A_32] : memref<3x256xf32, #tpu.memory_space<vmem>>, vector<1x256xf32>
    %get3A_34 = vector.shape_cast %get3A_33 : vector<1x256xf32> to vector<256xf32>
    %get3A_35 = arith.constant 2 : index
    %get3A_36 = arith.constant 0 : index
    %get3A_37 = vector.load %arg5[%get3A_35, %get3A_36] : memref<3x256xf32, #tpu.memory_space<vmem>>, vector<1x256xf32>
    %get3A_38 = vector.shape_cast %get3A_37 : vector<1x256xf32> to vector<256xf32>
    %reduce_sum3A = arith.constant dense<0.000000e+00> : vector<256xf32>
    %reduce_sum3A_39 = vector.multi_reduction <add>, %add3A_30, %reduce_sum3A [0] : vector<10000x256xf32> to vector<256xf32>
    %broadcast_in_dim3A_40 = vector.shape_cast %reduce_sum3A_39 : vector<256xf32> to vector<1x256xf32>
    %mul3A_41 = arith.constant 9.99999974E-5 : f32
    %mul3A_42 = vector.broadcast %mul3A_41 : f32 to vector<1x256xf32>
    %mul3A_43 = arith.mulf %broadcast_in_dim3A_40, %mul3A_42 : vector<1x256xf32>
    %mul3A_44 = arith.mulf %add3A_30, %add3A_30 : vector<10000x256xf32>
    %reduce_sum3A_45 = arith.constant dense<0.000000e+00> : vector<256xf32>
    %reduce_sum3A_46 = vector.multi_reduction <add>, %mul3A_44, %reduce_sum3A_45 [0] : vector<10000x256xf32> to vector<256xf32>
    %broadcast_in_dim3A_47 = vector.shape_cast %reduce_sum3A_46 : vector<256xf32> to vector<1x256xf32>
    %mul3A_48 = arith.constant 9.99999974E-5 : f32
    %mul3A_49 = vector.broadcast %mul3A_48 : f32 to vector<1x256xf32>
    %mul3A_50 = arith.mulf %broadcast_in_dim3A_47, %mul3A_49 : vector<1x256xf32>
    %mul3A_51 = arith.mulf %mul3A_43, %mul3A_43 : vector<1x256xf32>
    %sub3A = arith.subf %mul3A_50, %mul3A_51 : vector<1x256xf32>
    %max3A = arith.constant 0.000000e+00 : f32
    %max3A_52 = vector.broadcast %max3A : f32 to vector<1x256xf32>
    %max3A_53 = arith.maximumf %sub3A, %max3A_52 : vector<1x256xf32>
    %add3A_54 = arith.constant 9.99999974E-6 : f32
    %add3A_55 = vector.broadcast %add3A_54 : f32 to vector<1x256xf32>
    %add3A_56 = arith.addf %max3A_53, %add3A_55 : vector<1x256xf32>
    %rsqrt3A = math.rsqrt %add3A_56 : vector<1x256xf32>
    %broadcast_in_dim3A_57 = vector.shape_cast %get3A_34 : vector<256xf32> to vector<1x256xf32>
    %mul3A_58 = arith.mulf %rsqrt3A, %broadcast_in_dim3A_57 : vector<1x256xf32>
    %mul3A_59 = vector.broadcast %mul3A_58 : vector<1x256xf32> to vector<10000x256xf32>
    %mul3A_60 = arith.mulf %add3A_30, %mul3A_59 : vector<10000x256xf32>
    %mul3A_61 = arith.mulf %mul3A_43, %mul3A_58 : vector<1x256xf32>
    %broadcast_in_dim3A_62 = vector.shape_cast %get3A_38 : vector<256xf32> to vector<1x256xf32>
    %sub3A_63 = arith.subf %broadcast_in_dim3A_62, %mul3A_61 : vector<1x256xf32>
    %add3A_64 = vector.broadcast %sub3A_63 : vector<1x256xf32> to vector<10000x256xf32>
    %add3A_65 = arith.addf %mul3A_60, %add3A_64 : vector<10000x256xf32>
    %max3A_66 = arith.constant 0.000000e+00 : f32
    %max3A_67 = vector.broadcast %max3A_66 : f32 to vector<10000x256xf32>
    %max3A_68 = arith.maximumf %add3A_65, %max3A_67 : vector<10000x256xf32>
    %get3A_69 = arith.constant 2 : index
    %get3A_70 = arith.constant 0 : index
    %get3A_71 = arith.constant 0 : index
    %get3A_72 = vector.load %arg6[%get3A_69, %get3A_70, %get3A_71] : memref<3x256x128xf32, #tpu.memory_space<vmem>>, vector<1x256x128xf32>
    %get3A_73 = vector.shape_cast %get3A_72 : vector<1x256x128xf32> to vector<256x128xf32>
    %dot_general3A_74 = arith.constant dense<0.000000e+00> : vector<10000x128xf32>
    %dot_general3A_75 = tpu.matmul %max3A_68, %get3A_73, %dot_general3A_74 {dimension_numbers = #tpu.dot_dimension_numbers<[1], [0], [0], [1], [0, 0, 1, 1], [], []>, transpose_lhs_hint = false} : vector<10000x256xf32>, vector<256x128xf32>, vector<10000x128xf32> -> vector<10000x128xf32>
    %get3A_76 = arith.constant 2 : index
    %get3A_77 = arith.constant 0 : index
    %get3A_78 = vector.load %arg7[%get3A_76, %get3A_77] : memref<3x128xf32, #tpu.memory_space<vmem>>, vector<1x128xf32>
    %get3A_79 = vector.shape_cast %get3A_78 : vector<1x128xf32> to vector<128xf32>
    %broadcast_in_dim3A_80 = vector.shape_cast %get3A_79 : vector<128xf32> to vector<1x128xf32>
    %add3A_81 = vector.broadcast %broadcast_in_dim3A_80 : vector<1x128xf32> to vector<10000x128xf32>
    %add3A_82 = arith.addf %dot_general3A_75, %add3A_81 : vector<10000x128xf32>
    %get3A_83 = arith.constant 2 : index
    %get3A_84 = arith.constant 0 : index
    %get3A_85 = vector.load %arg8[%get3A_83, %get3A_84] : memref<3x128xf32, #tpu.memory_space<vmem>>, vector<1x128xf32>
    %get3A_86 = vector.shape_cast %get3A_85 : vector<1x128xf32> to vector<128xf32>
    %get3A_87 = arith.constant 2 : index
    %get3A_88 = arith.constant 0 : index
    %get3A_89 = vector.load %arg9[%get3A_87, %get3A_88] : memref<3x128xf32, #tpu.memory_space<vmem>>, vector<1x128xf32>
    %get3A_90 = vector.shape_cast %get3A_89 : vector<1x128xf32> to vector<128xf32>
    %reduce_sum3A_91 = arith.constant dense<0.000000e+00> : vector<128xf32>
    %reduce_sum3A_92 = vector.multi_reduction <add>, %add3A_82, %reduce_sum3A_91 [0] : vector<10000x128xf32> to vector<128xf32>
    %broadcast_in_dim3A_93 = vector.shape_cast %reduce_sum3A_92 : vector<128xf32> to vector<1x128xf32>
    %mul3A_94 = arith.constant 9.99999974E-5 : f32
    %mul3A_95 = vector.broadcast %mul3A_94 : f32 to vector<1x128xf32>
    %mul3A_96 = arith.mulf %broadcast_in_dim3A_93, %mul3A_95 : vector<1x128xf32>
    %mul3A_97 = arith.mulf %add3A_82, %add3A_82 : vector<10000x128xf32>
    %reduce_sum3A_98 = arith.constant dense<0.000000e+00> : vector<128xf32>
    %reduce_sum3A_99 = vector.multi_reduction <add>, %mul3A_97, %reduce_sum3A_98 [0] : vector<10000x128xf32> to vector<128xf32>
    %broadcast_in_dim3A_100 = vector.shape_cast %reduce_sum3A_99 : vector<128xf32> to vector<1x128xf32>
    %mul3A_101 = arith.constant 9.99999974E-5 : f32
    %mul3A_102 = vector.broadcast %mul3A_101 : f32 to vector<1x128xf32>
    %mul3A_103 = arith.mulf %broadcast_in_dim3A_100, %mul3A_102 : vector<1x128xf32>
    %mul3A_104 = arith.mulf %mul3A_96, %mul3A_96 : vector<1x128xf32>
    %sub3A_105 = arith.subf %mul3A_103, %mul3A_104 : vector<1x128xf32>
    %max3A_106 = arith.constant 0.000000e+00 : f32
    %max3A_107 = vector.broadcast %max3A_106 : f32 to vector<1x128xf32>
    %max3A_108 = arith.maximumf %sub3A_105, %max3A_107 : vector<1x128xf32>
    %add3A_109 = arith.constant 9.99999974E-6 : f32
    %add3A_110 = vector.broadcast %add3A_109 : f32 to vector<1x128xf32>
    %add3A_111 = arith.addf %max3A_108, %add3A_110 : vector<1x128xf32>
    %rsqrt3A_112 = math.rsqrt %add3A_111 : vector<1x128xf32>
    %broadcast_in_dim3A_113 = vector.shape_cast %get3A_86 : vector<128xf32> to vector<1x128xf32>
    %mul3A_114 = arith.mulf %rsqrt3A_112, %broadcast_in_dim3A_113 : vector<1x128xf32>
    %mul3A_115 = vector.broadcast %mul3A_114 : vector<1x128xf32> to vector<10000x128xf32>
    %mul3A_116 = arith.mulf %add3A_82, %mul3A_115 : vector<10000x128xf32>
    %mul3A_117 = arith.mulf %mul3A_96, %mul3A_114 : vector<1x128xf32>
    %broadcast_in_dim3A_118 = vector.shape_cast %get3A_90 : vector<128xf32> to vector<1x128xf32>
    %sub3A_119 = arith.subf %broadcast_in_dim3A_118, %mul3A_117 : vector<1x128xf32>
    %add3A_120 = vector.broadcast %sub3A_119 : vector<1x128xf32> to vector<10000x128xf32>
    %add3A_121 = arith.addf %mul3A_116, %add3A_120 : vector<10000x128xf32>
    %swap3A = arith.constant 0 : index
    %swap3A_122 = arith.constant 0 : index
    %swap3A_123 = vector.load %arg11[%swap3A, %swap3A_122] : memref<10000x128xf32, #tpu.memory_space<vmem>>, vector<10000x128xf32>
    tpu.vector_store %arg11[%swap3A, %swap3A_122], %add3A_121 {strides = array<i32>} : memref<10000x128xf32, #tpu.memory_space<vmem>>, vector<10000x128xf32>,
    %max3A_124 = arith.constant 0.000000e+00 : f32
    %max3A_125 = vector.broadcast %max3A_124 : f32 to vector<10000x128xf32>
    %max3A_126 = arith.maximumf %add3A_121, %max3A_125 : vector<10000x128xf32>
    %swap3A_127 = arith.constant 0 : index
    %swap3A_128 = arith.constant 0 : index
    %swap3A_129 = vector.load %arg12[%swap3A_127, %swap3A_128] : memref<10000x128xf32, #tpu.memory_space<vmem>>, vector<10000x128xf32>
    tpu.vector_store %arg12[%swap3A_127, %swap3A_128], %max3A_126 {strides = array<i32>} : memref<10000x128xf32, #tpu.memory_space<vmem>>, vector<10000x128xf32>,
    return
  }
}

</mosaic_0001>

<sc_bundles>
// kernel: kernel.12.cloned.1.call-start
scs
__scs_entry_jumppad:
0x0: {  	(pc) =	sbr.rel $0x88, $3  }
0x1: {  	(tag) =	ssettag $0x0;
	lr =	simm.s32 $0x1  }
0x2: {  	[smem:$0x3F96] =	sst lr;
	_ =	strace $0xD0000000  }
0x3: {  	_ = 	snop  }
0x4: {  	_ = 	snop  }
0x5: {  	_ = 	snop  }
0x6: {  	_ = 	snop  }
0x7: {  	_ = 	snop  }
__scs_overlays_trampoline_lowered:
0x8: {  	[smem:$0x3FA5] =	sst s0  }
0x9: {  	[smem:$0x3FA6] =	sst s1  }
0xa: {  	[smem:$0x3FA7] =	sst s2  }
0xb: {  	[smem:$0x3FA8] =	sst s3  }
0xc: {  	[smem:$0x3FA9] =	sst s4  }
0xd: {  	[smem:$0x3FAA] =	sst s5  }
0xe: {  	[smem:$0x3FAB] =	sst s6  }
0xf: {  	[smem:$0x3FAC] =	sst s7  }
0x10: {  	[smem:$0x3FAD] =	sst s8  }
0x11: {  	[smem:$0x3FAE] =	sst s9;
	s0 =	simm.s32 @!p0 $0x0  }
0x12: {  	s1 =	sld [smem:$0x3F94];
	s0 =	simm.s32 @p0 $0x1  }
0x13: {  	[smem:$0x3FAF] =	sst s0;
	s0 =	simm.s32 @!p1 $0x0  }
0x14: {  	s2 =	sld [smem:$0x3F93];
	s0 =	simm.s32 @p1 $0x1  }
0x15: {  	[smem:$0x3FB0] =	sst s0;
	s0 =	simm.s32 @!p2 $0x0  }
0x16: {  	s3 =	sld [smem:$0x3FDB];
	s0 =	simm.s32 @p2 $0x1  }
0x17: {  	s4 =	simm.s32 $0x1BF5;
	[smem:$0x3FB2] =	sst s0  }
0x18: {  	s0 =	sld [smem:$0x3F95];
	_ =	swait.ge [sflag:s4], $0x0  }
0x19: {  	s7 =	sld [smem:$0x3F96]  }
0x1a: {  	s8 =	sadd.s32 $0xFFFFE003, lr  }
0x1b: {  	s9 =	sadd.s32 $0xFFFFFEF7, lr;
	s5 =	simm.s32 $0xFFFFFFFF;
	p2 =	slt.u32 s8, $0xFFFFF086  }
0x1c: {  	p1 =	slt.u32 s9, $0xF7A;
	s5 =	simm.s32 @!p2 $0x0  }
0x1d: {  	s5 =	simm.s32 @p1 $0x1;
	p0 =	seq.s32 s7, s2  }
0x1e: {  	s7 =	smul.u32 @!p0 $0xF7A, s2;
	p2 =	seq.s32 @!p0 s5, $0x0  }
0x1f: {  	s9 =	smul.u32 $0xF7A, s1;
	s8 =	simm.s32 @!p0 $0x1BF5;
	p2 =	por !p2, p0  }
0x20: {  	[sflag:s8] =	ssyncset.s32 @!p0 $0xFFFFF086;
	s6 =	sadd.s32 @!p0 s3, s7;
	s7 =	simm.s32 @!p0 $0x108  }
0x21: {  	s3 =	sadd.s32 s3, s9;
	s6 =	sadd.s32 @!p0 $0x88, s6;
	s7 =	simm.s32 @p2 $0x1082  }
0x22: {  	[simem:s7], [sflag:s8] =	dma.local @!p0 [hbm:s6], $0xF7A  }
0x23: {  	s9 =	sor.u32 $0xD0000000, s2;
	s6 =	simm.s32 $0x108;
	_ =	swait.ge @!p0 [sflag:s8], $0x0  }
0x24: {  	s3 =	sadd.s32 $0x88, s3;
	s6 =	simm.s32 @!p1 $0x1082;
	[sflag:s4] =	ssyncset.s32 $0xFFFFF086  }
0x25: {  	[simem:s6], [sflag:s4] =	dma.local [hbm:s3], $0xF7A  }
0x26: {  	[smem:$0x3F96] =	sst s1;
	(tag) =	ssettag s2;
	_ =	strace s9  }
0x27: {  	s1 =	sld [smem:$0x3FA6]  }
0x28: {  	s2 =	sld [smem:$0x3FA7]  }
0x29: {  	s4 =	sld [smem:$0x3FA9]  }
0x2a: {  	p0 =	seq.s32 s5, $0x0;
	s5 =	sld [smem:$0x3FAA]  }
0x2b: {  	s6 =	sld [smem:$0x3FAB]  }
0x2c: {  	s7 =	sld [smem:$0x3FAC]  }
0x2d: {  	s3 =	simm.s32 $0x108;
	s8 =	sld [smem:$0x3FAD]  }
0x2e: {  	s3 =	simm.s32 @!p0 $0x1082;
	s9 =	sld [smem:$0x3FAE]  }
0x2f: {  	lr =	sadd.s32 s0, s3;
	s0 =	sld [smem:$0x3FA5]  }
0x30: {  	s3 =	sld [smem:$0x3FA8]  }
0x31: {  	[smem:$0x3FB1] =	sst s10  }
0x32: {  	s10 =	sld [smem:$0x3FAF];
	_ =	sdelay $0x3  }
0x33: {  	p0 =	seq.s32 s10, $0x1;
	s10 =	sld [smem:$0x3FB1];
	_ =	sdelay $0x3  }
0x34: {  	[smem:$0x3FB1] =	sst s10  }
0x35: {  	s10 =	sld [smem:$0x3FB0];
	_ =	sdelay $0x3  }
0x36: {  	p1 =	seq.s32 s10, $0x1;
	s10 =	sld [smem:$0x3FB1];
	_ =	sdelay $0x3  }
0x37: {  	[smem:$0x3FB1] =	sst s10  }
0x38: {  	s10 =	sld [smem:$0x3FB2]  }
0x39: {  	_ = 	snop;
	(pc) =	sbr.ind lr, $3  }
0x3a: {  	_ = 	snop  }
0x3b: {  	_ = 	snop  }
0x3c: {  	p2 =	seq.s32 s10, $0x1;
	s10 =	sld [smem:$0x3FB1]  }
0x3d: {  	_ =	shalt  }
0x3e: {  	_ =	shalt  }
0x3f: {  	_ =	shalt  }
0x40: {  	_ =	shalt  }
0x41: {  	_ =	shalt  }
0x42: {  	_ =	shalt  }
0x43: {  	_ =	shalt  }
0x44: {  	_ =	shalt  }
0x45: {  	_ =	shalt  }
0x46: {  	_ =	shalt  }
0x47: {  	_ =	shalt  }
0x48: {  	_ =	shalt  }
0x49: {  	_ =	shalt  }
0x4a: {  	_ =	shalt  }
0x4b: {  	_ =	shalt  }
0x4c: {  	_ =	shalt  }
0x4d: {  	_ =	shalt  }
0x4e: {  	_ =	shalt  }
0x4f: {  	_ =	shalt  }
0x50: {  	_ =	shalt  }
0x51: {  	_ =	shalt  }
0x52: {  	_ =	shalt  }
0x53: {  	_ =	shalt  }
0x54: {  	_ =	shalt  }
0x55: {  	_ =	shalt  }
0x56: {  	_ =	shalt  }
0x57: {  	_ =	shalt  }
0x58: {  	_ =	shalt  }
0x59: {  	_ =	shalt  }
0x5a: {  	_ =	shalt  }
0x5b: {  	_ =	shalt  }
0x5c: {  	_ =	shalt  }
0x5d: {  	_ =	shalt  }
0x5e: {  	_ =	shalt  }
0x5f: {  	_ =	shalt  }
0x60: {  	_ =	shalt  }
0x61: {  	_ =	shalt  }
0x62: {  	_ =	shalt  }
0x63: {  	_ =	shalt  }
0x64: {  	_ =	shalt  }
0x65: {  	_ =	shalt  }
0x66: {  	_ =	shalt  }
0x67: {  	_ =	shalt  }
0x68: {  	_ =	shalt  }
0x69: {  	_ =	shalt  }
0x6a: {  	_ =	shalt  }
0x6b: {  	_ =	shalt  }
0x6c: {  	_ =	shalt  }
0x6d: {  	_ =	shalt  }
0x6e: {  	_ =	shalt  }
0x6f: {  	_ =	shalt  }
0x70: {  	_ =	shalt  }
0x71: {  	_ =	shalt  }
0x72: {  	_ =	shalt  }
0x73: {  	_ =	shalt  }
0x74: {  	_ =	shalt  }
0x75: {  	_ =	shalt  }
0x76: {  	_ =	shalt  }
0x77: {  	_ =	shalt  }
0x78: {  	_ =	shalt  }
0x79: {  	_ =	shalt  }
0x7a: {  	_ =	shalt  }
0x7b: {  	_ =	shalt  }
0x7c: {  	_ =	shalt  }
0x7d: {  	_ =	shalt  }
0x7e: {  	_ =	shalt  }
0x7f: {  	_ =	shalt  }
0x80: {  	_ =	shalt  }
0x81: {  	_ =	shalt  }
0x82: {  	_ =	shalt  }
0x83: {  	_ =	shalt  }
0x84: {  	_ =	shalt  }
0x85: {  	_ =	shalt  }
0x86: {  	_ =	shalt  }
0x87: {  	_ =	shalt  }
.Lfunc_end0:
.L_simem_size_0:
called_computation.1_lowered:
.L_overlay_start_0:
0x88: {  	s2 =	sld [smem:$0x3FD9]  }
0x89: {  	s3 =	sld [smem:$0x3FFE];
	_ =	sdelay $0x1  }
0x8a: {  	s1 =	srdreg.scid  }
0x8b: {  	s0 =	sand.u32 $0x1, s1  }
0x8c: {  	s17 =	sshll.u32 s0, $0xA;
	s2 =	sadd.s32 s3, s2  }
0x8d: {  	s2 =	sadd.s32 s2, s17  }
0x8e: {  	[smem:$0x3FBD] =	sst s2  }
0x8f: {  	_ = 	snop  }
0x90: {  	s2 =	sld [smem:$0x3FD0];
	(tm) =	ssettm $0x1  }
0x91: {  	s18 =	sld [smem:$0x3FFB];
	_ =	sdelay $0x3  }
0x92: {  	_ =	strace s18  }
0x93: {  	s3 =	sld [smem:$0x3FFC];
	_ =	sdelay $0x3  }
0x94: {  	_ =	strace s3  }
0x95: {  	s3 =	sld [smem:$0x3FFD];
	_ =	sdelay $0x3  }
0x96: {  	_ =	strace s3  }
0x97: {  	_ =	strace $0x8FFFFFFF  }
0x98: {  	s19 =	sld [smem:$0x3FDB];
	_ =	sdelay $0x1  }
0x99: {  	s4 =	simm.s32 $_scs_section_size  }
0x9a: {  	s5 =	simm.s32 $_size__tile_overlayer_lowered;
	s6 =	simm.s32 $_tile_overlayer_lowered  }
0x9b: {  	s22 =	simm.s32 $0x1BFF;
	s21 =	sshll.u32 s6, $0x1;
	s3 =	sadd.s32 s4, s19  }
0x9c: {  	s7 =	simm.s32 $0x0;
	s20 =	sshll.u32 s5, $0x1;
	s5 =	sadd.s32 s21, s3  }
0x9d: {  	[timem:s7], [sflag:s22] =	dma.local [hbm:s5], s20  }
0x9e: {  	_ =	swait.ge [sflag:s22], s20  }
0x9f: {  	s4 =	ssub.s32 $0x0, s20;
	[sflag:s22] =	ssyncset.done $0x0  }
0xa0: {  	[sflag:s22] =	ssyncadd.s32 s4;
	_ =	sdelay $0x1  }
0xa1: {  	s23 =	simm.s32 $0x1B8B  }
0xa2: {  	_ =	swait.ge [sflag:s23], $0x1  }
0xa3: {  	[sflag:s23] =	ssyncset.done $0x0  }
0xa4: {  	s25 =	simm.s32 $0x1B8E;
	s24 =	sld [smem:$0x3FFE];
	[sflag:s23] =	ssyncadd.s32 $0xFFFFFFFF  }
0xa5: {  	s26 =	simm.s32 $execute0_lowered;
	[smem:$0x3FD2] =	sst s25  }
0xa6: {  	s5 =	sshll.u32 s26, $0x1;
	_ =	strace $0x80000049;
	[dreg:$0x1] =	wrdreg $0xFFFFFFFF  }
0xa7: {  	s28 =	simm.s32 $_size_execute0_lowered;
	s3 =	sadd.s32 s3, s5;
	[dreg:$0x0] =	wrdreg $0x0  }
0xa8: {  	s5 =	sshll.u32 s28, $0x1;
	[dreg:$0x2] =	wrdreg s3  }
0xa9: {  	[dreg:$0x3] =	wrdreg s5  }
0xaa: {  	[dreg:$0x4] =	wrdreg $0xC0  }
0xab: {  	_ =	task [dreg:s7], $0x5FFFF  }
0xac: {  	[dreg:$0x1] =	wrdreg $0xFFFFFFFF  }
0xad: {  	[dreg:$0x0] =	wrdreg $0x60  }
0xae: {  	[dreg:$0x2] =	wrdreg s2  }
0xaf: {  	[dreg:$0x3] =	wrdreg s24  }
0xb0: {  	[dreg:$0x4] =	wrdreg $0x9B000  }
0xb1: {  	[dreg:$0x5] =	wrdreg $0x9  }
0xb2: {  	_ =	task.clear_ibuf [dreg:s7], $0x6FFFF;
	_ =	strace $0x90000049  }
0xb3: {  	s29 =	simm.s32 $0x9;
	_ =	strace $0x8000004B  }
0xb4: {  	_ =	swait.ge [sflag:s29], $0x1  }
0xb5: {  	[sflag:s29] =	ssyncadd.s32 $0xFFFFFFFF  }
0xb6: {  	_ =	strace $0x9000004B  }
0xb7: {  	_ =	sfence  }
0xb8: {  	s30 =	sld [smem:$0x0];
	_ =	sdelay $0x2  }
0xb9: {  	s31 =	sshll.u32 s1, $0xD;
	s1 =	sshrl.u32 s1, $0x2  }
0xba: {  	s3 =	sand.u32 $0x4000, s31;
	s1 =	sadd.s32 s1, s30  }
0xbb: {  	s0 =	sor.u32 s3, s0;
	s1 =	sshll.u32 s1, $0x11  }
0xbc: {  	s0 =	sor.u32 s1, s0  }
0xbd: {  	s0 =	sadd.s32 $0x8F2B, s0  }
0xbe: {  	[sflag:s0] =	ssyncadd.remote.s32 $0x1  }
0xbf: {  	_ =	sfence.sel $0xFFFF  }
0xc0: {  	[dreg:$0x0] =	wrdreg $0xFFFFFFFF;
	(pc) =	sbr.abs _section_cstart, $3  }
0xc1: {  	[dreg:$0x1] =	wrdreg $0xFFFFFFFF  }
0xc2: {  	_ =	task.clear_ibuf [dreg:s7], $0x2FFFF;
	_ =	strace $0x9FFFFFFF  }
0xc3: {  	(tm) =	ssettm $0x7FFFFFFF  }
tec
execute0_lowered:
.L_overlay_start_1:
0x0: {  	(tag) =	ssettag $0x1  }
0x1: {  	s0 =	rddreg [dreg:$0x0];
	s2 =	srdreg.scid  }
0x2: {  	s1 =	rddreg [dreg:$0x1];
	s12 =	stileid.u32;
	s2 =	sand.u32 $0x1, s2  }
0x3: {  	s3 =	rddreg [dreg:$0x2];
	s6 =	smul.u32 $0x14000, s12;
	s7 =	sshll.u32 s2, $0x4  }
0x4: {  	s4 =	simm.s32 $0x0;
	s5 =	smul.u32 $0x140000, s2;
	s7 =	sor.u32 s12, s7  }
0x5: {  	[smem:$0x7FF] =	sst s4;
	s14 =	ssub.s32 $0x2, s2;
	s7 =	smul.u32 $0x2710, s7  }
0x6: {  	s10 =	smul.u32 $0x50000, s12;
	_ =	strace $0x8000004A;
	s9 =	sshrl.u32 s14, $0x1  }
0x7: {  	s6 =	sadd.s32 s6, s5;
	s5 =	sadd.s32 $0xC400, s1;
	s7 =	sshrl.u32 s7, $0x3  }
0x8: {  	s8 =	sshrl.u32 s6, $0x3;
	s6 =	sadd.s32 $0x2600, s1;
	s15 =	sadd.s32 s5, s7  }
0x9: {  	s1 =	sadd.s32 s8, s1;
	s11 =	sadd.s32 s6, s7;
	[dreg:$0x4] =	wrdreg s15  }
0xa: {  	s16 =	sadd.s32 $0x10, s7;
	s1 =	sadd.s32 $0x16200, s1;
	[dreg:$0x5] =	wrdreg s11  }
0xb: {  	s8 =	ssub.s32 s14, s9;
	s17 =	sadd.s32 s5, s16;
	[dreg:$0x11] =	wrdreg s1  }
0xc: {  	s7 =	sadd.s32 $0x4E0, s7;
	s9 =	sadd.s32 s6, s16;
	[dreg:$0x6] =	wrdreg s17  }
0xd: {  	s10 =	sshrl.u32 s10, $0x2;
	s25 =	sadd.s32 s5, s7;
	[dreg:$0x7] =	wrdreg s9  }
0xe: {  	s11 =	sadd.s32 s10, s3;
	s7 =	sadd.s32 s6, s7;
	[dreg:$0xf] =	wrdreg s25  }
0xf: {  	s28 =	simm.s32 $0x2;
	s18 =	sadd.s32 $0x1000, s11;
	[dreg:$0x10] =	wrdreg s7  }
0x10: {  	s29 =	simm.s32 $0x9200;
	s19 =	sadd.s32 $0x2000, s11;
	[dreg:$0x8] =	wrdreg s18  }
0x11: {  	s30 =	simm.s32 $0x9280;
	s10 =	sadd.s32 $0x3000, s11;
	[dreg:$0x9] =	wrdreg s19  }
0x12: {  	s20 =	smul.u32 $0x2710, s12;
	s21 =	sadd.s32 $0x4000, s11;
	[dreg:$0xa] =	wrdreg s10  }
0x13: {  	s2 =	smul.u32 $0x27100, s2;
	s22 =	sadd.s32 $0x5000, s11;
	[dreg:$0xb] =	wrdreg s21  }
0x14: {  	s31 =	simm.s32 $0x10;
	s23 =	sadd.s32 $0x6000, s11;
	[dreg:$0xc] =	wrdreg s22  }
0x15: {  	s2 =	sadd.s32 s20, s2;
	s24 =	sadd.s32 $0x7000, s11;
	[dreg:$0xd] =	wrdreg s23  }
0x16: {  	s26 =	sadd.s32 $0x180, s2;
	s12 =	sadd.s32 $0x8000, s11;
	[dreg:$0xe] =	wrdreg s24  }
0x17: {  	s1 =	simm.s32 $0x9300;
	s13 =	sadd.s32 $0x9000, s11;
	[dreg:$0x13] =	wrdreg s12  }
0x18: {  	s9 =	sshrl.u32 s26, $0x3;
	s14 =	sadd.s32 $0xA000, s11;
	[dreg:$0x14] =	wrdreg s13  }
0x19: {  	s25 =	sadd.s32 $0x100, s2;
	s15 =	sadd.s32 $0xB000, s11;
	[dreg:$0x15] =	wrdreg s14  }
0x1a: {  	s16 =	sadd.s32 $0xC000, s11;
	s17 =	sadd.s32 $0xD000, s11;
	[dreg:$0x16] =	wrdreg s15  }
0x1b: {  	s20 =	sadd.s32 $0x10000, s11;
	s26 =	sadd.s32 $0x13000, s11;
	[dreg:$0x17] =	wrdreg s16  }
0x1c: {  	s2 =	simm.s32 $0x0;
	s10 =	smax.u32 s8, $0x1;
	[dreg:$0x18] =	wrdreg s17  }
0x1d: {  	s23 =	sadd.s32 s9, s6;
	s24 =	sadd.s32 s9, s5;
	[dreg:$0x1b] =	wrdreg s20  }
0x1e: {  	s18 =	sadd.s32 $0xE000, s11;
	s19 =	sadd.s32 $0xF000, s11;
	[dreg:$0x1e] =	wrdreg s26  }
0x1f: {  	s21 =	sadd.s32 $0x11000, s11;
	s22 =	sadd.s32 $0x12000, s11;
	[dreg:$0x12] =	wrdreg s10  }
0x20: {  	s13 =	simm.s32 $0x100;
	s14 =	simm.s32 $0x80;
	[dreg:$0x19] =	wrdreg s18  }
0x21: {  	s15 =	simm.s32 $0x180;
	s16 =	simm.s32 $0x3;
	[dreg:$0x1a] =	wrdreg s19  }
0x22: {  	s17 =	simm.s32 $0x200;
	s20 =	simm.s32 $0x4;
	[dreg:$0x1c] =	wrdreg s21  }
0x23: {  	s26 =	simm.s32 $0x6;
	[dreg:$0x1d] =	wrdreg s22;
	s18 =	simm.s32 $0x8200  }
0x24: {  	v0 =	vimm.f32 $0.0e+00;
	s19 =	simm.s32 $0x5;
	s21 =	simm.s32 $0x4200;
	s22 =	simm.s32 $0x1  }
.LBB2_1:
0x25: {  	s7 =	rddreg [dreg:$0x4]  }
0x26: {  	[tilespmem:s4], [sflag:$0x3] =	stream.linear.gather [hbm4b:s7+s4], $0x80, $0x38;
	[tilespmem:$0x1DB00] =	vst v63  }
0x27: {  	s9 =	rddreg [dreg:$0x5]  }
0x28: {  	[tilespmem:s13], [sflag:$0x3] =	stream.linear.gather [hbm4b:s9+s4], $0x80, $0x38;
	[tilespmem:$0x1DB00] =	vst v63  }
0x29: {  	s10 =	rddreg [dreg:$0x6]  }
0x2a: {  	[tilespmem:s14], [sflag:$0x4] =	stream.linear.gather [hbm4b:s10+s4], $0x80, $0x38;
	[tilespmem:$0x1DB00] =	vst v63  }
0x2b: {  	s12 =	rddreg [dreg:$0x7]  }
0x2c: {  	[tilespmem:s15], [sflag:$0x4] =	stream.linear.gather [hbm4b:s12+s4], $0x80, $0x38;
	[tilespmem:$0x1DB00] =	vst v63  }
0x2d: {  	_ =	swait.ge [sflag:s16], $0x80  }
0x2e: {  	[sflag:s16] =	ssyncset.done $0x0  }
0x2f: {  	[sflag:s16] =	ssyncadd.s32 $0xFFFFFF80  }
0x30: {  	_ =	swait.ge [sflag:s16], $0x80  }
0x31: {  	[sflag:s16] =	ssyncset.done $0x0  }
0x32: {  	s8 =	simm.s32 $0x200;
	s7 =	simm.s32 $0x0;
	[sflag:s16] =	ssyncadd.s32 $0xFFFFFF80  }
0x33: {  	[tilespmem:s17], [sflag:$0x1] =	stream.indirect.gather [hbm4b:s0+s14], $0x80, s4, s14, $0xb8;
	[tilespmem:$0x1DB00] =	vst v63  }
.LBB2_2:
0x34: {  	p0 =	sne.s32 s8, $0x3E00;
	[tilespmem:s7+$0x8270] =	vst v0  }
0x35: {  	[tilespmem:s7+$0x8200] =	vst v0  }
0x36: {  	[tilespmem:s7+$0x8210] =	vst v0  }
.Ltmp0:
0x37: {  	[tilespmem:s7+$0x8220] =	vst v0;
	(pc) =	sbr.rel @p0 .LBB2_2-.Ltmp0, $4  }
0x38: {  	[tilespmem:s7+$0x8230] =	vst v0  }
0x39: {  	[tilespmem:s7+$0x8240] =	vst v0  }
0x3a: {  	[tilespmem:s7+$0x8250] =	vst v0  }
0x3b: {  	[tilespmem:s7+$0x8260] =	vst v0;
	s7 =	sshra.s32 s8, $0x2;
	s8 =	sadd.s32 $0x200, s8  }
0x3c: {  	[tilespmem:s7+$0x8270] =	vst v0  }
0x3d: {  	[tilespmem:s7+$0x8200] =	vst v0  }
0x3e: {  	[tilespmem:s7+$0x8210] =	vst v0  }
0x3f: {  	[tilespmem:s7+$0x8220] =	vst v0  }
0x40: {  	[tilespmem:s7+$0x8230] =	vst v0  }
0x41: {  	[tilespmem:s7+$0x8240] =	vst v0  }
0x42: {  	[tilespmem:s7+$0x8250] =	vst v0  }
0x43: {  	[tilespmem:s7+$0x8260] =	vst v0  }
0x44: {  	[spmem:s11] =	stream.linear.scatter [tilespmem:s18], [sflag:$0x5], $0x1000, $0x38;
	[tilespmem:$0x1DB00] =	vst v63  }
0x45: {  	s12 =	rddreg [dreg:$0x8]  }
0x46: {  	[spmem:s12] =	stream.linear.scatter [tilespmem:s18], [sflag:$0x5], $0x1000, $0x38;
	[tilespmem:$0x1DB00] =	vst v63  }
0x47: {  	s8 =	rddreg [dreg:$0x9]  }
0x48: {  	[spmem:s8] =	stream.linear.scatter [tilespmem:s18], [sflag:$0x5], $0x1000, $0x38;
	[tilespmem:$0x1DB00] =	vst v63  }
0x49: {  	s9 =	rddreg [dreg:$0xa]  }
0x4a: {  	[spmem:s9] =	stream.linear.scatter [tilespmem:s18], [sflag:$0x5], $0x1000, $0x38;
	[tilespmem:$0x1DB00] =	vst v63  }
0x4b: {  	s10 =	rddreg [dreg:$0xb]  }
0x4c: {  	[spmem:s10] =	stream.linear.scatter [tilespmem:s18], [sflag:$0x5], $0x1000, $0x38;
	[tilespmem:$0x1DB00] =	vst v63  }
0x4d: {  	s12 =	rddreg [dreg:$0xc]  }
0x4e: {  	[spmem:s12] =	stream.linear.scatter [tilespmem:s18], [sflag:$0x5], $0x1000, $0x38;
	[tilespmem:$0x1DB00] =	vst v63  }
0x4f: {  	s8 =	rddreg [dreg:$0xd]  }
0x50: {  	[spmem:s8] =	stream.linear.scatter [tilespmem:s18], [sflag:$0x5], $0x1000, $0x38;
	[tilespmem:$0x1DB00] =	vst v63  }
0x51: {  	s9 =	rddreg [dreg:$0xe]  }
0x52: {  	[spmem:s9] =	stream.linear.scatter [tilespmem:s18], [sflag:$0x5], $0x1000, $0x38;
	[tilespmem:$0x1DB00] =	vst v63  }
0x53: {  	s10 =	rddreg [dreg:$0x13]  }
0x54: {  	[spmem:s10] =	stream.linear.scatter [tilespmem:s18], [sflag:$0x5], $0x1000, $0x38;
	[tilespmem:$0x1DB00] =	vst v63  }
0x55: {  	s12 =	rddreg [dreg:$0x14]  }
0x56: {  	[spmem:s12] =	stream.linear.scatter [tilespmem:s18], [sflag:$0x5], $0x1000, $0x38;
	[tilespmem:$0x1DB00] =	vst v63  }
0x57: {  	s8 =	rddreg [dreg:$0x15]  }
0x58: {  	[spmem:s8] =	stream.linear.scatter [tilespmem:s18], [sflag:$0x5], $0x1000, $0x38;
	[tilespmem:$0x1DB00] =	vst v63  }
0x59: {  	s9 =	rddreg [dreg:$0x16]  }
0x5a: {  	[spmem:s9] =	stream.linear.scatter [tilespmem:s18], [sflag:$0x5], $0x1000, $0x38;
	[tilespmem:$0x1DB00] =	vst v63  }
0x5b: {  	s10 =	rddreg [dreg:$0x17]  }
0x5c: {  	[spmem:s10] =	stream.linear.scatter [tilespmem:s18], [sflag:$0x5], $0x1000, $0x38;
	[tilespmem:$0x1DB00] =	vst v63  }
0x5d: {  	s12 =	rddreg [dreg:$0x18]  }
0x5e: {  	[spmem:s12] =	stream.linear.scatter [tilespmem:s18], [sflag:$0x5], $0x1000, $0x38;
	[tilespmem:$0x1DB00] =	vst v63  }
0x5f: {  	s8 =	rddreg [dreg:$0x19]  }
0x60: {  	[spmem:s8] =	stream.linear.scatter [tilespmem:s18], [sflag:$0x5], $0x1000, $0x38;
	[tilespmem:$0x1DB00] =	vst v63  }
0x61: {  	s9 =	rddreg [dreg:$0x1a]  }
0x62: {  	[spmem:s9] =	stream.linear.scatter [tilespmem:s18], [sflag:$0x5], $0x1000, $0x38;
	[tilespmem:$0x1DB00] =	vst v63  }
0x63: {  	s10 =	rddreg [dreg:$0x1b]  }
0x64: {  	[spmem:s10] =	stream.linear.scatter [tilespmem:s18], [sflag:$0x5], $0x1000, $0x38;
	[tilespmem:$0x1DB00] =	vst v63  }
0x65: {  	s12 =	rddreg [dreg:$0x1c]  }
0x66: {  	[spmem:s12] =	stream.linear.scatter [tilespmem:s18], [sflag:$0x5], $0x1000, $0x38;
	[tilespmem:$0x1DB00] =	vst v63  }
0x67: {  	s8 =	rddreg [dreg:$0x1d]  }
0x68: {  	[spmem:s8] =	stream.linear.scatter [tilespmem:s18], [sflag:$0x5], $0x1000, $0x38;
	[tilespmem:$0x1DB00] =	vst v63  }
0x69: {  	s9 =	rddreg [dreg:$0x1e]  }
0x6a: {  	[spmem:s9] =	stream.linear.scatter [tilespmem:s18], [sflag:$0x5], $0x1000, $0x38;
	[tilespmem:$0x1DB00] =	vst v63  }
0x6b: {  	_ =	swait.ge [sflag:s19], $0x1000  }
0x6c: {  	[sflag:s19] =	ssyncset.done $0x0  }
0x6d: {  	[sflag:s19] =	ssyncadd.s32 $0xFFFFF000  }
0x6e: {  	_ =	swait.ge [sflag:s19], $0x1000  }
0x6f: {  	[sflag:s19] =	ssyncset.done $0x0  }
0x70: {  	[sflag:s19] =	ssyncadd.s32 $0xFFFFF000  }
0x71: {  	_ =	swait.ge [sflag:s19], $0x1000  }
0x72: {  	[sflag:s19] =	ssyncset.done $0x0  }
0x73: {  	[sflag:s19] =	ssyncadd.s32 $0xFFFFF000  }
0x74: {  	_ =	swait.ge [sflag:s19], $0x1000  }
0x75: {  	[sflag:s19] =	ssyncset.done $0x0  }
0x76: {  	[sflag:s19] =	ssyncadd.s32 $0xFFFFF000  }
0x77: {  	_ =	swait.ge [sflag:s19], $0x1000  }
0x78: {  	[sflag:s19] =	ssyncset.done $0x0  }
0x79: {  	[sflag:s19] =	ssyncadd.s32 $0xFFFFF000  }
0x7a: {  	_ =	swait.ge [sflag:s19], $0x1000  }
0x7b: {  	[sflag:s19] =	ssyncset.done $0x0  }
0x7c: {  	[sflag:s19] =	ssyncadd.s32 $0xFFFFF000  }
0x7d: {  	_ =	swait.ge [sflag:s19], $0x1000  }
0x7e: {  	[sflag:s19] =	ssyncset.done $0x0  }
0x7f: {  	[sflag:s19] =	ssyncadd.s32 $0xFFFFF000  }
0x80: {  	_ =	swait.ge [sflag:s19], $0x1000  }
0x81: {  	[sflag:s19] =	ssyncset.done $0x0  }
0x82: {  	[sflag:s19] =	ssyncadd.s32 $0xFFFFF000  }
0x83: {  	_ =	swait.ge [sflag:s19], $0x1000  }
0x84: {  	[sflag:s19] =	ssyncset.done $0x0  }
0x85: {  	[sflag:s19] =	ssyncadd.s32 $0xFFFFF000  }
0x86: {  	_ =	swait.ge [sflag:s19], $0x1000  }
0x87: {  	[sflag:s19] =	ssyncset.done $0x0  }
0x88: {  	[sflag:s19] =	ssyncadd.s32 $0xFFFFF000  }
0x89: {  	_ =	swait.ge [sflag:s19], $0x1000  }
0x8a: {  	[sflag:s19] =	ssyncset.done $0x0  }
0x8b: {  	[sflag:s19] =	ssyncadd.s32 $0xFFFFF000  }
0x8c: {  	_ =	swait.ge [sflag:s19], $0x1000  }
0x8d: {  	[sflag:s19] =	ssyncset.done $0x0  }
0x8e: {  	[sflag:s19] =	ssyncadd.s32 $0xFFFFF000  }
0x8f: {  	_ =	swait.ge [sflag:s19], $0x1000  }
0x90: {  	[sflag:s19] =	ssyncset.done $0x0  }
0x91: {  	[sflag:s19] =	ssyncadd.s32 $0xFFFFF000  }
0x92: {  	_ =	swait.ge [sflag:s19], $0x1000  }
0x93: {  	[sflag:s19] =	ssyncset.done $0x0  }
0x94: {  	[sflag:s19] =	ssyncadd.s32 $0xFFFFF000  }
0x95: {  	_ =	swait.ge [sflag:s19], $0x1000  }
0x96: {  	[sflag:s19] =	ssyncset.done $0x0  }
0x97: {  	[sflag:s19] =	ssyncadd.s32 $0xFFFFF000  }
0x98: {  	_ =	swait.ge [sflag:s19], $0x1000  }
0x99: {  	[sflag:s19] =	ssyncset.done $0x0  }
0x9a: {  	[sflag:s19] =	ssyncadd.s32 $0xFFFFF000  }
0x9b: {  	_ =	swait.ge [sflag:s19], $0x1000  }
0x9c: {  	[sflag:s19] =	ssyncset.done $0x0  }
0x9d: {  	[sflag:s19] =	ssyncadd.s32 $0xFFFFF000  }
0x9e: {  	_ =	swait.ge [sflag:s19], $0x1000  }
0x9f: {  	[sflag:s19] =	ssyncset.done $0x0  }
0xa0: {  	[sflag:s19] =	ssyncadd.s32 $0xFFFFF000  }
0xa1: {  	_ =	swait.ge [sflag:s19], $0x1000  }
0xa2: {  	[sflag:s19] =	ssyncset.done $0x0  }
0xa3: {  	[sflag:s19] =	ssyncadd.s32 $0xFFFFF000  }
0xa4: {  	_ =	swait.ge [sflag:s19], $0x1000  }
0xa5: {  	[sflag:s19] =	ssyncset.done $0x0  }
0xa6: {  	[sflag:s19] =	ssyncadd.s32 $0xFFFFF000  }
0xa7: {  	[bflag:$0x0] =	sbarrier.arrive $0xFFFF  }
0xa8: {  	_ =	swait.ge [sflag:s20], $0x80  }
0xa9: {  	[sflag:s20] =	ssyncset.done $0x0  }
0xaa: {  	[sflag:s20] =	ssyncadd.s32 $0xFFFFFF80  }
0xab: {  	_ =	swait.ge [sflag:s20], $0x80  }
0xac: {  	[sflag:s20] =	ssyncset.done $0x0  }
0xad: {  	[sflag:s20] =	ssyncadd.s32 $0xFFFFFF80  }
0xae: {  	[tilespmem:s21], [sflag:$0x2] =	stream.indirect.gather [hbm4b:s0+s14], $0x80, s14, s14, $0xb8;
	[tilespmem:$0x1DB00] =	vst v63  }
0xaf: {  	_ =	swait.ge [sflag:s22], $0x4000  }
0xb0: {  	[sflag:s22] =	ssyncset.done $0x0  }
0xb1: {  	[sflag:s22] =	ssyncadd.s32 $0xFFFFC000  }
0xb2: {  	[spmem:s3] =	stream.indirect.scatter.add.f32 [tilespmem:s17], [sflag:$0x6], $0x80, s13, s14, $0xb8;
	[tilespmem:$0x1DB00] =	vst v63  }
0xb3: {  	_ =	swait.ge [sflag:s26], $0x4000  }
0xb4: {  	s10 =	sshrl.u32 s25, $0x3;
	[sflag:s26] =	ssyncset.done $0x0  }
0xb5: {  	s8 =	sadd.s32 s5, s10;
	[sflag:s26] =	ssyncadd.s32 $0xFFFFC000  }
0xb6: {  	[tilespmem:s4], [sflag:$0x3] =	stream.linear.gather [hbm4b:s8+s4], $0x80, $0x38;
	[tilespmem:$0x1DB00] =	vst v63  }
0xb7: {  	s7 =	sadd.s32 s6, s10  }
0xb8: {  	[tilespmem:s13], [sflag:$0x3] =	stream.linear.gather [hbm4b:s7+s4], $0x80, $0x38;
	[tilespmem:$0x1DB00] =	vst v63  }
0xb9: {  	_ =	swait.ge [sflag:s16], $0x80  }
0xba: {  	[sflag:s16] =	ssyncset.done $0x0  }
0xbb: {  	[sflag:s16] =	ssyncadd.s32 $0xFFFFFF80  }
0xbc: {  	_ =	swait.ge [sflag:s16], $0x80  }
0xbd: {  	[sflag:s16] =	ssyncset.done $0x0  }
0xbe: {  	[sflag:s16] =	ssyncadd.s32 $0xFFFFFF80  }
0xbf: {  	[tilespmem:s17], [sflag:$0x1] =	stream.indirect.gather [hbm4b:s0+s14], $0x80, s4, s14, $0xb8;
	[tilespmem:$0x1DB00] =	vst v63  }
0xc0: {  	_ =	swait.ge [sflag:s28], $0x4000  }
0xc1: {  	[sflag:s28] =	ssyncset.done $0x0  }
0xc2: {  	[sflag:s28] =	ssyncadd.s32 $0xFFFFC000  }
0xc3: {  	[spmem:s3] =	stream.indirect.scatter.add.f32 [tilespmem:s21], [sflag:$0x6], $0x80, s15, s14, $0xb8;
	[tilespmem:$0x1DB00] =	vst v63  }
0xc4: {  	_ =	swait.ge [sflag:s26], $0x4000  }
0xc5: {  	s12 =	sadd.s32 $0x0, s24;
	s9 =	sadd.s32 $0x0, s23;
	[sflag:s26] =	ssyncset.done $0x0  }
0xc6: {  	s8 =	sadd.s32 $0x100, s25;
	s7 =	simm.s32 $0x20;
	[sflag:s26] =	ssyncadd.s32 $0xFFFFC000  }
0xc7: {  	[tilespmem:s14], [sflag:$0x4] =	stream.linear.gather [hbm4b:s12+s4], $0x80, $0x38;
	[tilespmem:$0x1DB00] =	vst v63  }
.LBB2_4:
0xc8: {  	[tilespmem:s15], [sflag:$0x4] =	stream.linear.gather [hbm4b:s9+s4], $0x80, $0x38;
	[tilespmem:$0x1DB00] =	vst v63  }
0xc9: {  	s9 =	smov.u32 s7  }
0xca: {  	p0 =	sne.s32 s7, $0x4A0;
	s7 =	sadd.s32 $0x20, s7;
	_ =	swait.ge [sflag:s20], $0x80  }
0xcb: {  	[sflag:s20] =	ssyncset.done $0x0  }
0xcc: {  	[sflag:s20] =	ssyncadd.s32 $0xFFFFFF80  }
0xcd: {  	_ =	swait.ge [sflag:s20], $0x80  }
0xce: {  	[sflag:s20] =	ssyncset.done $0x0  }
0xcf: {  	[sflag:s20] =	ssyncadd.s32 $0xFFFFFF80  }
0xd0: {  	[tilespmem:s21], [sflag:$0x2] =	stream.indirect.gather [hbm4b:s0+s14], $0x80, s14, s14, $0xb8;
	[tilespmem:$0x1DB00] =	vst v63  }
0xd1: {  	_ =	swait.ge [sflag:s22], $0x4000  }
0xd2: {  	[sflag:s22] =	ssyncset.done $0x0  }
0xd3: {  	[sflag:s22] =	ssyncadd.s32 $0xFFFFC000  }
0xd4: {  	[spmem:s3] =	stream.indirect.scatter.add.f32 [tilespmem:s17], [sflag:$0x6], $0x80, s13, s14, $0xb8;
	[tilespmem:$0x1DB00] =	vst v63  }
0xd5: {  	_ =	swait.ge [sflag:s26], $0x4000  }
0xd6: {  	s10 =	sshrl.u32 s8, $0x3;
	[sflag:s26] =	ssyncset.done $0x0  }
0xd7: {  	s12 =	sadd.s32 s5, s10;
	[sflag:s26] =	ssyncadd.s32 $0xFFFFC000  }
0xd8: {  	[tilespmem:s4], [sflag:$0x3] =	stream.linear.gather [hbm4b:s12+s4], $0x80, $0x38;
	[tilespmem:$0x1DB00] =	vst v63  }
0xd9: {  	s10 =	sadd.s32 s6, s10  }
0xda: {  	[tilespmem:s13], [sflag:$0x3] =	stream.linear.gather [hbm4b:s10+s4], $0x80, $0x38;
	[tilespmem:$0x1DB00] =	vst v63  }
0xdb: {  	_ =	swait.ge [sflag:s16], $0x80  }
0xdc: {  	[sflag:s16] =	ssyncset.done $0x0  }
0xdd: {  	[sflag:s16] =	ssyncadd.s32 $0xFFFFFF80  }
0xde: {  	_ =	swait.ge [sflag:s16], $0x80  }
0xdf: {  	[sflag:s16] =	ssyncset.done $0x0  }
0xe0: {  	[sflag:s16] =	ssyncadd.s32 $0xFFFFFF80  }
0xe1: {  	[tilespmem:s17], [sflag:$0x1] =	stream.indirect.gather [hbm4b:s0+s14], $0x80, s4, s14, $0xb8;
	[tilespmem:$0x1DB00] =	vst v63  }
0xe2: {  	_ =	swait.ge [sflag:s28], $0x4000  }
0xe3: {  	[sflag:s28] =	ssyncset.done $0x0  }
0xe4: {  	[sflag:s28] =	ssyncadd.s32 $0xFFFFC000  }
0xe5: {  	[spmem:s3] =	stream.indirect.scatter.add.f32 [tilespmem:s21], [sflag:$0x6], $0x80, s15, s14, $0xb8;
	[tilespmem:$0x1DB00] =	vst v63  }
.Ltmp1:
0xe6: {  	_ =	swait.ge [sflag:s26], $0x4000;
	(pc) =	sbr.rel @p0 .LBB2_4-.Ltmp1, $4  }
0xe7: {  	[sflag:s26] =	ssyncset.done $0x0  }
0xe8: {  	s10 =	sadd.s32 s9, s24;
	[sflag:s26] =	ssyncadd.s32 $0xFFFFC000  }
0xe9: {  	[tilespmem:s14], [sflag:$0x4] =	stream.linear.gather [hbm4b:s10+s4], $0x80, $0x38;
	[tilespmem:$0x1DB00] =	vst v63  }
0xea: {  	s8 =	sadd.s32 $0x100, s8;
	s9 =	sadd.s32 s9, s23  }
0xeb: {  	[tilespmem:s15], [sflag:$0x4] =	stream.linear.gather [hbm4b:s9+s4], $0x80, $0x38;
	[tilespmem:$0x1DB00] =	vst v63  }
0xec: {  	_ =	swait.ge [sflag:s20], $0x80  }
0xed: {  	[sflag:s20] =	ssyncset.done $0x0  }
0xee: {  	[sflag:s20] =	ssyncadd.s32 $0xFFFFFF80  }
0xef: {  	_ =	swait.ge [sflag:s20], $0x80  }
0xf0: {  	[sflag:s20] =	ssyncset.done $0x0  }
0xf1: {  	[sflag:s20] =	ssyncadd.s32 $0xFFFFFF80  }
0xf2: {  	[tilespmem:s21], [sflag:$0x2] =	stream.indirect.gather [hbm4b:s0+s14], $0x80, s14, s14, $0xb8;
	[tilespmem:$0x1DB00] =	vst v63  }
0xf3: {  	_ =	swait.ge [sflag:s22], $0x4000  }
0xf4: {  	[sflag:s22] =	ssyncset.done $0x0  }
0xf5: {  	[sflag:s22] =	ssyncadd.s32 $0xFFFFC000  }
0xf6: {  	[spmem:s3] =	stream.indirect.scatter.add.f32 [tilespmem:s17], [sflag:$0x6], $0x80, s13, s14, $0xb8;
	[tilespmem:$0x1DB00] =	vst v63  }
0xf7: {  	_ =	swait.ge [sflag:s26], $0x4000  }
0xf8: {  	[sflag:s26] =	ssyncset.done $0x0  }
0xf9: {  	s7 =	rddreg [dreg:$0xf];
	[sflag:s26] =	ssyncadd.s32 $0xFFFFC000  }
0xfa: {  	[tilespmem:s29], [sflag:$0x3] =	stream.linear.gather [hbm4b:s7+s4], $0x10, $0x38;
	[tilespmem:$0x1DB00] =	vst v63  }
0xfb: {  	s8 =	rddreg [dreg:$0x10]  }
0xfc: {  	[tilespmem:s30], [sflag:$0x3] =	stream.linear.gather [hbm4b:s8+s4], $0x10, $0x38;
	[tilespmem:$0x1DB00] =	vst v63  }
0xfd: {  	_ =	swait.ge [sflag:s28], $0x4000  }
0xfe: {  	[sflag:s28] =	ssyncset.done $0x0  }
0xff: {  	[sflag:s28] =	ssyncadd.s32 $0xFFFFC000  }
0x100: {  	[spmem:s3] =	stream.indirect.scatter.add.f32 [tilespmem:s21], [sflag:$0x6], $0x80, s15, s14, $0xb8;
	[tilespmem:$0x1DB00] =	vst v63  }
0x101: {  	_ =	swait.ge [sflag:s26], $0x4000  }
0x102: {  	[sflag:s26] =	ssyncset.done $0x0  }
0x103: {  	[sflag:s26] =	ssyncadd.s32 $0xFFFFC000  }
0x104: {  	_ =	swait.ge [sflag:s16], $0x10  }
0x105: {  	[sflag:s16] =	ssyncset.done $0x0  }
0x106: {  	[sflag:s16] =	ssyncadd.s32 $0xFFFFFFF0  }
0x107: {  	_ =	swait.ge [sflag:s16], $0x10  }
0x108: {  	[sflag:s16] =	ssyncset.done $0x0  }
0x109: {  	[sflag:s16] =	ssyncadd.s32 $0xFFFFFFF0  }
0x10a: {  	[tilespmem:s1], [sflag:$0x1] =	stream.indirect.gather [hbm4b:s0+s31], $0x80, s29, s31, $0xb8;
	[tilespmem:$0x1DB00] =	vst v63  }
0x10b: {  	_ =	swait.ge [sflag:s22], $0x800  }
0x10c: {  	[sflag:s22] =	ssyncset.done $0x0  }
0x10d: {  	[sflag:s22] =	ssyncadd.s32 $0xFFFFF800  }
0x10e: {  	[spmem:s3] =	stream.indirect.scatter.add.f32 [tilespmem:s1], [sflag:$0x6], $0x80, s30, s31, $0xb8;
	[tilespmem:$0x1DB00] =	vst v63  }
0x10f: {  	_ =	swait.ge [sflag:s26], $0x800  }
0x110: {  	[sflag:s26] =	ssyncset.done $0x0  }
0x111: {  	s9 =	stileid.u32;
	[sflag:s26] =	ssyncadd.s32 $0xFFFFF800  }
0x112: {  	s7 =	sshll.u32 s9, $0x6;
	[bflag:$0x0] =	sbarrier.arrive $0xFFFF  }
0x113: {  	s7 =	sor.u32 $0x1C06, s7;
	s8 =	sshrl.u32 s11, $0x3;
	s10 =	rddreg [dreg:$0x11]  }
0x114: {  	[hbm:s10], [sflag:s7] =	dma.local [spmem:s8], $0x2800  }
0x115: {  	_ =	swait.ge [sflag:s26], $0x2800  }
0x116: {  	s2 =	sadd.s32 $0x1, s2;
	s12 =	rddreg [dreg:$0x12]  }
0x117: {  	p0 =	sne.s32 s2, s12  }
.Ltmp2:
0x118: {  	_ = 	snop;
	(pc) =	sbr.rel @p0 .LBB2_1-.Ltmp2, $3  }
0x119: {  	_ =	sdelay $0x1  }
0x11a: {  	[sflag:s26] =	ssyncset.done $0x0  }
0x11b: {  	[sflag:s26] =	ssyncadd.s32 $0xFFFFD800  }
0x11c: {  	_ =	sfence.sel $0x180000  }
0x11d: {  	[bflag:$0x0] =	sbarrier.arrive $0xFFFF  }
0x11e: {  	_ =	strace $0x9000004A  }
0x11f: {  	s0 =	stileid.u32;
	[bflag:$0x2] =	sbarrier.arrive $0xFFFF  }
0x120: {  	p0 =	sne.s32 s0, $0x0;
	s0 =	rddreg [dreg:$0x3]  }
0x121: {  	s0 =	sadd.s32 @!p0 $0x100000, s0  }
0x122: {  	[sflag:s0] =	ssyncadd.tile.s32 @!p0 $0x1;
	_ =	shalt  }
.Lfunc_end2:
_tile_overlayer_lowered:
.L_overlay_start_2:
0x123: {  	(tag) =	ssettag $0x2  }
0x124: {  	s0 =	rddreg [dreg:$0x0];
	s2 =	stileid.u32  }
0x125: {  	s1 =	rddreg [dreg:$0x1];
	p0 =	sne.s32 s2, $0x0  }
0x126: {  	s3 =	rddreg [dreg:$0x2];
	[bflag:$0x3] =	sbarrier.arrive $0xFFFF;
	s2 =	simm.s32 @!p0 $0x1C06  }
0x127: {  	[timem:s3], [sflag:s2] =	dma.local @!p0 [hbm:s0], s1  }
0x128: {  	s0 =	simm.s32 @!p0 $0x6  }
0x129: {  	_ =	swait.ge @!p0 [sflag:s0], s1  }
0x12a: {  	s1 =	ssub.s32 @!p0 $0x0, s1;
	[sflag:s0] =	ssyncset.done @!p0 $0x0  }
0x12b: {  	[sflag:s0] =	ssyncadd.s32 @!p0 s1  }
0x12c: {  	[bflag:$0x3] =	sbarrier.arrive $0xFFFF  }
0x12d: {  	_ =	shalt  }

// kernel: kernel.15.cloned.1.call-start
scs
__scs_entry_jumppad:
0x0: {  	(pc) =	sbr.rel $0x88, $3  }
0x1: {  	(tag) =	ssettag $0x0;
	lr =	simm.s32 $0x1  }
0x2: {  	[smem:$0x3F96] =	sst lr;
	_ =	strace $0xD0000000  }
0x3: {  	_ = 	snop  }
0x4: {  	_ = 	snop  }
0x5: {  	_ = 	snop  }
0x6: {  	_ = 	snop  }
0x7: {  	_ = 	snop  }
__scs_overlays_trampoline_lowered:
0x8: {  	[smem:$0x3FA5] =	sst s0  }
0x9: {  	[smem:$0x3FA6] =	sst s1  }
0xa: {  	[smem:$0x3FA7] =	sst s2  }
0xb: {  	[smem:$0x3FA8] =	sst s3  }
0xc: {  	[smem:$0x3FA9] =	sst s4  }
0xd: {  	[smem:$0x3FAA] =	sst s5  }
0xe: {  	[smem:$0x3FAB] =	sst s6  }
0xf: {  	[smem:$0x3FAC] =	sst s7  }
0x10: {  	[smem:$0x3FAD] =	sst s8  }
0x11: {  	[smem:$0x3FAE] =	sst s9;
	s0 =	simm.s32 @!p0 $0x0  }
0x12: {  	s1 =	sld [smem:$0x3F94];
	s0 =	simm.s32 @p0 $0x1  }
0x13: {  	[smem:$0x3FAF] =	sst s0;
	s0 =	simm.s32 @!p1 $0x0  }
0x14: {  	s2 =	sld [smem:$0x3F93];
	s0 =	simm.s32 @p1 $0x1  }
0x15: {  	[smem:$0x3FB0] =	sst s0;
	s0 =	simm.s32 @!p2 $0x0  }
0x16: {  	s3 =	sld [smem:$0x3FDB];
	s0 =	simm.s32 @p2 $0x1  }
0x17: {  	s4 =	simm.s32 $0x1BF5;
	[smem:$0x3FB2] =	sst s0  }
0x18: {  	s0 =	sld [smem:$0x3F95];
	_ =	swait.ge [sflag:s4], $0x0  }
0x19: {  	s7 =	sld [smem:$0x3F96]  }
0x1a: {  	s8 =	sadd.s32 $0xFFFFE003, lr  }
0x1b: {  	s9 =	sadd.s32 $0xFFFFFEF7, lr;
	s5 =	simm.s32 $0xFFFFFFFF;
	p2 =	slt.u32 s8, $0xFFFFF086  }
0x1c: {  	p1 =	slt.u32 s9, $0xF7A;
	s5 =	simm.s32 @!p2 $0x0  }
0x1d: {  	s5 =	simm.s32 @p1 $0x1;
	p0 =	seq.s32 s7, s2  }
0x1e: {  	s7 =	smul.u32 @!p0 $0xF7A, s2;
	p2 =	seq.s32 @!p0 s5, $0x0  }
0x1f: {  	s9 =	smul.u32 $0xF7A, s1;
	s8 =	simm.s32 @!p0 $0x1BF5;
	p2 =	por !p2, p0  }
0x20: {  	[sflag:s8] =	ssyncset.s32 @!p0 $0xFFFFF086;
	s6 =	sadd.s32 @!p0 s3, s7;
	s7 =	simm.s32 @!p0 $0x108  }
0x21: {  	s3 =	sadd.s32 s3, s9;
	s6 =	sadd.s32 @!p0 $0x88, s6;
	s7 =	simm.s32 @p2 $0x1082  }
0x22: {  	[simem:s7], [sflag:s8] =	dma.local @!p0 [hbm:s6], $0xF7A  }
0x23: {  	s9 =	sor.u32 $0xD0000000, s2;
	s6 =	simm.s32 $0x108;
	_ =	swait.ge @!p0 [sflag:s8], $0x0  }
0x24: {  	s3 =	sadd.s32 $0x88, s3;
	s6 =	simm.s32 @!p1 $0x1082;
	[sflag:s4] =	ssyncset.s32 $0xFFFFF086  }
0x25: {  	[simem:s6], [sflag:s4] =	dma.local [hbm:s3], $0xF7A  }
0x26: {  	[smem:$0x3F96] =	sst s1;
	(tag) =	ssettag s2;
	_ =	strace s9  }
0x27: {  	s1 =	sld [smem:$0x3FA6]  }
0x28: {  	s2 =	sld [smem:$0x3FA7]  }
0x29: {  	s4 =	sld [smem:$0x3FA9]  }
0x2a: {  	p0 =	seq.s32 s5, $0x0;
	s5 =	sld [smem:$0x3FAA]  }
0x2b: {  	s6 =	sld [smem:$0x3FAB]  }
0x2c: {  	s7 =	sld [smem:$0x3FAC]  }
0x2d: {  	s3 =	simm.s32 $0x108;
	s8 =	sld [smem:$0x3FAD]  }
0x2e: {  	s3 =	simm.s32 @!p0 $0x1082;
	s9 =	sld [smem:$0x3FAE]  }
0x2f: {  	lr =	sadd.s32 s0, s3;
	s0 =	sld [smem:$0x3FA5]  }
0x30: {  	s3 =	sld [smem:$0x3FA8]  }
0x31: {  	[smem:$0x3FB1] =	sst s10  }
0x32: {  	s10 =	sld [smem:$0x3FAF];
	_ =	sdelay $0x3  }
0x33: {  	p0 =	seq.s32 s10, $0x1;
	s10 =	sld [smem:$0x3FB1];
	_ =	sdelay $0x3  }
0x34: {  	[smem:$0x3FB1] =	sst s10  }
0x35: {  	s10 =	sld [smem:$0x3FB0];
	_ =	sdelay $0x3  }
0x36: {  	p1 =	seq.s32 s10, $0x1;
	s10 =	sld [smem:$0x3FB1];
	_ =	sdelay $0x3  }
0x37: {  	[smem:$0x3FB1] =	sst s10  }
0x38: {  	s10 =	sld [smem:$0x3FB2]  }
0x39: {  	_ = 	snop;
	(pc) =	sbr.ind lr, $3  }
0x3a: {  	_ = 	snop  }
0x3b: {  	_ = 	snop  }
0x3c: {  	p2 =	seq.s32 s10, $0x1;
	s10 =	sld [smem:$0x3FB1]  }
0x3d: {  	_ =	shalt  }
0x3e: {  	_ =	shalt  }
0x3f: {  	_ =	shalt  }
0x40: {  	_ =	shalt  }
0x41: {  	_ =	shalt  }
0x42: {  	_ =	shalt  }
0x43: {  	_ =	shalt  }
0x44: {  	_ =	shalt  }
0x45: {  	_ =	shalt  }
0x46: {  	_ =	shalt  }
0x47: {  	_ =	shalt  }
0x48: {  	_ =	shalt  }
0x49: {  	_ =	shalt  }
0x4a: {  	_ =	shalt  }
0x4b: {  	_ =	shalt  }
0x4c: {  	_ =	shalt  }
0x4d: {  	_ =	shalt  }
0x4e: {  	_ =	shalt  }
0x4f: {  	_ =	shalt  }
0x50: {  	_ =	shalt  }
0x51: {  	_ =	shalt  }
0x52: {  	_ =	shalt  }
0x53: {  	_ =	shalt  }
0x54: {  	_ =	shalt  }
0x55: {  	_ =	shalt  }
0x56: {  	_ =	shalt  }
0x57: {  	_ =	shalt  }
0x58: {  	_ =	shalt  }
0x59: {  	_ =	shalt  }
0x5a: {  	_ =	shalt  }
0x5b: {  	_ =	shalt  }
0x5c: {  	_ =	shalt  }
0x5d: {  	_ =	shalt  }
0x5e: {  	_ =	shalt  }
0x5f: {  	_ =	shalt  }
0x60: {  	_ =	shalt  }
0x61: {  	_ =	shalt  }
0x62: {  	_ =	shalt  }
0x63: {  	_ =	shalt  }
0x64: {  	_ =	shalt  }
0x65: {  	_ =	shalt  }
0x66: {  	_ =	shalt  }
0x67: {  	_ =	shalt  }
0x68: {  	_ =	shalt  }
0x69: {  	_ =	shalt  }
0x6a: {  	_ =	shalt  }
0x6b: {  	_ =	shalt  }
0x6c: {  	_ =	shalt  }
0x6d: {  	_ =	shalt  }
0x6e: {  	_ =	shalt  }
0x6f: {  	_ =	shalt  }
0x70: {  	_ =	shalt  }
0x71: {  	_ =	shalt  }
0x72: {  	_ =	shalt  }
0x73: {  	_ =	shalt  }
0x74: {  	_ =	shalt  }
0x75: {  	_ =	shalt  }
0x76: {  	_ =	shalt  }
0x77: {  	_ =	shalt  }
0x78: {  	_ =	shalt  }
0x79: {  	_ =	shalt  }
0x7a: {  	_ =	shalt  }
0x7b: {  	_ =	shalt  }
0x7c: {  	_ =	shalt  }
0x7d: {  	_ =	shalt  }
0x7e: {  	_ =	shalt  }
0x7f: {  	_ =	shalt  }
0x80: {  	_ =	shalt  }
0x81: {  	_ =	shalt  }
0x82: {  	_ =	shalt  }
0x83: {  	_ =	shalt  }
0x84: {  	_ =	shalt  }
0x85: {  	_ =	shalt  }
0x86: {  	_ =	shalt  }
0x87: {  	_ =	shalt  }
.Lfunc_end0:
.L_simem_size_0:
called_computation.2_lowered:
.L_overlay_start_0:
0x88: {  	s2 =	sld [smem:$0x3FD9]  }
0x89: {  	s3 =	sld [smem:$0x3FFE];
	_ =	sdelay $0x1  }
0x8a: {  	s1 =	srdreg.scid  }
0x8b: {  	s0 =	sand.u32 $0x1, s1  }
0x8c: {  	s17 =	sshll.u32 s0, $0xA;
	s2 =	sadd.s32 s3, s2  }
0x8d: {  	s2 =	sadd.s32 s2, s17  }
0x8e: {  	[smem:$0x3FBD] =	sst s2  }
0x8f: {  	_ = 	snop  }
0x90: {  	s2 =	sld [smem:$0x3FD0];
	(tm) =	ssettm $0x1  }
0x91: {  	s18 =	sld [smem:$0x3FFB];
	_ =	sdelay $0x3  }
0x92: {  	_ =	strace s18  }
0x93: {  	s3 =	sld [smem:$0x3FFC];
	_ =	sdelay $0x3  }
0x94: {  	_ =	strace s3  }
0x95: {  	s3 =	sld [smem:$0x3FFD];
	_ =	sdelay $0x3  }
0x96: {  	_ =	strace s3  }
0x97: {  	_ =	strace $0x8FFFFFFF  }
0x98: {  	s19 =	sld [smem:$0x3FDB];
	_ =	sdelay $0x1  }
0x99: {  	s4 =	simm.s32 $_scs_section_size  }
0x9a: {  	s5 =	simm.s32 $_size__tile_overlayer_lowered;
	s6 =	simm.s32 $_tile_overlayer_lowered  }
0x9b: {  	s22 =	simm.s32 $0x1BFF;
	s21 =	sshll.u32 s6, $0x1;
	s3 =	sadd.s32 s4, s19  }
0x9c: {  	s7 =	simm.s32 $0x0;
	s20 =	sshll.u32 s5, $0x1;
	s5 =	sadd.s32 s21, s3  }
0x9d: {  	[timem:s7], [sflag:s22] =	dma.local [hbm:s5], s20  }
0x9e: {  	_ =	swait.ge [sflag:s22], s20  }
0x9f: {  	s4 =	ssub.s32 $0x0, s20;
	[sflag:s22] =	ssyncset.done $0x0  }
0xa0: {  	[sflag:s22] =	ssyncadd.s32 s4;
	_ =	sdelay $0x1  }
0xa1: {  	s23 =	simm.s32 $0x1B8B  }
0xa2: {  	_ =	swait.ge [sflag:s23], $0x1  }
0xa3: {  	[sflag:s23] =	ssyncset.done $0x0  }
0xa4: {  	s25 =	simm.s32 $0x1B8E;
	s24 =	sld [smem:$0x3FFE];
	[sflag:s23] =	ssyncadd.s32 $0xFFFFFFFF  }
0xa5: {  	s26 =	simm.s32 $execute0_lowered;
	[smem:$0x3FD2] =	sst s25  }
0xa6: {  	s5 =	sshll.u32 s26, $0x1;
	_ =	strace $0x8000004C;
	[dreg:$0x1] =	wrdreg $0xFFFFFFFF  }
0xa7: {  	s28 =	simm.s32 $_size_execute0_lowered;
	s3 =	sadd.s32 s3, s5;
	[dreg:$0x0] =	wrdreg $0x0  }
0xa8: {  	s5 =	sshll.u32 s28, $0x1;
	[dreg:$0x2] =	wrdreg s3  }
0xa9: {  	[dreg:$0x3] =	wrdreg s5  }
0xaa: {  	[dreg:$0x4] =	wrdreg $0xC0  }
0xab: {  	_ =	task [dreg:s7], $0x5FFFF  }
0xac: {  	[dreg:$0x1] =	wrdreg $0xFFFFFFFF  }
0xad: {  	[dreg:$0x0] =	wrdreg $0x60  }
0xae: {  	[dreg:$0x2] =	wrdreg s2  }
0xaf: {  	[dreg:$0x3] =	wrdreg s24  }
0xb0: {  	[dreg:$0x4] =	wrdreg $0x9B000  }
0xb1: {  	[dreg:$0x5] =	wrdreg $0x9  }
0xb2: {  	_ =	task.clear_ibuf [dreg:s7], $0x6FFFF;
	_ =	strace $0x9000004C  }
0xb3: {  	s29 =	simm.s32 $0x9;
	_ =	strace $0x8000004E  }
0xb4: {  	_ =	swait.ge [sflag:s29], $0x1  }
0xb5: {  	[sflag:s29] =	ssyncadd.s32 $0xFFFFFFFF  }
0xb6: {  	_ =	strace $0x9000004E  }
0xb7: {  	_ =	sfence  }
0xb8: {  	s30 =	sld [smem:$0x0];
	_ =	sdelay $0x2  }
0xb9: {  	s31 =	sshll.u32 s1, $0xD;
	s1 =	sshrl.u32 s1, $0x2  }
0xba: {  	s3 =	sand.u32 $0x4000, s31;
	s1 =	sadd.s32 s1, s30  }
0xbb: {  	s0 =	sor.u32 s3, s0;
	s1 =	sshll.u32 s1, $0x11  }
0xbc: {  	s0 =	sor.u32 s1, s0  }
0xbd: {  	s0 =	sadd.s32 $0x8F2B, s0  }
0xbe: {  	[sflag:s0] =	ssyncadd.remote.s32 $0x1  }
0xbf: {  	_ =	sfence.sel $0xFFFF  }
0xc0: {  	[dreg:$0x0] =	wrdreg $0xFFFFFFFF;
	(pc) =	sbr.abs _section_cstart, $3  }
0xc1: {  	[dreg:$0x1] =	wrdreg $0xFFFFFFFF  }
0xc2: {  	_ =	task.clear_ibuf [dreg:s7], $0x2FFFF;
	_ =	strace $0x9FFFFFFF  }
0xc3: {  	(tm) =	ssettm $0x7FFFFFFF  }
tec
execute0_lowered:
.L_overlay_start_1:
0x0: {  	(tag) =	ssettag $0x1  }
0x1: {  	s0 =	rddreg [dreg:$0x0];
	s2 =	srdreg.scid  }
0x2: {  	s1 =	rddreg [dreg:$0x1];
	s12 =	stileid.u32;
	s2 =	sand.u32 $0x1, s2  }
0x3: {  	s3 =	rddreg [dreg:$0x2];
	s6 =	smul.u32 $0x14000, s12;
	s7 =	sshll.u32 s2, $0x4  }
0x4: {  	s4 =	simm.s32 $0x0;
	s5 =	smul.u32 $0x140000, s2;
	s7 =	sor.u32 s12, s7  }
0x5: {  	[smem:$0x7FF] =	sst s4;
	s14 =	ssub.s32 $0x2, s2;
	s7 =	smul.u32 $0x2710, s7  }
0x6: {  	s10 =	smul.u32 $0x50000, s12;
	_ =	strace $0x8000004D;
	s9 =	sshrl.u32 s14, $0x1  }
0x7: {  	s6 =	sadd.s32 s6, s5;
	s5 =	sadd.s32 $0xC400, s1;
	s7 =	sshrl.u32 s7, $0x3  }
0x8: {  	s8 =	sshrl.u32 s6, $0x3;
	s6 =	sadd.s32 $0x2600, s1;
	s15 =	sadd.s32 s5, s7  }
0x9: {  	s1 =	sadd.s32 s8, s1;
	s11 =	sadd.s32 s6, s7;
	[dreg:$0x4] =	wrdreg s15  }
0xa: {  	s16 =	sadd.s32 $0x10, s7;
	s1 =	sadd.s32 $0x16200, s1;
	[dreg:$0x5] =	wrdreg s11  }
0xb: {  	s8 =	ssub.s32 s14, s9;
	s17 =	sadd.s32 s5, s16;
	[dreg:$0x11] =	wrdreg s1  }
0xc: {  	s7 =	sadd.s32 $0x4E0, s7;
	s9 =	sadd.s32 s6, s16;
	[dreg:$0x6] =	wrdreg s17  }
0xd: {  	s10 =	sshrl.u32 s10, $0x2;
	s25 =	sadd.s32 s5, s7;
	[dreg:$0x7] =	wrdreg s9  }
0xe: {  	s11 =	sadd.s32 s10, s3;
	s7 =	sadd.s32 s6, s7;
	[dreg:$0xf] =	wrdreg s25  }
0xf: {  	s28 =	simm.s32 $0x2;
	s18 =	sadd.s32 $0x1000, s11;
	[dreg:$0x10] =	wrdreg s7  }
0x10: {  	s29 =	simm.s32 $0x9200;
	s19 =	sadd.s32 $0x2000, s11;
	[dreg:$0x8] =	wrdreg s18  }
0x11: {  	s30 =	simm.s32 $0x9280;
	s10 =	sadd.s32 $0x3000, s11;
	[dreg:$0x9] =	wrdreg s19  }
0x12: {  	s20 =	smul.u32 $0x2710, s12;
	s21 =	sadd.s32 $0x4000, s11;
	[dreg:$0xa] =	wrdreg s10  }
0x13: {  	s2 =	smul.u32 $0x27100, s2;
	s22 =	sadd.s32 $0x5000, s11;
	[dreg:$0xb] =	wrdreg s21  }
0x14: {  	s31 =	simm.s32 $0x10;
	s23 =	sadd.s32 $0x6000, s11;
	[dreg:$0xc] =	wrdreg s22  }
0x15: {  	s2 =	sadd.s32 s20, s2;
	s24 =	sadd.s32 $0x7000, s11;
	[dreg:$0xd] =	wrdreg s23  }
0x16: {  	s26 =	sadd.s32 $0x180, s2;
	s12 =	sadd.s32 $0x8000, s11;
	[dreg:$0xe] =	wrdreg s24  }
0x17: {  	s1 =	simm.s32 $0x9300;
	s13 =	sadd.s32 $0x9000, s11;
	[dreg:$0x13] =	wrdreg s12  }
0x18: {  	s9 =	sshrl.u32 s26, $0x3;
	s14 =	sadd.s32 $0xA000, s11;
	[dreg:$0x14] =	wrdreg s13  }
0x19: {  	s25 =	sadd.s32 $0x100, s2;
	s15 =	sadd.s32 $0xB000, s11;
	[dreg:$0x15] =	wrdreg s14  }
0x1a: {  	s16 =	sadd.s32 $0xC000, s11;
	s17 =	sadd.s32 $0xD000, s11;
	[dreg:$0x16] =	wrdreg s15  }
0x1b: {  	s20 =	sadd.s32 $0x10000, s11;
	s26 =	sadd.s32 $0x13000, s11;
	[dreg:$0x17] =	wrdreg s16  }
0x1c: {  	s2 =	simm.s32 $0x0;
	s10 =	smax.u32 s8, $0x1;
	[dreg:$0x18] =	wrdreg s17  }
0x1d: {  	s23 =	sadd.s32 s9, s6;
	s24 =	sadd.s32 s9, s5;
	[dreg:$0x1b] =	wrdreg s20  }
0x1e: {  	s18 =	sadd.s32 $0xE000, s11;
	s19 =	sadd.s32 $0xF000, s11;
	[dreg:$0x1e] =	wrdreg s26  }
0x1f: {  	s21 =	sadd.s32 $0x11000, s11;
	s22 =	sadd.s32 $0x12000, s11;
	[dreg:$0x12] =	wrdreg s10  }
0x20: {  	s13 =	simm.s32 $0x100;
	s14 =	simm.s32 $0x80;
	[dreg:$0x19] =	wrdreg s18  }
0x21: {  	s15 =	simm.s32 $0x180;
	s16 =	simm.s32 $0x3;
	[dreg:$0x1a] =	wrdreg s19  }
0x22: {  	s17 =	simm.s32 $0x200;
	s20 =	simm.s32 $0x4;
	[dreg:$0x1c] =	wrdreg s21  }
0x23: {  	s26 =	simm.s32 $0x6;
	[dreg:$0x1d] =	wrdreg s22;
	s18 =	simm.s32 $0x8200  }
0x24: {  	v0 =	vimm.f32 $0.0e+00;
	s19 =	simm.s32 $0x5;
	s21 =	simm.s32 $0x4200;
	s22 =	simm.s32 $0x1  }
.LBB2_1:
0x25: {  	s7 =	rddreg [dreg:$0x4]  }
0x26: {  	[tilespmem:s4], [sflag:$0x3] =	stream.linear.gather [hbm4b:s7+s4], $0x80, $0x38;
	[tilespmem:$0x1DB00] =	vst v63  }
0x27: {  	s9 =	rddreg [dreg:$0x5]  }
0x28: {  	[tilespmem:s13], [sflag:$0x3] =	stream.linear.gather [hbm4b:s9+s4], $0x80, $0x38;
	[tilespmem:$0x1DB00] =	vst v63  }
0x29: {  	s10 =	rddreg [dreg:$0x6]  }
0x2a: {  	[tilespmem:s14], [sflag:$0x4] =	stream.linear.gather [hbm4b:s10+s4], $0x80, $0x38;
	[tilespmem:$0x1DB00] =	vst v63  }
0x2b: {  	s12 =	rddreg [dreg:$0x7]  }
0x2c: {  	[tilespmem:s15], [sflag:$0x4] =	stream.linear.gather [hbm4b:s12+s4], $0x80, $0x38;
	[tilespmem:$0x1DB00] =	vst v63  }
0x2d: {  	_ =	swait.ge [sflag:s16], $0x80  }
0x2e: {  	[sflag:s16] =	ssyncset.done $0x0  }
0x2f: {  	[sflag:s16] =	ssyncadd.s32 $0xFFFFFF80  }
0x30: {  	_ =	swait.ge [sflag:s16], $0x80  }
0x31: {  	[sflag:s16] =	ssyncset.done $0x0  }
0x32: {  	s8 =	simm.s32 $0x200;
	s7 =	simm.s32 $0x0;
	[sflag:s16] =	ssyncadd.s32 $0xFFFFFF80  }
0x33: {  	[tilespmem:s17], [sflag:$0x1] =	stream.indirect.gather [hbm4b:s0+s14], $0x80, s4, s14, $0xb8;
	[tilespmem:$0x1DB00] =	vst v63  }
.LBB2_2:
0x34: {  	p0 =	sne.s32 s8, $0x3E00;
	[tilespmem:s7+$0x8270] =	vst v0  }
0x35: {  	[tilespmem:s7+$0x8200] =	vst v0  }
0x36: {  	[tilespmem:s7+$0x8210] =	vst v0  }
.Ltmp0:
0x37: {  	[tilespmem:s7+$0x8220] =	vst v0;
	(pc) =	sbr.rel @p0 .LBB2_2-.Ltmp0, $4  }
0x38: {  	[tilespmem:s7+$0x8230] =	vst v0  }
0x39: {  	[tilespmem:s7+$0x8240] =	vst v0  }
0x3a: {  	[tilespmem:s7+$0x8250] =	vst v0  }
0x3b: {  	[tilespmem:s7+$0x8260] =	vst v0;
	s7 =	sshra.s32 s8, $0x2;
	s8 =	sadd.s32 $0x200, s8  }
0x3c: {  	[tilespmem:s7+$0x8270] =	vst v0  }
0x3d: {  	[tilespmem:s7+$0x8200] =	vst v0  }
0x3e: {  	[tilespmem:s7+$0x8210] =	vst v0  }
0x3f: {  	[tilespmem:s7+$0x8220] =	vst v0  }
0x40: {  	[tilespmem:s7+$0x8230] =	vst v0  }
0x41: {  	[tilespmem:s7+$0x8240] =	vst v0  }
0x42: {  	[tilespmem:s7+$0x8250] =	vst v0  }
0x43: {  	[tilespmem:s7+$0x8260] =	vst v0  }
0x44: {  	[spmem:s11] =	stream.linear.scatter [tilespmem:s18], [sflag:$0x5], $0x1000, $0x38;
	[tilespmem:$0x1DB00] =	vst v63  }
0x45: {  	s12 =	rddreg [dreg:$0x8]  }
0x46: {  	[spmem:s12] =	stream.linear.scatter [tilespmem:s18], [sflag:$0x5], $0x1000, $0x38;
	[tilespmem:$0x1DB00] =	vst v63  }
0x47: {  	s8 =	rddreg [dreg:$0x9]  }
0x48: {  	[spmem:s8] =	stream.linear.scatter [tilespmem:s18], [sflag:$0x5], $0x1000, $0x38;
	[tilespmem:$0x1DB00] =	vst v63  }
0x49: {  	s9 =	rddreg [dreg:$0xa]  }
0x4a: {  	[spmem:s9] =	stream.linear.scatter [tilespmem:s18], [sflag:$0x5], $0x1000, $0x38;
	[tilespmem:$0x1DB00] =	vst v63  }
0x4b: {  	s10 =	rddreg [dreg:$0xb]  }
0x4c: {  	[spmem:s10] =	stream.linear.scatter [tilespmem:s18], [sflag:$0x5], $0x1000, $0x38;
	[tilespmem:$0x1DB00] =	vst v63  }
0x4d: {  	s12 =	rddreg [dreg:$0xc]  }
0x4e: {  	[spmem:s12] =	stream.linear.scatter [tilespmem:s18], [sflag:$0x5], $0x1000, $0x38;
	[tilespmem:$0x1DB00] =	vst v63  }
0x4f: {  	s8 =	rddreg [dreg:$0xd]  }
0x50: {  	[spmem:s8] =	stream.linear.scatter [tilespmem:s18], [sflag:$0x5], $0x1000, $0x38;
	[tilespmem:$0x1DB00] =	vst v63  }
0x51: {  	s9 =	rddreg [dreg:$0xe]  }
0x52: {  	[spmem:s9] =	stream.linear.scatter [tilespmem:s18], [sflag:$0x5], $0x1000, $0x38;
	[tilespmem:$0x1DB00] =	vst v63  }
0x53: {  	s10 =	rddreg [dreg:$0x13]  }
0x54: {  	[spmem:s10] =	stream.linear.scatter [tilespmem:s18], [sflag:$0x5], $0x1000, $0x38;
	[tilespmem:$0x1DB00] =	vst v63  }
0x55: {  	s12 =	rddreg [dreg:$0x14]  }
0x56: {  	[spmem:s12] =	stream.linear.scatter [tilespmem:s18], [sflag:$0x5], $0x1000, $0x38;
	[tilespmem:$0x1DB00] =	vst v63  }
0x57: {  	s8 =	rddreg [dreg:$0x15]  }
0x58: {  	[spmem:s8] =	stream.linear.scatter [tilespmem:s18], [sflag:$0x5], $0x1000, $0x38;
	[tilespmem:$0x1DB00] =	vst v63  }
0x59: {  	s9 =	rddreg [dreg:$0x16]  }
0x5a: {  	[spmem:s9] =	stream.linear.scatter [tilespmem:s18], [sflag:$0x5], $0x1000, $0x38;
	[tilespmem:$0x1DB00] =	vst v63  }
0x5b: {  	s10 =	rddreg [dreg:$0x17]  }
0x5c: {  	[spmem:s10] =	stream.linear.scatter [tilespmem:s18], [sflag:$0x5], $0x1000, $0x38;
	[tilespmem:$0x1DB00] =	vst v63  }
0x5d: {  	s12 =	rddreg [dreg:$0x18]  }
0x5e: {  	[spmem:s12] =	stream.linear.scatter [tilespmem:s18], [sflag:$0x5], $0x1000, $0x38;
	[tilespmem:$0x1DB00] =	vst v63  }
0x5f: {  	s8 =	rddreg [dreg:$0x19]  }
0x60: {  	[spmem:s8] =	stream.linear.scatter [tilespmem:s18], [sflag:$0x5], $0x1000, $0x38;
	[tilespmem:$0x1DB00] =	vst v63  }
0x61: {  	s9 =	rddreg [dreg:$0x1a]  }
0x62: {  	[spmem:s9] =	stream.linear.scatter [tilespmem:s18], [sflag:$0x5], $0x1000, $0x38;
	[tilespmem:$0x1DB00] =	vst v63  }
0x63: {  	s10 =	rddreg [dreg:$0x1b]  }
0x64: {  	[spmem:s10] =	stream.linear.scatter [tilespmem:s18], [sflag:$0x5], $0x1000, $0x38;
	[tilespmem:$0x1DB00] =	vst v63  }
0x65: {  	s12 =	rddreg [dreg:$0x1c]  }
0x66: {  	[spmem:s12] =	stream.linear.scatter [tilespmem:s18], [sflag:$0x5], $0x1000, $0x38;
	[tilespmem:$0x1DB00] =	vst v63  }
0x67: {  	s8 =	rddreg [dreg:$0x1d]  }
0x68: {  	[spmem:s8] =	stream.linear.scatter [tilespmem:s18], [sflag:$0x5], $0x1000, $0x38;
	[tilespmem:$0x1DB00] =	vst v63  }
0x69: {  	s9 =	rddreg [dreg:$0x1e]  }
0x6a: {  	[spmem:s9] =	stream.linear.scatter [tilespmem:s18], [sflag:$0x5], $0x1000, $0x38;
	[tilespmem:$0x1DB00] =	vst v63  }
0x6b: {  	_ =	swait.ge [sflag:s19], $0x1000  }
0x6c: {  	[sflag:s19] =	ssyncset.done $0x0  }
0x6d: {  	[sflag:s19] =	ssyncadd.s32 $0xFFFFF000  }
0x6e: {  	_ =	swait.ge [sflag:s19], $0x1000  }
0x6f: {  	[sflag:s19] =	ssyncset.done $0x0  }
0x70: {  	[sflag:s19] =	ssyncadd.s32 $0xFFFFF000  }
0x71: {  	_ =	swait.ge [sflag:s19], $0x1000  }
0x72: {  	[sflag:s19] =	ssyncset.done $0x0  }
0x73: {  	[sflag:s19] =	ssyncadd.s32 $0xFFFFF000  }
0x74: {  	_ =	swait.ge [sflag:s19], $0x1000  }
0x75: {  	[sflag:s19] =	ssyncset.done $0x0  }
0x76: {  	[sflag:s19] =	ssyncadd.s32 $0xFFFFF000  }
0x77: {  	_ =	swait.ge [sflag:s19], $0x1000  }
0x78: {  	[sflag:s19] =	ssyncset.done $0x0  }
0x79: {  	[sflag:s19] =	ssyncadd.s32 $0xFFFFF000  }
0x7a: {  	_ =	swait.ge [sflag:s19], $0x1000  }
0x7b: {  	[sflag:s19] =	ssyncset.done $0x0  }
0x7c: {  	[sflag:s19] =	ssyncadd.s32 $0xFFFFF000  }
0x7d: {  	_ =	swait.ge [sflag:s19], $0x1000  }
0x7e: {  	[sflag:s19] =	ssyncset.done $0x0  }
0x7f: {  	[sflag:s19] =	ssyncadd.s32 $0xFFFFF000  }
0x80: {  	_ =	swait.ge [sflag:s19], $0x1000  }
0x81: {  	[sflag:s19] =	ssyncset.done $0x0  }
0x82: {  	[sflag:s19] =	ssyncadd.s32 $0xFFFFF000  }
0x83: {  	_ =	swait.ge [sflag:s19], $0x1000  }
0x84: {  	[sflag:s19] =	ssyncset.done $0x0  }
0x85: {  	[sflag:s19] =	ssyncadd.s32 $0xFFFFF000  }
0x86: {  	_ =	swait.ge [sflag:s19], $0x1000  }
0x87: {  	[sflag:s19] =	ssyncset.done $0x0  }
0x88: {  	[sflag:s19] =	ssyncadd.s32 $0xFFFFF000  }
0x89: {  	_ =	swait.ge [sflag:s19], $0x1000  }
0x8a: {  	[sflag:s19] =	ssyncset.done $0x0  }
0x8b: {  	[sflag:s19] =	ssyncadd.s32 $0xFFFFF000  }
0x8c: {  	_ =	swait.ge [sflag:s19], $0x1000  }
0x8d: {  	[sflag:s19] =	ssyncset.done $0x0  }
0x8e: {  	[sflag:s19] =	ssyncadd.s32 $0xFFFFF000  }
0x8f: {  	_ =	swait.ge [sflag:s19], $0x1000  }
0x90: {  	[sflag:s19] =	ssyncset.done $0x0  }
0x91: {  	[sflag:s19] =	ssyncadd.s32 $0xFFFFF000  }
0x92: {  	_ =	swait.ge [sflag:s19], $0x1000  }
0x93: {  	[sflag:s19] =	ssyncset.done $0x0  }
0x94: {  	[sflag:s19] =	ssyncadd.s32 $0xFFFFF000  }
0x95: {  	_ =	swait.ge [sflag:s19], $0x1000  }
0x96: {  	[sflag:s19] =	ssyncset.done $0x0  }
0x97: {  	[sflag:s19] =	ssyncadd.s32 $0xFFFFF000  }
0x98: {  	_ =	swait.ge [sflag:s19], $0x1000  }
0x99: {  	[sflag:s19] =	ssyncset.done $0x0  }
0x9a: {  	[sflag:s19] =	ssyncadd.s32 $0xFFFFF000  }
0x9b: {  	_ =	swait.ge [sflag:s19], $0x1000  }
0x9c: {  	[sflag:s19] =	ssyncset.done $0x0  }
0x9d: {  	[sflag:s19] =	ssyncadd.s32 $0xFFFFF000  }
0x9e: {  	_ =	swait.ge [sflag:s19], $0x1000  }
0x9f: {  	[sflag:s19] =	ssyncset.done $0x0  }
0xa0: {  	[sflag:s19] =	ssyncadd.s32 $0xFFFFF000  }
0xa1: {  	_ =	swait.ge [sflag:s19], $0x1000  }
0xa2: {  	[sflag:s19] =	ssyncset.done $0x0  }
0xa3: {  	[sflag:s19] =	ssyncadd.s32 $0xFFFFF000  }
0xa4: {  	_ =	swait.ge [sflag:s19], $0x1000  }
0xa5: {  	[sflag:s19] =	ssyncset.done $0x0  }
0xa6: {  	[sflag:s19] =	ssyncadd.s32 $0xFFFFF000  }
0xa7: {  	[bflag:$0x0] =	sbarrier.arrive $0xFFFF  }
0xa8: {  	_ =	swait.ge [sflag:s20], $0x80  }
0xa9: {  	[sflag:s20] =	ssyncset.done $0x0  }
0xaa: {  	[sflag:s20] =	ssyncadd.s32 $0xFFFFFF80  }
0xab: {  	_ =	swait.ge [sflag:s20], $0x80  }
0xac: {  	[sflag:s20] =	ssyncset.done $0x0  }
0xad: {  	[sflag:s20] =	ssyncadd.s32 $0xFFFFFF80  }
0xae: {  	[tilespmem:s21], [sflag:$0x2] =	stream.indirect.gather [hbm4b:s0+s14], $0x80, s14, s14, $0xb8;
	[tilespmem:$0x1DB00] =	vst v63  }
0xaf: {  	_ =	swait.ge [sflag:s22], $0x4000  }
0xb0: {  	[sflag:s22] =	ssyncset.done $0x0  }
0xb1: {  	[sflag:s22] =	ssyncadd.s32 $0xFFFFC000  }
0xb2: {  	[spmem:s3] =	stream.indirect.scatter.add.f32 [tilespmem:s17], [sflag:$0x6], $0x80, s13, s14, $0xb8;
	[tilespmem:$0x1DB00] =	vst v63  }
0xb3: {  	_ =	swait.ge [sflag:s26], $0x4000  }
0xb4: {  	s10 =	sshrl.u32 s25, $0x3;
	[sflag:s26] =	ssyncset.done $0x0  }
0xb5: {  	s8 =	sadd.s32 s5, s10;
	[sflag:s26] =	ssyncadd.s32 $0xFFFFC000  }
0xb6: {  	[tilespmem:s4], [sflag:$0x3] =	stream.linear.gather [hbm4b:s8+s4], $0x80, $0x38;
	[tilespmem:$0x1DB00] =	vst v63  }
0xb7: {  	s7 =	sadd.s32 s6, s10  }
0xb8: {  	[tilespmem:s13], [sflag:$0x3] =	stream.linear.gather [hbm4b:s7+s4], $0x80, $0x38;
	[tilespmem:$0x1DB00] =	vst v63  }
0xb9: {  	_ =	swait.ge [sflag:s16], $0x80  }
0xba: {  	[sflag:s16] =	ssyncset.done $0x0  }
0xbb: {  	[sflag:s16] =	ssyncadd.s32 $0xFFFFFF80  }
0xbc: {  	_ =	swait.ge [sflag:s16], $0x80  }
0xbd: {  	[sflag:s16] =	ssyncset.done $0x0  }
0xbe: {  	[sflag:s16] =	ssyncadd.s32 $0xFFFFFF80  }
0xbf: {  	[tilespmem:s17], [sflag:$0x1] =	stream.indirect.gather [hbm4b:s0+s14], $0x80, s4, s14, $0xb8;
	[tilespmem:$0x1DB00] =	vst v63  }
0xc0: {  	_ =	swait.ge [sflag:s28], $0x4000  }
0xc1: {  	[sflag:s28] =	ssyncset.done $0x0  }
0xc2: {  	[sflag:s28] =	ssyncadd.s32 $0xFFFFC000  }
0xc3: {  	[spmem:s3] =	stream.indirect.scatter.add.f32 [tilespmem:s21], [sflag:$0x6], $0x80, s15, s14, $0xb8;
	[tilespmem:$0x1DB00] =	vst v63  }
0xc4: {  	_ =	swait.ge [sflag:s26], $0x4000  }
0xc5: {  	s12 =	sadd.s32 $0x0, s24;
	s9 =	sadd.s32 $0x0, s23;
	[sflag:s26] =	ssyncset.done $0x0  }
0xc6: {  	s8 =	sadd.s32 $0x100, s25;
	s7 =	simm.s32 $0x20;
	[sflag:s26] =	ssyncadd.s32 $0xFFFFC000  }
0xc7: {  	[tilespmem:s14], [sflag:$0x4] =	stream.linear.gather [hbm4b:s12+s4], $0x80, $0x38;
	[tilespmem:$0x1DB00] =	vst v63  }
.LBB2_4:
0xc8: {  	[tilespmem:s15], [sflag:$0x4] =	stream.linear.gather [hbm4b:s9+s4], $0x80, $0x38;
	[tilespmem:$0x1DB00] =	vst v63  }
0xc9: {  	s9 =	smov.u32 s7  }
0xca: {  	p0 =	sne.s32 s7, $0x4A0;
	s7 =	sadd.s32 $0x20, s7;
	_ =	swait.ge [sflag:s20], $0x80  }
0xcb: {  	[sflag:s20] =	ssyncset.done $0x0  }
0xcc: {  	[sflag:s20] =	ssyncadd.s32 $0xFFFFFF80  }
0xcd: {  	_ =	swait.ge [sflag:s20], $0x80  }
0xce: {  	[sflag:s20] =	ssyncset.done $0x0  }
0xcf: {  	[sflag:s20] =	ssyncadd.s32 $0xFFFFFF80  }
0xd0: {  	[tilespmem:s21], [sflag:$0x2] =	stream.indirect.gather [hbm4b:s0+s14], $0x80, s14, s14, $0xb8;
	[tilespmem:$0x1DB00] =	vst v63  }
0xd1: {  	_ =	swait.ge [sflag:s22], $0x4000  }
0xd2: {  	[sflag:s22] =	ssyncset.done $0x0  }
0xd3: {  	[sflag:s22] =	ssyncadd.s32 $0xFFFFC000  }
0xd4: {  	[spmem:s3] =	stream.indirect.scatter.add.f32 [tilespmem:s17], [sflag:$0x6], $0x80, s13, s14, $0xb8;
	[tilespmem:$0x1DB00] =	vst v63  }
0xd5: {  	_ =	swait.ge [sflag:s26], $0x4000  }
0xd6: {  	s10 =	sshrl.u32 s8, $0x3;
	[sflag:s26] =	ssyncset.done $0x0  }
0xd7: {  	s12 =	sadd.s32 s5, s10;
	[sflag:s26] =	ssyncadd.s32 $0xFFFFC000  }
0xd8: {  	[tilespmem:s4], [sflag:$0x3] =	stream.linear.gather [hbm4b:s12+s4], $0x80, $0x38;
	[tilespmem:$0x1DB00] =	vst v63  }
0xd9: {  	s10 =	sadd.s32 s6, s10  }
0xda: {  	[tilespmem:s13], [sflag:$0x3] =	stream.linear.gather [hbm4b:s10+s4], $0x80, $0x38;
	[tilespmem:$0x1DB00] =	vst v63  }
0xdb: {  	_ =	swait.ge [sflag:s16], $0x80  }
0xdc: {  	[sflag:s16] =	ssyncset.done $0x0  }
0xdd: {  	[sflag:s16] =	ssyncadd.s32 $0xFFFFFF80  }
0xde: {  	_ =	swait.ge [sflag:s16], $0x80  }
0xdf: {  	[sflag:s16] =	ssyncset.done $0x0  }
0xe0: {  	[sflag:s16] =	ssyncadd.s32 $0xFFFFFF80  }
0xe1: {  	[tilespmem:s17], [sflag:$0x1] =	stream.indirect.gather [hbm4b:s0+s14], $0x80, s4, s14, $0xb8;
	[tilespmem:$0x1DB00] =	vst v63  }
0xe2: {  	_ =	swait.ge [sflag:s28], $0x4000  }
0xe3: {  	[sflag:s28] =	ssyncset.done $0x0  }
0xe4: {  	[sflag:s28] =	ssyncadd.s32 $0xFFFFC000  }
0xe5: {  	[spmem:s3] =	stream.indirect.scatter.add.f32 [tilespmem:s21], [sflag:$0x6], $0x80, s15, s14, $0xb8;
	[tilespmem:$0x1DB00] =	vst v63  }
.Ltmp1:
0xe6: {  	_ =	swait.ge [sflag:s26], $0x4000;
	(pc) =	sbr.rel @p0 .LBB2_4-.Ltmp1, $4  }
0xe7: {  	[sflag:s26] =	ssyncset.done $0x0  }
0xe8: {  	s10 =	sadd.s32 s9, s24;
	[sflag:s26] =	ssyncadd.s32 $0xFFFFC000  }
0xe9: {  	[tilespmem:s14], [sflag:$0x4] =	stream.linear.gather [hbm4b:s10+s4], $0x80, $0x38;
	[tilespmem:$0x1DB00] =	vst v63  }
0xea: {  	s8 =	sadd.s32 $0x100, s8;
	s9 =	sadd.s32 s9, s23  }
0xeb: {  	[tilespmem:s15], [sflag:$0x4] =	stream.linear.gather [hbm4b:s9+s4], $0x80, $0x38;
	[tilespmem:$0x1DB00] =	vst v63  }
0xec: {  	_ =	swait.ge [sflag:s20], $0x80  }
0xed: {  	[sflag:s20] =	ssyncset.done $0x0  }
0xee: {  	[sflag:s20] =	ssyncadd.s32 $0xFFFFFF80  }
0xef: {  	_ =	swait.ge [sflag:s20], $0x80  }
0xf0: {  	[sflag:s20] =	ssyncset.done $0x0  }
0xf1: {  	[sflag:s20] =	ssyncadd.s32 $0xFFFFFF80  }
0xf2: {  	[tilespmem:s21], [sflag:$0x2] =	stream.indirect.gather [hbm4b:s0+s14], $0x80, s14, s14, $0xb8;
	[tilespmem:$0x1DB00] =	vst v63  }
0xf3: {  	_ =	swait.ge [sflag:s22], $0x4000  }
0xf4: {  	[sflag:s22] =	ssyncset.done $0x0  }
0xf5: {  	[sflag:s22] =	ssyncadd.s32 $0xFFFFC000  }
0xf6: {  	[spmem:s3] =	stream.indirect.scatter.add.f32 [tilespmem:s17], [sflag:$0x6], $0x80, s13, s14, $0xb8;
	[tilespmem:$0x1DB00] =	vst v63  }
0xf7: {  	_ =	swait.ge [sflag:s26], $0x4000  }
0xf8: {  	[sflag:s26] =	ssyncset.done $0x0  }
0xf9: {  	s7 =	rddreg [dreg:$0xf];
	[sflag:s26] =	ssyncadd.s32 $0xFFFFC000  }
0xfa: {  	[tilespmem:s29], [sflag:$0x3] =	stream.linear.gather [hbm4b:s7+s4], $0x10, $0x38;
	[tilespmem:$0x1DB00] =	vst v63  }
0xfb: {  	s8 =	rddreg [dreg:$0x10]  }
0xfc: {  	[tilespmem:s30], [sflag:$0x3] =	stream.linear.gather [hbm4b:s8+s4], $0x10, $0x38;
	[tilespmem:$0x1DB00] =	vst v63  }
0xfd: {  	_ =	swait.ge [sflag:s28], $0x4000  }
0xfe: {  	[sflag:s28] =	ssyncset.done $0x0  }
0xff: {  	[sflag:s28] =	ssyncadd.s32 $0xFFFFC000  }
0x100: {  	[spmem:s3] =	stream.indirect.scatter.add.f32 [tilespmem:s21], [sflag:$0x6], $0x80, s15, s14, $0xb8;
	[tilespmem:$0x1DB00] =	vst v63  }
0x101: {  	_ =	swait.ge [sflag:s26], $0x4000  }
0x102: {  	[sflag:s26] =	ssyncset.done $0x0  }
0x103: {  	[sflag:s26] =	ssyncadd.s32 $0xFFFFC000  }
0x104: {  	_ =	swait.ge [sflag:s16], $0x10  }
0x105: {  	[sflag:s16] =	ssyncset.done $0x0  }
0x106: {  	[sflag:s16] =	ssyncadd.s32 $0xFFFFFFF0  }
0x107: {  	_ =	swait.ge [sflag:s16], $0x10  }
0x108: {  	[sflag:s16] =	ssyncset.done $0x0  }
0x109: {  	[sflag:s16] =	ssyncadd.s32 $0xFFFFFFF0  }
0x10a: {  	[tilespmem:s1], [sflag:$0x1] =	stream.indirect.gather [hbm4b:s0+s31], $0x80, s29, s31, $0xb8;
	[tilespmem:$0x1DB00] =	vst v63  }
0x10b: {  	_ =	swait.ge [sflag:s22], $0x800  }
0x10c: {  	[sflag:s22] =	ssyncset.done $0x0  }
0x10d: {  	[sflag:s22] =	ssyncadd.s32 $0xFFFFF800  }
0x10e: {  	[spmem:s3] =	stream.indirect.scatter.add.f32 [tilespmem:s1], [sflag:$0x6], $0x80, s30, s31, $0xb8;
	[tilespmem:$0x1DB00] =	vst v63  }
0x10f: {  	_ =	swait.ge [sflag:s26], $0x800  }
0x110: {  	[sflag:s26] =	ssyncset.done $0x0  }
0x111: {  	s9 =	stileid.u32;
	[sflag:s26] =	ssyncadd.s32 $0xFFFFF800  }
0x112: {  	s7 =	sshll.u32 s9, $0x6;
	[bflag:$0x0] =	sbarrier.arrive $0xFFFF  }
0x113: {  	s7 =	sor.u32 $0x1C06, s7;
	s8 =	sshrl.u32 s11, $0x3;
	s10 =	rddreg [dreg:$0x11]  }
0x114: {  	[hbm:s10], [sflag:s7] =	dma.local [spmem:s8], $0x2800  }
0x115: {  	_ =	swait.ge [sflag:s26], $0x2800  }
0x116: {  	s2 =	sadd.s32 $0x1, s2;
	s12 =	rddreg [dreg:$0x12]  }
0x117: {  	p0 =	sne.s32 s2, s12  }
.Ltmp2:
0x118: {  	_ = 	snop;
	(pc) =	sbr.rel @p0 .LBB2_1-.Ltmp2, $3  }
0x119: {  	_ =	sdelay $0x1  }
0x11a: {  	[sflag:s26] =	ssyncset.done $0x0  }
0x11b: {  	[sflag:s26] =	ssyncadd.s32 $0xFFFFD800  }
0x11c: {  	_ =	sfence.sel $0x180000  }
0x11d: {  	[bflag:$0x0] =	sbarrier.arrive $0xFFFF  }
0x11e: {  	_ =	strace $0x9000004D  }
0x11f: {  	s0 =	stileid.u32;
	[bflag:$0x2] =	sbarrier.arrive $0xFFFF  }
0x120: {  	p0 =	sne.s32 s0, $0x0;
	s0 =	rddreg [dreg:$0x3]  }
0x121: {  	s0 =	sadd.s32 @!p0 $0x100000, s0  }
0x122: {  	[sflag:s0] =	ssyncadd.tile.s32 @!p0 $0x1;
	_ =	shalt  }
.Lfunc_end2:
_tile_overlayer_lowered:
.L_overlay_start_2:
0x123: {  	(tag) =	ssettag $0x2  }
0x124: {  	s0 =	rddreg [dreg:$0x0];
	s2 =	stileid.u32  }
0x125: {  	s1 =	rddreg [dreg:$0x1];
	p0 =	sne.s32 s2, $0x0  }
0x126: {  	s3 =	rddreg [dreg:$0x2];
	[bflag:$0x3] =	sbarrier.arrive $0xFFFF;
	s2 =	simm.s32 @!p0 $0x1C06  }
0x127: {  	[timem:s3], [sflag:s2] =	dma.local @!p0 [hbm:s0], s1  }
0x128: {  	s0 =	simm.s32 @!p0 $0x6  }
0x129: {  	_ =	swait.ge @!p0 [sflag:s0], s1  }
0x12a: {  	s1 =	ssub.s32 @!p0 $0x0, s1;
	[sflag:s0] =	ssyncset.done @!p0 $0x0  }
0x12b: {  	[sflag:s0] =	ssyncadd.s32 @!p0 s1  }
0x12c: {  	[bflag:$0x3] =	sbarrier.arrive $0xFFFF  }
0x12d: {  	_ =	shalt  }

// kernel: kernel.9.cloned.1.call-start
scs
__scs_entry_jumppad:
0x0: {  	(pc) =	sbr.rel $0x88, $3  }
0x1: {  	(tag) =	ssettag $0x0;
	lr =	simm.s32 $0x1  }
0x2: {  	[smem:$0x3F96] =	sst lr;
	_ =	strace $0xD0000000  }
0x3: {  	_ = 	snop  }
0x4: {  	_ = 	snop  }
0x5: {  	_ = 	snop  }
0x6: {  	_ = 	snop  }
0x7: {  	_ = 	snop  }
__scs_overlays_trampoline_lowered:
0x8: {  	[smem:$0x3FA5] =	sst s0  }
0x9: {  	[smem:$0x3FA6] =	sst s1  }
0xa: {  	[smem:$0x3FA7] =	sst s2  }
0xb: {  	[smem:$0x3FA8] =	sst s3  }
0xc: {  	[smem:$0x3FA9] =	sst s4  }
0xd: {  	[smem:$0x3FAA] =	sst s5  }
0xe: {  	[smem:$0x3FAB] =	sst s6  }
0xf: {  	[smem:$0x3FAC] =	sst s7  }
0x10: {  	[smem:$0x3FAD] =	sst s8  }
0x11: {  	[smem:$0x3FAE] =	sst s9;
	s0 =	simm.s32 @!p0 $0x0  }
0x12: {  	s1 =	sld [smem:$0x3F94];
	s0 =	simm.s32 @p0 $0x1  }
0x13: {  	[smem:$0x3FAF] =	sst s0;
	s0 =	simm.s32 @!p1 $0x0  }
0x14: {  	s2 =	sld [smem:$0x3F93];
	s0 =	simm.s32 @p1 $0x1  }
0x15: {  	[smem:$0x3FB0] =	sst s0;
	s0 =	simm.s32 @!p2 $0x0  }
0x16: {  	s3 =	sld [smem:$0x3FDB];
	s0 =	simm.s32 @p2 $0x1  }
0x17: {  	s4 =	simm.s32 $0x1BF5;
	[smem:$0x3FB2] =	sst s0  }
0x18: {  	s0 =	sld [smem:$0x3F95];
	_ =	swait.ge [sflag:s4], $0x0  }
0x19: {  	s7 =	sld [smem:$0x3F96]  }
0x1a: {  	s8 =	sadd.s32 $0xFFFFE003, lr  }
0x1b: {  	s9 =	sadd.s32 $0xFFFFFEF7, lr;
	s5 =	simm.s32 $0xFFFFFFFF;
	p2 =	slt.u32 s8, $0xFFFFF086  }
0x1c: {  	p1 =	slt.u32 s9, $0xF7A;
	s5 =	simm.s32 @!p2 $0x0  }
0x1d: {  	s5 =	simm.s32 @p1 $0x1;
	p0 =	seq.s32 s7, s2  }
0x1e: {  	s7 =	smul.u32 @!p0 $0xF7A, s2;
	p2 =	seq.s32 @!p0 s5, $0x0  }
0x1f: {  	s9 =	smul.u32 $0xF7A, s1;
	s8 =	simm.s32 @!p0 $0x1BF5;
	p2 =	por !p2, p0  }
0x20: {  	[sflag:s8] =	ssyncset.s32 @!p0 $0xFFFFF086;
	s6 =	sadd.s32 @!p0 s3, s7;
	s7 =	simm.s32 @!p0 $0x108  }
0x21: {  	s3 =	sadd.s32 s3, s9;
	s6 =	sadd.s32 @!p0 $0x88, s6;
	s7 =	simm.s32 @p2 $0x1082  }
0x22: {  	[simem:s7], [sflag:s8] =	dma.local @!p0 [hbm:s6], $0xF7A  }
0x23: {  	s9 =	sor.u32 $0xD0000000, s2;
	s6 =	simm.s32 $0x108;
	_ =	swait.ge @!p0 [sflag:s8], $0x0  }
0x24: {  	s3 =	sadd.s32 $0x88, s3;
	s6 =	simm.s32 @!p1 $0x1082;
	[sflag:s4] =	ssyncset.s32 $0xFFFFF086  }
0x25: {  	[simem:s6], [sflag:s4] =	dma.local [hbm:s3], $0xF7A  }
0x26: {  	[smem:$0x3F96] =	sst s1;
	(tag) =	ssettag s2;
	_ =	strace s9  }
0x27: {  	s1 =	sld [smem:$0x3FA6]  }
0x28: {  	s2 =	sld [smem:$0x3FA7]  }
0x29: {  	s4 =	sld [smem:$0x3FA9]  }
0x2a: {  	p0 =	seq.s32 s5, $0x0;
	s5 =	sld [smem:$0x3FAA]  }
0x2b: {  	s6 =	sld [smem:$0x3FAB]  }
0x2c: {  	s7 =	sld [smem:$0x3FAC]  }
0x2d: {  	s3 =	simm.s32 $0x108;
	s8 =	sld [smem:$0x3FAD]  }
0x2e: {  	s3 =	simm.s32 @!p0 $0x1082;
	s9 =	sld [smem:$0x3FAE]  }
0x2f: {  	lr =	sadd.s32 s0, s3;
	s0 =	sld [smem:$0x3FA5]  }
0x30: {  	s3 =	sld [smem:$0x3FA8]  }
0x31: {  	[smem:$0x3FB1] =	sst s10  }
0x32: {  	s10 =	sld [smem:$0x3FAF];
	_ =	sdelay $0x3  }
0x33: {  	p0 =	seq.s32 s10, $0x1;
	s10 =	sld [smem:$0x3FB1];
	_ =	sdelay $0x3  }
0x34: {  	[smem:$0x3FB1] =	sst s10  }
0x35: {  	s10 =	sld [smem:$0x3FB0];
	_ =	sdelay $0x3  }
0x36: {  	p1 =	seq.s32 s10, $0x1;
	s10 =	sld [smem:$0x3FB1];
	_ =	sdelay $0x3  }
0x37: {  	[smem:$0x3FB1] =	sst s10  }
0x38: {  	s10 =	sld [smem:$0x3FB2]  }
0x39: {  	_ = 	snop;
	(pc) =	sbr.ind lr, $3  }
0x3a: {  	_ = 	snop  }
0x3b: {  	_ = 	snop  }
0x3c: {  	p2 =	seq.s32 s10, $0x1;
	s10 =	sld [smem:$0x3FB1]  }
0x3d: {  	_ =	shalt  }
0x3e: {  	_ =	shalt  }
0x3f: {  	_ =	shalt  }
0x40: {  	_ =	shalt  }
0x41: {  	_ =	shalt  }
0x42: {  	_ =	shalt  }
0x43: {  	_ =	shalt  }
0x44: {  	_ =	shalt  }
0x45: {  	_ =	shalt  }
0x46: {  	_ =	shalt  }
0x47: {  	_ =	shalt  }
0x48: {  	_ =	shalt  }
0x49: {  	_ =	shalt  }
0x4a: {  	_ =	shalt  }
0x4b: {  	_ =	shalt  }
0x4c: {  	_ =	shalt  }
0x4d: {  	_ =	shalt  }
0x4e: {  	_ =	shalt  }
0x4f: {  	_ =	shalt  }
0x50: {  	_ =	shalt  }
0x51: {  	_ =	shalt  }
0x52: {  	_ =	shalt  }
0x53: {  	_ =	shalt  }
0x54: {  	_ =	shalt  }
0x55: {  	_ =	shalt  }
0x56: {  	_ =	shalt  }
0x57: {  	_ =	shalt  }
0x58: {  	_ =	shalt  }
0x59: {  	_ =	shalt  }
0x5a: {  	_ =	shalt  }
0x5b: {  	_ =	shalt  }
0x5c: {  	_ =	shalt  }
0x5d: {  	_ =	shalt  }
0x5e: {  	_ =	shalt  }
0x5f: {  	_ =	shalt  }
0x60: {  	_ =	shalt  }
0x61: {  	_ =	shalt  }
0x62: {  	_ =	shalt  }
0x63: {  	_ =	shalt  }
0x64: {  	_ =	shalt  }
0x65: {  	_ =	shalt  }
0x66: {  	_ =	shalt  }
0x67: {  	_ =	shalt  }
0x68: {  	_ =	shalt  }
0x69: {  	_ =	shalt  }
0x6a: {  	_ =	shalt  }
0x6b: {  	_ =	shalt  }
0x6c: {  	_ =	shalt  }
0x6d: {  	_ =	shalt  }
0x6e: {  	_ =	shalt  }
0x6f: {  	_ =	shalt  }
0x70: {  	_ =	shalt  }
0x71: {  	_ =	shalt  }
0x72: {  	_ =	shalt  }
0x73: {  	_ =	shalt  }
0x74: {  	_ =	shalt  }
0x75: {  	_ =	shalt  }
0x76: {  	_ =	shalt  }
0x77: {  	_ =	shalt  }
0x78: {  	_ =	shalt  }
0x79: {  	_ =	shalt  }
0x7a: {  	_ =	shalt  }
0x7b: {  	_ =	shalt  }
0x7c: {  	_ =	shalt  }
0x7d: {  	_ =	shalt  }
0x7e: {  	_ =	shalt  }
0x7f: {  	_ =	shalt  }
0x80: {  	_ =	shalt  }
0x81: {  	_ =	shalt  }
0x82: {  	_ =	shalt  }
0x83: {  	_ =	shalt  }
0x84: {  	_ =	shalt  }
0x85: {  	_ =	shalt  }
0x86: {  	_ =	shalt  }
0x87: {  	_ =	shalt  }
.Lfunc_end0:
.L_simem_size_0:
called_computation_lowered:
.L_overlay_start_0:
0x88: {  	s2 =	sld [smem:$0x3FD9]  }
0x89: {  	s3 =	sld [smem:$0x3FFE];
	_ =	sdelay $0x1  }
0x8a: {  	s1 =	srdreg.scid  }
0x8b: {  	s0 =	sand.u32 $0x1, s1  }
0x8c: {  	s17 =	sshll.u32 s0, $0xA;
	s2 =	sadd.s32 s3, s2  }
0x8d: {  	s2 =	sadd.s32 s2, s17  }
0x8e: {  	[smem:$0x3FBD] =	sst s2  }
0x8f: {  	_ = 	snop  }
0x90: {  	s2 =	sld [smem:$0x3FD0];
	(tm) =	ssettm $0x1  }
0x91: {  	s18 =	sld [smem:$0x3FFB];
	_ =	sdelay $0x3  }
0x92: {  	_ =	strace s18  }
0x93: {  	s3 =	sld [smem:$0x3FFC];
	_ =	sdelay $0x3  }
0x94: {  	_ =	strace s3  }
0x95: {  	s3 =	sld [smem:$0x3FFD];
	_ =	sdelay $0x3  }
0x96: {  	_ =	strace s3  }
0x97: {  	_ =	strace $0x8FFFFFFF  }
0x98: {  	s19 =	sld [smem:$0x3FDB];
	_ =	sdelay $0x1  }
0x99: {  	s4 =	simm.s32 $_scs_section_size  }
0x9a: {  	s5 =	simm.s32 $_size__tile_overlayer_lowered;
	s6 =	simm.s32 $_tile_overlayer_lowered  }
0x9b: {  	s22 =	simm.s32 $0x1BFF;
	s21 =	sshll.u32 s6, $0x1;
	s3 =	sadd.s32 s4, s19  }
0x9c: {  	s7 =	simm.s32 $0x0;
	s20 =	sshll.u32 s5, $0x1;
	s5 =	sadd.s32 s21, s3  }
0x9d: {  	[timem:s7], [sflag:s22] =	dma.local [hbm:s5], s20  }
0x9e: {  	_ =	swait.ge [sflag:s22], s20  }
0x9f: {  	s4 =	ssub.s32 $0x0, s20;
	[sflag:s22] =	ssyncset.done $0x0  }
0xa0: {  	[sflag:s22] =	ssyncadd.s32 s4;
	_ =	sdelay $0x1  }
0xa1: {  	s23 =	simm.s32 $0x1B8B  }
0xa2: {  	_ =	swait.ge [sflag:s23], $0x1  }
0xa3: {  	[sflag:s23] =	ssyncset.done $0x0  }
0xa4: {  	s25 =	simm.s32 $0x1B8E;
	s24 =	sld [smem:$0x3FFE];
	[sflag:s23] =	ssyncadd.s32 $0xFFFFFFFF  }
0xa5: {  	s26 =	simm.s32 $execute0_lowered;
	[smem:$0x3FD2] =	sst s25  }
0xa6: {  	s5 =	sshll.u32 s26, $0x1;
	_ =	strace $0x80000046;
	[dreg:$0x1] =	wrdreg $0xFFFFFFFF  }
0xa7: {  	s28 =	simm.s32 $_size_execute0_lowered;
	s3 =	sadd.s32 s3, s5;
	[dreg:$0x0] =	wrdreg $0x0  }
0xa8: {  	s5 =	sshll.u32 s28, $0x1;
	[dreg:$0x2] =	wrdreg s3  }
0xa9: {  	[dreg:$0x3] =	wrdreg s5  }
0xaa: {  	[dreg:$0x4] =	wrdreg $0xC0  }
0xab: {  	_ =	task [dreg:s7], $0x5FFFF  }
0xac: {  	[dreg:$0x1] =	wrdreg $0xFFFFFFFF  }
0xad: {  	[dreg:$0x0] =	wrdreg $0x60  }
0xae: {  	[dreg:$0x2] =	wrdreg s2  }
0xaf: {  	[dreg:$0x3] =	wrdreg s24  }
0xb0: {  	[dreg:$0x4] =	wrdreg $0x9B000  }
0xb1: {  	[dreg:$0x5] =	wrdreg $0x9  }
0xb2: {  	_ =	task.clear_ibuf [dreg:s7], $0x6FFFF;
	_ =	strace $0x90000046  }
0xb3: {  	s29 =	simm.s32 $0x9;
	_ =	strace $0x80000048  }
0xb4: {  	_ =	swait.ge [sflag:s29], $0x1  }
0xb5: {  	[sflag:s29] =	ssyncadd.s32 $0xFFFFFFFF  }
0xb6: {  	_ =	strace $0x90000048  }
0xb7: {  	_ =	sfence  }
0xb8: {  	s30 =	sld [smem:$0x0];
	_ =	sdelay $0x2  }
0xb9: {  	s31 =	sshll.u32 s1, $0xD;
	s1 =	sshrl.u32 s1, $0x2  }
0xba: {  	s3 =	sand.u32 $0x4000, s31;
	s1 =	sadd.s32 s1, s30  }
0xbb: {  	s0 =	sor.u32 s3, s0;
	s1 =	sshll.u32 s1, $0x11  }
0xbc: {  	s0 =	sor.u32 s1, s0  }
0xbd: {  	s0 =	sadd.s32 $0x8F2B, s0  }
0xbe: {  	[sflag:s0] =	ssyncadd.remote.s32 $0x1  }
0xbf: {  	_ =	sfence.sel $0xFFFF  }
0xc0: {  	[dreg:$0x0] =	wrdreg $0xFFFFFFFF;
	(pc) =	sbr.abs _section_cstart, $3  }
0xc1: {  	[dreg:$0x1] =	wrdreg $0xFFFFFFFF  }
0xc2: {  	_ =	task.clear_ibuf [dreg:s7], $0x2FFFF;
	_ =	strace $0x9FFFFFFF  }
0xc3: {  	(tm) =	ssettm $0x7FFFFFFF  }
tec
execute0_lowered:
.L_overlay_start_1:
0x0: {  	(tag) =	ssettag $0x1  }
0x1: {  	s0 =	rddreg [dreg:$0x0];
	s2 =	srdreg.scid  }
0x2: {  	s1 =	rddreg [dreg:$0x1];
	s12 =	stileid.u32;
	s2 =	sand.u32 $0x1, s2  }
0x3: {  	s3 =	rddreg [dreg:$0x2];
	s6 =	smul.u32 $0x14000, s12;
	s7 =	sshll.u32 s2, $0x4  }
0x4: {  	s4 =	simm.s32 $0x0;
	s5 =	smul.u32 $0x140000, s2;
	s7 =	sor.u32 s12, s7  }
0x5: {  	[smem:$0x7FF] =	sst s4;
	s14 =	ssub.s32 $0x2, s2;
	s7 =	smul.u32 $0x2710, s7  }
0x6: {  	s10 =	smul.u32 $0x50000, s12;
	_ =	strace $0x80000047;
	s9 =	sshrl.u32 s14, $0x1  }
0x7: {  	s6 =	sadd.s32 s6, s5;
	s5 =	sadd.s32 $0xC400, s1;
	s7 =	sshrl.u32 s7, $0x3  }
0x8: {  	s8 =	sshrl.u32 s6, $0x3;
	s6 =	sadd.s32 $0x2600, s1;
	s15 =	sadd.s32 s5, s7  }
0x9: {  	s1 =	sadd.s32 s8, s1;
	s11 =	sadd.s32 s6, s7;
	[dreg:$0x4] =	wrdreg s15  }
0xa: {  	s16 =	sadd.s32 $0x10, s7;
	s1 =	sadd.s32 $0x16200, s1;
	[dreg:$0x5] =	wrdreg s11  }
0xb: {  	s8 =	ssub.s32 s14, s9;
	s17 =	sadd.s32 s5, s16;
	[dreg:$0x11] =	wrdreg s1  }
0xc: {  	s7 =	sadd.s32 $0x4E0, s7;
	s9 =	sadd.s32 s6, s16;
	[dreg:$0x6] =	wrdreg s17  }
0xd: {  	s10 =	sshrl.u32 s10, $0x2;
	s25 =	sadd.s32 s5, s7;
	[dreg:$0x7] =	wrdreg s9  }
0xe: {  	s11 =	sadd.s32 s10, s3;
	s7 =	sadd.s32 s6, s7;
	[dreg:$0xf] =	wrdreg s25  }
0xf: {  	s28 =	simm.s32 $0x2;
	s18 =	sadd.s32 $0x1000, s11;
	[dreg:$0x10] =	wrdreg s7  }
0x10: {  	s29 =	simm.s32 $0x9200;
	s19 =	sadd.s32 $0x2000, s11;
	[dreg:$0x8] =	wrdreg s18  }
0x11: {  	s30 =	simm.s32 $0x9280;
	s10 =	sadd.s32 $0x3000, s11;
	[dreg:$0x9] =	wrdreg s19  }
0x12: {  	s20 =	smul.u32 $0x2710, s12;
	s21 =	sadd.s32 $0x4000, s11;
	[dreg:$0xa] =	wrdreg s10  }
0x13: {  	s2 =	smul.u32 $0x27100, s2;
	s22 =	sadd.s32 $0x5000, s11;
	[dreg:$0xb] =	wrdreg s21  }
0x14: {  	s31 =	simm.s32 $0x10;
	s23 =	sadd.s32 $0x6000, s11;
	[dreg:$0xc] =	wrdreg s22  }
0x15: {  	s2 =	sadd.s32 s20, s2;
	s24 =	sadd.s32 $0x7000, s11;
	[dreg:$0xd] =	wrdreg s23  }
0x16: {  	s26 =	sadd.s32 $0x180, s2;
	s12 =	sadd.s32 $0x8000, s11;
	[dreg:$0xe] =	wrdreg s24  }
0x17: {  	s1 =	simm.s32 $0x9300;
	s13 =	sadd.s32 $0x9000, s11;
	[dreg:$0x13] =	wrdreg s12  }
0x18: {  	s9 =	sshrl.u32 s26, $0x3;
	s14 =	sadd.s32 $0xA000, s11;
	[dreg:$0x14] =	wrdreg s13  }
0x19: {  	s25 =	sadd.s32 $0x100, s2;
	s15 =	sadd.s32 $0xB000, s11;
	[dreg:$0x15] =	wrdreg s14  }
0x1a: {  	s16 =	sadd.s32 $0xC000, s11;
	s17 =	sadd.s32 $0xD000, s11;
	[dreg:$0x16] =	wrdreg s15  }
0x1b: {  	s20 =	sadd.s32 $0x10000, s11;
	s26 =	sadd.s32 $0x13000, s11;
	[dreg:$0x17] =	wrdreg s16  }
0x1c: {  	s2 =	simm.s32 $0x0;
	s10 =	smax.u32 s8, $0x1;
	[dreg:$0x18] =	wrdreg s17  }
0x1d: {  	s23 =	sadd.s32 s9, s6;
	s24 =	sadd.s32 s9, s5;
	[dreg:$0x1b] =	wrdreg s20  }
0x1e: {  	s18 =	sadd.s32 $0xE000, s11;
	s19 =	sadd.s32 $0xF000, s11;
	[dreg:$0x1e] =	wrdreg s26  }
0x1f: {  	s21 =	sadd.s32 $0x11000, s11;
	s22 =	sadd.s32 $0x12000, s11;
	[dreg:$0x12] =	wrdreg s10  }
0x20: {  	s13 =	simm.s32 $0x100;
	s14 =	simm.s32 $0x80;
	[dreg:$0x19] =	wrdreg s18  }
0x21: {  	s15 =	simm.s32 $0x180;
	s16 =	simm.s32 $0x3;
	[dreg:$0x1a] =	wrdreg s19  }
0x22: {  	s17 =	simm.s32 $0x200;
	s20 =	simm.s32 $0x4;
	[dreg:$0x1c] =	wrdreg s21  }
0x23: {  	s26 =	simm.s32 $0x6;
	[dreg:$0x1d] =	wrdreg s22;
	s18 =	simm.s32 $0x8200  }
0x24: {  	v0 =	vimm.f32 $0.0e+00;
	s19 =	simm.s32 $0x5;
	s21 =	simm.s32 $0x4200;
	s22 =	simm.s32 $0x1  }
.LBB2_1:
0x25: {  	s7 =	rddreg [dreg:$0x4]  }
0x26: {  	[tilespmem:s4], [sflag:$0x3] =	stream.linear.gather [hbm4b:s7+s4], $0x80, $0x38;
	[tilespmem:$0x1DB00] =	vst v63  }
0x27: {  	s9 =	rddreg [dreg:$0x5]  }
0x28: {  	[tilespmem:s13], [sflag:$0x3] =	stream.linear.gather [hbm4b:s9+s4], $0x80, $0x38;
	[tilespmem:$0x1DB00] =	vst v63  }
0x29: {  	s10 =	rddreg [dreg:$0x6]  }
0x2a: {  	[tilespmem:s14], [sflag:$0x4] =	stream.linear.gather [hbm4b:s10+s4], $0x80, $0x38;
	[tilespmem:$0x1DB00] =	vst v63  }
0x2b: {  	s12 =	rddreg [dreg:$0x7]  }
0x2c: {  	[tilespmem:s15], [sflag:$0x4] =	stream.linear.gather [hbm4b:s12+s4], $0x80, $0x38;
	[tilespmem:$0x1DB00] =	vst v63  }
0x2d: {  	_ =	swait.ge [sflag:s16], $0x80  }
0x2e: {  	[sflag:s16] =	ssyncset.done $0x0  }
0x2f: {  	[sflag:s16] =	ssyncadd.s32 $0xFFFFFF80  }
0x30: {  	_ =	swait.ge [sflag:s16], $0x80  }
0x31: {  	[sflag:s16] =	ssyncset.done $0x0  }
0x32: {  	s8 =	simm.s32 $0x200;
	s7 =	simm.s32 $0x0;
	[sflag:s16] =	ssyncadd.s32 $0xFFFFFF80  }
0x33: {  	[tilespmem:s17], [sflag:$0x1] =	stream.indirect.gather [hbm4b:s0+s14], $0x80, s4, s14, $0xb8;
	[tilespmem:$0x1DB00] =	vst v63  }
.LBB2_2:
0x34: {  	p0 =	sne.s32 s8, $0x3E00;
	[tilespmem:s7+$0x8270] =	vst v0  }
0x35: {  	[tilespmem:s7+$0x8200] =	vst v0  }
0x36: {  	[tilespmem:s7+$0x8210] =	vst v0  }
.Ltmp0:
0x37: {  	[tilespmem:s7+$0x8220] =	vst v0;
	(pc) =	sbr.rel @p0 .LBB2_2-.Ltmp0, $4  }
0x38: {  	[tilespmem:s7+$0x8230] =	vst v0  }
0x39: {  	[tilespmem:s7+$0x8240] =	vst v0  }
0x3a: {  	[tilespmem:s7+$0x8250] =	vst v0  }
0x3b: {  	[tilespmem:s7+$0x8260] =	vst v0;
	s7 =	sshra.s32 s8, $0x2;
	s8 =	sadd.s32 $0x200, s8  }
0x3c: {  	[tilespmem:s7+$0x8270] =	vst v0  }
0x3d: {  	[tilespmem:s7+$0x8200] =	vst v0  }
0x3e: {  	[tilespmem:s7+$0x8210] =	vst v0  }
0x3f: {  	[tilespmem:s7+$0x8220] =	vst v0  }
0x40: {  	[tilespmem:s7+$0x8230] =	vst v0  }
0x41: {  	[tilespmem:s7+$0x8240] =	vst v0  }
0x42: {  	[tilespmem:s7+$0x8250] =	vst v0  }
0x43: {  	[tilespmem:s7+$0x8260] =	vst v0  }
0x44: {  	[spmem:s11] =	stream.linear.scatter [tilespmem:s18], [sflag:$0x5], $0x1000, $0x38;
	[tilespmem:$0x1DB00] =	vst v63  }
0x45: {  	s12 =	rddreg [dreg:$0x8]  }
0x46: {  	[spmem:s12] =	stream.linear.scatter [tilespmem:s18], [sflag:$0x5], $0x1000, $0x38;
	[tilespmem:$0x1DB00] =	vst v63  }
0x47: {  	s8 =	rddreg [dreg:$0x9]  }
0x48: {  	[spmem:s8] =	stream.linear.scatter [tilespmem:s18], [sflag:$0x5], $0x1000, $0x38;
	[tilespmem:$0x1DB00] =	vst v63  }
0x49: {  	s9 =	rddreg [dreg:$0xa]  }
0x4a: {  	[spmem:s9] =	stream.linear.scatter [tilespmem:s18], [sflag:$0x5], $0x1000, $0x38;
	[tilespmem:$0x1DB00] =	vst v63  }
0x4b: {  	s10 =	rddreg [dreg:$0xb]  }
0x4c: {  	[spmem:s10] =	stream.linear.scatter [tilespmem:s18], [sflag:$0x5], $0x1000, $0x38;
	[tilespmem:$0x1DB00] =	vst v63  }
0x4d: {  	s12 =	rddreg [dreg:$0xc]  }
0x4e: {  	[spmem:s12] =	stream.linear.scatter [tilespmem:s18], [sflag:$0x5], $0x1000, $0x38;
	[tilespmem:$0x1DB00] =	vst v63  }
0x4f: {  	s8 =	rddreg [dreg:$0xd]  }
0x50: {  	[spmem:s8] =	stream.linear.scatter [tilespmem:s18], [sflag:$0x5], $0x1000, $0x38;
	[tilespmem:$0x1DB00] =	vst v63  }
0x51: {  	s9 =	rddreg [dreg:$0xe]  }
0x52: {  	[spmem:s9] =	stream.linear.scatter [tilespmem:s18], [sflag:$0x5], $0x1000, $0x38;
	[tilespmem:$0x1DB00] =	vst v63  }
0x53: {  	s10 =	rddreg [dreg:$0x13]  }
0x54: {  	[spmem:s10] =	stream.linear.scatter [tilespmem:s18], [sflag:$0x5], $0x1000, $0x38;
	[tilespmem:$0x1DB00] =	vst v63  }
0x55: {  	s12 =	rddreg [dreg:$0x14]  }
0x56: {  	[spmem:s12] =	stream.linear.scatter [tilespmem:s18], [sflag:$0x5], $0x1000, $0x38;
	[tilespmem:$0x1DB00] =	vst v63  }
0x57: {  	s8 =	rddreg [dreg:$0x15]  }
0x58: {  	[spmem:s8] =	stream.linear.scatter [tilespmem:s18], [sflag:$0x5], $0x1000, $0x38;
	[tilespmem:$0x1DB00] =	vst v63  }
0x59: {  	s9 =	rddreg [dreg:$0x16]  }
0x5a: {  	[spmem:s9] =	stream.linear.scatter [tilespmem:s18], [sflag:$0x5], $0x1000, $0x38;
	[tilespmem:$0x1DB00] =	vst v63  }
0x5b: {  	s10 =	rddreg [dreg:$0x17]  }
0x5c: {  	[spmem:s10] =	stream.linear.scatter [tilespmem:s18], [sflag:$0x5], $0x1000, $0x38;
	[tilespmem:$0x1DB00] =	vst v63  }
0x5d: {  	s12 =	rddreg [dreg:$0x18]  }
0x5e: {  	[spmem:s12] =	stream.linear.scatter [tilespmem:s18], [sflag:$0x5], $0x1000, $0x38;
	[tilespmem:$0x1DB00] =	vst v63  }
0x5f: {  	s8 =	rddreg [dreg:$0x19]  }
0x60: {  	[spmem:s8] =	stream.linear.scatter [tilespmem:s18], [sflag:$0x5], $0x1000, $0x38;
	[tilespmem:$0x1DB00] =	vst v63  }
0x61: {  	s9 =	rddreg [dreg:$0x1a]  }
0x62: {  	[spmem:s9] =	stream.linear.scatter [tilespmem:s18], [sflag:$0x5], $0x1000, $0x38;
	[tilespmem:$0x1DB00] =	vst v63  }
0x63: {  	s10 =	rddreg [dreg:$0x1b]  }
0x64: {  	[spmem:s10] =	stream.linear.scatter [tilespmem:s18], [sflag:$0x5], $0x1000, $0x38;
	[tilespmem:$0x1DB00] =	vst v63  }
0x65: {  	s12 =	rddreg [dreg:$0x1c]  }
0x66: {  	[spmem:s12] =	stream.linear.scatter [tilespmem:s18], [sflag:$0x5], $0x1000, $0x38;
	[tilespmem:$0x1DB00] =	vst v63  }
0x67: {  	s8 =	rddreg [dreg:$0x1d]  }
0x68: {  	[spmem:s8] =	stream.linear.scatter [tilespmem:s18], [sflag:$0x5], $0x1000, $0x38;
	[tilespmem:$0x1DB00] =	vst v63  }
0x69: {  	s9 =	rddreg [dreg:$0x1e]  }
0x6a: {  	[spmem:s9] =	stream.linear.scatter [tilespmem:s18], [sflag:$0x5], $0x1000, $0x38;
	[tilespmem:$0x1DB00] =	vst v63  }
0x6b: {  	_ =	swait.ge [sflag:s19], $0x1000  }
0x6c: {  	[sflag:s19] =	ssyncset.done $0x0  }
0x6d: {  	[sflag:s19] =	ssyncadd.s32 $0xFFFFF000  }
0x6e: {  	_ =	swait.ge [sflag:s19], $0x1000  }
0x6f: {  	[sflag:s19] =	ssyncset.done $0x0  }
0x70: {  	[sflag:s19] =	ssyncadd.s32 $0xFFFFF000  }
0x71: {  	_ =	swait.ge [sflag:s19], $0x1000  }
0x72: {  	[sflag:s19] =	ssyncset.done $0x0  }
0x73: {  	[sflag:s19] =	ssyncadd.s32 $0xFFFFF000  }
0x74: {  	_ =	swait.ge [sflag:s19], $0x1000  }
0x75: {  	[sflag:s19] =	ssyncset.done $0x0  }
0x76: {  	[sflag:s19] =	ssyncadd.s32 $0xFFFFF000  }
0x77: {  	_ =	swait.ge [sflag:s19], $0x1000  }
0x78: {  	[sflag:s19] =	ssyncset.done $0x0  }
0x79: {  	[sflag:s19] =	ssyncadd.s32 $0xFFFFF000  }
0x7a: {  	_ =	swait.ge [sflag:s19], $0x1000  }
0x7b: {  	[sflag:s19] =	ssyncset.done $0x0  }
0x7c: {  	[sflag:s19] =	ssyncadd.s32 $0xFFFFF000  }
0x7d: {  	_ =	swait.ge [sflag:s19], $0x1000  }
0x7e: {  	[sflag:s19] =	ssyncset.done $0x0  }
0x7f: {  	[sflag:s19] =	ssyncadd.s32 $0xFFFFF000  }
0x80: {  	_ =	swait.ge [sflag:s19], $0x1000  }
0x81: {  	[sflag:s19] =	ssyncset.done $0x0  }
0x82: {  	[sflag:s19] =	ssyncadd.s32 $0xFFFFF000  }
0x83: {  	_ =	swait.ge [sflag:s19], $0x1000  }
0x84: {  	[sflag:s19] =	ssyncset.done $0x0  }
0x85: {  	[sflag:s19] =	ssyncadd.s32 $0xFFFFF000  }
0x86: {  	_ =	swait.ge [sflag:s19], $0x1000  }
0x87: {  	[sflag:s19] =	ssyncset.done $0x0  }
0x88: {  	[sflag:s19] =	ssyncadd.s32 $0xFFFFF000  }
0x89: {  	_ =	swait.ge [sflag:s19], $0x1000  }
0x8a: {  	[sflag:s19] =	ssyncset.done $0x0  }
0x8b: {  	[sflag:s19] =	ssyncadd.s32 $0xFFFFF000  }
0x8c: {  	_ =	swait.ge [sflag:s19], $0x1000  }
0x8d: {  	[sflag:s19] =	ssyncset.done $0x0  }
0x8e: {  	[sflag:s19] =	ssyncadd.s32 $0xFFFFF000  }
0x8f: {  	_ =	swait.ge [sflag:s19], $0x1000  }
0x90: {  	[sflag:s19] =	ssyncset.done $0x0  }
0x91: {  	[sflag:s19] =	ssyncadd.s32 $0xFFFFF000  }
0x92: {  	_ =	swait.ge [sflag:s19], $0x1000  }
0x93: {  	[sflag:s19] =	ssyncset.done $0x0  }
0x94: {  	[sflag:s19] =	ssyncadd.s32 $0xFFFFF000  }
0x95: {  	_ =	swait.ge [sflag:s19], $0x1000  }
0x96: {  	[sflag:s19] =	ssyncset.done $0x0  }
0x97: {  	[sflag:s19] =	ssyncadd.s32 $0xFFFFF000  }
0x98: {  	_ =	swait.ge [sflag:s19], $0x1000  }
0x99: {  	[sflag:s19] =	ssyncset.done $0x0  }
0x9a: {  	[sflag:s19] =	ssyncadd.s32 $0xFFFFF000  }
0x9b: {  	_ =	swait.ge [sflag:s19], $0x1000  }
0x9c: {  	[sflag:s19] =	ssyncset.done $0x0  }
0x9d: {  	[sflag:s19] =	ssyncadd.s32 $0xFFFFF000  }
0x9e: {  	_ =	swait.ge [sflag:s19], $0x1000  }
0x9f: {  	[sflag:s19] =	ssyncset.done $0x0  }
0xa0: {  	[sflag:s19] =	ssyncadd.s32 $0xFFFFF000  }
0xa1: {  	_ =	swait.ge [sflag:s19], $0x1000  }
0xa2: {  	[sflag:s19] =	ssyncset.done $0x0  }
0xa3: {  	[sflag:s19] =	ssyncadd.s32 $0xFFFFF000  }
0xa4: {  	_ =	swait.ge [sflag:s19], $0x1000  }
0xa5: {  	[sflag:s19] =	ssyncset.done $0x0  }
0xa6: {  	[sflag:s19] =	ssyncadd.s32 $0xFFFFF000  }
0xa7: {  	[bflag:$0x0] =	sbarrier.arrive $0xFFFF  }
0xa8: {  	_ =	swait.ge [sflag:s20], $0x80  }
0xa9: {  	[sflag:s20] =	ssyncset.done $0x0  }
0xaa: {  	[sflag:s20] =	ssyncadd.s32 $0xFFFFFF80  }
0xab: {  	_ =	swait.ge [sflag:s20], $0x80  }
0xac: {  	[sflag:s20] =	ssyncset.done $0x0  }
0xad: {  	[sflag:s20] =	ssyncadd.s32 $0xFFFFFF80  }
0xae: {  	[tilespmem:s21], [sflag:$0x2] =	stream.indirect.gather [hbm4b:s0+s14], $0x80, s14, s14, $0xb8;
	[tilespmem:$0x1DB00] =	vst v63  }
0xaf: {  	_ =	swait.ge [sflag:s22], $0x4000  }
0xb0: {  	[sflag:s22] =	ssyncset.done $0x0  }
0xb1: {  	[sflag:s22] =	ssyncadd.s32 $0xFFFFC000  }
0xb2: {  	[spmem:s3] =	stream.indirect.scatter.add.f32 [tilespmem:s17], [sflag:$0x6], $0x80, s13, s14, $0xb8;
	[tilespmem:$0x1DB00] =	vst v63  }
0xb3: {  	_ =	swait.ge [sflag:s26], $0x4000  }
0xb4: {  	s10 =	sshrl.u32 s25, $0x3;
	[sflag:s26] =	ssyncset.done $0x0  }
0xb5: {  	s8 =	sadd.s32 s5, s10;
	[sflag:s26] =	ssyncadd.s32 $0xFFFFC000  }
0xb6: {  	[tilespmem:s4], [sflag:$0x3] =	stream.linear.gather [hbm4b:s8+s4], $0x80, $0x38;
	[tilespmem:$0x1DB00] =	vst v63  }
0xb7: {  	s7 =	sadd.s32 s6, s10  }
0xb8: {  	[tilespmem:s13], [sflag:$0x3] =	stream.linear.gather [hbm4b:s7+s4], $0x80, $0x38;
	[tilespmem:$0x1DB00] =	vst v63  }
0xb9: {  	_ =	swait.ge [sflag:s16], $0x80  }
0xba: {  	[sflag:s16] =	ssyncset.done $0x0  }
0xbb: {  	[sflag:s16] =	ssyncadd.s32 $0xFFFFFF80  }
0xbc: {  	_ =	swait.ge [sflag:s16], $0x80  }
0xbd: {  	[sflag:s16] =	ssyncset.done $0x0  }
0xbe: {  	[sflag:s16] =	ssyncadd.s32 $0xFFFFFF80  }
0xbf: {  	[tilespmem:s17], [sflag:$0x1] =	stream.indirect.gather [hbm4b:s0+s14], $0x80, s4, s14, $0xb8;
	[tilespmem:$0x1DB00] =	vst v63  }
0xc0: {  	_ =	swait.ge [sflag:s28], $0x4000  }
0xc1: {  	[sflag:s28] =	ssyncset.done $0x0  }
0xc2: {  	[sflag:s28] =	ssyncadd.s32 $0xFFFFC000  }
0xc3: {  	[spmem:s3] =	stream.indirect.scatter.add.f32 [tilespmem:s21], [sflag:$0x6], $0x80, s15, s14, $0xb8;
	[tilespmem:$0x1DB00] =	vst v63  }
0xc4: {  	_ =	swait.ge [sflag:s26], $0x4000  }
0xc5: {  	s12 =	sadd.s32 $0x0, s24;
	s9 =	sadd.s32 $0x0, s23;
	[sflag:s26] =	ssyncset.done $0x0  }
0xc6: {  	s8 =	sadd.s32 $0x100, s25;
	s7 =	simm.s32 $0x20;
	[sflag:s26] =	ssyncadd.s32 $0xFFFFC000  }
0xc7: {  	[tilespmem:s14], [sflag:$0x4] =	stream.linear.gather [hbm4b:s12+s4], $0x80, $0x38;
	[tilespmem:$0x1DB00] =	vst v63  }
.LBB2_4:
0xc8: {  	[tilespmem:s15], [sflag:$0x4] =	stream.linear.gather [hbm4b:s9+s4], $0x80, $0x38;
	[tilespmem:$0x1DB00] =	vst v63  }
0xc9: {  	s9 =	smov.u32 s7  }
0xca: {  	p0 =	sne.s32 s7, $0x4A0;
	s7 =	sadd.s32 $0x20, s7;
	_ =	swait.ge [sflag:s20], $0x80  }
0xcb: {  	[sflag:s20] =	ssyncset.done $0x0  }
0xcc: {  	[sflag:s20] =	ssyncadd.s32 $0xFFFFFF80  }
0xcd: {  	_ =	swait.ge [sflag:s20], $0x80  }
0xce: {  	[sflag:s20] =	ssyncset.done $0x0  }
0xcf: {  	[sflag:s20] =	ssyncadd.s32 $0xFFFFFF80  }
0xd0: {  	[tilespmem:s21], [sflag:$0x2] =	stream.indirect.gather [hbm4b:s0+s14], $0x80, s14, s14, $0xb8;
	[tilespmem:$0x1DB00] =	vst v63  }
0xd1: {  	_ =	swait.ge [sflag:s22], $0x4000  }
0xd2: {  	[sflag:s22] =	ssyncset.done $0x0  }
0xd3: {  	[sflag:s22] =	ssyncadd.s32 $0xFFFFC000  }
0xd4: {  	[spmem:s3] =	stream.indirect.scatter.add.f32 [tilespmem:s17], [sflag:$0x6], $0x80, s13, s14, $0xb8;
	[tilespmem:$0x1DB00] =	vst v63  }
0xd5: {  	_ =	swait.ge [sflag:s26], $0x4000  }
0xd6: {  	s10 =	sshrl.u32 s8, $0x3;
	[sflag:s26] =	ssyncset.done $0x0  }
0xd7: {  	s12 =	sadd.s32 s5, s10;
	[sflag:s26] =	ssyncadd.s32 $0xFFFFC000  }
0xd8: {  	[tilespmem:s4], [sflag:$0x3] =	stream.linear.gather [hbm4b:s12+s4], $0x80, $0x38;
	[tilespmem:$0x1DB00] =	vst v63  }
0xd9: {  	s10 =	sadd.s32 s6, s10  }
0xda: {  	[tilespmem:s13], [sflag:$0x3] =	stream.linear.gather [hbm4b:s10+s4], $0x80, $0x38;
	[tilespmem:$0x1DB00] =	vst v63  }
0xdb: {  	_ =	swait.ge [sflag:s16], $0x80  }
0xdc: {  	[sflag:s16] =	ssyncset.done $0x0  }
0xdd: {  	[sflag:s16] =	ssyncadd.s32 $0xFFFFFF80  }
0xde: {  	_ =	swait.ge [sflag:s16], $0x80  }
0xdf: {  	[sflag:s16] =	ssyncset.done $0x0  }
0xe0: {  	[sflag:s16] =	ssyncadd.s32 $0xFFFFFF80  }
0xe1: {  	[tilespmem:s17], [sflag:$0x1] =	stream.indirect.gather [hbm4b:s0+s14], $0x80, s4, s14, $0xb8;
	[tilespmem:$0x1DB00] =	vst v63  }
0xe2: {  	_ =	swait.ge [sflag:s28], $0x4000  }
0xe3: {  	[sflag:s28] =	ssyncset.done $0x0  }
0xe4: {  	[sflag:s28] =	ssyncadd.s32 $0xFFFFC000  }
0xe5: {  	[spmem:s3] =	stream.indirect.scatter.add.f32 [tilespmem:s21], [sflag:$0x6], $0x80, s15, s14, $0xb8;
	[tilespmem:$0x1DB00] =	vst v63  }
.Ltmp1:
0xe6: {  	_ =	swait.ge [sflag:s26], $0x4000;
	(pc) =	sbr.rel @p0 .LBB2_4-.Ltmp1, $4  }
0xe7: {  	[sflag:s26] =	ssyncset.done $0x0  }
0xe8: {  	s10 =	sadd.s32 s9, s24;
	[sflag:s26] =	ssyncadd.s32 $0xFFFFC000  }
0xe9: {  	[tilespmem:s14], [sflag:$0x4] =	stream.linear.gather [hbm4b:s10+s4], $0x80, $0x38;
	[tilespmem:$0x1DB00] =	vst v63  }
0xea: {  	s8 =	sadd.s32 $0x100, s8;
	s9 =	sadd.s32 s9, s23  }
0xeb: {  	[tilespmem:s15], [sflag:$0x4] =	stream.linear.gather [hbm4b:s9+s4], $0x80, $0x38;
	[tilespmem:$0x1DB00] =	vst v63  }
0xec: {  	_ =	swait.ge [sflag:s20], $0x80  }
0xed: {  	[sflag:s20] =	ssyncset.done $0x0  }
0xee: {  	[sflag:s20] =	ssyncadd.s32 $0xFFFFFF80  }
0xef: {  	_ =	swait.ge [sflag:s20], $0x80  }
0xf0: {  	[sflag:s20] =	ssyncset.done $0x0  }
0xf1: {  	[sflag:s20] =	ssyncadd.s32 $0xFFFFFF80  }
0xf2: {  	[tilespmem:s21], [sflag:$0x2] =	stream.indirect.gather [hbm4b:s0+s14], $0x80, s14, s14, $0xb8;
	[tilespmem:$0x1DB00] =	vst v63  }
0xf3: {  	_ =	swait.ge [sflag:s22], $0x4000  }
0xf4: {  	[sflag:s22] =	ssyncset.done $0x0  }
0xf5: {  	[sflag:s22] =	ssyncadd.s32 $0xFFFFC000  }
0xf6: {  	[spmem:s3] =	stream.indirect.scatter.add.f32 [tilespmem:s17], [sflag:$0x6], $0x80, s13, s14, $0xb8;
	[tilespmem:$0x1DB00] =	vst v63  }
0xf7: {  	_ =	swait.ge [sflag:s26], $0x4000  }
0xf8: {  	[sflag:s26] =	ssyncset.done $0x0  }
0xf9: {  	s7 =	rddreg [dreg:$0xf];
	[sflag:s26] =	ssyncadd.s32 $0xFFFFC000  }
0xfa: {  	[tilespmem:s29], [sflag:$0x3] =	stream.linear.gather [hbm4b:s7+s4], $0x10, $0x38;
	[tilespmem:$0x1DB00] =	vst v63  }
0xfb: {  	s8 =	rddreg [dreg:$0x10]  }
0xfc: {  	[tilespmem:s30], [sflag:$0x3] =	stream.linear.gather [hbm4b:s8+s4], $0x10, $0x38;
	[tilespmem:$0x1DB00] =	vst v63  }
0xfd: {  	_ =	swait.ge [sflag:s28], $0x4000  }
0xfe: {  	[sflag:s28] =	ssyncset.done $0x0  }
0xff: {  	[sflag:s28] =	ssyncadd.s32 $0xFFFFC000  }
0x100: {  	[spmem:s3] =	stream.indirect.scatter.add.f32 [tilespmem:s21], [sflag:$0x6], $0x80, s15, s14, $0xb8;
	[tilespmem:$0x1DB00] =	vst v63  }
0x101: {  	_ =	swait.ge [sflag:s26], $0x4000  }
0x102: {  	[sflag:s26] =	ssyncset.done $0x0  }
0x103: {  	[sflag:s26] =	ssyncadd.s32 $0xFFFFC000  }
0x104: {  	_ =	swait.ge [sflag:s16], $0x10  }
0x105: {  	[sflag:s16] =	ssyncset.done $0x0  }
0x106: {  	[sflag:s16] =	ssyncadd.s32 $0xFFFFFFF0  }
0x107: {  	_ =	swait.ge [sflag:s16], $0x10  }
0x108: {  	[sflag:s16] =	ssyncset.done $0x0  }
0x109: {  	[sflag:s16] =	ssyncadd.s32 $0xFFFFFFF0  }
0x10a: {  	[tilespmem:s1], [sflag:$0x1] =	stream.indirect.gather [hbm4b:s0+s31], $0x80, s29, s31, $0xb8;
	[tilespmem:$0x1DB00] =	vst v63  }
0x10b: {  	_ =	swait.ge [sflag:s22], $0x800  }
0x10c: {  	[sflag:s22] =	ssyncset.done $0x0  }
0x10d: {  	[sflag:s22] =	ssyncadd.s32 $0xFFFFF800  }
0x10e: {  	[spmem:s3] =	stream.indirect.scatter.add.f32 [tilespmem:s1], [sflag:$0x6], $0x80, s30, s31, $0xb8;
	[tilespmem:$0x1DB00] =	vst v63  }
0x10f: {  	_ =	swait.ge [sflag:s26], $0x800  }
0x110: {  	[sflag:s26] =	ssyncset.done $0x0  }
0x111: {  	s9 =	stileid.u32;
	[sflag:s26] =	ssyncadd.s32 $0xFFFFF800  }
0x112: {  	s7 =	sshll.u32 s9, $0x6;
	[bflag:$0x0] =	sbarrier.arrive $0xFFFF  }
0x113: {  	s7 =	sor.u32 $0x1C06, s7;
	s8 =	sshrl.u32 s11, $0x3;
	s10 =	rddreg [dreg:$0x11]  }
0x114: {  	[hbm:s10], [sflag:s7] =	dma.local [spmem:s8], $0x2800  }
0x115: {  	_ =	swait.ge [sflag:s26], $0x2800  }
0x116: {  	s2 =	sadd.s32 $0x1, s2;
	s12 =	rddreg [dreg:$0x12]  }
0x117: {  	p0 =	sne.s32 s2, s12  }
.Ltmp2:
0x118: {  	_ = 	snop;
	(pc) =	sbr.rel @p0 .LBB2_1-.Ltmp2, $3  }
0x119: {  	_ =	sdelay $0x1  }
0x11a: {  	[sflag:s26] =	ssyncset.done $0x0  }
0x11b: {  	[sflag:s26] =	ssyncadd.s32 $0xFFFFD800  }
0x11c: {  	_ =	sfence.sel $0x180000  }
0x11d: {  	[bflag:$0x0] =	sbarrier.arrive $0xFFFF  }
0x11e: {  	_ =	strace $0x90000047  }
0x11f: {  	s0 =	stileid.u32;
	[bflag:$0x2] =	sbarrier.arrive $0xFFFF  }
0x120: {  	p0 =	sne.s32 s0, $0x0;
	s0 =	rddreg [dreg:$0x3]  }
0x121: {  	s0 =	sadd.s32 @!p0 $0x100000, s0  }
0x122: {  	[sflag:s0] =	ssyncadd.tile.s32 @!p0 $0x1;
	_ =	shalt  }
.Lfunc_end2:
_tile_overlayer_lowered:
.L_overlay_start_2:
0x123: {  	(tag) =	ssettag $0x2  }
0x124: {  	s0 =	rddreg [dreg:$0x0];
	s2 =	stileid.u32  }
0x125: {  	s1 =	rddreg [dreg:$0x1];
	p0 =	sne.s32 s2, $0x0  }
0x126: {  	s3 =	rddreg [dreg:$0x2];
	[bflag:$0x3] =	sbarrier.arrive $0xFFFF;
	s2 =	simm.s32 @!p0 $0x1C06  }
0x127: {  	[timem:s3], [sflag:s2] =	dma.local @!p0 [hbm:s0], s1  }
0x128: {  	s0 =	simm.s32 @!p0 $0x6  }
0x129: {  	_ =	swait.ge @!p0 [sflag:s0], s1  }
0x12a: {  	s1 =	ssub.s32 @!p0 $0x0, s1;
	[sflag:s0] =	ssyncset.done @!p0 $0x0  }
0x12b: {  	[sflag:s0] =	ssyncadd.s32 @!p0 s1  }
0x12c: {  	[bflag:$0x3] =	sbarrier.arrive $0xFFFF  }
0x12d: {  	_ =	shalt  }

</sc_bundles>
